<compile_context>
chip_gen: v7x
topology: tpu7x:2x2x1
jax: 0.10.2.dev20260603
libtpu: 0.0.44.dev20260713+nightly
codegen_flags: <defaults>
</compile_context>

<pallas_src>
import functools

import jax
import jax.numpy as jnp
from jax import lax
from jax.experimental import pallas as pl
from jax.experimental.pallas import tpu as pltpu
from jax.experimental.pallas import tpu_sc as plsc

_HASH_SIZE = 1048576
_DIMENSIONS = 64
_N_QUERIES = 16384
_PRIME1 = 73856093
_PRIME2 = 19349663

_NC = 2
_NS = 16
_NW = _NC * _NS
_L = 16
_CB = 128
_NCB = _N_QUERIES // _CB
_CPW = _NCB // _NW
_BPW = _CPW * _CB
_TDIM = _DIMENSIONS // 8
_FLAT = _HASH_SIZE * _DIMENSIONS


@functools.partial(
    pl.kernel,
    out_type=jax.ShapeDtypeStruct((_TDIM, _NW, _BPW * 8), jnp.float32),
    mesh=plsc.VectorSubcoreMesh(core_axis_name="c", subcore_axis_name="s"),
    compiler_params=pltpu.CompilerParams(use_tc_tiling_on_sc=False),
    scratch_types=[
        pltpu.VMEM((_CPW, 2, _CB), jnp.float32),
        pltpu.VMEM((_BPW * 8,), jnp.int32),
        pltpu.VMEM((_TDIM, _BPW * 8), jnp.float32),
        [pltpu.SemaphoreType.DMA] * _TDIM,
        pltpu.SemaphoreType.DMA,
    ],
)
def _hash_gather(p3_hbm, gflat_hbm, out_hbm, pos_v, idx_v, rows_v, gsems, wsem):
    wid = lax.axis_index("s") * _NC + lax.axis_index("c")

    pltpu.sync_copy(p3_hbm.at[pl.ds(wid * _CPW, _CPW)], pos_v)

    for cb in range(_CPW):
        for k in range(_CB // _L):
            off = k * _L
            ix = pos_v[cb, 0, pl.ds(off, _L)].astype(jnp.int32)
            iy = pos_v[cb, 1, pl.ds(off, _L)].astype(jnp.int32)
            h = ((ix * _PRIME1) ^ (iy * _PRIME2)) & (_HASH_SIZE - 1)
            hterm = (h >> 7) * 1024 + (h & 127)
            for sq in range(8):
                idx_v[pl.ds(cb * 8 * _CB + sq * _CB + off, _L)] = hterm + sq * _CB

    gathers = []
    for t in range(_TDIM):
        const = t * (_HASH_SIZE * 8)
        src = gflat_hbm.at[pl.ds(const, _FLAT - const)].at[idx_v]
        c = pltpu.make_async_copy(src, rows_v.at[t], gsems[t])
        c.start()
        gathers.append(c)

    writebacks = []
    for t in range(_TDIM):
        gathers[t].wait()
        w = pltpu.make_async_copy(rows_v.at[t], out_hbm.at[t, wid], wsem)
        w.start()
        writebacks.append(w)
    for w in writebacks:
        w.wait()


def kernel(positions, grid):
    gflat = grid.T.reshape(_TDIM, 8, _HASH_SIZE // _CB, _CB)
    gflat = gflat.transpose(0, 2, 1, 3).reshape(_FLAT)
    p3 = positions.T.reshape(2, _NCB, _CB).transpose(1, 0, 2)
    out4 = _hash_gather(p3, gflat).reshape(_TDIM, _NCB, 8, _CB)
    return out4.transpose(0, 2, 1, 3).reshape(_DIMENSIONS, _N_QUERIES).T

# --- scband reference (transcript-rebuilt; emitter-appended) ---
"""Pipeline reference for scband-hash-grid2-d-45457933861126 (READ-ONLY COPY).

The authoritative reference and input builder live on the scoring server;
editing this copy changes nothing except your own understanding.
"""

import jax, jax.numpy as jnp
import numpy as np

HASH_SIZE = 1048576  # 2**20, power of two so mod == bitwise AND
CELL_SIZE = 1.0
DIMENSIONS = 64
N_QUERIES = 16384
PRIME1 = 73856093
PRIME2 = 19349663


def setup_inputs(seed: int = 0) -> dict:
    key = jax.random.key(seed)
    k1, k2 = jax.random.split(key)
    # Non-negative positions spanning many grid cells (scaled uniform per fill=rand, fill_max=10000)
    positions = jax.random.uniform(k1, (N_QUERIES, 2), dtype=jnp.float32, minval=0.0, maxval=10000.0)
    # Dense materialization of the lazily-populated ParameterDict: one feature row per hash bucket,
    # initialized exactly like lookup()'s default: randn * 0.01
    grid = jax.random.normal(k2, (HASH_SIZE, DIMENSIONS), dtype=jnp.float32) * 0.01
    return {"positions": positions, "grid": grid}


def _hash_indices(positions):
    # quantize: floor(position / cell_size)
    ix = jnp.floor(positions[:, 0] / CELL_SIZE).astype(jnp.int32).astype(jnp.uint32)
    iy = jnp.floor(positions[:, 1] / CELL_SIZE).astype(jnp.int32).astype(jnp.uint32)
    # _hash: (ix*p1 ^ iy*p2) % hash_size. Since hash_size is a power of two dividing 2**32
    # and positions are non-negative, uint32 wraparound arithmetic followed by & (hash_size-1)
    # reproduces Python's exact-integer result.
    h = (ix * jnp.uint32(PRIME1)) ^ (iy * jnp.uint32(PRIME2))
    return (h & jnp.uint32(HASH_SIZE - 1)).astype(jnp.int32)


def reference(positions, grid):
    idx = _hash_indices(positions)          # [N] hash-bucket ids
    return jnp.take(grid, idx, axis=0)      # [N, DIMENSIONS] gathered features

if __name__ == "__main__":
    import jax
    _d = setup_inputs()
    print(jax.jit(kernel)(*tuple(_d.values())))

</pallas_src>

<mosaic_0001>
#map = affine_map<(d0, d1) -> (0, 0, 0)>
#map1 = affine_map<(d0, d1) -> (0)>
module attributes {stable_mosaic.version = 14 : i64} {
  func.func @_hash_gather(%arg0: i32, %arg1: i32, %arg2: memref<128x2x128xf32, #tpu.memory_space<hbm>>, %arg3: memref<67108864xf32, #tpu.memory_space<hbm>>, %arg4: memref<8x32x4096xf32, #tpu.memory_space<hbm>>, %arg5: memref<4x2x128xf32, #tpu.memory_space<vmem>>, %arg6: memref<4096xi32, #tpu.memory_space<vmem>>, %arg7: memref<8x4096xf32, #tpu.memory_space<vmem>>, %arg8: memref<!tpu.dma_semaphore, #tpu.memory_space<semaphore_mem>>, %arg9: memref<!tpu.dma_semaphore, #tpu.memory_space<semaphore_mem>>, %arg10: memref<!tpu.dma_semaphore, #tpu.memory_space<semaphore_mem>>, %arg11: memref<!tpu.dma_semaphore, #tpu.memory_space<semaphore_mem>>, %arg12: memref<!tpu.dma_semaphore, #tpu.memory_space<semaphore_mem>>, %arg13: memref<!tpu.dma_semaphore, #tpu.memory_space<semaphore_mem>>, %arg14: memref<!tpu.dma_semaphore, #tpu.memory_space<semaphore_mem>>, %arg15: memref<!tpu.dma_semaphore, #tpu.memory_space<semaphore_mem>>, %arg16: memref<!tpu.dma_semaphore, #tpu.memory_space<semaphore_mem>>) attributes {dimension_semantics = [#tpu.dimension_semantics<core_parallel>, #tpu.dimension_semantics<subcore_parallel>], iteration_bounds = array<i64: 2, 16>, scalar_prefetch = 0 : i64, scratch_operands = 12 : i64, tpu.core_type = #tpu.core_type<sc_vector_subcore>, window_params = [{transform_indices = #map}, {transform_indices = #map1}, {transform_indices = #map}]} {
    %mul3A = arith.constant 2 : i32
    %mul3A_0 = arith.muli %arg1, %mul3A : i32
    %add3A = arith.addi %mul3A_0, %arg0 : i32
    %mul3A_1 = arith.constant 4 : i32
    %mul3A_2 = arith.muli %add3A, %mul3A_1 : i32
    "tpu.region"() ({
      %run_scoped3A = tpu.sem_alloc : memref<!tpu.dma_semaphore, #tpu.memory_space<semaphore_mem>>
      %dma_start3A_3291 = arith.constant 0 : i32
      %dma_start3A_3292 = arith.constant 0 : i32
      %dma_start3A_3293 = tpu.memref_slice %arg2[%mul3A_2, %dma_start3A_3291, %dma_start3A_3292] : memref<128x2x128xf32, #tpu.memory_space<hbm>> -> memref<4x2x128xf32, #tpu.memory_space<hbm>>
      %dma_start3A_3294 = arith.constant 0 : i32
      %dma_start3A_3295 = arith.constant 0 : i32
      %dma_start3A_3296 = tpu.memref_slice %arg2[%mul3A_2, %dma_start3A_3294, %dma_start3A_3295] : memref<128x2x128xf32, #tpu.memory_space<hbm>> -> memref<4x2x128xf32, #tpu.memory_space<hbm>>
      tpu.enqueue_dma source(%dma_start3A_3296 : memref<4x2x128xf32, #tpu.memory_space<hbm>>) target(%arg5 : memref<4x2x128xf32, #tpu.memory_space<vmem>>) target_semaphore(%run_scoped3A : memref<!tpu.dma_semaphore, #tpu.memory_space<semaphore_mem>>)
      %dma_wait3A_3297 = arith.constant 0 : i32
      %dma_wait3A_3298 = arith.constant 0 : i32
      %dma_wait3A_3299 = tpu.memref_slice %arg2[%mul3A_2, %dma_wait3A_3297, %dma_wait3A_3298] : memref<128x2x128xf32, #tpu.memory_space<hbm>> -> memref<4x2x128xf32, #tpu.memory_space<hbm>>
      %dma_wait3A_3300 = arith.constant 0 : i32
      %dma_wait3A_3301 = arith.constant 0 : i32
      %dma_wait3A_3302 = tpu.memref_slice %arg2[%mul3A_2, %dma_wait3A_3300, %dma_wait3A_3301] : memref<128x2x128xf32, #tpu.memory_space<hbm>> -> memref<4x2x128xf32, #tpu.memory_space<hbm>>
      tpu.wait_dma2 semaphore(%run_scoped3A : memref<!tpu.dma_semaphore, #tpu.memory_space<semaphore_mem>>) src(%dma_wait3A_3302 : memref<4x2x128xf32, #tpu.memory_space<hbm>>) dst(%arg5 : memref<4x2x128xf32, #tpu.memory_space<vmem>>)
      tpu.yield
    }) : () -> ()
    %get3A = arith.constant 0 : i32
    %get3A_3 = arith.constant 0 : i32
    %get3A_4 = arith.index_cast %get3A : i32 to index
    %get3A_5 = arith.index_cast %get3A_3 : i32 to index
    %get3A_6 = arith.constant 0 : index
    %get3A_7 = tpu.vector_load %arg5[%get3A_4, %get3A_5, %get3A_6] {strides = array<i32>} : memref<4x2x128xf32, #tpu.memory_space<vmem>>, vector<1x1x16xf32>,
    %get3A_8 = vector.shape_cast %get3A_7 : vector<1x1x16xf32> to vector<16xf32>
    %convert_element_type3A = arith.fptosi %get3A_8 : vector<16xf32> to vector<16xi32>
    %get3A_9 = arith.constant 0 : i32
    %get3A_10 = arith.constant 1 : i32
    %get3A_11 = arith.index_cast %get3A_9 : i32 to index
    %get3A_12 = arith.index_cast %get3A_10 : i32 to index
    %get3A_13 = arith.constant 0 : index
    %get3A_14 = tpu.vector_load %arg5[%get3A_11, %get3A_12, %get3A_13] {strides = array<i32>} : memref<4x2x128xf32, #tpu.memory_space<vmem>>, vector<1x1x16xf32>,
    %get3A_15 = vector.shape_cast %get3A_14 : vector<1x1x16xf32> to vector<16xf32>
    %convert_element_type3A_16 = arith.fptosi %get3A_15 : vector<16xf32> to vector<16xi32>
    %mul3A_17 = arith.constant 73856093 : i32
    %mul3A_18 = vector.broadcast %mul3A_17 : i32 to vector<16xi32>
    %mul3A_19 = arith.muli %convert_element_type3A, %mul3A_18 : vector<16xi32>
    %mul3A_20 = arith.constant 19349663 : i32
    %mul3A_21 = vector.broadcast %mul3A_20 : i32 to vector<16xi32>
    %mul3A_22 = arith.muli %convert_element_type3A_16, %mul3A_21 : vector<16xi32>
    %xor3A = arith.xori %mul3A_19, %mul3A_22 : vector<16xi32>
    %and3A = arith.constant 1048575 : i32
    %and3A_23 = vector.broadcast %and3A : i32 to vector<16xi32>
    %and3A_24 = arith.andi %xor3A, %and3A_23 : vector<16xi32>
    %shift_right_arithmetic3A = arith.constant 7 : i32
    %shift_right_arithmetic3A_25 = vector.broadcast %shift_right_arithmetic3A : i32 to vector<16xi32>
    %shift_right_arithmetic3A_26 = arith.shrsi %and3A_24, %shift_right_arithmetic3A_25 : vector<16xi32>
    %mul3A_27 = arith.constant 1024 : i32
    %mul3A_28 = vector.broadcast %mul3A_27 : i32 to vector<16xi32>
    %mul3A_29 = arith.muli %shift_right_arithmetic3A_26, %mul3A_28 : vector<16xi32>
    %and3A_30 = arith.constant 127 : i32
    %and3A_31 = vector.broadcast %and3A_30 : i32 to vector<16xi32>
    %and3A_32 = arith.andi %and3A_24, %and3A_31 : vector<16xi32>
    %add3A_33 = arith.addi %mul3A_29, %and3A_32 : vector<16xi32>
    %add3A_34 = arith.constant 0 : i32
    %add3A_35 = vector.broadcast %add3A_34 : i32 to vector<16xi32>
    %add3A_36 = arith.addi %add3A_33, %add3A_35 : vector<16xi32>
    %swap3A = arith.constant 0 : index
    %swap3A_37 = tpu.vector_load %arg6[%swap3A] {strides = array<i32>} : memref<4096xi32, #tpu.memory_space<vmem>>, vector<16xi32>,
    %swap3A_38 = vector.shape_cast %swap3A_37 : vector<16xi32> to vector<16xi32>
    %swap3A_39 = vector.shape_cast %add3A_36 : vector<16xi32> to vector<16xi32>
    tpu.vector_store %arg6[%swap3A], %swap3A_39 {strides = array<i32>} : memref<4096xi32, #tpu.memory_space<vmem>>, vector<16xi32>,
    %add3A_40 = arith.constant 128 : i32
    %add3A_41 = vector.broadcast %add3A_40 : i32 to vector<16xi32>
    %add3A_42 = arith.addi %add3A_33, %add3A_41 : vector<16xi32>
    %swap3A_43 = arith.constant 128 : index
    %swap3A_44 = tpu.vector_load %arg6[%swap3A_43] {strides = array<i32>} : memref<4096xi32, #tpu.memory_space<vmem>>, vector<16xi32>,
    %swap3A_45 = vector.shape_cast %swap3A_44 : vector<16xi32> to vector<16xi32>
    %swap3A_46 = vector.shape_cast %add3A_42 : vector<16xi32> to vector<16xi32>
    tpu.vector_store %arg6[%swap3A_43], %swap3A_46 {strides = array<i32>} : memref<4096xi32, #tpu.memory_space<vmem>>, vector<16xi32>,
    %add3A_47 = arith.constant 256 : i32
    %add3A_48 = vector.broadcast %add3A_47 : i32 to vector<16xi32>
    %add3A_49 = arith.addi %add3A_33, %add3A_48 : vector<16xi32>
    %swap3A_50 = arith.constant 256 : index
    %swap3A_51 = tpu.vector_load %arg6[%swap3A_50] {strides = array<i32>} : memref<4096xi32, #tpu.memory_space<vmem>>, vector<16xi32>,
    %swap3A_52 = vector.shape_cast %swap3A_51 : vector<16xi32> to vector<16xi32>
    %swap3A_53 = vector.shape_cast %add3A_49 : vector<16xi32> to vector<16xi32>
    tpu.vector_store %arg6[%swap3A_50], %swap3A_53 {strides = array<i32>} : memref<4096xi32, #tpu.memory_space<vmem>>, vector<16xi32>,
    %add3A_54 = arith.constant 384 : i32
    %add3A_55 = vector.broadcast %add3A_54 : i32 to vector<16xi32>
    %add3A_56 = arith.addi %add3A_33, %add3A_55 : vector<16xi32>
    %swap3A_57 = arith.constant 384 : index
    %swap3A_58 = tpu.vector_load %arg6[%swap3A_57] {strides = array<i32>} : memref<4096xi32, #tpu.memory_space<vmem>>, vector<16xi32>,
    %swap3A_59 = vector.shape_cast %swap3A_58 : vector<16xi32> to vector<16xi32>
    %swap3A_60 = vector.shape_cast %add3A_56 : vector<16xi32> to vector<16xi32>
    tpu.vector_store %arg6[%swap3A_57], %swap3A_60 {strides = array<i32>} : memref<4096xi32, #tpu.memory_space<vmem>>, vector<16xi32>,
    %add3A_61 = arith.constant 512 : i32
    %add3A_62 = vector.broadcast %add3A_61 : i32 to vector<16xi32>
    %add3A_63 = arith.addi %add3A_33, %add3A_62 : vector<16xi32>
    %swap3A_64 = arith.constant 512 : index
    %swap3A_65 = tpu.vector_load %arg6[%swap3A_64] {strides = array<i32>} : memref<4096xi32, #tpu.memory_space<vmem>>, vector<16xi32>,
    %swap3A_66 = vector.shape_cast %swap3A_65 : vector<16xi32> to vector<16xi32>
    %swap3A_67 = vector.shape_cast %add3A_63 : vector<16xi32> to vector<16xi32>
    tpu.vector_store %arg6[%swap3A_64], %swap3A_67 {strides = array<i32>} : memref<4096xi32, #tpu.memory_space<vmem>>, vector<16xi32>,
    %add3A_68 = arith.constant 640 : i32
    %add3A_69 = vector.broadcast %add3A_68 : i32 to vector<16xi32>
    %add3A_70 = arith.addi %add3A_33, %add3A_69 : vector<16xi32>
    %swap3A_71 = arith.constant 640 : index
    %swap3A_72 = tpu.vector_load %arg6[%swap3A_71] {strides = array<i32>} : memref<4096xi32, #tpu.memory_space<vmem>>, vector<16xi32>,
    %swap3A_73 = vector.shape_cast %swap3A_72 : vector<16xi32> to vector<16xi32>
    %swap3A_74 = vector.shape_cast %add3A_70 : vector<16xi32> to vector<16xi32>
    tpu.vector_store %arg6[%swap3A_71], %swap3A_74 {strides = array<i32>} : memref<4096xi32, #tpu.memory_space<vmem>>, vector<16xi32>,
    %add3A_75 = arith.constant 768 : i32
    %add3A_76 = vector.broadcast %add3A_75 : i32 to vector<16xi32>
    %add3A_77 = arith.addi %add3A_33, %add3A_76 : vector<16xi32>
    %swap3A_78 = arith.constant 768 : index
    %swap3A_79 = tpu.vector_load %arg6[%swap3A_78] {strides = array<i32>} : memref<4096xi32, #tpu.memory_space<vmem>>, vector<16xi32>,
    %swap3A_80 = vector.shape_cast %swap3A_79 : vector<16xi32> to vector<16xi32>
    %swap3A_81 = vector.shape_cast %add3A_77 : vector<16xi32> to vector<16xi32>
    tpu.vector_store %arg6[%swap3A_78], %swap3A_81 {strides = array<i32>} : memref<4096xi32, #tpu.memory_space<vmem>>, vector<16xi32>,
    %add3A_82 = arith.constant 896 : i32
    %add3A_83 = vector.broadcast %add3A_82 : i32 to vector<16xi32>
    %add3A_84 = arith.addi %add3A_33, %add3A_83 : vector<16xi32>
    %swap3A_85 = arith.constant 896 : index
    %swap3A_86 = tpu.vector_load %arg6[%swap3A_85] {strides = array<i32>} : memref<4096xi32, #tpu.memory_space<vmem>>, vector<16xi32>,
    %swap3A_87 = vector.shape_cast %swap3A_86 : vector<16xi32> to vector<16xi32>
    %swap3A_88 = vector.shape_cast %add3A_84 : vector<16xi32> to vector<16xi32>
    tpu.vector_store %arg6[%swap3A_85], %swap3A_88 {strides = array<i32>} : memref<4096xi32, #tpu.memory_space<vmem>>, vector<16xi32>,
    %get3A_89 = arith.constant 0 : i32
    %get3A_90 = arith.constant 0 : i32
    %get3A_91 = arith.index_cast %get3A_89 : i32 to index
    %get3A_92 = arith.index_cast %get3A_90 : i32 to index
    %get3A_93 = arith.constant 16 : index
    %get3A_94 = tpu.vector_load %arg5[%get3A_91, %get3A_92, %get3A_93] {strides = array<i32>} : memref<4x2x128xf32, #tpu.memory_space<vmem>>, vector<1x1x16xf32>,
    %get3A_95 = vector.shape_cast %get3A_94 : vector<1x1x16xf32> to vector<16xf32>
    %convert_element_type3A_96 = arith.fptosi %get3A_95 : vector<16xf32> to vector<16xi32>
    %get3A_97 = arith.constant 0 : i32
    %get3A_98 = arith.constant 1 : i32
    %get3A_99 = arith.index_cast %get3A_97 : i32 to index
    %get3A_100 = arith.index_cast %get3A_98 : i32 to index
    %get3A_101 = arith.constant 16 : index
    %get3A_102 = tpu.vector_load %arg5[%get3A_99, %get3A_100, %get3A_101] {strides = array<i32>} : memref<4x2x128xf32, #tpu.memory_space<vmem>>, vector<1x1x16xf32>,
    %get3A_103 = vector.shape_cast %get3A_102 : vector<1x1x16xf32> to vector<16xf32>
    %convert_element_type3A_104 = arith.fptosi %get3A_103 : vector<16xf32> to vector<16xi32>
    %mul3A_105 = arith.constant 73856093 : i32
    %mul3A_106 = vector.broadcast %mul3A_105 : i32 to vector<16xi32>
    %mul3A_107 = arith.muli %convert_element_type3A_96, %mul3A_106 : vector<16xi32>
    %mul3A_108 = arith.constant 19349663 : i32
    %mul3A_109 = vector.broadcast %mul3A_108 : i32 to vector<16xi32>
    %mul3A_110 = arith.muli %convert_element_type3A_104, %mul3A_109 : vector<16xi32>
    %xor3A_111 = arith.xori %mul3A_107, %mul3A_110 : vector<16xi32>
    %and3A_112 = arith.constant 1048575 : i32
    %and3A_113 = vector.broadcast %and3A_112 : i32 to vector<16xi32>
    %and3A_114 = arith.andi %xor3A_111, %and3A_113 : vector<16xi32>
    %shift_right_arithmetic3A_115 = arith.constant 7 : i32
    %shift_right_arithmetic3A_116 = vector.broadcast %shift_right_arithmetic3A_115 : i32 to vector<16xi32>
    %shift_right_arithmetic3A_117 = arith.shrsi %and3A_114, %shift_right_arithmetic3A_116 : vector<16xi32>
    %mul3A_118 = arith.constant 1024 : i32
    %mul3A_119 = vector.broadcast %mul3A_118 : i32 to vector<16xi32>
    %mul3A_120 = arith.muli %shift_right_arithmetic3A_117, %mul3A_119 : vector<16xi32>
    %and3A_121 = arith.constant 127 : i32
    %and3A_122 = vector.broadcast %and3A_121 : i32 to vector<16xi32>
    %and3A_123 = arith.andi %and3A_114, %and3A_122 : vector<16xi32>
    %add3A_124 = arith.addi %mul3A_120, %and3A_123 : vector<16xi32>
    %add3A_125 = arith.constant 0 : i32
    %add3A_126 = vector.broadcast %add3A_125 : i32 to vector<16xi32>
    %add3A_127 = arith.addi %add3A_124, %add3A_126 : vector<16xi32>
    %swap3A_128 = arith.constant 16 : index
    %swap3A_129 = tpu.vector_load %arg6[%swap3A_128] {strides = array<i32>} : memref<4096xi32, #tpu.memory_space<vmem>>, vector<16xi32>,
    %swap3A_130 = vector.shape_cast %swap3A_129 : vector<16xi32> to vector<16xi32>
    %swap3A_131 = vector.shape_cast %add3A_127 : vector<16xi32> to vector<16xi32>
    tpu.vector_store %arg6[%swap3A_128], %swap3A_131 {strides = array<i32>} : memref<4096xi32, #tpu.memory_space<vmem>>, vector<16xi32>,
    %add3A_132 = arith.constant 128 : i32
    %add3A_133 = vector.broadcast %add3A_132 : i32 to vector<16xi32>
    %add3A_134 = arith.addi %add3A_124, %add3A_133 : vector<16xi32>
    %swap3A_135 = arith.constant 144 : index
    %swap3A_136 = tpu.vector_load %arg6[%swap3A_135] {strides = array<i32>} : memref<4096xi32, #tpu.memory_space<vmem>>, vector<16xi32>,
    %swap3A_137 = vector.shape_cast %swap3A_136 : vector<16xi32> to vector<16xi32>
    %swap3A_138 = vector.shape_cast %add3A_134 : vector<16xi32> to vector<16xi32>
    tpu.vector_store %arg6[%swap3A_135], %swap3A_138 {strides = array<i32>} : memref<4096xi32, #tpu.memory_space<vmem>>, vector<16xi32>,
    %add3A_139 = arith.constant 256 : i32
    %add3A_140 = vector.broadcast %add3A_139 : i32 to vector<16xi32>
    %add3A_141 = arith.addi %add3A_124, %add3A_140 : vector<16xi32>
    %swap3A_142 = arith.constant 272 : index
    %swap3A_143 = tpu.vector_load %arg6[%swap3A_142] {strides = array<i32>} : memref<4096xi32, #tpu.memory_space<vmem>>, vector<16xi32>,
    %swap3A_144 = vector.shape_cast %swap3A_143 : vector<16xi32> to vector<16xi32>
    %swap3A_145 = vector.shape_cast %add3A_141 : vector<16xi32> to vector<16xi32>
    tpu.vector_store %arg6[%swap3A_142], %swap3A_145 {strides = array<i32>} : memref<4096xi32, #tpu.memory_space<vmem>>, vector<16xi32>,
    %add3A_146 = arith.constant 384 : i32
    %add3A_147 = vector.broadcast %add3A_146 : i32 to vector<16xi32>
    %add3A_148 = arith.addi %add3A_124, %add3A_147 : vector<16xi32>
    %swap3A_149 = arith.constant 400 : index
    %swap3A_150 = tpu.vector_load %arg6[%swap3A_149] {strides = array<i32>} : memref<4096xi32, #tpu.memory_space<vmem>>, vector<16xi32>,
    %swap3A_151 = vector.shape_cast %swap3A_150 : vector<16xi32> to vector<16xi32>
    %swap3A_152 = vector.shape_cast %add3A_148 : vector<16xi32> to vector<16xi32>
    tpu.vector_store %arg6[%swap3A_149], %swap3A_152 {strides = array<i32>} : memref<4096xi32, #tpu.memory_space<vmem>>, vector<16xi32>,
    %add3A_153 = arith.constant 512 : i32
    %add3A_154 = vector.broadcast %add3A_153 : i32 to vector<16xi32>
    %add3A_155 = arith.addi %add3A_124, %add3A_154 : vector<16xi32>
    %swap3A_156 = arith.constant 528 : index
    %swap3A_157 = tpu.vector_load %arg6[%swap3A_156] {strides = array<i32>} : memref<4096xi32, #tpu.memory_space<vmem>>, vector<16xi32>,
    %swap3A_158 = vector.shape_cast %swap3A_157 : vector<16xi32> to vector<16xi32>
    %swap3A_159 = vector.shape_cast %add3A_155 : vector<16xi32> to vector<16xi32>
    tpu.vector_store %arg6[%swap3A_156], %swap3A_159 {strides = array<i32>} : memref<4096xi32, #tpu.memory_space<vmem>>, vector<16xi32>,
    %add3A_160 = arith.constant 640 : i32
    %add3A_161 = vector.broadcast %add3A_160 : i32 to vector<16xi32>
    %add3A_162 = arith.addi %add3A_124, %add3A_161 : vector<16xi32>
    %swap3A_163 = arith.constant 656 : index
    %swap3A_164 = tpu.vector_load %arg6[%swap3A_163] {strides = array<i32>} : memref<4096xi32, #tpu.memory_space<vmem>>, vector<16xi32>,
    %swap3A_165 = vector.shape_cast %swap3A_164 : vector<16xi32> to vector<16xi32>
    %swap3A_166 = vector.shape_cast %add3A_162 : vector<16xi32> to vector<16xi32>
    tpu.vector_store %arg6[%swap3A_163], %swap3A_166 {strides = array<i32>} : memref<4096xi32, #tpu.memory_space<vmem>>, vector<16xi32>,
    %add3A_167 = arith.constant 768 : i32
    %add3A_168 = vector.broadcast %add3A_167 : i32 to vector<16xi32>
    %add3A_169 = arith.addi %add3A_124, %add3A_168 : vector<16xi32>
    %swap3A_170 = arith.constant 784 : index
    %swap3A_171 = tpu.vector_load %arg6[%swap3A_170] {strides = array<i32>} : memref<4096xi32, #tpu.memory_space<vmem>>, vector<16xi32>,
    %swap3A_172 = vector.shape_cast %swap3A_171 : vector<16xi32> to vector<16xi32>
    %swap3A_173 = vector.shape_cast %add3A_169 : vector<16xi32> to vector<16xi32>
    tpu.vector_store %arg6[%swap3A_170], %swap3A_173 {strides = array<i32>} : memref<4096xi32, #tpu.memory_space<vmem>>, vector<16xi32>,
    %add3A_174 = arith.constant 896 : i32
    %add3A_175 = vector.broadcast %add3A_174 : i32 to vector<16xi32>
    %add3A_176 = arith.addi %add3A_124, %add3A_175 : vector<16xi32>
    %swap3A_177 = arith.constant 912 : index
    %swap3A_178 = tpu.vector_load %arg6[%swap3A_177] {strides = array<i32>} : memref<4096xi32, #tpu.memory_space<vmem>>, vector<16xi32>,
    %swap3A_179 = vector.shape_cast %swap3A_178 : vector<16xi32> to vector<16xi32>
    %swap3A_180 = vector.shape_cast %add3A_176 : vector<16xi32> to vector<16xi32>
    tpu.vector_store %arg6[%swap3A_177], %swap3A_180 {strides = array<i32>} : memref<4096xi32, #tpu.memory_space<vmem>>, vector<16xi32>,
    %get3A_181 = arith.constant 0 : i32
    %get3A_182 = arith.constant 0 : i32
    %get3A_183 = arith.index_cast %get3A_181 : i32 to index
    %get3A_184 = arith.index_cast %get3A_182 : i32 to index
    %get3A_185 = arith.constant 32 : index
    %get3A_186 = tpu.vector_load %arg5[%get3A_183, %get3A_184, %get3A_185] {strides = array<i32>} : memref<4x2x128xf32, #tpu.memory_space<vmem>>, vector<1x1x16xf32>,
    %get3A_187 = vector.shape_cast %get3A_186 : vector<1x1x16xf32> to vector<16xf32>
    %convert_element_type3A_188 = arith.fptosi %get3A_187 : vector<16xf32> to vector<16xi32>
    %get3A_189 = arith.constant 0 : i32
    %get3A_190 = arith.constant 1 : i32
    %get3A_191 = arith.index_cast %get3A_189 : i32 to index
    %get3A_192 = arith.index_cast %get3A_190 : i32 to index
    %get3A_193 = arith.constant 32 : index
    %get3A_194 = tpu.vector_load %arg5[%get3A_191, %get3A_192, %get3A_193] {strides = array<i32>} : memref<4x2x128xf32, #tpu.memory_space<vmem>>, vector<1x1x16xf32>,
    %get3A_195 = vector.shape_cast %get3A_194 : vector<1x1x16xf32> to vector<16xf32>
    %convert_element_type3A_196 = arith.fptosi %get3A_195 : vector<16xf32> to vector<16xi32>
    %mul3A_197 = arith.constant 73856093 : i32
    %mul3A_198 = vector.broadcast %mul3A_197 : i32 to vector<16xi32>
    %mul3A_199 = arith.muli %convert_element_type3A_188, %mul3A_198 : vector<16xi32>
    %mul3A_200 = arith.constant 19349663 : i32
    %mul3A_201 = vector.broadcast %mul3A_200 : i32 to vector<16xi32>
    %mul3A_202 = arith.muli %convert_element_type3A_196, %mul3A_201 : vector<16xi32>
    %xor3A_203 = arith.xori %mul3A_199, %mul3A_202 : vector<16xi32>
    %and3A_204 = arith.constant 1048575 : i32
    %and3A_205 = vector.broadcast %and3A_204 : i32 to vector<16xi32>
    %and3A_206 = arith.andi %xor3A_203, %and3A_205 : vector<16xi32>
    %shift_right_arithmetic3A_207 = arith.constant 7 : i32
    %shift_right_arithmetic3A_208 = vector.broadcast %shift_right_arithmetic3A_207 : i32 to vector<16xi32>
    %shift_right_arithmetic3A_209 = arith.shrsi %and3A_206, %shift_right_arithmetic3A_208 : vector<16xi32>
    %mul3A_210 = arith.constant 1024 : i32
    %mul3A_211 = vector.broadcast %mul3A_210 : i32 to vector<16xi32>
    %mul3A_212 = arith.muli %shift_right_arithmetic3A_209, %mul3A_211 : vector<16xi32>
    %and3A_213 = arith.constant 127 : i32
    %and3A_214 = vector.broadcast %and3A_213 : i32 to vector<16xi32>
    %and3A_215 = arith.andi %and3A_206, %and3A_214 : vector<16xi32>
    %add3A_216 = arith.addi %mul3A_212, %and3A_215 : vector<16xi32>
    %add3A_217 = arith.constant 0 : i32
    %add3A_218 = vector.broadcast %add3A_217 : i32 to vector<16xi32>
    %add3A_219 = arith.addi %add3A_216, %add3A_218 : vector<16xi32>
    %swap3A_220 = arith.constant 32 : index
    %swap3A_221 = tpu.vector_load %arg6[%swap3A_220] {strides = array<i32>} : memref<4096xi32, #tpu.memory_space<vmem>>, vector<16xi32>,
    %swap3A_222 = vector.shape_cast %swap3A_221 : vector<16xi32> to vector<16xi32>
    %swap3A_223 = vector.shape_cast %add3A_219 : vector<16xi32> to vector<16xi32>
    tpu.vector_store %arg6[%swap3A_220], %swap3A_223 {strides = array<i32>} : memref<4096xi32, #tpu.memory_space<vmem>>, vector<16xi32>,
    %add3A_224 = arith.constant 128 : i32
    %add3A_225 = vector.broadcast %add3A_224 : i32 to vector<16xi32>
    %add3A_226 = arith.addi %add3A_216, %add3A_225 : vector<16xi32>
    %swap3A_227 = arith.constant 160 : index
    %swap3A_228 = tpu.vector_load %arg6[%swap3A_227] {strides = array<i32>} : memref<4096xi32, #tpu.memory_space<vmem>>, vector<16xi32>,
    %swap3A_229 = vector.shape_cast %swap3A_228 : vector<16xi32> to vector<16xi32>
    %swap3A_230 = vector.shape_cast %add3A_226 : vector<16xi32> to vector<16xi32>
    tpu.vector_store %arg6[%swap3A_227], %swap3A_230 {strides = array<i32>} : memref<4096xi32, #tpu.memory_space<vmem>>, vector<16xi32>,
    %add3A_231 = arith.constant 256 : i32
    %add3A_232 = vector.broadcast %add3A_231 : i32 to vector<16xi32>
    %add3A_233 = arith.addi %add3A_216, %add3A_232 : vector<16xi32>
    %swap3A_234 = arith.constant 288 : index
    %swap3A_235 = tpu.vector_load %arg6[%swap3A_234] {strides = array<i32>} : memref<4096xi32, #tpu.memory_space<vmem>>, vector<16xi32>,
    %swap3A_236 = vector.shape_cast %swap3A_235 : vector<16xi32> to vector<16xi32>
    %swap3A_237 = vector.shape_cast %add3A_233 : vector<16xi32> to vector<16xi32>
    tpu.vector_store %arg6[%swap3A_234], %swap3A_237 {strides = array<i32>} : memref<4096xi32, #tpu.memory_space<vmem>>, vector<16xi32>,
    %add3A_238 = arith.constant 384 : i32
    %add3A_239 = vector.broadcast %add3A_238 : i32 to vector<16xi32>
    %add3A_240 = arith.addi %add3A_216, %add3A_239 : vector<16xi32>
    %swap3A_241 = arith.constant 416 : index
    %swap3A_242 = tpu.vector_load %arg6[%swap3A_241] {strides = array<i32>} : memref<4096xi32, #tpu.memory_space<vmem>>, vector<16xi32>,
    %swap3A_243 = vector.shape_cast %swap3A_242 : vector<16xi32> to vector<16xi32>
    %swap3A_244 = vector.shape_cast %add3A_240 : vector<16xi32> to vector<16xi32>
    tpu.vector_store %arg6[%swap3A_241], %swap3A_244 {strides = array<i32>} : memref<4096xi32, #tpu.memory_space<vmem>>, vector<16xi32>,
    %add3A_245 = arith.constant 512 : i32
    %add3A_246 = vector.broadcast %add3A_245 : i32 to vector<16xi32>
    %add3A_247 = arith.addi %add3A_216, %add3A_246 : vector<16xi32>
    %swap3A_248 = arith.constant 544 : index
    %swap3A_249 = tpu.vector_load %arg6[%swap3A_248] {strides = array<i32>} : memref<4096xi32, #tpu.memory_space<vmem>>, vector<16xi32>,
    %swap3A_250 = vector.shape_cast %swap3A_249 : vector<16xi32> to vector<16xi32>
    %swap3A_251 = vector.shape_cast %add3A_247 : vector<16xi32> to vector<16xi32>
    tpu.vector_store %arg6[%swap3A_248], %swap3A_251 {strides = array<i32>} : memref<4096xi32, #tpu.memory_space<vmem>>, vector<16xi32>,
    %add3A_252 = arith.constant 640 : i32
    %add3A_253 = vector.broadcast %add3A_252 : i32 to vector<16xi32>
    %add3A_254 = arith.addi %add3A_216, %add3A_253 : vector<16xi32>
    %swap3A_255 = arith.constant 672 : index
    %swap3A_256 = tpu.vector_load %arg6[%swap3A_255] {strides = array<i32>} : memref<4096xi32, #tpu.memory_space<vmem>>, vector<16xi32>,
    %swap3A_257 = vector.shape_cast %swap3A_256 : vector<16xi32> to vector<16xi32>
    %swap3A_258 = vector.shape_cast %add3A_254 : vector<16xi32> to vector<16xi32>
    tpu.vector_store %arg6[%swap3A_255], %swap3A_258 {strides = array<i32>} : memref<4096xi32, #tpu.memory_space<vmem>>, vector<16xi32>,
    %add3A_259 = arith.constant 768 : i32
    %add3A_260 = vector.broadcast %add3A_259 : i32 to vector<16xi32>
    %add3A_261 = arith.addi %add3A_216, %add3A_260 : vector<16xi32>
    %swap3A_262 = arith.constant 800 : index
    %swap3A_263 = tpu.vector_load %arg6[%swap3A_262] {strides = array<i32>} : memref<4096xi32, #tpu.memory_space<vmem>>, vector<16xi32>,
    %swap3A_264 = vector.shape_cast %swap3A_263 : vector<16xi32> to vector<16xi32>
    %swap3A_265 = vector.shape_cast %add3A_261 : vector<16xi32> to vector<16xi32>
    tpu.vector_store %arg6[%swap3A_262], %swap3A_265 {strides = array<i32>} : memref<4096xi32, #tpu.memory_space<vmem>>, vector<16xi32>,
    %add3A_266 = arith.constant 896 : i32
    %add3A_267 = vector.broadcast %add3A_266 : i32 to vector<16xi32>
    %add3A_268 = arith.addi %add3A_216, %add3A_267 : vector<16xi32>
    %swap3A_269 = arith.constant 928 : index
    %swap3A_270 = tpu.vector_load %arg6[%swap3A_269] {strides = array<i32>} : memref<4096xi32, #tpu.memory_space<vmem>>, vector<16xi32>,
    %swap3A_271 = vector.shape_cast %swap3A_270 : vector<16xi32> to vector<16xi32>
    %swap3A_272 = vector.shape_cast %add3A_268 : vector<16xi32> to vector<16xi32>
    tpu.vector_store %arg6[%swap3A_269], %swap3A_272 {strides = array<i32>} : memref<4096xi32, #tpu.memory_space<vmem>>, vector<16xi32>,
    %get3A_273 = arith.constant 0 : i32
    %get3A_274 = arith.constant 0 : i32
    %get3A_275 = arith.index_cast %get3A_273 : i32 to index
    %get3A_276 = arith.index_cast %get3A_274 : i32 to index
    %get3A_277 = arith.constant 48 : index
    %get3A_278 = tpu.vector_load %arg5[%get3A_275, %get3A_276, %get3A_277] {strides = array<i32>} : memref<4x2x128xf32, #tpu.memory_space<vmem>>, vector<1x1x16xf32>,
    %get3A_279 = vector.shape_cast %get3A_278 : vector<1x1x16xf32> to vector<16xf32>
    %convert_element_type3A_280 = arith.fptosi %get3A_279 : vector<16xf32> to vector<16xi32>
    %get3A_281 = arith.constant 0 : i32
    %get3A_282 = arith.constant 1 : i32
    %get3A_283 = arith.index_cast %get3A_281 : i32 to index
    %get3A_284 = arith.index_cast %get3A_282 : i32 to index
    %get3A_285 = arith.constant 48 : index
    %get3A_286 = tpu.vector_load %arg5[%get3A_283, %get3A_284, %get3A_285] {strides = array<i32>} : memref<4x2x128xf32, #tpu.memory_space<vmem>>, vector<1x1x16xf32>,
    %get3A_287 = vector.shape_cast %get3A_286 : vector<1x1x16xf32> to vector<16xf32>
    %convert_element_type3A_288 = arith.fptosi %get3A_287 : vector<16xf32> to vector<16xi32>
    %mul3A_289 = arith.constant 73856093 : i32
    %mul3A_290 = vector.broadcast %mul3A_289 : i32 to vector<16xi32>
    %mul3A_291 = arith.muli %convert_element_type3A_280, %mul3A_290 : vector<16xi32>
    %mul3A_292 = arith.constant 19349663 : i32
    %mul3A_293 = vector.broadcast %mul3A_292 : i32 to vector<16xi32>
    %mul3A_294 = arith.muli %convert_element_type3A_288, %mul3A_293 : vector<16xi32>
    %xor3A_295 = arith.xori %mul3A_291, %mul3A_294 : vector<16xi32>
    %and3A_296 = arith.constant 1048575 : i32
    %and3A_297 = vector.broadcast %and3A_296 : i32 to vector<16xi32>
    %and3A_298 = arith.andi %xor3A_295, %and3A_297 : vector<16xi32>
    %shift_right_arithmetic3A_299 = arith.constant 7 : i32
    %shift_right_arithmetic3A_300 = vector.broadcast %shift_right_arithmetic3A_299 : i32 to vector<16xi32>
    %shift_right_arithmetic3A_301 = arith.shrsi %and3A_298, %shift_right_arithmetic3A_300 : vector<16xi32>
    %mul3A_302 = arith.constant 1024 : i32
    %mul3A_303 = vector.broadcast %mul3A_302 : i32 to vector<16xi32>
    %mul3A_304 = arith.muli %shift_right_arithmetic3A_301, %mul3A_303 : vector<16xi32>
    %and3A_305 = arith.constant 127 : i32
    %and3A_306 = vector.broadcast %and3A_305 : i32 to vector<16xi32>
    %and3A_307 = arith.andi %and3A_298, %and3A_306 : vector<16xi32>
    %add3A_308 = arith.addi %mul3A_304, %and3A_307 : vector<16xi32>
    %add3A_309 = arith.constant 0 : i32
    %add3A_310 = vector.broadcast %add3A_309 : i32 to vector<16xi32>
    %add3A_311 = arith.addi %add3A_308, %add3A_310 : vector<16xi32>
    %swap3A_312 = arith.constant 48 : index
    %swap3A_313 = tpu.vector_load %arg6[%swap3A_312] {strides = array<i32>} : memref<4096xi32, #tpu.memory_space<vmem>>, vector<16xi32>,
    %swap3A_314 = vector.shape_cast %swap3A_313 : vector<16xi32> to vector<16xi32>
    %swap3A_315 = vector.shape_cast %add3A_311 : vector<16xi32> to vector<16xi32>
    tpu.vector_store %arg6[%swap3A_312], %swap3A_315 {strides = array<i32>} : memref<4096xi32, #tpu.memory_space<vmem>>, vector<16xi32>,
    %add3A_316 = arith.constant 128 : i32
    %add3A_317 = vector.broadcast %add3A_316 : i32 to vector<16xi32>
    %add3A_318 = arith.addi %add3A_308, %add3A_317 : vector<16xi32>
    %swap3A_319 = arith.constant 176 : index
    %swap3A_320 = tpu.vector_load %arg6[%swap3A_319] {strides = array<i32>} : memref<4096xi32, #tpu.memory_space<vmem>>, vector<16xi32>,
    %swap3A_321 = vector.shape_cast %swap3A_320 : vector<16xi32> to vector<16xi32>
    %swap3A_322 = vector.shape_cast %add3A_318 : vector<16xi32> to vector<16xi32>
    tpu.vector_store %arg6[%swap3A_319], %swap3A_322 {strides = array<i32>} : memref<4096xi32, #tpu.memory_space<vmem>>, vector<16xi32>,
    %add3A_323 = arith.constant 256 : i32
    %add3A_324 = vector.broadcast %add3A_323 : i32 to vector<16xi32>
    %add3A_325 = arith.addi %add3A_308, %add3A_324 : vector<16xi32>
    %swap3A_326 = arith.constant 304 : index
    %swap3A_327 = tpu.vector_load %arg6[%swap3A_326] {strides = array<i32>} : memref<4096xi32, #tpu.memory_space<vmem>>, vector<16xi32>,
    %swap3A_328 = vector.shape_cast %swap3A_327 : vector<16xi32> to vector<16xi32>
    %swap3A_329 = vector.shape_cast %add3A_325 : vector<16xi32> to vector<16xi32>
    tpu.vector_store %arg6[%swap3A_326], %swap3A_329 {strides = array<i32>} : memref<4096xi32, #tpu.memory_space<vmem>>, vector<16xi32>,
    %add3A_330 = arith.constant 384 : i32
    %add3A_331 = vector.broadcast %add3A_330 : i32 to vector<16xi32>
    %add3A_332 = arith.addi %add3A_308, %add3A_331 : vector<16xi32>
    %swap3A_333 = arith.constant 432 : index
    %swap3A_334 = tpu.vector_load %arg6[%swap3A_333] {strides = array<i32>} : memref<4096xi32, #tpu.memory_space<vmem>>, vector<16xi32>,
    %swap3A_335 = vector.shape_cast %swap3A_334 : vector<16xi32> to vector<16xi32>
    %swap3A_336 = vector.shape_cast %add3A_332 : vector<16xi32> to vector<16xi32>
    tpu.vector_store %arg6[%swap3A_333], %swap3A_336 {strides = array<i32>} : memref<4096xi32, #tpu.memory_space<vmem>>, vector<16xi32>,
    %add3A_337 = arith.constant 512 : i32
    %add3A_338 = vector.broadcast %add3A_337 : i32 to vector<16xi32>
    %add3A_339 = arith.addi %add3A_308, %add3A_338 : vector<16xi32>
    %swap3A_340 = arith.constant 560 : index
    %swap3A_341 = tpu.vector_load %arg6[%swap3A_340] {strides = array<i32>} : memref<4096xi32, #tpu.memory_space<vmem>>, vector<16xi32>,
    %swap3A_342 = vector.shape_cast %swap3A_341 : vector<16xi32> to vector<16xi32>
    %swap3A_343 = vector.shape_cast %add3A_339 : vector<16xi32> to vector<16xi32>
    tpu.vector_store %arg6[%swap3A_340], %swap3A_343 {strides = array<i32>} : memref<4096xi32, #tpu.memory_space<vmem>>, vector<16xi32>,
    %add3A_344 = arith.constant 640 : i32
    %add3A_345 = vector.broadcast %add3A_344 : i32 to vector<16xi32>
    %add3A_346 = arith.addi %add3A_308, %add3A_345 : vector<16xi32>
    %swap3A_347 = arith.constant 688 : index
    %swap3A_348 = tpu.vector_load %arg6[%swap3A_347] {strides = array<i32>} : memref<4096xi32, #tpu.memory_space<vmem>>, vector<16xi32>,
    %swap3A_349 = vector.shape_cast %swap3A_348 : vector<16xi32> to vector<16xi32>
    %swap3A_350 = vector.shape_cast %add3A_346 : vector<16xi32> to vector<16xi32>
    tpu.vector_store %arg6[%swap3A_347], %swap3A_350 {strides = array<i32>} : memref<4096xi32, #tpu.memory_space<vmem>>, vector<16xi32>,
    %add3A_351 = arith.constant 768 : i32
    %add3A_352 = vector.broadcast %add3A_351 : i32 to vector<16xi32>
    %add3A_353 = arith.addi %add3A_308, %add3A_352 : vector<16xi32>
    %swap3A_354 = arith.constant 816 : index
    %swap3A_355 = tpu.vector_load %arg6[%swap3A_354] {strides = array<i32>} : memref<4096xi32, #tpu.memory_space<vmem>>, vector<16xi32>,
    %swap3A_356 = vector.shape_cast %swap3A_355 : vector<16xi32> to vector<16xi32>
    %swap3A_357 = vector.shape_cast %add3A_353 : vector<16xi32> to vector<16xi32>
    tpu.vector_store %arg6[%swap3A_354], %swap3A_357 {strides = array<i32>} : memref<4096xi32, #tpu.memory_space<vmem>>, vector<16xi32>,
    %add3A_358 = arith.constant 896 : i32
    %add3A_359 = vector.broadcast %add3A_358 : i32 to vector<16xi32>
    %add3A_360 = arith.addi %add3A_308, %add3A_359 : vector<16xi32>
    %swap3A_361 = arith.constant 944 : index
    %swap3A_362 = tpu.vector_load %arg6[%swap3A_361] {strides = array<i32>} : memref<4096xi32, #tpu.memory_space<vmem>>, vector<16xi32>,
    %swap3A_363 = vector.shape_cast %swap3A_362 : vector<16xi32> to vector<16xi32>
    %swap3A_364 = vector.shape_cast %add3A_360 : vector<16xi32> to vector<16xi32>
    tpu.vector_store %arg6[%swap3A_361], %swap3A_364 {strides = array<i32>} : memref<4096xi32, #tpu.memory_space<vmem>>, vector<16xi32>,
    %get3A_365 = arith.constant 0 : i32
    %get3A_366 = arith.constant 0 : i32
    %get3A_367 = arith.index_cast %get3A_365 : i32 to index
    %get3A_368 = arith.index_cast %get3A_366 : i32 to index
    %get3A_369 = arith.constant 64 : index
    %get3A_370 = tpu.vector_load %arg5[%get3A_367, %get3A_368, %get3A_369] {strides = array<i32>} : memref<4x2x128xf32, #tpu.memory_space<vmem>>, vector<1x1x16xf32>,
    %get3A_371 = vector.shape_cast %get3A_370 : vector<1x1x16xf32> to vector<16xf32>
    %convert_element_type3A_372 = arith.fptosi %get3A_371 : vector<16xf32> to vector<16xi32>
    %get3A_373 = arith.constant 0 : i32
    %get3A_374 = arith.constant 1 : i32
    %get3A_375 = arith.index_cast %get3A_373 : i32 to index
    %get3A_376 = arith.index_cast %get3A_374 : i32 to index
    %get3A_377 = arith.constant 64 : index
    %get3A_378 = tpu.vector_load %arg5[%get3A_375, %get3A_376, %get3A_377] {strides = array<i32>} : memref<4x2x128xf32, #tpu.memory_space<vmem>>, vector<1x1x16xf32>,
    %get3A_379 = vector.shape_cast %get3A_378 : vector<1x1x16xf32> to vector<16xf32>
    %convert_element_type3A_380 = arith.fptosi %get3A_379 : vector<16xf32> to vector<16xi32>
    %mul3A_381 = arith.constant 73856093 : i32
    %mul3A_382 = vector.broadcast %mul3A_381 : i32 to vector<16xi32>
    %mul3A_383 = arith.muli %convert_element_type3A_372, %mul3A_382 : vector<16xi32>
    %mul3A_384 = arith.constant 19349663 : i32
    %mul3A_385 = vector.broadcast %mul3A_384 : i32 to vector<16xi32>
    %mul3A_386 = arith.muli %convert_element_type3A_380, %mul3A_385 : vector<16xi32>
    %xor3A_387 = arith.xori %mul3A_383, %mul3A_386 : vector<16xi32>
    %and3A_388 = arith.constant 1048575 : i32
    %and3A_389 = vector.broadcast %and3A_388 : i32 to vector<16xi32>
    %and3A_390 = arith.andi %xor3A_387, %and3A_389 : vector<16xi32>
    %shift_right_arithmetic3A_391 = arith.constant 7 : i32
    %shift_right_arithmetic3A_392 = vector.broadcast %shift_right_arithmetic3A_391 : i32 to vector<16xi32>
    %shift_right_arithmetic3A_393 = arith.shrsi %and3A_390, %shift_right_arithmetic3A_392 : vector<16xi32>
    %mul3A_394 = arith.constant 1024 : i32
    %mul3A_395 = vector.broadcast %mul3A_394 : i32 to vector<16xi32>
    %mul3A_396 = arith.muli %shift_right_arithmetic3A_393, %mul3A_395 : vector<16xi32>
    %and3A_397 = arith.constant 127 : i32
    %and3A_398 = vector.broadcast %and3A_397 : i32 to vector<16xi32>
    %and3A_399 = arith.andi %and3A_390, %and3A_398 : vector<16xi32>
    %add3A_400 = arith.addi %mul3A_396, %and3A_399 : vector<16xi32>
    %add3A_401 = arith.constant 0 : i32
    %add3A_402 = vector.broadcast %add3A_401 : i32 to vector<16xi32>
    %add3A_403 = arith.addi %add3A_400, %add3A_402 : vector<16xi32>
    %swap3A_404 = arith.constant 64 : index
    %swap3A_405 = tpu.vector_load %arg6[%swap3A_404] {strides = array<i32>} : memref<4096xi32, #tpu.memory_space<vmem>>, vector<16xi32>,
    %swap3A_406 = vector.shape_cast %swap3A_405 : vector<16xi32> to vector<16xi32>
    %swap3A_407 = vector.shape_cast %add3A_403 : vector<16xi32> to vector<16xi32>
    tpu.vector_store %arg6[%swap3A_404], %swap3A_407 {strides = array<i32>} : memref<4096xi32, #tpu.memory_space<vmem>>, vector<16xi32>,
    %add3A_408 = arith.constant 128 : i32
    %add3A_409 = vector.broadcast %add3A_408 : i32 to vector<16xi32>
    %add3A_410 = arith.addi %add3A_400, %add3A_409 : vector<16xi32>
    %swap3A_411 = arith.constant 192 : index
    %swap3A_412 = tpu.vector_load %arg6[%swap3A_411] {strides = array<i32>} : memref<4096xi32, #tpu.memory_space<vmem>>, vector<16xi32>,
    %swap3A_413 = vector.shape_cast %swap3A_412 : vector<16xi32> to vector<16xi32>
    %swap3A_414 = vector.shape_cast %add3A_410 : vector<16xi32> to vector<16xi32>
    tpu.vector_store %arg6[%swap3A_411], %swap3A_414 {strides = array<i32>} : memref<4096xi32, #tpu.memory_space<vmem>>, vector<16xi32>,
    %add3A_415 = arith.constant 256 : i32
    %add3A_416 = vector.broadcast %add3A_415 : i32 to vector<16xi32>
    %add3A_417 = arith.addi %add3A_400, %add3A_416 : vector<16xi32>
    %swap3A_418 = arith.constant 320 : index
    %swap3A_419 = tpu.vector_load %arg6[%swap3A_418] {strides = array<i32>} : memref<4096xi32, #tpu.memory_space<vmem>>, vector<16xi32>,
    %swap3A_420 = vector.shape_cast %swap3A_419 : vector<16xi32> to vector<16xi32>
    %swap3A_421 = vector.shape_cast %add3A_417 : vector<16xi32> to vector<16xi32>
    tpu.vector_store %arg6[%swap3A_418], %swap3A_421 {strides = array<i32>} : memref<4096xi32, #tpu.memory_space<vmem>>, vector<16xi32>,
    %add3A_422 = arith.constant 384 : i32
    %add3A_423 = vector.broadcast %add3A_422 : i32 to vector<16xi32>
    %add3A_424 = arith.addi %add3A_400, %add3A_423 : vector<16xi32>
    %swap3A_425 = arith.constant 448 : index
    %swap3A_426 = tpu.vector_load %arg6[%swap3A_425] {strides = array<i32>} : memref<4096xi32, #tpu.memory_space<vmem>>, vector<16xi32>,
    %swap3A_427 = vector.shape_cast %swap3A_426 : vector<16xi32> to vector<16xi32>
    %swap3A_428 = vector.shape_cast %add3A_424 : vector<16xi32> to vector<16xi32>
    tpu.vector_store %arg6[%swap3A_425], %swap3A_428 {strides = array<i32>} : memref<4096xi32, #tpu.memory_space<vmem>>, vector<16xi32>,
    %add3A_429 = arith.constant 512 : i32
    %add3A_430 = vector.broadcast %add3A_429 : i32 to vector<16xi32>
    %add3A_431 = arith.addi %add3A_400, %add3A_430 : vector<16xi32>
    %swap3A_432 = arith.constant 576 : index
    %swap3A_433 = tpu.vector_load %arg6[%swap3A_432] {strides = array<i32>} : memref<4096xi32, #tpu.memory_space<vmem>>, vector<16xi32>,
    %swap3A_434 = vector.shape_cast %swap3A_433 : vector<16xi32> to vector<16xi32>
    %swap3A_435 = vector.shape_cast %add3A_431 : vector<16xi32> to vector<16xi32>
    tpu.vector_store %arg6[%swap3A_432], %swap3A_435 {strides = array<i32>} : memref<4096xi32, #tpu.memory_space<vmem>>, vector<16xi32>,
    %add3A_436 = arith.constant 640 : i32
    %add3A_437 = vector.broadcast %add3A_436 : i32 to vector<16xi32>
    %add3A_438 = arith.addi %add3A_400, %add3A_437 : vector<16xi32>
    %swap3A_439 = arith.constant 704 : index
    %swap3A_440 = tpu.vector_load %arg6[%swap3A_439] {strides = array<i32>} : memref<4096xi32, #tpu.memory_space<vmem>>, vector<16xi32>,
    %swap3A_441 = vector.shape_cast %swap3A_440 : vector<16xi32> to vector<16xi32>
    %swap3A_442 = vector.shape_cast %add3A_438 : vector<16xi32> to vector<16xi32>
    tpu.vector_store %arg6[%swap3A_439], %swap3A_442 {strides = array<i32>} : memref<4096xi32, #tpu.memory_space<vmem>>, vector<16xi32>,
    %add3A_443 = arith.constant 768 : i32
    %add3A_444 = vector.broadcast %add3A_443 : i32 to vector<16xi32>
    %add3A_445 = arith.addi %add3A_400, %add3A_444 : vector<16xi32>
    %swap3A_446 = arith.constant 832 : index
    %swap3A_447 = tpu.vector_load %arg6[%swap3A_446] {strides = array<i32>} : memref<4096xi32, #tpu.memory_space<vmem>>, vector<16xi32>,
    %swap3A_448 = vector.shape_cast %swap3A_447 : vector<16xi32> to vector<16xi32>
    %swap3A_449 = vector.shape_cast %add3A_445 : vector<16xi32> to vector<16xi32>
    tpu.vector_store %arg6[%swap3A_446], %swap3A_449 {strides = array<i32>} : memref<4096xi32, #tpu.memory_space<vmem>>, vector<16xi32>,
    %add3A_450 = arith.constant 896 : i32
    %add3A_451 = vector.broadcast %add3A_450 : i32 to vector<16xi32>
    %add3A_452 = arith.addi %add3A_400, %add3A_451 : vector<16xi32>
    %swap3A_453 = arith.constant 960 : index
    %swap3A_454 = tpu.vector_load %arg6[%swap3A_453] {strides = array<i32>} : memref<4096xi32, #tpu.memory_space<vmem>>, vector<16xi32>,
    %swap3A_455 = vector.shape_cast %swap3A_454 : vector<16xi32> to vector<16xi32>
    %swap3A_456 = vector.shape_cast %add3A_452 : vector<16xi32> to vector<16xi32>
    tpu.vector_store %arg6[%swap3A_453], %swap3A_456 {strides = array<i32>} : memref<4096xi32, #tpu.memory_space<vmem>>, vector<16xi32>,
    %get3A_457 = arith.constant 0 : i32
    %get3A_458 = arith.constant 0 : i32
    %get3A_459 = arith.index_cast %get3A_457 : i32 to index
    %get3A_460 = arith.index_cast %get3A_458 : i32 to index
    %get3A_461 = arith.constant 80 : index
    %get3A_462 = tpu.vector_load %arg5[%get3A_459, %get3A_460, %get3A_461] {strides = array<i32>} : memref<4x2x128xf32, #tpu.memory_space<vmem>>, vector<1x1x16xf32>,
    %get3A_463 = vector.shape_cast %get3A_462 : vector<1x1x16xf32> to vector<16xf32>
    %convert_element_type3A_464 = arith.fptosi %get3A_463 : vector<16xf32> to vector<16xi32>
    %get3A_465 = arith.constant 0 : i32
    %get3A_466 = arith.constant 1 : i32
    %get3A_467 = arith.index_cast %get3A_465 : i32 to index
    %get3A_468 = arith.index_cast %get3A_466 : i32 to index
    %get3A_469 = arith.constant 80 : index
    %get3A_470 = tpu.vector_load %arg5[%get3A_467, %get3A_468, %get3A_469] {strides = array<i32>} : memref<4x2x128xf32, #tpu.memory_space<vmem>>, vector<1x1x16xf32>,
    %get3A_471 = vector.shape_cast %get3A_470 : vector<1x1x16xf32> to vector<16xf32>
    %convert_element_type3A_472 = arith.fptosi %get3A_471 : vector<16xf32> to vector<16xi32>
    %mul3A_473 = arith.constant 73856093 : i32
    %mul3A_474 = vector.broadcast %mul3A_473 : i32 to vector<16xi32>
    %mul3A_475 = arith.muli %convert_element_type3A_464, %mul3A_474 : vector<16xi32>
    %mul3A_476 = arith.constant 19349663 : i32
    %mul3A_477 = vector.broadcast %mul3A_476 : i32 to vector<16xi32>
    %mul3A_478 = arith.muli %convert_element_type3A_472, %mul3A_477 : vector<16xi32>
    %xor3A_479 = arith.xori %mul3A_475, %mul3A_478 : vector<16xi32>
    %and3A_480 = arith.constant 1048575 : i32
    %and3A_481 = vector.broadcast %and3A_480 : i32 to vector<16xi32>
    %and3A_482 = arith.andi %xor3A_479, %and3A_481 : vector<16xi32>
    %shift_right_arithmetic3A_483 = arith.constant 7 : i32
    %shift_right_arithmetic3A_484 = vector.broadcast %shift_right_arithmetic3A_483 : i32 to vector<16xi32>
    %shift_right_arithmetic3A_485 = arith.shrsi %and3A_482, %shift_right_arithmetic3A_484 : vector<16xi32>
    %mul3A_486 = arith.constant 1024 : i32
    %mul3A_487 = vector.broadcast %mul3A_486 : i32 to vector<16xi32>
    %mul3A_488 = arith.muli %shift_right_arithmetic3A_485, %mul3A_487 : vector<16xi32>
    %and3A_489 = arith.constant 127 : i32
    %and3A_490 = vector.broadcast %and3A_489 : i32 to vector<16xi32>
    %and3A_491 = arith.andi %and3A_482, %and3A_490 : vector<16xi32>
    %add3A_492 = arith.addi %mul3A_488, %and3A_491 : vector<16xi32>
    %add3A_493 = arith.constant 0 : i32
    %add3A_494 = vector.broadcast %add3A_493 : i32 to vector<16xi32>
    %add3A_495 = arith.addi %add3A_492, %add3A_494 : vector<16xi32>
    %swap3A_496 = arith.constant 80 : index
    %swap3A_497 = tpu.vector_load %arg6[%swap3A_496] {strides = array<i32>} : memref<4096xi32, #tpu.memory_space<vmem>>, vector<16xi32>,
    %swap3A_498 = vector.shape_cast %swap3A_497 : vector<16xi32> to vector<16xi32>
    %swap3A_499 = vector.shape_cast %add3A_495 : vector<16xi32> to vector<16xi32>
    tpu.vector_store %arg6[%swap3A_496], %swap3A_499 {strides = array<i32>} : memref<4096xi32, #tpu.memory_space<vmem>>, vector<16xi32>,
    %add3A_500 = arith.constant 128 : i32
    %add3A_501 = vector.broadcast %add3A_500 : i32 to vector<16xi32>
    %add3A_502 = arith.addi %add3A_492, %add3A_501 : vector<16xi32>
    %swap3A_503 = arith.constant 208 : index
    %swap3A_504 = tpu.vector_load %arg6[%swap3A_503] {strides = array<i32>} : memref<4096xi32, #tpu.memory_space<vmem>>, vector<16xi32>,
    %swap3A_505 = vector.shape_cast %swap3A_504 : vector<16xi32> to vector<16xi32>
    %swap3A_506 = vector.shape_cast %add3A_502 : vector<16xi32> to vector<16xi32>
    tpu.vector_store %arg6[%swap3A_503], %swap3A_506 {strides = array<i32>} : memref<4096xi32, #tpu.memory_space<vmem>>, vector<16xi32>,
    %add3A_507 = arith.constant 256 : i32
    %add3A_508 = vector.broadcast %add3A_507 : i32 to vector<16xi32>
    %add3A_509 = arith.addi %add3A_492, %add3A_508 : vector<16xi32>
    %swap3A_510 = arith.constant 336 : index
    %swap3A_511 = tpu.vector_load %arg6[%swap3A_510] {strides = array<i32>} : memref<4096xi32, #tpu.memory_space<vmem>>, vector<16xi32>,
    %swap3A_512 = vector.shape_cast %swap3A_511 : vector<16xi32> to vector<16xi32>
    %swap3A_513 = vector.shape_cast %add3A_509 : vector<16xi32> to vector<16xi32>
    tpu.vector_store %arg6[%swap3A_510], %swap3A_513 {strides = array<i32>} : memref<4096xi32, #tpu.memory_space<vmem>>, vector<16xi32>,
    %add3A_514 = arith.constant 384 : i32
    %add3A_515 = vector.broadcast %add3A_514 : i32 to vector<16xi32>
    %add3A_516 = arith.addi %add3A_492, %add3A_515 : vector<16xi32>
    %swap3A_517 = arith.constant 464 : index
    %swap3A_518 = tpu.vector_load %arg6[%swap3A_517] {strides = array<i32>} : memref<4096xi32, #tpu.memory_space<vmem>>, vector<16xi32>,
    %swap3A_519 = vector.shape_cast %swap3A_518 : vector<16xi32> to vector<16xi32>
    %swap3A_520 = vector.shape_cast %add3A_516 : vector<16xi32> to vector<16xi32>
    tpu.vector_store %arg6[%swap3A_517], %swap3A_520 {strides = array<i32>} : memref<4096xi32, #tpu.memory_space<vmem>>, vector<16xi32>,
    %add3A_521 = arith.constant 512 : i32
    %add3A_522 = vector.broadcast %add3A_521 : i32 to vector<16xi32>
    %add3A_523 = arith.addi %add3A_492, %add3A_522 : vector<16xi32>
    %swap3A_524 = arith.constant 592 : index
    %swap3A_525 = tpu.vector_load %arg6[%swap3A_524] {strides = array<i32>} : memref<4096xi32, #tpu.memory_space<vmem>>, vector<16xi32>,
    %swap3A_526 = vector.shape_cast %swap3A_525 : vector<16xi32> to vector<16xi32>
    %swap3A_527 = vector.shape_cast %add3A_523 : vector<16xi32> to vector<16xi32>
    tpu.vector_store %arg6[%swap3A_524], %swap3A_527 {strides = array<i32>} : memref<4096xi32, #tpu.memory_space<vmem>>, vector<16xi32>,
    %add3A_528 = arith.constant 640 : i32
    %add3A_529 = vector.broadcast %add3A_528 : i32 to vector<16xi32>
    %add3A_530 = arith.addi %add3A_492, %add3A_529 : vector<16xi32>
    %swap3A_531 = arith.constant 720 : index
    %swap3A_532 = tpu.vector_load %arg6[%swap3A_531] {strides = array<i32>} : memref<4096xi32, #tpu.memory_space<vmem>>, vector<16xi32>,
    %swap3A_533 = vector.shape_cast %swap3A_532 : vector<16xi32> to vector<16xi32>
    %swap3A_534 = vector.shape_cast %add3A_530 : vector<16xi32> to vector<16xi32>
    tpu.vector_store %arg6[%swap3A_531], %swap3A_534 {strides = array<i32>} : memref<4096xi32, #tpu.memory_space<vmem>>, vector<16xi32>,
    %add3A_535 = arith.constant 768 : i32
    %add3A_536 = vector.broadcast %add3A_535 : i32 to vector<16xi32>
    %add3A_537 = arith.addi %add3A_492, %add3A_536 : vector<16xi32>
    %swap3A_538 = arith.constant 848 : index
    %swap3A_539 = tpu.vector_load %arg6[%swap3A_538] {strides = array<i32>} : memref<4096xi32, #tpu.memory_space<vmem>>, vector<16xi32>,
    %swap3A_540 = vector.shape_cast %swap3A_539 : vector<16xi32> to vector<16xi32>
    %swap3A_541 = vector.shape_cast %add3A_537 : vector<16xi32> to vector<16xi32>
    tpu.vector_store %arg6[%swap3A_538], %swap3A_541 {strides = array<i32>} : memref<4096xi32, #tpu.memory_space<vmem>>, vector<16xi32>,
    %add3A_542 = arith.constant 896 : i32
    %add3A_543 = vector.broadcast %add3A_542 : i32 to vector<16xi32>
    %add3A_544 = arith.addi %add3A_492, %add3A_543 : vector<16xi32>
    %swap3A_545 = arith.constant 976 : index
    %swap3A_546 = tpu.vector_load %arg6[%swap3A_545] {strides = array<i32>} : memref<4096xi32, #tpu.memory_space<vmem>>, vector<16xi32>,
    %swap3A_547 = vector.shape_cast %swap3A_546 : vector<16xi32> to vector<16xi32>
    %swap3A_548 = vector.shape_cast %add3A_544 : vector<16xi32> to vector<16xi32>
    tpu.vector_store %arg6[%swap3A_545], %swap3A_548 {strides = array<i32>} : memref<4096xi32, #tpu.memory_space<vmem>>, vector<16xi32>,
    %get3A_549 = arith.constant 0 : i32
    %get3A_550 = arith.constant 0 : i32
    %get3A_551 = arith.index_cast %get3A_549 : i32 to index
    %get3A_552 = arith.index_cast %get3A_550 : i32 to index
    %get3A_553 = arith.constant 96 : index
    %get3A_554 = tpu.vector_load %arg5[%get3A_551, %get3A_552, %get3A_553] {strides = array<i32>} : memref<4x2x128xf32, #tpu.memory_space<vmem>>, vector<1x1x16xf32>,
    %get3A_555 = vector.shape_cast %get3A_554 : vector<1x1x16xf32> to vector<16xf32>
    %convert_element_type3A_556 = arith.fptosi %get3A_555 : vector<16xf32> to vector<16xi32>
    %get3A_557 = arith.constant 0 : i32
    %get3A_558 = arith.constant 1 : i32
    %get3A_559 = arith.index_cast %get3A_557 : i32 to index
    %get3A_560 = arith.index_cast %get3A_558 : i32 to index
    %get3A_561 = arith.constant 96 : index
    %get3A_562 = tpu.vector_load %arg5[%get3A_559, %get3A_560, %get3A_561] {strides = array<i32>} : memref<4x2x128xf32, #tpu.memory_space<vmem>>, vector<1x1x16xf32>,
    %get3A_563 = vector.shape_cast %get3A_562 : vector<1x1x16xf32> to vector<16xf32>
    %convert_element_type3A_564 = arith.fptosi %get3A_563 : vector<16xf32> to vector<16xi32>
    %mul3A_565 = arith.constant 73856093 : i32
    %mul3A_566 = vector.broadcast %mul3A_565 : i32 to vector<16xi32>
    %mul3A_567 = arith.muli %convert_element_type3A_556, %mul3A_566 : vector<16xi32>
    %mul3A_568 = arith.constant 19349663 : i32
    %mul3A_569 = vector.broadcast %mul3A_568 : i32 to vector<16xi32>
    %mul3A_570 = arith.muli %convert_element_type3A_564, %mul3A_569 : vector<16xi32>
    %xor3A_571 = arith.xori %mul3A_567, %mul3A_570 : vector<16xi32>
    %and3A_572 = arith.constant 1048575 : i32
    %and3A_573 = vector.broadcast %and3A_572 : i32 to vector<16xi32>
    %and3A_574 = arith.andi %xor3A_571, %and3A_573 : vector<16xi32>
    %shift_right_arithmetic3A_575 = arith.constant 7 : i32
    %shift_right_arithmetic3A_576 = vector.broadcast %shift_right_arithmetic3A_575 : i32 to vector<16xi32>
    %shift_right_arithmetic3A_577 = arith.shrsi %and3A_574, %shift_right_arithmetic3A_576 : vector<16xi32>
    %mul3A_578 = arith.constant 1024 : i32
    %mul3A_579 = vector.broadcast %mul3A_578 : i32 to vector<16xi32>
    %mul3A_580 = arith.muli %shift_right_arithmetic3A_577, %mul3A_579 : vector<16xi32>
    %and3A_581 = arith.constant 127 : i32
    %and3A_582 = vector.broadcast %and3A_581 : i32 to vector<16xi32>
    %and3A_583 = arith.andi %and3A_574, %and3A_582 : vector<16xi32>
    %add3A_584 = arith.addi %mul3A_580, %and3A_583 : vector<16xi32>
    %add3A_585 = arith.constant 0 : i32
    %add3A_586 = vector.broadcast %add3A_585 : i32 to vector<16xi32>
    %add3A_587 = arith.addi %add3A_584, %add3A_586 : vector<16xi32>
    %swap3A_588 = arith.constant 96 : index
    %swap3A_589 = tpu.vector_load %arg6[%swap3A_588] {strides = array<i32>} : memref<4096xi32, #tpu.memory_space<vmem>>, vector<16xi32>,
    %swap3A_590 = vector.shape_cast %swap3A_589 : vector<16xi32> to vector<16xi32>
    %swap3A_591 = vector.shape_cast %add3A_587 : vector<16xi32> to vector<16xi32>
    tpu.vector_store %arg6[%swap3A_588], %swap3A_591 {strides = array<i32>} : memref<4096xi32, #tpu.memory_space<vmem>>, vector<16xi32>,
    %add3A_592 = arith.constant 128 : i32
    %add3A_593 = vector.broadcast %add3A_592 : i32 to vector<16xi32>
    %add3A_594 = arith.addi %add3A_584, %add3A_593 : vector<16xi32>
    %swap3A_595 = arith.constant 224 : index
    %swap3A_596 = tpu.vector_load %arg6[%swap3A_595] {strides = array<i32>} : memref<4096xi32, #tpu.memory_space<vmem>>, vector<16xi32>,
    %swap3A_597 = vector.shape_cast %swap3A_596 : vector<16xi32> to vector<16xi32>
    %swap3A_598 = vector.shape_cast %add3A_594 : vector<16xi32> to vector<16xi32>
    tpu.vector_store %arg6[%swap3A_595], %swap3A_598 {strides = array<i32>} : memref<4096xi32, #tpu.memory_space<vmem>>, vector<16xi32>,
    %add3A_599 = arith.constant 256 : i32
    %add3A_600 = vector.broadcast %add3A_599 : i32 to vector<16xi32>
    %add3A_601 = arith.addi %add3A_584, %add3A_600 : vector<16xi32>
    %swap3A_602 = arith.constant 352 : index
    %swap3A_603 = tpu.vector_load %arg6[%swap3A_602] {strides = array<i32>} : memref<4096xi32, #tpu.memory_space<vmem>>, vector<16xi32>,
    %swap3A_604 = vector.shape_cast %swap3A_603 : vector<16xi32> to vector<16xi32>
    %swap3A_605 = vector.shape_cast %add3A_601 : vector<16xi32> to vector<16xi32>
    tpu.vector_store %arg6[%swap3A_602], %swap3A_605 {strides = array<i32>} : memref<4096xi32, #tpu.memory_space<vmem>>, vector<16xi32>,
    %add3A_606 = arith.constant 384 : i32
    %add3A_607 = vector.broadcast %add3A_606 : i32 to vector<16xi32>
    %add3A_608 = arith.addi %add3A_584, %add3A_607 : vector<16xi32>
    %swap3A_609 = arith.constant 480 : index
    %swap3A_610 = tpu.vector_load %arg6[%swap3A_609] {strides = array<i32>} : memref<4096xi32, #tpu.memory_space<vmem>>, vector<16xi32>,
    %swap3A_611 = vector.shape_cast %swap3A_610 : vector<16xi32> to vector<16xi32>
    %swap3A_612 = vector.shape_cast %add3A_608 : vector<16xi32> to vector<16xi32>
    tpu.vector_store %arg6[%swap3A_609], %swap3A_612 {strides = array<i32>} : memref<4096xi32, #tpu.memory_space<vmem>>, vector<16xi32>,
    %add3A_613 = arith.constant 512 : i32
    %add3A_614 = vector.broadcast %add3A_613 : i32 to vector<16xi32>
    %add3A_615 = arith.addi %add3A_584, %add3A_614 : vector<16xi32>
    %swap3A_616 = arith.constant 608 : index
    %swap3A_617 = tpu.vector_load %arg6[%swap3A_616] {strides = array<i32>} : memref<4096xi32, #tpu.memory_space<vmem>>, vector<16xi32>,
    %swap3A_618 = vector.shape_cast %swap3A_617 : vector<16xi32> to vector<16xi32>
    %swap3A_619 = vector.shape_cast %add3A_615 : vector<16xi32> to vector<16xi32>
    tpu.vector_store %arg6[%swap3A_616], %swap3A_619 {strides = array<i32>} : memref<4096xi32, #tpu.memory_space<vmem>>, vector<16xi32>,
    %add3A_620 = arith.constant 640 : i32
    %add3A_621 = vector.broadcast %add3A_620 : i32 to vector<16xi32>
    %add3A_622 = arith.addi %add3A_584, %add3A_621 : vector<16xi32>
    %swap3A_623 = arith.constant 736 : index
    %swap3A_624 = tpu.vector_load %arg6[%swap3A_623] {strides = array<i32>} : memref<4096xi32, #tpu.memory_space<vmem>>, vector<16xi32>,
    %swap3A_625 = vector.shape_cast %swap3A_624 : vector<16xi32> to vector<16xi32>
    %swap3A_626 = vector.shape_cast %add3A_622 : vector<16xi32> to vector<16xi32>
    tpu.vector_store %arg6[%swap3A_623], %swap3A_626 {strides = array<i32>} : memref<4096xi32, #tpu.memory_space<vmem>>, vector<16xi32>,
    %add3A_627 = arith.constant 768 : i32
    %add3A_628 = vector.broadcast %add3A_627 : i32 to vector<16xi32>
    %add3A_629 = arith.addi %add3A_584, %add3A_628 : vector<16xi32>
    %swap3A_630 = arith.constant 864 : index
    %swap3A_631 = tpu.vector_load %arg6[%swap3A_630] {strides = array<i32>} : memref<4096xi32, #tpu.memory_space<vmem>>, vector<16xi32>,
    %swap3A_632 = vector.shape_cast %swap3A_631 : vector<16xi32> to vector<16xi32>
    %swap3A_633 = vector.shape_cast %add3A_629 : vector<16xi32> to vector<16xi32>
    tpu.vector_store %arg6[%swap3A_630], %swap3A_633 {strides = array<i32>} : memref<4096xi32, #tpu.memory_space<vmem>>, vector<16xi32>,
    %add3A_634 = arith.constant 896 : i32
    %add3A_635 = vector.broadcast %add3A_634 : i32 to vector<16xi32>
    %add3A_636 = arith.addi %add3A_584, %add3A_635 : vector<16xi32>
    %swap3A_637 = arith.constant 992 : index
    %swap3A_638 = tpu.vector_load %arg6[%swap3A_637] {strides = array<i32>} : memref<4096xi32, #tpu.memory_space<vmem>>, vector<16xi32>,
    %swap3A_639 = vector.shape_cast %swap3A_638 : vector<16xi32> to vector<16xi32>
    %swap3A_640 = vector.shape_cast %add3A_636 : vector<16xi32> to vector<16xi32>
    tpu.vector_store %arg6[%swap3A_637], %swap3A_640 {strides = array<i32>} : memref<4096xi32, #tpu.memory_space<vmem>>, vector<16xi32>,
    %get3A_641 = arith.constant 0 : i32
    %get3A_642 = arith.constant 0 : i32
    %get3A_643 = arith.index_cast %get3A_641 : i32 to index
    %get3A_644 = arith.index_cast %get3A_642 : i32 to index
    %get3A_645 = arith.constant 112 : index
    %get3A_646 = tpu.vector_load %arg5[%get3A_643, %get3A_644, %get3A_645] {strides = array<i32>} : memref<4x2x128xf32, #tpu.memory_space<vmem>>, vector<1x1x16xf32>,
    %get3A_647 = vector.shape_cast %get3A_646 : vector<1x1x16xf32> to vector<16xf32>
    %convert_element_type3A_648 = arith.fptosi %get3A_647 : vector<16xf32> to vector<16xi32>
    %get3A_649 = arith.constant 0 : i32
    %get3A_650 = arith.constant 1 : i32
    %get3A_651 = arith.index_cast %get3A_649 : i32 to index
    %get3A_652 = arith.index_cast %get3A_650 : i32 to index
    %get3A_653 = arith.constant 112 : index
    %get3A_654 = tpu.vector_load %arg5[%get3A_651, %get3A_652, %get3A_653] {strides = array<i32>} : memref<4x2x128xf32, #tpu.memory_space<vmem>>, vector<1x1x16xf32>,
    %get3A_655 = vector.shape_cast %get3A_654 : vector<1x1x16xf32> to vector<16xf32>
    %convert_element_type3A_656 = arith.fptosi %get3A_655 : vector<16xf32> to vector<16xi32>
    %mul3A_657 = arith.constant 73856093 : i32
    %mul3A_658 = vector.broadcast %mul3A_657 : i32 to vector<16xi32>
    %mul3A_659 = arith.muli %convert_element_type3A_648, %mul3A_658 : vector<16xi32>
    %mul3A_660 = arith.constant 19349663 : i32
    %mul3A_661 = vector.broadcast %mul3A_660 : i32 to vector<16xi32>
    %mul3A_662 = arith.muli %convert_element_type3A_656, %mul3A_661 : vector<16xi32>
    %xor3A_663 = arith.xori %mul3A_659, %mul3A_662 : vector<16xi32>
    %and3A_664 = arith.constant 1048575 : i32
    %and3A_665 = vector.broadcast %and3A_664 : i32 to vector<16xi32>
    %and3A_666 = arith.andi %xor3A_663, %and3A_665 : vector<16xi32>
    %shift_right_arithmetic3A_667 = arith.constant 7 : i32
    %shift_right_arithmetic3A_668 = vector.broadcast %shift_right_arithmetic3A_667 : i32 to vector<16xi32>
    %shift_right_arithmetic3A_669 = arith.shrsi %and3A_666, %shift_right_arithmetic3A_668 : vector<16xi32>
    %mul3A_670 = arith.constant 1024 : i32
    %mul3A_671 = vector.broadcast %mul3A_670 : i32 to vector<16xi32>
    %mul3A_672 = arith.muli %shift_right_arithmetic3A_669, %mul3A_671 : vector<16xi32>
    %and3A_673 = arith.constant 127 : i32
    %and3A_674 = vector.broadcast %and3A_673 : i32 to vector<16xi32>
    %and3A_675 = arith.andi %and3A_666, %and3A_674 : vector<16xi32>
    %add3A_676 = arith.addi %mul3A_672, %and3A_675 : vector<16xi32>
    %add3A_677 = arith.constant 0 : i32
    %add3A_678 = vector.broadcast %add3A_677 : i32 to vector<16xi32>
    %add3A_679 = arith.addi %add3A_676, %add3A_678 : vector<16xi32>
    %swap3A_680 = arith.constant 112 : index
    %swap3A_681 = tpu.vector_load %arg6[%swap3A_680] {strides = array<i32>} : memref<4096xi32, #tpu.memory_space<vmem>>, vector<16xi32>,
    %swap3A_682 = vector.shape_cast %swap3A_681 : vector<16xi32> to vector<16xi32>
    %swap3A_683 = vector.shape_cast %add3A_679 : vector<16xi32> to vector<16xi32>
    tpu.vector_store %arg6[%swap3A_680], %swap3A_683 {strides = array<i32>} : memref<4096xi32, #tpu.memory_space<vmem>>, vector<16xi32>,
    %add3A_684 = arith.constant 128 : i32
    %add3A_685 = vector.broadcast %add3A_684 : i32 to vector<16xi32>
    %add3A_686 = arith.addi %add3A_676, %add3A_685 : vector<16xi32>
    %swap3A_687 = arith.constant 240 : index
    %swap3A_688 = tpu.vector_load %arg6[%swap3A_687] {strides = array<i32>} : memref<4096xi32, #tpu.memory_space<vmem>>, vector<16xi32>,
    %swap3A_689 = vector.shape_cast %swap3A_688 : vector<16xi32> to vector<16xi32>
    %swap3A_690 = vector.shape_cast %add3A_686 : vector<16xi32> to vector<16xi32>
    tpu.vector_store %arg6[%swap3A_687], %swap3A_690 {strides = array<i32>} : memref<4096xi32, #tpu.memory_space<vmem>>, vector<16xi32>,
    %add3A_691 = arith.constant 256 : i32
    %add3A_692 = vector.broadcast %add3A_691 : i32 to vector<16xi32>
    %add3A_693 = arith.addi %add3A_676, %add3A_692 : vector<16xi32>
    %swap3A_694 = arith.constant 368 : index
    %swap3A_695 = tpu.vector_load %arg6[%swap3A_694] {strides = array<i32>} : memref<4096xi32, #tpu.memory_space<vmem>>, vector<16xi32>,
    %swap3A_696 = vector.shape_cast %swap3A_695 : vector<16xi32> to vector<16xi32>
    %swap3A_697 = vector.shape_cast %add3A_693 : vector<16xi32> to vector<16xi32>
    tpu.vector_store %arg6[%swap3A_694], %swap3A_697 {strides = array<i32>} : memref<4096xi32, #tpu.memory_space<vmem>>, vector<16xi32>,
    %add3A_698 = arith.constant 384 : i32
    %add3A_699 = vector.broadcast %add3A_698 : i32 to vector<16xi32>
    %add3A_700 = arith.addi %add3A_676, %add3A_699 : vector<16xi32>
    %swap3A_701 = arith.constant 496 : index
    %swap3A_702 = tpu.vector_load %arg6[%swap3A_701] {strides = array<i32>} : memref<4096xi32, #tpu.memory_space<vmem>>, vector<16xi32>,
    %swap3A_703 = vector.shape_cast %swap3A_702 : vector<16xi32> to vector<16xi32>
    %swap3A_704 = vector.shape_cast %add3A_700 : vector<16xi32> to vector<16xi32>
    tpu.vector_store %arg6[%swap3A_701], %swap3A_704 {strides = array<i32>} : memref<4096xi32, #tpu.memory_space<vmem>>, vector<16xi32>,
    %add3A_705 = arith.constant 512 : i32
    %add3A_706 = vector.broadcast %add3A_705 : i32 to vector<16xi32>
    %add3A_707 = arith.addi %add3A_676, %add3A_706 : vector<16xi32>
    %swap3A_708 = arith.constant 624 : index
    %swap3A_709 = tpu.vector_load %arg6[%swap3A_708] {strides = array<i32>} : memref<4096xi32, #tpu.memory_space<vmem>>, vector<16xi32>,
    %swap3A_710 = vector.shape_cast %swap3A_709 : vector<16xi32> to vector<16xi32>
    %swap3A_711 = vector.shape_cast %add3A_707 : vector<16xi32> to vector<16xi32>
    tpu.vector_store %arg6[%swap3A_708], %swap3A_711 {strides = array<i32>} : memref<4096xi32, #tpu.memory_space<vmem>>, vector<16xi32>,
    %add3A_712 = arith.constant 640 : i32
    %add3A_713 = vector.broadcast %add3A_712 : i32 to vector<16xi32>
    %add3A_714 = arith.addi %add3A_676, %add3A_713 : vector<16xi32>
    %swap3A_715 = arith.constant 752 : index
    %swap3A_716 = tpu.vector_load %arg6[%swap3A_715] {strides = array<i32>} : memref<4096xi32, #tpu.memory_space<vmem>>, vector<16xi32>,
    %swap3A_717 = vector.shape_cast %swap3A_716 : vector<16xi32> to vector<16xi32>
    %swap3A_718 = vector.shape_cast %add3A_714 : vector<16xi32> to vector<16xi32>
    tpu.vector_store %arg6[%swap3A_715], %swap3A_718 {strides = array<i32>} : memref<4096xi32, #tpu.memory_space<vmem>>, vector<16xi32>,
    %add3A_719 = arith.constant 768 : i32
    %add3A_720 = vector.broadcast %add3A_719 : i32 to vector<16xi32>
    %add3A_721 = arith.addi %add3A_676, %add3A_720 : vector<16xi32>
    %swap3A_722 = arith.constant 880 : index
    %swap3A_723 = tpu.vector_load %arg6[%swap3A_722] {strides = array<i32>} : memref<4096xi32, #tpu.memory_space<vmem>>, vector<16xi32>,
    %swap3A_724 = vector.shape_cast %swap3A_723 : vector<16xi32> to vector<16xi32>
    %swap3A_725 = vector.shape_cast %add3A_721 : vector<16xi32> to vector<16xi32>
    tpu.vector_store %arg6[%swap3A_722], %swap3A_725 {strides = array<i32>} : memref<4096xi32, #tpu.memory_space<vmem>>, vector<16xi32>,
    %add3A_726 = arith.constant 896 : i32
    %add3A_727 = vector.broadcast %add3A_726 : i32 to vector<16xi32>
    %add3A_728 = arith.addi %add3A_676, %add3A_727 : vector<16xi32>
    %swap3A_729 = arith.constant 1008 : index
    %swap3A_730 = tpu.vector_load %arg6[%swap3A_729] {strides = array<i32>} : memref<4096xi32, #tpu.memory_space<vmem>>, vector<16xi32>,
    %swap3A_731 = vector.shape_cast %swap3A_730 : vector<16xi32> to vector<16xi32>
    %swap3A_732 = vector.shape_cast %add3A_728 : vector<16xi32> to vector<16xi32>
    tpu.vector_store %arg6[%swap3A_729], %swap3A_732 {strides = array<i32>} : memref<4096xi32, #tpu.memory_space<vmem>>, vector<16xi32>,
    %get3A_733 = arith.constant 1 : i32
    %get3A_734 = arith.constant 0 : i32
    %get3A_735 = arith.index_cast %get3A_733 : i32 to index
    %get3A_736 = arith.index_cast %get3A_734 : i32 to index
    %get3A_737 = arith.constant 0 : index
    %get3A_738 = tpu.vector_load %arg5[%get3A_735, %get3A_736, %get3A_737] {strides = array<i32>} : memref<4x2x128xf32, #tpu.memory_space<vmem>>, vector<1x1x16xf32>,
    %get3A_739 = vector.shape_cast %get3A_738 : vector<1x1x16xf32> to vector<16xf32>
    %convert_element_type3A_740 = arith.fptosi %get3A_739 : vector<16xf32> to vector<16xi32>
    %get3A_741 = arith.constant 1 : i32
    %get3A_742 = arith.constant 1 : i32
    %get3A_743 = arith.index_cast %get3A_741 : i32 to index
    %get3A_744 = arith.index_cast %get3A_742 : i32 to index
    %get3A_745 = arith.constant 0 : index
    %get3A_746 = tpu.vector_load %arg5[%get3A_743, %get3A_744, %get3A_745] {strides = array<i32>} : memref<4x2x128xf32, #tpu.memory_space<vmem>>, vector<1x1x16xf32>,
    %get3A_747 = vector.shape_cast %get3A_746 : vector<1x1x16xf32> to vector<16xf32>
    %convert_element_type3A_748 = arith.fptosi %get3A_747 : vector<16xf32> to vector<16xi32>
    %mul3A_749 = arith.constant 73856093 : i32
    %mul3A_750 = vector.broadcast %mul3A_749 : i32 to vector<16xi32>
    %mul3A_751 = arith.muli %convert_element_type3A_740, %mul3A_750 : vector<16xi32>
    %mul3A_752 = arith.constant 19349663 : i32
    %mul3A_753 = vector.broadcast %mul3A_752 : i32 to vector<16xi32>
    %mul3A_754 = arith.muli %convert_element_type3A_748, %mul3A_753 : vector<16xi32>
    %xor3A_755 = arith.xori %mul3A_751, %mul3A_754 : vector<16xi32>
    %and3A_756 = arith.constant 1048575 : i32
    %and3A_757 = vector.broadcast %and3A_756 : i32 to vector<16xi32>
    %and3A_758 = arith.andi %xor3A_755, %and3A_757 : vector<16xi32>
    %shift_right_arithmetic3A_759 = arith.constant 7 : i32
    %shift_right_arithmetic3A_760 = vector.broadcast %shift_right_arithmetic3A_759 : i32 to vector<16xi32>
    %shift_right_arithmetic3A_761 = arith.shrsi %and3A_758, %shift_right_arithmetic3A_760 : vector<16xi32>
    %mul3A_762 = arith.constant 1024 : i32
    %mul3A_763 = vector.broadcast %mul3A_762 : i32 to vector<16xi32>
    %mul3A_764 = arith.muli %shift_right_arithmetic3A_761, %mul3A_763 : vector<16xi32>
    %and3A_765 = arith.constant 127 : i32
    %and3A_766 = vector.broadcast %and3A_765 : i32 to vector<16xi32>
    %and3A_767 = arith.andi %and3A_758, %and3A_766 : vector<16xi32>
    %add3A_768 = arith.addi %mul3A_764, %and3A_767 : vector<16xi32>
    %add3A_769 = arith.constant 0 : i32
    %add3A_770 = vector.broadcast %add3A_769 : i32 to vector<16xi32>
    %add3A_771 = arith.addi %add3A_768, %add3A_770 : vector<16xi32>
    %swap3A_772 = arith.constant 1024 : index
    %swap3A_773 = tpu.vector_load %arg6[%swap3A_772] {strides = array<i32>} : memref<4096xi32, #tpu.memory_space<vmem>>, vector<16xi32>,
    %swap3A_774 = vector.shape_cast %swap3A_773 : vector<16xi32> to vector<16xi32>
    %swap3A_775 = vector.shape_cast %add3A_771 : vector<16xi32> to vector<16xi32>
    tpu.vector_store %arg6[%swap3A_772], %swap3A_775 {strides = array<i32>} : memref<4096xi32, #tpu.memory_space<vmem>>, vector<16xi32>,
    %add3A_776 = arith.constant 128 : i32
    %add3A_777 = vector.broadcast %add3A_776 : i32 to vector<16xi32>
    %add3A_778 = arith.addi %add3A_768, %add3A_777 : vector<16xi32>
    %swap3A_779 = arith.constant 1152 : index
    %swap3A_780 = tpu.vector_load %arg6[%swap3A_779] {strides = array<i32>} : memref<4096xi32, #tpu.memory_space<vmem>>, vector<16xi32>,
    %swap3A_781 = vector.shape_cast %swap3A_780 : vector<16xi32> to vector<16xi32>
    %swap3A_782 = vector.shape_cast %add3A_778 : vector<16xi32> to vector<16xi32>
    tpu.vector_store %arg6[%swap3A_779], %swap3A_782 {strides = array<i32>} : memref<4096xi32, #tpu.memory_space<vmem>>, vector<16xi32>,
    %add3A_783 = arith.constant 256 : i32
    %add3A_784 = vector.broadcast %add3A_783 : i32 to vector<16xi32>
    %add3A_785 = arith.addi %add3A_768, %add3A_784 : vector<16xi32>
    %swap3A_786 = arith.constant 1280 : index
    %swap3A_787 = tpu.vector_load %arg6[%swap3A_786] {strides = array<i32>} : memref<4096xi32, #tpu.memory_space<vmem>>, vector<16xi32>,
    %swap3A_788 = vector.shape_cast %swap3A_787 : vector<16xi32> to vector<16xi32>
    %swap3A_789 = vector.shape_cast %add3A_785 : vector<16xi32> to vector<16xi32>
    tpu.vector_store %arg6[%swap3A_786], %swap3A_789 {strides = array<i32>} : memref<4096xi32, #tpu.memory_space<vmem>>, vector<16xi32>,
    %add3A_790 = arith.constant 384 : i32
    %add3A_791 = vector.broadcast %add3A_790 : i32 to vector<16xi32>
    %add3A_792 = arith.addi %add3A_768, %add3A_791 : vector<16xi32>
    %swap3A_793 = arith.constant 1408 : index
    %swap3A_794 = tpu.vector_load %arg6[%swap3A_793] {strides = array<i32>} : memref<4096xi32, #tpu.memory_space<vmem>>, vector<16xi32>,
    %swap3A_795 = vector.shape_cast %swap3A_794 : vector<16xi32> to vector<16xi32>
    %swap3A_796 = vector.shape_cast %add3A_792 : vector<16xi32> to vector<16xi32>
    tpu.vector_store %arg6[%swap3A_793], %swap3A_796 {strides = array<i32>} : memref<4096xi32, #tpu.memory_space<vmem>>, vector<16xi32>,
    %add3A_797 = arith.constant 512 : i32
    %add3A_798 = vector.broadcast %add3A_797 : i32 to vector<16xi32>
    %add3A_799 = arith.addi %add3A_768, %add3A_798 : vector<16xi32>
    %swap3A_800 = arith.constant 1536 : index
    %swap3A_801 = tpu.vector_load %arg6[%swap3A_800] {strides = array<i32>} : memref<4096xi32, #tpu.memory_space<vmem>>, vector<16xi32>,
    %swap3A_802 = vector.shape_cast %swap3A_801 : vector<16xi32> to vector<16xi32>
    %swap3A_803 = vector.shape_cast %add3A_799 : vector<16xi32> to vector<16xi32>
    tpu.vector_store %arg6[%swap3A_800], %swap3A_803 {strides = array<i32>} : memref<4096xi32, #tpu.memory_space<vmem>>, vector<16xi32>,
    %add3A_804 = arith.constant 640 : i32
    %add3A_805 = vector.broadcast %add3A_804 : i32 to vector<16xi32>
    %add3A_806 = arith.addi %add3A_768, %add3A_805 : vector<16xi32>
    %swap3A_807 = arith.constant 1664 : index
    %swap3A_808 = tpu.vector_load %arg6[%swap3A_807] {strides = array<i32>} : memref<4096xi32, #tpu.memory_space<vmem>>, vector<16xi32>,
    %swap3A_809 = vector.shape_cast %swap3A_808 : vector<16xi32> to vector<16xi32>
    %swap3A_810 = vector.shape_cast %add3A_806 : vector<16xi32> to vector<16xi32>
    tpu.vector_store %arg6[%swap3A_807], %swap3A_810 {strides = array<i32>} : memref<4096xi32, #tpu.memory_space<vmem>>, vector<16xi32>,
    %add3A_811 = arith.constant 768 : i32
    %add3A_812 = vector.broadcast %add3A_811 : i32 to vector<16xi32>
    %add3A_813 = arith.addi %add3A_768, %add3A_812 : vector<16xi32>
    %swap3A_814 = arith.constant 1792 : index
    %swap3A_815 = tpu.vector_load %arg6[%swap3A_814] {strides = array<i32>} : memref<4096xi32, #tpu.memory_space<vmem>>, vector<16xi32>,
    %swap3A_816 = vector.shape_cast %swap3A_815 : vector<16xi32> to vector<16xi32>
    %swap3A_817 = vector.shape_cast %add3A_813 : vector<16xi32> to vector<16xi32>
    tpu.vector_store %arg6[%swap3A_814], %swap3A_817 {strides = array<i32>} : memref<4096xi32, #tpu.memory_space<vmem>>, vector<16xi32>,
    %add3A_818 = arith.constant 896 : i32
    %add3A_819 = vector.broadcast %add3A_818 : i32 to vector<16xi32>
    %add3A_820 = arith.addi %add3A_768, %add3A_819 : vector<16xi32>
    %swap3A_821 = arith.constant 1920 : index
    %swap3A_822 = tpu.vector_load %arg6[%swap3A_821] {strides = array<i32>} : memref<4096xi32, #tpu.memory_space<vmem>>, vector<16xi32>,
    %swap3A_823 = vector.shape_cast %swap3A_822 : vector<16xi32> to vector<16xi32>
    %swap3A_824 = vector.shape_cast %add3A_820 : vector<16xi32> to vector<16xi32>
    tpu.vector_store %arg6[%swap3A_821], %swap3A_824 {strides = array<i32>} : memref<4096xi32, #tpu.memory_space<vmem>>, vector<16xi32>,
    %get3A_825 = arith.constant 1 : i32
    %get3A_826 = arith.constant 0 : i32
    %get3A_827 = arith.index_cast %get3A_825 : i32 to index
    %get3A_828 = arith.index_cast %get3A_826 : i32 to index
    %get3A_829 = arith.constant 16 : index
    %get3A_830 = tpu.vector_load %arg5[%get3A_827, %get3A_828, %get3A_829] {strides = array<i32>} : memref<4x2x128xf32, #tpu.memory_space<vmem>>, vector<1x1x16xf32>,
    %get3A_831 = vector.shape_cast %get3A_830 : vector<1x1x16xf32> to vector<16xf32>
    %convert_element_type3A_832 = arith.fptosi %get3A_831 : vector<16xf32> to vector<16xi32>
    %get3A_833 = arith.constant 1 : i32
    %get3A_834 = arith.constant 1 : i32
    %get3A_835 = arith.index_cast %get3A_833 : i32 to index
    %get3A_836 = arith.index_cast %get3A_834 : i32 to index
    %get3A_837 = arith.constant 16 : index
    %get3A_838 = tpu.vector_load %arg5[%get3A_835, %get3A_836, %get3A_837] {strides = array<i32>} : memref<4x2x128xf32, #tpu.memory_space<vmem>>, vector<1x1x16xf32>,
    %get3A_839 = vector.shape_cast %get3A_838 : vector<1x1x16xf32> to vector<16xf32>
    %convert_element_type3A_840 = arith.fptosi %get3A_839 : vector<16xf32> to vector<16xi32>
    %mul3A_841 = arith.constant 73856093 : i32
    %mul3A_842 = vector.broadcast %mul3A_841 : i32 to vector<16xi32>
    %mul3A_843 = arith.muli %convert_element_type3A_832, %mul3A_842 : vector<16xi32>
    %mul3A_844 = arith.constant 19349663 : i32
    %mul3A_845 = vector.broadcast %mul3A_844 : i32 to vector<16xi32>
    %mul3A_846 = arith.muli %convert_element_type3A_840, %mul3A_845 : vector<16xi32>
    %xor3A_847 = arith.xori %mul3A_843, %mul3A_846 : vector<16xi32>
    %and3A_848 = arith.constant 1048575 : i32
    %and3A_849 = vector.broadcast %and3A_848 : i32 to vector<16xi32>
    %and3A_850 = arith.andi %xor3A_847, %and3A_849 : vector<16xi32>
    %shift_right_arithmetic3A_851 = arith.constant 7 : i32
    %shift_right_arithmetic3A_852 = vector.broadcast %shift_right_arithmetic3A_851 : i32 to vector<16xi32>
    %shift_right_arithmetic3A_853 = arith.shrsi %and3A_850, %shift_right_arithmetic3A_852 : vector<16xi32>
    %mul3A_854 = arith.constant 1024 : i32
    %mul3A_855 = vector.broadcast %mul3A_854 : i32 to vector<16xi32>
    %mul3A_856 = arith.muli %shift_right_arithmetic3A_853, %mul3A_855 : vector<16xi32>
    %and3A_857 = arith.constant 127 : i32
    %and3A_858 = vector.broadcast %and3A_857 : i32 to vector<16xi32>
    %and3A_859 = arith.andi %and3A_850, %and3A_858 : vector<16xi32>
    %add3A_860 = arith.addi %mul3A_856, %and3A_859 : vector<16xi32>
    %add3A_861 = arith.constant 0 : i32
    %add3A_862 = vector.broadcast %add3A_861 : i32 to vector<16xi32>
    %add3A_863 = arith.addi %add3A_860, %add3A_862 : vector<16xi32>
    %swap3A_864 = arith.constant 1040 : index
    %swap3A_865 = tpu.vector_load %arg6[%swap3A_864] {strides = array<i32>} : memref<4096xi32, #tpu.memory_space<vmem>>, vector<16xi32>,
    %swap3A_866 = vector.shape_cast %swap3A_865 : vector<16xi32> to vector<16xi32>
    %swap3A_867 = vector.shape_cast %add3A_863 : vector<16xi32> to vector<16xi32>
    tpu.vector_store %arg6[%swap3A_864], %swap3A_867 {strides = array<i32>} : memref<4096xi32, #tpu.memory_space<vmem>>, vector<16xi32>,
    %add3A_868 = arith.constant 128 : i32
    %add3A_869 = vector.broadcast %add3A_868 : i32 to vector<16xi32>
    %add3A_870 = arith.addi %add3A_860, %add3A_869 : vector<16xi32>
    %swap3A_871 = arith.constant 1168 : index
    %swap3A_872 = tpu.vector_load %arg6[%swap3A_871] {strides = array<i32>} : memref<4096xi32, #tpu.memory_space<vmem>>, vector<16xi32>,
    %swap3A_873 = vector.shape_cast %swap3A_872 : vector<16xi32> to vector<16xi32>
    %swap3A_874 = vector.shape_cast %add3A_870 : vector<16xi32> to vector<16xi32>
    tpu.vector_store %arg6[%swap3A_871], %swap3A_874 {strides = array<i32>} : memref<4096xi32, #tpu.memory_space<vmem>>, vector<16xi32>,
    %add3A_875 = arith.constant 256 : i32
    %add3A_876 = vector.broadcast %add3A_875 : i32 to vector<16xi32>
    %add3A_877 = arith.addi %add3A_860, %add3A_876 : vector<16xi32>
    %swap3A_878 = arith.constant 1296 : index
    %swap3A_879 = tpu.vector_load %arg6[%swap3A_878] {strides = array<i32>} : memref<4096xi32, #tpu.memory_space<vmem>>, vector<16xi32>,
    %swap3A_880 = vector.shape_cast %swap3A_879 : vector<16xi32> to vector<16xi32>
    %swap3A_881 = vector.shape_cast %add3A_877 : vector<16xi32> to vector<16xi32>
    tpu.vector_store %arg6[%swap3A_878], %swap3A_881 {strides = array<i32>} : memref<4096xi32, #tpu.memory_space<vmem>>, vector<16xi32>,
    %add3A_882 = arith.constant 384 : i32
    %add3A_883 = vector.broadcast %add3A_882 : i32 to vector<16xi32>
    %add3A_884 = arith.addi %add3A_860, %add3A_883 : vector<16xi32>
    %swap3A_885 = arith.constant 1424 : index
    %swap3A_886 = tpu.vector_load %arg6[%swap3A_885] {strides = array<i32>} : memref<4096xi32, #tpu.memory_space<vmem>>, vector<16xi32>,
    %swap3A_887 = vector.shape_cast %swap3A_886 : vector<16xi32> to vector<16xi32>
    %swap3A_888 = vector.shape_cast %add3A_884 : vector<16xi32> to vector<16xi32>
    tpu.vector_store %arg6[%swap3A_885], %swap3A_888 {strides = array<i32>} : memref<4096xi32, #tpu.memory_space<vmem>>, vector<16xi32>,
    %add3A_889 = arith.constant 512 : i32
    %add3A_890 = vector.broadcast %add3A_889 : i32 to vector<16xi32>
    %add3A_891 = arith.addi %add3A_860, %add3A_890 : vector<16xi32>
    %swap3A_892 = arith.constant 1552 : index
    %swap3A_893 = tpu.vector_load %arg6[%swap3A_892] {strides = array<i32>} : memref<4096xi32, #tpu.memory_space<vmem>>, vector<16xi32>,
    %swap3A_894 = vector.shape_cast %swap3A_893 : vector<16xi32> to vector<16xi32>
    %swap3A_895 = vector.shape_cast %add3A_891 : vector<16xi32> to vector<16xi32>
    tpu.vector_store %arg6[%swap3A_892], %swap3A_895 {strides = array<i32>} : memref<4096xi32, #tpu.memory_space<vmem>>, vector<16xi32>,
    %add3A_896 = arith.constant 640 : i32
    %add3A_897 = vector.broadcast %add3A_896 : i32 to vector<16xi32>
    %add3A_898 = arith.addi %add3A_860, %add3A_897 : vector<16xi32>
    %swap3A_899 = arith.constant 1680 : index
    %swap3A_900 = tpu.vector_load %arg6[%swap3A_899] {strides = array<i32>} : memref<4096xi32, #tpu.memory_space<vmem>>, vector<16xi32>,
    %swap3A_901 = vector.shape_cast %swap3A_900 : vector<16xi32> to vector<16xi32>
    %swap3A_902 = vector.shape_cast %add3A_898 : vector<16xi32> to vector<16xi32>
    tpu.vector_store %arg6[%swap3A_899], %swap3A_902 {strides = array<i32>} : memref<4096xi32, #tpu.memory_space<vmem>>, vector<16xi32>,
    %add3A_903 = arith.constant 768 : i32
    %add3A_904 = vector.broadcast %add3A_903 : i32 to vector<16xi32>
    %add3A_905 = arith.addi %add3A_860, %add3A_904 : vector<16xi32>
    %swap3A_906 = arith.constant 1808 : index
    %swap3A_907 = tpu.vector_load %arg6[%swap3A_906] {strides = array<i32>} : memref<4096xi32, #tpu.memory_space<vmem>>, vector<16xi32>,
    %swap3A_908 = vector.shape_cast %swap3A_907 : vector<16xi32> to vector<16xi32>
    %swap3A_909 = vector.shape_cast %add3A_905 : vector<16xi32> to vector<16xi32>
    tpu.vector_store %arg6[%swap3A_906], %swap3A_909 {strides = array<i32>} : memref<4096xi32, #tpu.memory_space<vmem>>, vector<16xi32>,
    %add3A_910 = arith.constant 896 : i32
    %add3A_911 = vector.broadcast %add3A_910 : i32 to vector<16xi32>
    %add3A_912 = arith.addi %add3A_860, %add3A_911 : vector<16xi32>
    %swap3A_913 = arith.constant 1936 : index
    %swap3A_914 = tpu.vector_load %arg6[%swap3A_913] {strides = array<i32>} : memref<4096xi32, #tpu.memory_space<vmem>>, vector<16xi32>,
    %swap3A_915 = vector.shape_cast %swap3A_914 : vector<16xi32> to vector<16xi32>
    %swap3A_916 = vector.shape_cast %add3A_912 : vector<16xi32> to vector<16xi32>
    tpu.vector_store %arg6[%swap3A_913], %swap3A_916 {strides = array<i32>} : memref<4096xi32, #tpu.memory_space<vmem>>, vector<16xi32>,
    %get3A_917 = arith.constant 1 : i32
    %get3A_918 = arith.constant 0 : i32
    %get3A_919 = arith.index_cast %get3A_917 : i32 to index
    %get3A_920 = arith.index_cast %get3A_918 : i32 to index
    %get3A_921 = arith.constant 32 : index
    %get3A_922 = tpu.vector_load %arg5[%get3A_919, %get3A_920, %get3A_921] {strides = array<i32>} : memref<4x2x128xf32, #tpu.memory_space<vmem>>, vector<1x1x16xf32>,
    %get3A_923 = vector.shape_cast %get3A_922 : vector<1x1x16xf32> to vector<16xf32>
    %convert_element_type3A_924 = arith.fptosi %get3A_923 : vector<16xf32> to vector<16xi32>
    %get3A_925 = arith.constant 1 : i32
    %get3A_926 = arith.constant 1 : i32
    %get3A_927 = arith.index_cast %get3A_925 : i32 to index
    %get3A_928 = arith.index_cast %get3A_926 : i32 to index
    %get3A_929 = arith.constant 32 : index
    %get3A_930 = tpu.vector_load %arg5[%get3A_927, %get3A_928, %get3A_929] {strides = array<i32>} : memref<4x2x128xf32, #tpu.memory_space<vmem>>, vector<1x1x16xf32>,
    %get3A_931 = vector.shape_cast %get3A_930 : vector<1x1x16xf32> to vector<16xf32>
    %convert_element_type3A_932 = arith.fptosi %get3A_931 : vector<16xf32> to vector<16xi32>
    %mul3A_933 = arith.constant 73856093 : i32
    %mul3A_934 = vector.broadcast %mul3A_933 : i32 to vector<16xi32>
    %mul3A_935 = arith.muli %convert_element_type3A_924, %mul3A_934 : vector<16xi32>
    %mul3A_936 = arith.constant 19349663 : i32
    %mul3A_937 = vector.broadcast %mul3A_936 : i32 to vector<16xi32>
    %mul3A_938 = arith.muli %convert_element_type3A_932, %mul3A_937 : vector<16xi32>
    %xor3A_939 = arith.xori %mul3A_935, %mul3A_938 : vector<16xi32>
    %and3A_940 = arith.constant 1048575 : i32
    %and3A_941 = vector.broadcast %and3A_940 : i32 to vector<16xi32>
    %and3A_942 = arith.andi %xor3A_939, %and3A_941 : vector<16xi32>
    %shift_right_arithmetic3A_943 = arith.constant 7 : i32
    %shift_right_arithmetic3A_944 = vector.broadcast %shift_right_arithmetic3A_943 : i32 to vector<16xi32>
    %shift_right_arithmetic3A_945 = arith.shrsi %and3A_942, %shift_right_arithmetic3A_944 : vector<16xi32>
    %mul3A_946 = arith.constant 1024 : i32
    %mul3A_947 = vector.broadcast %mul3A_946 : i32 to vector<16xi32>
    %mul3A_948 = arith.muli %shift_right_arithmetic3A_945, %mul3A_947 : vector<16xi32>
    %and3A_949 = arith.constant 127 : i32
    %and3A_950 = vector.broadcast %and3A_949 : i32 to vector<16xi32>
    %and3A_951 = arith.andi %and3A_942, %and3A_950 : vector<16xi32>
    %add3A_952 = arith.addi %mul3A_948, %and3A_951 : vector<16xi32>
    %add3A_953 = arith.constant 0 : i32
    %add3A_954 = vector.broadcast %add3A_953 : i32 to vector<16xi32>
    %add3A_955 = arith.addi %add3A_952, %add3A_954 : vector<16xi32>
    %swap3A_956 = arith.constant 1056 : index
    %swap3A_957 = tpu.vector_load %arg6[%swap3A_956] {strides = array<i32>} : memref<4096xi32, #tpu.memory_space<vmem>>, vector<16xi32>,
    %swap3A_958 = vector.shape_cast %swap3A_957 : vector<16xi32> to vector<16xi32>
    %swap3A_959 = vector.shape_cast %add3A_955 : vector<16xi32> to vector<16xi32>
    tpu.vector_store %arg6[%swap3A_956], %swap3A_959 {strides = array<i32>} : memref<4096xi32, #tpu.memory_space<vmem>>, vector<16xi32>,
    %add3A_960 = arith.constant 128 : i32
    %add3A_961 = vector.broadcast %add3A_960 : i32 to vector<16xi32>
    %add3A_962 = arith.addi %add3A_952, %add3A_961 : vector<16xi32>
    %swap3A_963 = arith.constant 1184 : index
    %swap3A_964 = tpu.vector_load %arg6[%swap3A_963] {strides = array<i32>} : memref<4096xi32, #tpu.memory_space<vmem>>, vector<16xi32>,
    %swap3A_965 = vector.shape_cast %swap3A_964 : vector<16xi32> to vector<16xi32>
    %swap3A_966 = vector.shape_cast %add3A_962 : vector<16xi32> to vector<16xi32>
    tpu.vector_store %arg6[%swap3A_963], %swap3A_966 {strides = array<i32>} : memref<4096xi32, #tpu.memory_space<vmem>>, vector<16xi32>,
    %add3A_967 = arith.constant 256 : i32
    %add3A_968 = vector.broadcast %add3A_967 : i32 to vector<16xi32>
    %add3A_969 = arith.addi %add3A_952, %add3A_968 : vector<16xi32>
    %swap3A_970 = arith.constant 1312 : index
    %swap3A_971 = tpu.vector_load %arg6[%swap3A_970] {strides = array<i32>} : memref<4096xi32, #tpu.memory_space<vmem>>, vector<16xi32>,
    %swap3A_972 = vector.shape_cast %swap3A_971 : vector<16xi32> to vector<16xi32>
    %swap3A_973 = vector.shape_cast %add3A_969 : vector<16xi32> to vector<16xi32>
    tpu.vector_store %arg6[%swap3A_970], %swap3A_973 {strides = array<i32>} : memref<4096xi32, #tpu.memory_space<vmem>>, vector<16xi32>,
    %add3A_974 = arith.constant 384 : i32
    %add3A_975 = vector.broadcast %add3A_974 : i32 to vector<16xi32>
    %add3A_976 = arith.addi %add3A_952, %add3A_975 : vector<16xi32>
    %swap3A_977 = arith.constant 1440 : index
    %swap3A_978 = tpu.vector_load %arg6[%swap3A_977] {strides = array<i32>} : memref<4096xi32, #tpu.memory_space<vmem>>, vector<16xi32>,
    %swap3A_979 = vector.shape_cast %swap3A_978 : vector<16xi32> to vector<16xi32>
    %swap3A_980 = vector.shape_cast %add3A_976 : vector<16xi32> to vector<16xi32>
    tpu.vector_store %arg6[%swap3A_977], %swap3A_980 {strides = array<i32>} : memref<4096xi32, #tpu.memory_space<vmem>>, vector<16xi32>,
    %add3A_981 = arith.constant 512 : i32
    %add3A_982 = vector.broadcast %add3A_981 : i32 to vector<16xi32>
    %add3A_983 = arith.addi %add3A_952, %add3A_982 : vector<16xi32>
    %swap3A_984 = arith.constant 1568 : index
    %swap3A_985 = tpu.vector_load %arg6[%swap3A_984] {strides = array<i32>} : memref<4096xi32, #tpu.memory_space<vmem>>, vector<16xi32>,
    %swap3A_986 = vector.shape_cast %swap3A_985 : vector<16xi32> to vector<16xi32>
    %swap3A_987 = vector.shape_cast %add3A_983 : vector<16xi32> to vector<16xi32>
    tpu.vector_store %arg6[%swap3A_984], %swap3A_987 {strides = array<i32>} : memref<4096xi32, #tpu.memory_space<vmem>>, vector<16xi32>,
    %add3A_988 = arith.constant 640 : i32
    %add3A_989 = vector.broadcast %add3A_988 : i32 to vector<16xi32>
    %add3A_990 = arith.addi %add3A_952, %add3A_989 : vector<16xi32>
    %swap3A_991 = arith.constant 1696 : index
    %swap3A_992 = tpu.vector_load %arg6[%swap3A_991] {strides = array<i32>} : memref<4096xi32, #tpu.memory_space<vmem>>, vector<16xi32>,
    %swap3A_993 = vector.shape_cast %swap3A_992 : vector<16xi32> to vector<16xi32>
    %swap3A_994 = vector.shape_cast %add3A_990 : vector<16xi32> to vector<16xi32>
    tpu.vector_store %arg6[%swap3A_991], %swap3A_994 {strides = array<i32>} : memref<4096xi32, #tpu.memory_space<vmem>>, vector<16xi32>,
    %add3A_995 = arith.constant 768 : i32
    %add3A_996 = vector.broadcast %add3A_995 : i32 to vector<16xi32>
    %add3A_997 = arith.addi %add3A_952, %add3A_996 : vector<16xi32>
    %swap3A_998 = arith.constant 1824 : index
    %swap3A_999 = tpu.vector_load %arg6[%swap3A_998] {strides = array<i32>} : memref<4096xi32, #tpu.memory_space<vmem>>, vector<16xi32>,
    %swap3A_1000 = vector.shape_cast %swap3A_999 : vector<16xi32> to vector<16xi32>
    %swap3A_1001 = vector.shape_cast %add3A_997 : vector<16xi32> to vector<16xi32>
    tpu.vector_store %arg6[%swap3A_998], %swap3A_1001 {strides = array<i32>} : memref<4096xi32, #tpu.memory_space<vmem>>, vector<16xi32>,
    %add3A_1002 = arith.constant 896 : i32
    %add3A_1003 = vector.broadcast %add3A_1002 : i32 to vector<16xi32>
    %add3A_1004 = arith.addi %add3A_952, %add3A_1003 : vector<16xi32>
    %swap3A_1005 = arith.constant 1952 : index
    %swap3A_1006 = tpu.vector_load %arg6[%swap3A_1005] {strides = array<i32>} : memref<4096xi32, #tpu.memory_space<vmem>>, vector<16xi32>,
    %swap3A_1007 = vector.shape_cast %swap3A_1006 : vector<16xi32> to vector<16xi32>
    %swap3A_1008 = vector.shape_cast %add3A_1004 : vector<16xi32> to vector<16xi32>
    tpu.vector_store %arg6[%swap3A_1005], %swap3A_1008 {strides = array<i32>} : memref<4096xi32, #tpu.memory_space<vmem>>, vector<16xi32>,
    %get3A_1009 = arith.constant 1 : i32
    %get3A_1010 = arith.constant 0 : i32
    %get3A_1011 = arith.index_cast %get3A_1009 : i32 to index
    %get3A_1012 = arith.index_cast %get3A_1010 : i32 to index
    %get3A_1013 = arith.constant 48 : index
    %get3A_1014 = tpu.vector_load %arg5[%get3A_1011, %get3A_1012, %get3A_1013] {strides = array<i32>} : memref<4x2x128xf32, #tpu.memory_space<vmem>>, vector<1x1x16xf32>,
    %get3A_1015 = vector.shape_cast %get3A_1014 : vector<1x1x16xf32> to vector<16xf32>
    %convert_element_type3A_1016 = arith.fptosi %get3A_1015 : vector<16xf32> to vector<16xi32>
    %get3A_1017 = arith.constant 1 : i32
    %get3A_1018 = arith.constant 1 : i32
    %get3A_1019 = arith.index_cast %get3A_1017 : i32 to index
    %get3A_1020 = arith.index_cast %get3A_1018 : i32 to index
    %get3A_1021 = arith.constant 48 : index
    %get3A_1022 = tpu.vector_load %arg5[%get3A_1019, %get3A_1020, %get3A_1021] {strides = array<i32>} : memref<4x2x128xf32, #tpu.memory_space<vmem>>, vector<1x1x16xf32>,
    %get3A_1023 = vector.shape_cast %get3A_1022 : vector<1x1x16xf32> to vector<16xf32>
    %convert_element_type3A_1024 = arith.fptosi %get3A_1023 : vector<16xf32> to vector<16xi32>
    %mul3A_1025 = arith.constant 73856093 : i32
    %mul3A_1026 = vector.broadcast %mul3A_1025 : i32 to vector<16xi32>
    %mul3A_1027 = arith.muli %convert_element_type3A_1016, %mul3A_1026 : vector<16xi32>
    %mul3A_1028 = arith.constant 19349663 : i32
    %mul3A_1029 = vector.broadcast %mul3A_1028 : i32 to vector<16xi32>
    %mul3A_1030 = arith.muli %convert_element_type3A_1024, %mul3A_1029 : vector<16xi32>
    %xor3A_1031 = arith.xori %mul3A_1027, %mul3A_1030 : vector<16xi32>
    %and3A_1032 = arith.constant 1048575 : i32
    %and3A_1033 = vector.broadcast %and3A_1032 : i32 to vector<16xi32>
    %and3A_1034 = arith.andi %xor3A_1031, %and3A_1033 : vector<16xi32>
    %shift_right_arithmetic3A_1035 = arith.constant 7 : i32
    %shift_right_arithmetic3A_1036 = vector.broadcast %shift_right_arithmetic3A_1035 : i32 to vector<16xi32>
    %shift_right_arithmetic3A_1037 = arith.shrsi %and3A_1034, %shift_right_arithmetic3A_1036 : vector<16xi32>
    %mul3A_1038 = arith.constant 1024 : i32
    %mul3A_1039 = vector.broadcast %mul3A_1038 : i32 to vector<16xi32>
    %mul3A_1040 = arith.muli %shift_right_arithmetic3A_1037, %mul3A_1039 : vector<16xi32>
    %and3A_1041 = arith.constant 127 : i32
    %and3A_1042 = vector.broadcast %and3A_1041 : i32 to vector<16xi32>
    %and3A_1043 = arith.andi %and3A_1034, %and3A_1042 : vector<16xi32>
    %add3A_1044 = arith.addi %mul3A_1040, %and3A_1043 : vector<16xi32>
    %add3A_1045 = arith.constant 0 : i32
    %add3A_1046 = vector.broadcast %add3A_1045 : i32 to vector<16xi32>
    %add3A_1047 = arith.addi %add3A_1044, %add3A_1046 : vector<16xi32>
    %swap3A_1048 = arith.constant 1072 : index
    %swap3A_1049 = tpu.vector_load %arg6[%swap3A_1048] {strides = array<i32>} : memref<4096xi32, #tpu.memory_space<vmem>>, vector<16xi32>,
    %swap3A_1050 = vector.shape_cast %swap3A_1049 : vector<16xi32> to vector<16xi32>
    %swap3A_1051 = vector.shape_cast %add3A_1047 : vector<16xi32> to vector<16xi32>
    tpu.vector_store %arg6[%swap3A_1048], %swap3A_1051 {strides = array<i32>} : memref<4096xi32, #tpu.memory_space<vmem>>, vector<16xi32>,
    %add3A_1052 = arith.constant 128 : i32
    %add3A_1053 = vector.broadcast %add3A_1052 : i32 to vector<16xi32>
    %add3A_1054 = arith.addi %add3A_1044, %add3A_1053 : vector<16xi32>
    %swap3A_1055 = arith.constant 1200 : index
    %swap3A_1056 = tpu.vector_load %arg6[%swap3A_1055] {strides = array<i32>} : memref<4096xi32, #tpu.memory_space<vmem>>, vector<16xi32>,
    %swap3A_1057 = vector.shape_cast %swap3A_1056 : vector<16xi32> to vector<16xi32>
    %swap3A_1058 = vector.shape_cast %add3A_1054 : vector<16xi32> to vector<16xi32>
    tpu.vector_store %arg6[%swap3A_1055], %swap3A_1058 {strides = array<i32>} : memref<4096xi32, #tpu.memory_space<vmem>>, vector<16xi32>,
    %add3A_1059 = arith.constant 256 : i32
    %add3A_1060 = vector.broadcast %add3A_1059 : i32 to vector<16xi32>
    %add3A_1061 = arith.addi %add3A_1044, %add3A_1060 : vector<16xi32>
    %swap3A_1062 = arith.constant 1328 : index
    %swap3A_1063 = tpu.vector_load %arg6[%swap3A_1062] {strides = array<i32>} : memref<4096xi32, #tpu.memory_space<vmem>>, vector<16xi32>,
    %swap3A_1064 = vector.shape_cast %swap3A_1063 : vector<16xi32> to vector<16xi32>
    %swap3A_1065 = vector.shape_cast %add3A_1061 : vector<16xi32> to vector<16xi32>
    tpu.vector_store %arg6[%swap3A_1062], %swap3A_1065 {strides = array<i32>} : memref<4096xi32, #tpu.memory_space<vmem>>, vector<16xi32>,
    %add3A_1066 = arith.constant 384 : i32
    %add3A_1067 = vector.broadcast %add3A_1066 : i32 to vector<16xi32>
    %add3A_1068 = arith.addi %add3A_1044, %add3A_1067 : vector<16xi32>
    %swap3A_1069 = arith.constant 1456 : index
    %swap3A_1070 = tpu.vector_load %arg6[%swap3A_1069] {strides = array<i32>} : memref<4096xi32, #tpu.memory_space<vmem>>, vector<16xi32>,
    %swap3A_1071 = vector.shape_cast %swap3A_1070 : vector<16xi32> to vector<16xi32>
    %swap3A_1072 = vector.shape_cast %add3A_1068 : vector<16xi32> to vector<16xi32>
    tpu.vector_store %arg6[%swap3A_1069], %swap3A_1072 {strides = array<i32>} : memref<4096xi32, #tpu.memory_space<vmem>>, vector<16xi32>,
    %add3A_1073 = arith.constant 512 : i32
    %add3A_1074 = vector.broadcast %add3A_1073 : i32 to vector<16xi32>
    %add3A_1075 = arith.addi %add3A_1044, %add3A_1074 : vector<16xi32>
    %swap3A_1076 = arith.constant 1584 : index
    %swap3A_1077 = tpu.vector_load %arg6[%swap3A_1076] {strides = array<i32>} : memref<4096xi32, #tpu.memory_space<vmem>>, vector<16xi32>,
    %swap3A_1078 = vector.shape_cast %swap3A_1077 : vector<16xi32> to vector<16xi32>
    %swap3A_1079 = vector.shape_cast %add3A_1075 : vector<16xi32> to vector<16xi32>
    tpu.vector_store %arg6[%swap3A_1076], %swap3A_1079 {strides = array<i32>} : memref<4096xi32, #tpu.memory_space<vmem>>, vector<16xi32>,
    %add3A_1080 = arith.constant 640 : i32
    %add3A_1081 = vector.broadcast %add3A_1080 : i32 to vector<16xi32>
    %add3A_1082 = arith.addi %add3A_1044, %add3A_1081 : vector<16xi32>
    %swap3A_1083 = arith.constant 1712 : index
    %swap3A_1084 = tpu.vector_load %arg6[%swap3A_1083] {strides = array<i32>} : memref<4096xi32, #tpu.memory_space<vmem>>, vector<16xi32>,
    %swap3A_1085 = vector.shape_cast %swap3A_1084 : vector<16xi32> to vector<16xi32>
    %swap3A_1086 = vector.shape_cast %add3A_1082 : vector<16xi32> to vector<16xi32>
    tpu.vector_store %arg6[%swap3A_1083], %swap3A_1086 {strides = array<i32>} : memref<4096xi32, #tpu.memory_space<vmem>>, vector<16xi32>,
    %add3A_1087 = arith.constant 768 : i32
    %add3A_1088 = vector.broadcast %add3A_1087 : i32 to vector<16xi32>
    %add3A_1089 = arith.addi %add3A_1044, %add3A_1088 : vector<16xi32>
    %swap3A_1090 = arith.constant 1840 : index
    %swap3A_1091 = tpu.vector_load %arg6[%swap3A_1090] {strides = array<i32>} : memref<4096xi32, #tpu.memory_space<vmem>>, vector<16xi32>,
    %swap3A_1092 = vector.shape_cast %swap3A_1091 : vector<16xi32> to vector<16xi32>
    %swap3A_1093 = vector.shape_cast %add3A_1089 : vector<16xi32> to vector<16xi32>
    tpu.vector_store %arg6[%swap3A_1090], %swap3A_1093 {strides = array<i32>} : memref<4096xi32, #tpu.memory_space<vmem>>, vector<16xi32>,
    %add3A_1094 = arith.constant 896 : i32
    %add3A_1095 = vector.broadcast %add3A_1094 : i32 to vector<16xi32>
    %add3A_1096 = arith.addi %add3A_1044, %add3A_1095 : vector<16xi32>
    %swap3A_1097 = arith.constant 1968 : index
    %swap3A_1098 = tpu.vector_load %arg6[%swap3A_1097] {strides = array<i32>} : memref<4096xi32, #tpu.memory_space<vmem>>, vector<16xi32>,
    %swap3A_1099 = vector.shape_cast %swap3A_1098 : vector<16xi32> to vector<16xi32>
    %swap3A_1100 = vector.shape_cast %add3A_1096 : vector<16xi32> to vector<16xi32>
    tpu.vector_store %arg6[%swap3A_1097], %swap3A_1100 {strides = array<i32>} : memref<4096xi32, #tpu.memory_space<vmem>>, vector<16xi32>,
    %get3A_1101 = arith.constant 1 : i32
    %get3A_1102 = arith.constant 0 : i32
    %get3A_1103 = arith.index_cast %get3A_1101 : i32 to index
    %get3A_1104 = arith.index_cast %get3A_1102 : i32 to index
    %get3A_1105 = arith.constant 64 : index
    %get3A_1106 = tpu.vector_load %arg5[%get3A_1103, %get3A_1104, %get3A_1105] {strides = array<i32>} : memref<4x2x128xf32, #tpu.memory_space<vmem>>, vector<1x1x16xf32>,
    %get3A_1107 = vector.shape_cast %get3A_1106 : vector<1x1x16xf32> to vector<16xf32>
    %convert_element_type3A_1108 = arith.fptosi %get3A_1107 : vector<16xf32> to vector<16xi32>
    %get3A_1109 = arith.constant 1 : i32
    %get3A_1110 = arith.constant 1 : i32
    %get3A_1111 = arith.index_cast %get3A_1109 : i32 to index
    %get3A_1112 = arith.index_cast %get3A_1110 : i32 to index
    %get3A_1113 = arith.constant 64 : index
    %get3A_1114 = tpu.vector_load %arg5[%get3A_1111, %get3A_1112, %get3A_1113] {strides = array<i32>} : memref<4x2x128xf32, #tpu.memory_space<vmem>>, vector<1x1x16xf32>,
    %get3A_1115 = vector.shape_cast %get3A_1114 : vector<1x1x16xf32> to vector<16xf32>
    %convert_element_type3A_1116 = arith.fptosi %get3A_1115 : vector<16xf32> to vector<16xi32>
    %mul3A_1117 = arith.constant 73856093 : i32
    %mul3A_1118 = vector.broadcast %mul3A_1117 : i32 to vector<16xi32>
    %mul3A_1119 = arith.muli %convert_element_type3A_1108, %mul3A_1118 : vector<16xi32>
    %mul3A_1120 = arith.constant 19349663 : i32
    %mul3A_1121 = vector.broadcast %mul3A_1120 : i32 to vector<16xi32>
    %mul3A_1122 = arith.muli %convert_element_type3A_1116, %mul3A_1121 : vector<16xi32>
    %xor3A_1123 = arith.xori %mul3A_1119, %mul3A_1122 : vector<16xi32>
    %and3A_1124 = arith.constant 1048575 : i32
    %and3A_1125 = vector.broadcast %and3A_1124 : i32 to vector<16xi32>
    %and3A_1126 = arith.andi %xor3A_1123, %and3A_1125 : vector<16xi32>
    %shift_right_arithmetic3A_1127 = arith.constant 7 : i32
    %shift_right_arithmetic3A_1128 = vector.broadcast %shift_right_arithmetic3A_1127 : i32 to vector<16xi32>
    %shift_right_arithmetic3A_1129 = arith.shrsi %and3A_1126, %shift_right_arithmetic3A_1128 : vector<16xi32>
    %mul3A_1130 = arith.constant 1024 : i32
    %mul3A_1131 = vector.broadcast %mul3A_1130 : i32 to vector<16xi32>
    %mul3A_1132 = arith.muli %shift_right_arithmetic3A_1129, %mul3A_1131 : vector<16xi32>
    %and3A_1133 = arith.constant 127 : i32
    %and3A_1134 = vector.broadcast %and3A_1133 : i32 to vector<16xi32>
    %and3A_1135 = arith.andi %and3A_1126, %and3A_1134 : vector<16xi32>
    %add3A_1136 = arith.addi %mul3A_1132, %and3A_1135 : vector<16xi32>
    %add3A_1137 = arith.constant 0 : i32
    %add3A_1138 = vector.broadcast %add3A_1137 : i32 to vector<16xi32>
    %add3A_1139 = arith.addi %add3A_1136, %add3A_1138 : vector<16xi32>
    %swap3A_1140 = arith.constant 1088 : index
    %swap3A_1141 = tpu.vector_load %arg6[%swap3A_1140] {strides = array<i32>} : memref<4096xi32, #tpu.memory_space<vmem>>, vector<16xi32>,
    %swap3A_1142 = vector.shape_cast %swap3A_1141 : vector<16xi32> to vector<16xi32>
    %swap3A_1143 = vector.shape_cast %add3A_1139 : vector<16xi32> to vector<16xi32>
    tpu.vector_store %arg6[%swap3A_1140], %swap3A_1143 {strides = array<i32>} : memref<4096xi32, #tpu.memory_space<vmem>>, vector<16xi32>,
    %add3A_1144 = arith.constant 128 : i32
    %add3A_1145 = vector.broadcast %add3A_1144 : i32 to vector<16xi32>
    %add3A_1146 = arith.addi %add3A_1136, %add3A_1145 : vector<16xi32>
    %swap3A_1147 = arith.constant 1216 : index
    %swap3A_1148 = tpu.vector_load %arg6[%swap3A_1147] {strides = array<i32>} : memref<4096xi32, #tpu.memory_space<vmem>>, vector<16xi32>,
    %swap3A_1149 = vector.shape_cast %swap3A_1148 : vector<16xi32> to vector<16xi32>
    %swap3A_1150 = vector.shape_cast %add3A_1146 : vector<16xi32> to vector<16xi32>
    tpu.vector_store %arg6[%swap3A_1147], %swap3A_1150 {strides = array<i32>} : memref<4096xi32, #tpu.memory_space<vmem>>, vector<16xi32>,
    %add3A_1151 = arith.constant 256 : i32
    %add3A_1152 = vector.broadcast %add3A_1151 : i32 to vector<16xi32>
    %add3A_1153 = arith.addi %add3A_1136, %add3A_1152 : vector<16xi32>
    %swap3A_1154 = arith.constant 1344 : index
    %swap3A_1155 = tpu.vector_load %arg6[%swap3A_1154] {strides = array<i32>} : memref<4096xi32, #tpu.memory_space<vmem>>, vector<16xi32>,
    %swap3A_1156 = vector.shape_cast %swap3A_1155 : vector<16xi32> to vector<16xi32>
    %swap3A_1157 = vector.shape_cast %add3A_1153 : vector<16xi32> to vector<16xi32>
    tpu.vector_store %arg6[%swap3A_1154], %swap3A_1157 {strides = array<i32>} : memref<4096xi32, #tpu.memory_space<vmem>>, vector<16xi32>,
    %add3A_1158 = arith.constant 384 : i32
    %add3A_1159 = vector.broadcast %add3A_1158 : i32 to vector<16xi32>
    %add3A_1160 = arith.addi %add3A_1136, %add3A_1159 : vector<16xi32>
    %swap3A_1161 = arith.constant 1472 : index
    %swap3A_1162 = tpu.vector_load %arg6[%swap3A_1161] {strides = array<i32>} : memref<4096xi32, #tpu.memory_space<vmem>>, vector<16xi32>,
    %swap3A_1163 = vector.shape_cast %swap3A_1162 : vector<16xi32> to vector<16xi32>
    %swap3A_1164 = vector.shape_cast %add3A_1160 : vector<16xi32> to vector<16xi32>
    tpu.vector_store %arg6[%swap3A_1161], %swap3A_1164 {strides = array<i32>} : memref<4096xi32, #tpu.memory_space<vmem>>, vector<16xi32>,
    %add3A_1165 = arith.constant 512 : i32
    %add3A_1166 = vector.broadcast %add3A_1165 : i32 to vector<16xi32>
    %add3A_1167 = arith.addi %add3A_1136, %add3A_1166 : vector<16xi32>
    %swap3A_1168 = arith.constant 1600 : index
    %swap3A_1169 = tpu.vector_load %arg6[%swap3A_1168] {strides = array<i32>} : memref<4096xi32, #tpu.memory_space<vmem>>, vector<16xi32>,
    %swap3A_1170 = vector.shape_cast %swap3A_1169 : vector<16xi32> to vector<16xi32>
    %swap3A_1171 = vector.shape_cast %add3A_1167 : vector<16xi32> to vector<16xi32>
    tpu.vector_store %arg6[%swap3A_1168], %swap3A_1171 {strides = array<i32>} : memref<4096xi32, #tpu.memory_space<vmem>>, vector<16xi32>,
    %add3A_1172 = arith.constant 640 : i32
    %add3A_1173 = vector.broadcast %add3A_1172 : i32 to vector<16xi32>
    %add3A_1174 = arith.addi %add3A_1136, %add3A_1173 : vector<16xi32>
    %swap3A_1175 = arith.constant 1728 : index
    %swap3A_1176 = tpu.vector_load %arg6[%swap3A_1175] {strides = array<i32>} : memref<4096xi32, #tpu.memory_space<vmem>>, vector<16xi32>,
    %swap3A_1177 = vector.shape_cast %swap3A_1176 : vector<16xi32> to vector<16xi32>
    %swap3A_1178 = vector.shape_cast %add3A_1174 : vector<16xi32> to vector<16xi32>
    tpu.vector_store %arg6[%swap3A_1175], %swap3A_1178 {strides = array<i32>} : memref<4096xi32, #tpu.memory_space<vmem>>, vector<16xi32>,
    %add3A_1179 = arith.constant 768 : i32
    %add3A_1180 = vector.broadcast %add3A_1179 : i32 to vector<16xi32>
    %add3A_1181 = arith.addi %add3A_1136, %add3A_1180 : vector<16xi32>
    %swap3A_1182 = arith.constant 1856 : index
    %swap3A_1183 = tpu.vector_load %arg6[%swap3A_1182] {strides = array<i32>} : memref<4096xi32, #tpu.memory_space<vmem>>, vector<16xi32>,
    %swap3A_1184 = vector.shape_cast %swap3A_1183 : vector<16xi32> to vector<16xi32>
    %swap3A_1185 = vector.shape_cast %add3A_1181 : vector<16xi32> to vector<16xi32>
    tpu.vector_store %arg6[%swap3A_1182], %swap3A_1185 {strides = array<i32>} : memref<4096xi32, #tpu.memory_space<vmem>>, vector<16xi32>,
    %add3A_1186 = arith.constant 896 : i32
    %add3A_1187 = vector.broadcast %add3A_1186 : i32 to vector<16xi32>
    %add3A_1188 = arith.addi %add3A_1136, %add3A_1187 : vector<16xi32>
    %swap3A_1189 = arith.constant 1984 : index
    %swap3A_1190 = tpu.vector_load %arg6[%swap3A_1189] {strides = array<i32>} : memref<4096xi32, #tpu.memory_space<vmem>>, vector<16xi32>,
    %swap3A_1191 = vector.shape_cast %swap3A_1190 : vector<16xi32> to vector<16xi32>
    %swap3A_1192 = vector.shape_cast %add3A_1188 : vector<16xi32> to vector<16xi32>
    tpu.vector_store %arg6[%swap3A_1189], %swap3A_1192 {strides = array<i32>} : memref<4096xi32, #tpu.memory_space<vmem>>, vector<16xi32>,
    %get3A_1193 = arith.constant 1 : i32
    %get3A_1194 = arith.constant 0 : i32
    %get3A_1195 = arith.index_cast %get3A_1193 : i32 to index
    %get3A_1196 = arith.index_cast %get3A_1194 : i32 to index
    %get3A_1197 = arith.constant 80 : index
    %get3A_1198 = tpu.vector_load %arg5[%get3A_1195, %get3A_1196, %get3A_1197] {strides = array<i32>} : memref<4x2x128xf32, #tpu.memory_space<vmem>>, vector<1x1x16xf32>,
    %get3A_1199 = vector.shape_cast %get3A_1198 : vector<1x1x16xf32> to vector<16xf32>
    %convert_element_type3A_1200 = arith.fptosi %get3A_1199 : vector<16xf32> to vector<16xi32>
    %get3A_1201 = arith.constant 1 : i32
    %get3A_1202 = arith.constant 1 : i32
    %get3A_1203 = arith.index_cast %get3A_1201 : i32 to index
    %get3A_1204 = arith.index_cast %get3A_1202 : i32 to index
    %get3A_1205 = arith.constant 80 : index
    %get3A_1206 = tpu.vector_load %arg5[%get3A_1203, %get3A_1204, %get3A_1205] {strides = array<i32>} : memref<4x2x128xf32, #tpu.memory_space<vmem>>, vector<1x1x16xf32>,
    %get3A_1207 = vector.shape_cast %get3A_1206 : vector<1x1x16xf32> to vector<16xf32>
    %convert_element_type3A_1208 = arith.fptosi %get3A_1207 : vector<16xf32> to vector<16xi32>
    %mul3A_1209 = arith.constant 73856093 : i32
    %mul3A_1210 = vector.broadcast %mul3A_1209 : i32 to vector<16xi32>
    %mul3A_1211 = arith.muli %convert_element_type3A_1200, %mul3A_1210 : vector<16xi32>
    %mul3A_1212 = arith.constant 19349663 : i32
    %mul3A_1213 = vector.broadcast %mul3A_1212 : i32 to vector<16xi32>
    %mul3A_1214 = arith.muli %convert_element_type3A_1208, %mul3A_1213 : vector<16xi32>
    %xor3A_1215 = arith.xori %mul3A_1211, %mul3A_1214 : vector<16xi32>
    %and3A_1216 = arith.constant 1048575 : i32
    %and3A_1217 = vector.broadcast %and3A_1216 : i32 to vector<16xi32>
    %and3A_1218 = arith.andi %xor3A_1215, %and3A_1217 : vector<16xi32>
    %shift_right_arithmetic3A_1219 = arith.constant 7 : i32
    %shift_right_arithmetic3A_1220 = vector.broadcast %shift_right_arithmetic3A_1219 : i32 to vector<16xi32>
    %shift_right_arithmetic3A_1221 = arith.shrsi %and3A_1218, %shift_right_arithmetic3A_1220 : vector<16xi32>
    %mul3A_1222 = arith.constant 1024 : i32
    %mul3A_1223 = vector.broadcast %mul3A_1222 : i32 to vector<16xi32>
    %mul3A_1224 = arith.muli %shift_right_arithmetic3A_1221, %mul3A_1223 : vector<16xi32>
    %and3A_1225 = arith.constant 127 : i32
    %and3A_1226 = vector.broadcast %and3A_1225 : i32 to vector<16xi32>
    %and3A_1227 = arith.andi %and3A_1218, %and3A_1226 : vector<16xi32>
    %add3A_1228 = arith.addi %mul3A_1224, %and3A_1227 : vector<16xi32>
    %add3A_1229 = arith.constant 0 : i32
    %add3A_1230 = vector.broadcast %add3A_1229 : i32 to vector<16xi32>
    %add3A_1231 = arith.addi %add3A_1228, %add3A_1230 : vector<16xi32>
    %swap3A_1232 = arith.constant 1104 : index
    %swap3A_1233 = tpu.vector_load %arg6[%swap3A_1232] {strides = array<i32>} : memref<4096xi32, #tpu.memory_space<vmem>>, vector<16xi32>,
    %swap3A_1234 = vector.shape_cast %swap3A_1233 : vector<16xi32> to vector<16xi32>
    %swap3A_1235 = vector.shape_cast %add3A_1231 : vector<16xi32> to vector<16xi32>
    tpu.vector_store %arg6[%swap3A_1232], %swap3A_1235 {strides = array<i32>} : memref<4096xi32, #tpu.memory_space<vmem>>, vector<16xi32>,
    %add3A_1236 = arith.constant 128 : i32
    %add3A_1237 = vector.broadcast %add3A_1236 : i32 to vector<16xi32>
    %add3A_1238 = arith.addi %add3A_1228, %add3A_1237 : vector<16xi32>
    %swap3A_1239 = arith.constant 1232 : index
    %swap3A_1240 = tpu.vector_load %arg6[%swap3A_1239] {strides = array<i32>} : memref<4096xi32, #tpu.memory_space<vmem>>, vector<16xi32>,
    %swap3A_1241 = vector.shape_cast %swap3A_1240 : vector<16xi32> to vector<16xi32>
    %swap3A_1242 = vector.shape_cast %add3A_1238 : vector<16xi32> to vector<16xi32>
    tpu.vector_store %arg6[%swap3A_1239], %swap3A_1242 {strides = array<i32>} : memref<4096xi32, #tpu.memory_space<vmem>>, vector<16xi32>,
    %add3A_1243 = arith.constant 256 : i32
    %add3A_1244 = vector.broadcast %add3A_1243 : i32 to vector<16xi32>
    %add3A_1245 = arith.addi %add3A_1228, %add3A_1244 : vector<16xi32>
    %swap3A_1246 = arith.constant 1360 : index
    %swap3A_1247 = tpu.vector_load %arg6[%swap3A_1246] {strides = array<i32>} : memref<4096xi32, #tpu.memory_space<vmem>>, vector<16xi32>,
    %swap3A_1248 = vector.shape_cast %swap3A_1247 : vector<16xi32> to vector<16xi32>
    %swap3A_1249 = vector.shape_cast %add3A_1245 : vector<16xi32> to vector<16xi32>
    tpu.vector_store %arg6[%swap3A_1246], %swap3A_1249 {strides = array<i32>} : memref<4096xi32, #tpu.memory_space<vmem>>, vector<16xi32>,
    %add3A_1250 = arith.constant 384 : i32
    %add3A_1251 = vector.broadcast %add3A_1250 : i32 to vector<16xi32>
    %add3A_1252 = arith.addi %add3A_1228, %add3A_1251 : vector<16xi32>
    %swap3A_1253 = arith.constant 1488 : index
    %swap3A_1254 = tpu.vector_load %arg6[%swap3A_1253] {strides = array<i32>} : memref<4096xi32, #tpu.memory_space<vmem>>, vector<16xi32>,
    %swap3A_1255 = vector.shape_cast %swap3A_1254 : vector<16xi32> to vector<16xi32>
    %swap3A_1256 = vector.shape_cast %add3A_1252 : vector<16xi32> to vector<16xi32>
    tpu.vector_store %arg6[%swap3A_1253], %swap3A_1256 {strides = array<i32>} : memref<4096xi32, #tpu.memory_space<vmem>>, vector<16xi32>,
    %add3A_1257 = arith.constant 512 : i32
    %add3A_1258 = vector.broadcast %add3A_1257 : i32 to vector<16xi32>
    %add3A_1259 = arith.addi %add3A_1228, %add3A_1258 : vector<16xi32>
    %swap3A_1260 = arith.constant 1616 : index
    %swap3A_1261 = tpu.vector_load %arg6[%swap3A_1260] {strides = array<i32>} : memref<4096xi32, #tpu.memory_space<vmem>>, vector<16xi32>,
    %swap3A_1262 = vector.shape_cast %swap3A_1261 : vector<16xi32> to vector<16xi32>
    %swap3A_1263 = vector.shape_cast %add3A_1259 : vector<16xi32> to vector<16xi32>
    tpu.vector_store %arg6[%swap3A_1260], %swap3A_1263 {strides = array<i32>} : memref<4096xi32, #tpu.memory_space<vmem>>, vector<16xi32>,
    %add3A_1264 = arith.constant 640 : i32
    %add3A_1265 = vector.broadcast %add3A_1264 : i32 to vector<16xi32>
    %add3A_1266 = arith.addi %add3A_1228, %add3A_1265 : vector<16xi32>
    %swap3A_1267 = arith.constant 1744 : index
    %swap3A_1268 = tpu.vector_load %arg6[%swap3A_1267] {strides = array<i32>} : memref<4096xi32, #tpu.memory_space<vmem>>, vector<16xi32>,
    %swap3A_1269 = vector.shape_cast %swap3A_1268 : vector<16xi32> to vector<16xi32>
    %swap3A_1270 = vector.shape_cast %add3A_1266 : vector<16xi32> to vector<16xi32>
    tpu.vector_store %arg6[%swap3A_1267], %swap3A_1270 {strides = array<i32>} : memref<4096xi32, #tpu.memory_space<vmem>>, vector<16xi32>,
    %add3A_1271 = arith.constant 768 : i32
    %add3A_1272 = vector.broadcast %add3A_1271 : i32 to vector<16xi32>
    %add3A_1273 = arith.addi %add3A_1228, %add3A_1272 : vector<16xi32>
    %swap3A_1274 = arith.constant 1872 : index
    %swap3A_1275 = tpu.vector_load %arg6[%swap3A_1274] {strides = array<i32>} : memref<4096xi32, #tpu.memory_space<vmem>>, vector<16xi32>,
    %swap3A_1276 = vector.shape_cast %swap3A_1275 : vector<16xi32> to vector<16xi32>
    %swap3A_1277 = vector.shape_cast %add3A_1273 : vector<16xi32> to vector<16xi32>
    tpu.vector_store %arg6[%swap3A_1274], %swap3A_1277 {strides = array<i32>} : memref<4096xi32, #tpu.memory_space<vmem>>, vector<16xi32>,
    %add3A_1278 = arith.constant 896 : i32
    %add3A_1279 = vector.broadcast %add3A_1278 : i32 to vector<16xi32>
    %add3A_1280 = arith.addi %add3A_1228, %add3A_1279 : vector<16xi32>
    %swap3A_1281 = arith.constant 2000 : index
    %swap3A_1282 = tpu.vector_load %arg6[%swap3A_1281] {strides = array<i32>} : memref<4096xi32, #tpu.memory_space<vmem>>, vector<16xi32>,
    %swap3A_1283 = vector.shape_cast %swap3A_1282 : vector<16xi32> to vector<16xi32>
    %swap3A_1284 = vector.shape_cast %add3A_1280 : vector<16xi32> to vector<16xi32>
    tpu.vector_store %arg6[%swap3A_1281], %swap3A_1284 {strides = array<i32>} : memref<4096xi32, #tpu.memory_space<vmem>>, vector<16xi32>,
    %get3A_1285 = arith.constant 1 : i32
    %get3A_1286 = arith.constant 0 : i32
    %get3A_1287 = arith.index_cast %get3A_1285 : i32 to index
    %get3A_1288 = arith.index_cast %get3A_1286 : i32 to index
    %get3A_1289 = arith.constant 96 : index
    %get3A_1290 = tpu.vector_load %arg5[%get3A_1287, %get3A_1288, %get3A_1289] {strides = array<i32>} : memref<4x2x128xf32, #tpu.memory_space<vmem>>, vector<1x1x16xf32>,
    %get3A_1291 = vector.shape_cast %get3A_1290 : vector<1x1x16xf32> to vector<16xf32>
    %convert_element_type3A_1292 = arith.fptosi %get3A_1291 : vector<16xf32> to vector<16xi32>
    %get3A_1293 = arith.constant 1 : i32
    %get3A_1294 = arith.constant 1 : i32
    %get3A_1295 = arith.index_cast %get3A_1293 : i32 to index
    %get3A_1296 = arith.index_cast %get3A_1294 : i32 to index
    %get3A_1297 = arith.constant 96 : index
    %get3A_1298 = tpu.vector_load %arg5[%get3A_1295, %get3A_1296, %get3A_1297] {strides = array<i32>} : memref<4x2x128xf32, #tpu.memory_space<vmem>>, vector<1x1x16xf32>,
    %get3A_1299 = vector.shape_cast %get3A_1298 : vector<1x1x16xf32> to vector<16xf32>
    %convert_element_type3A_1300 = arith.fptosi %get3A_1299 : vector<16xf32> to vector<16xi32>
    %mul3A_1301 = arith.constant 73856093 : i32
    %mul3A_1302 = vector.broadcast %mul3A_1301 : i32 to vector<16xi32>
    %mul3A_1303 = arith.muli %convert_element_type3A_1292, %mul3A_1302 : vector<16xi32>
    %mul3A_1304 = arith.constant 19349663 : i32
    %mul3A_1305 = vector.broadcast %mul3A_1304 : i32 to vector<16xi32>
    %mul3A_1306 = arith.muli %convert_element_type3A_1300, %mul3A_1305 : vector<16xi32>
    %xor3A_1307 = arith.xori %mul3A_1303, %mul3A_1306 : vector<16xi32>
    %and3A_1308 = arith.constant 1048575 : i32
    %and3A_1309 = vector.broadcast %and3A_1308 : i32 to vector<16xi32>
    %and3A_1310 = arith.andi %xor3A_1307, %and3A_1309 : vector<16xi32>
    %shift_right_arithmetic3A_1311 = arith.constant 7 : i32
    %shift_right_arithmetic3A_1312 = vector.broadcast %shift_right_arithmetic3A_1311 : i32 to vector<16xi32>
    %shift_right_arithmetic3A_1313 = arith.shrsi %and3A_1310, %shift_right_arithmetic3A_1312 : vector<16xi32>
    %mul3A_1314 = arith.constant 1024 : i32
    %mul3A_1315 = vector.broadcast %mul3A_1314 : i32 to vector<16xi32>
    %mul3A_1316 = arith.muli %shift_right_arithmetic3A_1313, %mul3A_1315 : vector<16xi32>
    %and3A_1317 = arith.constant 127 : i32
    %and3A_1318 = vector.broadcast %and3A_1317 : i32 to vector<16xi32>
    %and3A_1319 = arith.andi %and3A_1310, %and3A_1318 : vector<16xi32>
    %add3A_1320 = arith.addi %mul3A_1316, %and3A_1319 : vector<16xi32>
    %add3A_1321 = arith.constant 0 : i32
    %add3A_1322 = vector.broadcast %add3A_1321 : i32 to vector<16xi32>
    %add3A_1323 = arith.addi %add3A_1320, %add3A_1322 : vector<16xi32>
    %swap3A_1324 = arith.constant 1120 : index
    %swap3A_1325 = tpu.vector_load %arg6[%swap3A_1324] {strides = array<i32>} : memref<4096xi32, #tpu.memory_space<vmem>>, vector<16xi32>,
    %swap3A_1326 = vector.shape_cast %swap3A_1325 : vector<16xi32> to vector<16xi32>
    %swap3A_1327 = vector.shape_cast %add3A_1323 : vector<16xi32> to vector<16xi32>
    tpu.vector_store %arg6[%swap3A_1324], %swap3A_1327 {strides = array<i32>} : memref<4096xi32, #tpu.memory_space<vmem>>, vector<16xi32>,
    %add3A_1328 = arith.constant 128 : i32
    %add3A_1329 = vector.broadcast %add3A_1328 : i32 to vector<16xi32>
    %add3A_1330 = arith.addi %add3A_1320, %add3A_1329 : vector<16xi32>
    %swap3A_1331 = arith.constant 1248 : index
    %swap3A_1332 = tpu.vector_load %arg6[%swap3A_1331] {strides = array<i32>} : memref<4096xi32, #tpu.memory_space<vmem>>, vector<16xi32>,
    %swap3A_1333 = vector.shape_cast %swap3A_1332 : vector<16xi32> to vector<16xi32>
    %swap3A_1334 = vector.shape_cast %add3A_1330 : vector<16xi32> to vector<16xi32>
    tpu.vector_store %arg6[%swap3A_1331], %swap3A_1334 {strides = array<i32>} : memref<4096xi32, #tpu.memory_space<vmem>>, vector<16xi32>,
    %add3A_1335 = arith.constant 256 : i32
    %add3A_1336 = vector.broadcast %add3A_1335 : i32 to vector<16xi32>
    %add3A_1337 = arith.addi %add3A_1320, %add3A_1336 : vector<16xi32>
    %swap3A_1338 = arith.constant 1376 : index
    %swap3A_1339 = tpu.vector_load %arg6[%swap3A_1338] {strides = array<i32>} : memref<4096xi32, #tpu.memory_space<vmem>>, vector<16xi32>,
    %swap3A_1340 = vector.shape_cast %swap3A_1339 : vector<16xi32> to vector<16xi32>
    %swap3A_1341 = vector.shape_cast %add3A_1337 : vector<16xi32> to vector<16xi32>
    tpu.vector_store %arg6[%swap3A_1338], %swap3A_1341 {strides = array<i32>} : memref<4096xi32, #tpu.memory_space<vmem>>, vector<16xi32>,
    %add3A_1342 = arith.constant 384 : i32
    %add3A_1343 = vector.broadcast %add3A_1342 : i32 to vector<16xi32>
    %add3A_1344 = arith.addi %add3A_1320, %add3A_1343 : vector<16xi32>
    %swap3A_1345 = arith.constant 1504 : index
    %swap3A_1346 = tpu.vector_load %arg6[%swap3A_1345] {strides = array<i32>} : memref<4096xi32, #tpu.memory_space<vmem>>, vector<16xi32>,
    %swap3A_1347 = vector.shape_cast %swap3A_1346 : vector<16xi32> to vector<16xi32>
    %swap3A_1348 = vector.shape_cast %add3A_1344 : vector<16xi32> to vector<16xi32>
    tpu.vector_store %arg6[%swap3A_1345], %swap3A_1348 {strides = array<i32>} : memref<4096xi32, #tpu.memory_space<vmem>>, vector<16xi32>,
    %add3A_1349 = arith.constant 512 : i32
    %add3A_1350 = vector.broadcast %add3A_1349 : i32 to vector<16xi32>
    %add3A_1351 = arith.addi %add3A_1320, %add3A_1350 : vector<16xi32>
    %swap3A_1352 = arith.constant 1632 : index
    %swap3A_1353 = tpu.vector_load %arg6[%swap3A_1352] {strides = array<i32>} : memref<4096xi32, #tpu.memory_space<vmem>>, vector<16xi32>,
    %swap3A_1354 = vector.shape_cast %swap3A_1353 : vector<16xi32> to vector<16xi32>
    %swap3A_1355 = vector.shape_cast %add3A_1351 : vector<16xi32> to vector<16xi32>
    tpu.vector_store %arg6[%swap3A_1352], %swap3A_1355 {strides = array<i32>} : memref<4096xi32, #tpu.memory_space<vmem>>, vector<16xi32>,
    %add3A_1356 = arith.constant 640 : i32
    %add3A_1357 = vector.broadcast %add3A_1356 : i32 to vector<16xi32>
    %add3A_1358 = arith.addi %add3A_1320, %add3A_1357 : vector<16xi32>
    %swap3A_1359 = arith.constant 1760 : index
    %swap3A_1360 = tpu.vector_load %arg6[%swap3A_1359] {strides = array<i32>} : memref<4096xi32, #tpu.memory_space<vmem>>, vector<16xi32>,
    %swap3A_1361 = vector.shape_cast %swap3A_1360 : vector<16xi32> to vector<16xi32>
    %swap3A_1362 = vector.shape_cast %add3A_1358 : vector<16xi32> to vector<16xi32>
    tpu.vector_store %arg6[%swap3A_1359], %swap3A_1362 {strides = array<i32>} : memref<4096xi32, #tpu.memory_space<vmem>>, vector<16xi32>,
    %add3A_1363 = arith.constant 768 : i32
    %add3A_1364 = vector.broadcast %add3A_1363 : i32 to vector<16xi32>
    %add3A_1365 = arith.addi %add3A_1320, %add3A_1364 : vector<16xi32>
    %swap3A_1366 = arith.constant 1888 : index
    %swap3A_1367 = tpu.vector_load %arg6[%swap3A_1366] {strides = array<i32>} : memref<4096xi32, #tpu.memory_space<vmem>>, vector<16xi32>,
    %swap3A_1368 = vector.shape_cast %swap3A_1367 : vector<16xi32> to vector<16xi32>
    %swap3A_1369 = vector.shape_cast %add3A_1365 : vector<16xi32> to vector<16xi32>
    tpu.vector_store %arg6[%swap3A_1366], %swap3A_1369 {strides = array<i32>} : memref<4096xi32, #tpu.memory_space<vmem>>, vector<16xi32>,
    %add3A_1370 = arith.constant 896 : i32
    %add3A_1371 = vector.broadcast %add3A_1370 : i32 to vector<16xi32>
    %add3A_1372 = arith.addi %add3A_1320, %add3A_1371 : vector<16xi32>
    %swap3A_1373 = arith.constant 2016 : index
    %swap3A_1374 = tpu.vector_load %arg6[%swap3A_1373] {strides = array<i32>} : memref<4096xi32, #tpu.memory_space<vmem>>, vector<16xi32>,
    %swap3A_1375 = vector.shape_cast %swap3A_1374 : vector<16xi32> to vector<16xi32>
    %swap3A_1376 = vector.shape_cast %add3A_1372 : vector<16xi32> to vector<16xi32>
    tpu.vector_store %arg6[%swap3A_1373], %swap3A_1376 {strides = array<i32>} : memref<4096xi32, #tpu.memory_space<vmem>>, vector<16xi32>,
    %get3A_1377 = arith.constant 1 : i32
    %get3A_1378 = arith.constant 0 : i32
    %get3A_1379 = arith.index_cast %get3A_1377 : i32 to index
    %get3A_1380 = arith.index_cast %get3A_1378 : i32 to index
    %get3A_1381 = arith.constant 112 : index
    %get3A_1382 = tpu.vector_load %arg5[%get3A_1379, %get3A_1380, %get3A_1381] {strides = array<i32>} : memref<4x2x128xf32, #tpu.memory_space<vmem>>, vector<1x1x16xf32>,
    %get3A_1383 = vector.shape_cast %get3A_1382 : vector<1x1x16xf32> to vector<16xf32>
    %convert_element_type3A_1384 = arith.fptosi %get3A_1383 : vector<16xf32> to vector<16xi32>
    %get3A_1385 = arith.constant 1 : i32
    %get3A_1386 = arith.constant 1 : i32
    %get3A_1387 = arith.index_cast %get3A_1385 : i32 to index
    %get3A_1388 = arith.index_cast %get3A_1386 : i32 to index
    %get3A_1389 = arith.constant 112 : index
    %get3A_1390 = tpu.vector_load %arg5[%get3A_1387, %get3A_1388, %get3A_1389] {strides = array<i32>} : memref<4x2x128xf32, #tpu.memory_space<vmem>>, vector<1x1x16xf32>,
    %get3A_1391 = vector.shape_cast %get3A_1390 : vector<1x1x16xf32> to vector<16xf32>
    %convert_element_type3A_1392 = arith.fptosi %get3A_1391 : vector<16xf32> to vector<16xi32>
    %mul3A_1393 = arith.constant 73856093 : i32
    %mul3A_1394 = vector.broadcast %mul3A_1393 : i32 to vector<16xi32>
    %mul3A_1395 = arith.muli %convert_element_type3A_1384, %mul3A_1394 : vector<16xi32>
    %mul3A_1396 = arith.constant 19349663 : i32
    %mul3A_1397 = vector.broadcast %mul3A_1396 : i32 to vector<16xi32>
    %mul3A_1398 = arith.muli %convert_element_type3A_1392, %mul3A_1397 : vector<16xi32>
    %xor3A_1399 = arith.xori %mul3A_1395, %mul3A_1398 : vector<16xi32>
    %and3A_1400 = arith.constant 1048575 : i32
    %and3A_1401 = vector.broadcast %and3A_1400 : i32 to vector<16xi32>
    %and3A_1402 = arith.andi %xor3A_1399, %and3A_1401 : vector<16xi32>
    %shift_right_arithmetic3A_1403 = arith.constant 7 : i32
    %shift_right_arithmetic3A_1404 = vector.broadcast %shift_right_arithmetic3A_1403 : i32 to vector<16xi32>
    %shift_right_arithmetic3A_1405 = arith.shrsi %and3A_1402, %shift_right_arithmetic3A_1404 : vector<16xi32>
    %mul3A_1406 = arith.constant 1024 : i32
    %mul3A_1407 = vector.broadcast %mul3A_1406 : i32 to vector<16xi32>
    %mul3A_1408 = arith.muli %shift_right_arithmetic3A_1405, %mul3A_1407 : vector<16xi32>
    %and3A_1409 = arith.constant 127 : i32
    %and3A_1410 = vector.broadcast %and3A_1409 : i32 to vector<16xi32>
    %and3A_1411 = arith.andi %and3A_1402, %and3A_1410 : vector<16xi32>
    %add3A_1412 = arith.addi %mul3A_1408, %and3A_1411 : vector<16xi32>
    %add3A_1413 = arith.constant 0 : i32
    %add3A_1414 = vector.broadcast %add3A_1413 : i32 to vector<16xi32>
    %add3A_1415 = arith.addi %add3A_1412, %add3A_1414 : vector<16xi32>
    %swap3A_1416 = arith.constant 1136 : index
    %swap3A_1417 = tpu.vector_load %arg6[%swap3A_1416] {strides = array<i32>} : memref<4096xi32, #tpu.memory_space<vmem>>, vector<16xi32>,
    %swap3A_1418 = vector.shape_cast %swap3A_1417 : vector<16xi32> to vector<16xi32>
    %swap3A_1419 = vector.shape_cast %add3A_1415 : vector<16xi32> to vector<16xi32>
    tpu.vector_store %arg6[%swap3A_1416], %swap3A_1419 {strides = array<i32>} : memref<4096xi32, #tpu.memory_space<vmem>>, vector<16xi32>,
    %add3A_1420 = arith.constant 128 : i32
    %add3A_1421 = vector.broadcast %add3A_1420 : i32 to vector<16xi32>
    %add3A_1422 = arith.addi %add3A_1412, %add3A_1421 : vector<16xi32>
    %swap3A_1423 = arith.constant 1264 : index
    %swap3A_1424 = tpu.vector_load %arg6[%swap3A_1423] {strides = array<i32>} : memref<4096xi32, #tpu.memory_space<vmem>>, vector<16xi32>,
    %swap3A_1425 = vector.shape_cast %swap3A_1424 : vector<16xi32> to vector<16xi32>
    %swap3A_1426 = vector.shape_cast %add3A_1422 : vector<16xi32> to vector<16xi32>
    tpu.vector_store %arg6[%swap3A_1423], %swap3A_1426 {strides = array<i32>} : memref<4096xi32, #tpu.memory_space<vmem>>, vector<16xi32>,
    %add3A_1427 = arith.constant 256 : i32
    %add3A_1428 = vector.broadcast %add3A_1427 : i32 to vector<16xi32>
    %add3A_1429 = arith.addi %add3A_1412, %add3A_1428 : vector<16xi32>
    %swap3A_1430 = arith.constant 1392 : index
    %swap3A_1431 = tpu.vector_load %arg6[%swap3A_1430] {strides = array<i32>} : memref<4096xi32, #tpu.memory_space<vmem>>, vector<16xi32>,
    %swap3A_1432 = vector.shape_cast %swap3A_1431 : vector<16xi32> to vector<16xi32>
    %swap3A_1433 = vector.shape_cast %add3A_1429 : vector<16xi32> to vector<16xi32>
    tpu.vector_store %arg6[%swap3A_1430], %swap3A_1433 {strides = array<i32>} : memref<4096xi32, #tpu.memory_space<vmem>>, vector<16xi32>,
    %add3A_1434 = arith.constant 384 : i32
    %add3A_1435 = vector.broadcast %add3A_1434 : i32 to vector<16xi32>
    %add3A_1436 = arith.addi %add3A_1412, %add3A_1435 : vector<16xi32>
    %swap3A_1437 = arith.constant 1520 : index
    %swap3A_1438 = tpu.vector_load %arg6[%swap3A_1437] {strides = array<i32>} : memref<4096xi32, #tpu.memory_space<vmem>>, vector<16xi32>,
    %swap3A_1439 = vector.shape_cast %swap3A_1438 : vector<16xi32> to vector<16xi32>
    %swap3A_1440 = vector.shape_cast %add3A_1436 : vector<16xi32> to vector<16xi32>
    tpu.vector_store %arg6[%swap3A_1437], %swap3A_1440 {strides = array<i32>} : memref<4096xi32, #tpu.memory_space<vmem>>, vector<16xi32>,
    %add3A_1441 = arith.constant 512 : i32
    %add3A_1442 = vector.broadcast %add3A_1441 : i32 to vector<16xi32>
    %add3A_1443 = arith.addi %add3A_1412, %add3A_1442 : vector<16xi32>
    %swap3A_1444 = arith.constant 1648 : index
    %swap3A_1445 = tpu.vector_load %arg6[%swap3A_1444] {strides = array<i32>} : memref<4096xi32, #tpu.memory_space<vmem>>, vector<16xi32>,
    %swap3A_1446 = vector.shape_cast %swap3A_1445 : vector<16xi32> to vector<16xi32>
    %swap3A_1447 = vector.shape_cast %add3A_1443 : vector<16xi32> to vector<16xi32>
    tpu.vector_store %arg6[%swap3A_1444], %swap3A_1447 {strides = array<i32>} : memref<4096xi32, #tpu.memory_space<vmem>>, vector<16xi32>,
    %add3A_1448 = arith.constant 640 : i32
    %add3A_1449 = vector.broadcast %add3A_1448 : i32 to vector<16xi32>
    %add3A_1450 = arith.addi %add3A_1412, %add3A_1449 : vector<16xi32>
    %swap3A_1451 = arith.constant 1776 : index
    %swap3A_1452 = tpu.vector_load %arg6[%swap3A_1451] {strides = array<i32>} : memref<4096xi32, #tpu.memory_space<vmem>>, vector<16xi32>,
    %swap3A_1453 = vector.shape_cast %swap3A_1452 : vector<16xi32> to vector<16xi32>
    %swap3A_1454 = vector.shape_cast %add3A_1450 : vector<16xi32> to vector<16xi32>
    tpu.vector_store %arg6[%swap3A_1451], %swap3A_1454 {strides = array<i32>} : memref<4096xi32, #tpu.memory_space<vmem>>, vector<16xi32>,
    %add3A_1455 = arith.constant 768 : i32
    %add3A_1456 = vector.broadcast %add3A_1455 : i32 to vector<16xi32>
    %add3A_1457 = arith.addi %add3A_1412, %add3A_1456 : vector<16xi32>
    %swap3A_1458 = arith.constant 1904 : index
    %swap3A_1459 = tpu.vector_load %arg6[%swap3A_1458] {strides = array<i32>} : memref<4096xi32, #tpu.memory_space<vmem>>, vector<16xi32>,
    %swap3A_1460 = vector.shape_cast %swap3A_1459 : vector<16xi32> to vector<16xi32>
    %swap3A_1461 = vector.shape_cast %add3A_1457 : vector<16xi32> to vector<16xi32>
    tpu.vector_store %arg6[%swap3A_1458], %swap3A_1461 {strides = array<i32>} : memref<4096xi32, #tpu.memory_space<vmem>>, vector<16xi32>,
    %add3A_1462 = arith.constant 896 : i32
    %add3A_1463 = vector.broadcast %add3A_1462 : i32 to vector<16xi32>
    %add3A_1464 = arith.addi %add3A_1412, %add3A_1463 : vector<16xi32>
    %swap3A_1465 = arith.constant 2032 : index
    %swap3A_1466 = tpu.vector_load %arg6[%swap3A_1465] {strides = array<i32>} : memref<4096xi32, #tpu.memory_space<vmem>>, vector<16xi32>,
    %swap3A_1467 = vector.shape_cast %swap3A_1466 : vector<16xi32> to vector<16xi32>
    %swap3A_1468 = vector.shape_cast %add3A_1464 : vector<16xi32> to vector<16xi32>
    tpu.vector_store %arg6[%swap3A_1465], %swap3A_1468 {strides = array<i32>} : memref<4096xi32, #tpu.memory_space<vmem>>, vector<16xi32>,
    %get3A_1469 = arith.constant 2 : i32
    %get3A_1470 = arith.constant 0 : i32
    %get3A_1471 = arith.index_cast %get3A_1469 : i32 to index
    %get3A_1472 = arith.index_cast %get3A_1470 : i32 to index
    %get3A_1473 = arith.constant 0 : index
    %get3A_1474 = tpu.vector_load %arg5[%get3A_1471, %get3A_1472, %get3A_1473] {strides = array<i32>} : memref<4x2x128xf32, #tpu.memory_space<vmem>>, vector<1x1x16xf32>,
    %get3A_1475 = vector.shape_cast %get3A_1474 : vector<1x1x16xf32> to vector<16xf32>
    %convert_element_type3A_1476 = arith.fptosi %get3A_1475 : vector<16xf32> to vector<16xi32>
    %get3A_1477 = arith.constant 2 : i32
    %get3A_1478 = arith.constant 1 : i32
    %get3A_1479 = arith.index_cast %get3A_1477 : i32 to index
    %get3A_1480 = arith.index_cast %get3A_1478 : i32 to index
    %get3A_1481 = arith.constant 0 : index
    %get3A_1482 = tpu.vector_load %arg5[%get3A_1479, %get3A_1480, %get3A_1481] {strides = array<i32>} : memref<4x2x128xf32, #tpu.memory_space<vmem>>, vector<1x1x16xf32>,
    %get3A_1483 = vector.shape_cast %get3A_1482 : vector<1x1x16xf32> to vector<16xf32>
    %convert_element_type3A_1484 = arith.fptosi %get3A_1483 : vector<16xf32> to vector<16xi32>
    %mul3A_1485 = arith.constant 73856093 : i32
    %mul3A_1486 = vector.broadcast %mul3A_1485 : i32 to vector<16xi32>
    %mul3A_1487 = arith.muli %convert_element_type3A_1476, %mul3A_1486 : vector<16xi32>
    %mul3A_1488 = arith.constant 19349663 : i32
    %mul3A_1489 = vector.broadcast %mul3A_1488 : i32 to vector<16xi32>
    %mul3A_1490 = arith.muli %convert_element_type3A_1484, %mul3A_1489 : vector<16xi32>
    %xor3A_1491 = arith.xori %mul3A_1487, %mul3A_1490 : vector<16xi32>
    %and3A_1492 = arith.constant 1048575 : i32
    %and3A_1493 = vector.broadcast %and3A_1492 : i32 to vector<16xi32>
    %and3A_1494 = arith.andi %xor3A_1491, %and3A_1493 : vector<16xi32>
    %shift_right_arithmetic3A_1495 = arith.constant 7 : i32
    %shift_right_arithmetic3A_1496 = vector.broadcast %shift_right_arithmetic3A_1495 : i32 to vector<16xi32>
    %shift_right_arithmetic3A_1497 = arith.shrsi %and3A_1494, %shift_right_arithmetic3A_1496 : vector<16xi32>
    %mul3A_1498 = arith.constant 1024 : i32
    %mul3A_1499 = vector.broadcast %mul3A_1498 : i32 to vector<16xi32>
    %mul3A_1500 = arith.muli %shift_right_arithmetic3A_1497, %mul3A_1499 : vector<16xi32>
    %and3A_1501 = arith.constant 127 : i32
    %and3A_1502 = vector.broadcast %and3A_1501 : i32 to vector<16xi32>
    %and3A_1503 = arith.andi %and3A_1494, %and3A_1502 : vector<16xi32>
    %add3A_1504 = arith.addi %mul3A_1500, %and3A_1503 : vector<16xi32>
    %add3A_1505 = arith.constant 0 : i32
    %add3A_1506 = vector.broadcast %add3A_1505 : i32 to vector<16xi32>
    %add3A_1507 = arith.addi %add3A_1504, %add3A_1506 : vector<16xi32>
    %swap3A_1508 = arith.constant 2048 : index
    %swap3A_1509 = tpu.vector_load %arg6[%swap3A_1508] {strides = array<i32>} : memref<4096xi32, #tpu.memory_space<vmem>>, vector<16xi32>,
    %swap3A_1510 = vector.shape_cast %swap3A_1509 : vector<16xi32> to vector<16xi32>
    %swap3A_1511 = vector.shape_cast %add3A_1507 : vector<16xi32> to vector<16xi32>
    tpu.vector_store %arg6[%swap3A_1508], %swap3A_1511 {strides = array<i32>} : memref<4096xi32, #tpu.memory_space<vmem>>, vector<16xi32>,
    %add3A_1512 = arith.constant 128 : i32
    %add3A_1513 = vector.broadcast %add3A_1512 : i32 to vector<16xi32>
    %add3A_1514 = arith.addi %add3A_1504, %add3A_1513 : vector<16xi32>
    %swap3A_1515 = arith.constant 2176 : index
    %swap3A_1516 = tpu.vector_load %arg6[%swap3A_1515] {strides = array<i32>} : memref<4096xi32, #tpu.memory_space<vmem>>, vector<16xi32>,
    %swap3A_1517 = vector.shape_cast %swap3A_1516 : vector<16xi32> to vector<16xi32>
    %swap3A_1518 = vector.shape_cast %add3A_1514 : vector<16xi32> to vector<16xi32>
    tpu.vector_store %arg6[%swap3A_1515], %swap3A_1518 {strides = array<i32>} : memref<4096xi32, #tpu.memory_space<vmem>>, vector<16xi32>,
    %add3A_1519 = arith.constant 256 : i32
    %add3A_1520 = vector.broadcast %add3A_1519 : i32 to vector<16xi32>
    %add3A_1521 = arith.addi %add3A_1504, %add3A_1520 : vector<16xi32>
    %swap3A_1522 = arith.constant 2304 : index
    %swap3A_1523 = tpu.vector_load %arg6[%swap3A_1522] {strides = array<i32>} : memref<4096xi32, #tpu.memory_space<vmem>>, vector<16xi32>,
    %swap3A_1524 = vector.shape_cast %swap3A_1523 : vector<16xi32> to vector<16xi32>
    %swap3A_1525 = vector.shape_cast %add3A_1521 : vector<16xi32> to vector<16xi32>
    tpu.vector_store %arg6[%swap3A_1522], %swap3A_1525 {strides = array<i32>} : memref<4096xi32, #tpu.memory_space<vmem>>, vector<16xi32>,
    %add3A_1526 = arith.constant 384 : i32
    %add3A_1527 = vector.broadcast %add3A_1526 : i32 to vector<16xi32>
    %add3A_1528 = arith.addi %add3A_1504, %add3A_1527 : vector<16xi32>
    %swap3A_1529 = arith.constant 2432 : index
    %swap3A_1530 = tpu.vector_load %arg6[%swap3A_1529] {strides = array<i32>} : memref<4096xi32, #tpu.memory_space<vmem>>, vector<16xi32>,
    %swap3A_1531 = vector.shape_cast %swap3A_1530 : vector<16xi32> to vector<16xi32>
    %swap3A_1532 = vector.shape_cast %add3A_1528 : vector<16xi32> to vector<16xi32>
    tpu.vector_store %arg6[%swap3A_1529], %swap3A_1532 {strides = array<i32>} : memref<4096xi32, #tpu.memory_space<vmem>>, vector<16xi32>,
    %add3A_1533 = arith.constant 512 : i32
    %add3A_1534 = vector.broadcast %add3A_1533 : i32 to vector<16xi32>
    %add3A_1535 = arith.addi %add3A_1504, %add3A_1534 : vector<16xi32>
    %swap3A_1536 = arith.constant 2560 : index
    %swap3A_1537 = tpu.vector_load %arg6[%swap3A_1536] {strides = array<i32>} : memref<4096xi32, #tpu.memory_space<vmem>>, vector<16xi32>,
    %swap3A_1538 = vector.shape_cast %swap3A_1537 : vector<16xi32> to vector<16xi32>
    %swap3A_1539 = vector.shape_cast %add3A_1535 : vector<16xi32> to vector<16xi32>
    tpu.vector_store %arg6[%swap3A_1536], %swap3A_1539 {strides = array<i32>} : memref<4096xi32, #tpu.memory_space<vmem>>, vector<16xi32>,
    %add3A_1540 = arith.constant 640 : i32
    %add3A_1541 = vector.broadcast %add3A_1540 : i32 to vector<16xi32>
    %add3A_1542 = arith.addi %add3A_1504, %add3A_1541 : vector<16xi32>
    %swap3A_1543 = arith.constant 2688 : index
    %swap3A_1544 = tpu.vector_load %arg6[%swap3A_1543] {strides = array<i32>} : memref<4096xi32, #tpu.memory_space<vmem>>, vector<16xi32>,
    %swap3A_1545 = vector.shape_cast %swap3A_1544 : vector<16xi32> to vector<16xi32>
    %swap3A_1546 = vector.shape_cast %add3A_1542 : vector<16xi32> to vector<16xi32>
    tpu.vector_store %arg6[%swap3A_1543], %swap3A_1546 {strides = array<i32>} : memref<4096xi32, #tpu.memory_space<vmem>>, vector<16xi32>,
    %add3A_1547 = arith.constant 768 : i32
    %add3A_1548 = vector.broadcast %add3A_1547 : i32 to vector<16xi32>
    %add3A_1549 = arith.addi %add3A_1504, %add3A_1548 : vector<16xi32>
    %swap3A_1550 = arith.constant 2816 : index
    %swap3A_1551 = tpu.vector_load %arg6[%swap3A_1550] {strides = array<i32>} : memref<4096xi32, #tpu.memory_space<vmem>>, vector<16xi32>,
    %swap3A_1552 = vector.shape_cast %swap3A_1551 : vector<16xi32> to vector<16xi32>
    %swap3A_1553 = vector.shape_cast %add3A_1549 : vector<16xi32> to vector<16xi32>
    tpu.vector_store %arg6[%swap3A_1550], %swap3A_1553 {strides = array<i32>} : memref<4096xi32, #tpu.memory_space<vmem>>, vector<16xi32>,
    %add3A_1554 = arith.constant 896 : i32
    %add3A_1555 = vector.broadcast %add3A_1554 : i32 to vector<16xi32>
    %add3A_1556 = arith.addi %add3A_1504, %add3A_1555 : vector<16xi32>
    %swap3A_1557 = arith.constant 2944 : index
    %swap3A_1558 = tpu.vector_load %arg6[%swap3A_1557] {strides = array<i32>} : memref<4096xi32, #tpu.memory_space<vmem>>, vector<16xi32>,
    %swap3A_1559 = vector.shape_cast %swap3A_1558 : vector<16xi32> to vector<16xi32>
    %swap3A_1560 = vector.shape_cast %add3A_1556 : vector<16xi32> to vector<16xi32>
    tpu.vector_store %arg6[%swap3A_1557], %swap3A_1560 {strides = array<i32>} : memref<4096xi32, #tpu.memory_space<vmem>>, vector<16xi32>,
    %get3A_1561 = arith.constant 2 : i32
    %get3A_1562 = arith.constant 0 : i32
    %get3A_1563 = arith.index_cast %get3A_1561 : i32 to index
    %get3A_1564 = arith.index_cast %get3A_1562 : i32 to index
    %get3A_1565 = arith.constant 16 : index
    %get3A_1566 = tpu.vector_load %arg5[%get3A_1563, %get3A_1564, %get3A_1565] {strides = array<i32>} : memref<4x2x128xf32, #tpu.memory_space<vmem>>, vector<1x1x16xf32>,
    %get3A_1567 = vector.shape_cast %get3A_1566 : vector<1x1x16xf32> to vector<16xf32>
    %convert_element_type3A_1568 = arith.fptosi %get3A_1567 : vector<16xf32> to vector<16xi32>
    %get3A_1569 = arith.constant 2 : i32
    %get3A_1570 = arith.constant 1 : i32
    %get3A_1571 = arith.index_cast %get3A_1569 : i32 to index
    %get3A_1572 = arith.index_cast %get3A_1570 : i32 to index
    %get3A_1573 = arith.constant 16 : index
    %get3A_1574 = tpu.vector_load %arg5[%get3A_1571, %get3A_1572, %get3A_1573] {strides = array<i32>} : memref<4x2x128xf32, #tpu.memory_space<vmem>>, vector<1x1x16xf32>,
    %get3A_1575 = vector.shape_cast %get3A_1574 : vector<1x1x16xf32> to vector<16xf32>
    %convert_element_type3A_1576 = arith.fptosi %get3A_1575 : vector<16xf32> to vector<16xi32>
    %mul3A_1577 = arith.constant 73856093 : i32
    %mul3A_1578 = vector.broadcast %mul3A_1577 : i32 to vector<16xi32>
    %mul3A_1579 = arith.muli %convert_element_type3A_1568, %mul3A_1578 : vector<16xi32>
    %mul3A_1580 = arith.constant 19349663 : i32
    %mul3A_1581 = vector.broadcast %mul3A_1580 : i32 to vector<16xi32>
    %mul3A_1582 = arith.muli %convert_element_type3A_1576, %mul3A_1581 : vector<16xi32>
    %xor3A_1583 = arith.xori %mul3A_1579, %mul3A_1582 : vector<16xi32>
    %and3A_1584 = arith.constant 1048575 : i32
    %and3A_1585 = vector.broadcast %and3A_1584 : i32 to vector<16xi32>
    %and3A_1586 = arith.andi %xor3A_1583, %and3A_1585 : vector<16xi32>
    %shift_right_arithmetic3A_1587 = arith.constant 7 : i32
    %shift_right_arithmetic3A_1588 = vector.broadcast %shift_right_arithmetic3A_1587 : i32 to vector<16xi32>
    %shift_right_arithmetic3A_1589 = arith.shrsi %and3A_1586, %shift_right_arithmetic3A_1588 : vector<16xi32>
    %mul3A_1590 = arith.constant 1024 : i32
    %mul3A_1591 = vector.broadcast %mul3A_1590 : i32 to vector<16xi32>
    %mul3A_1592 = arith.muli %shift_right_arithmetic3A_1589, %mul3A_1591 : vector<16xi32>
    %and3A_1593 = arith.constant 127 : i32
    %and3A_1594 = vector.broadcast %and3A_1593 : i32 to vector<16xi32>
    %and3A_1595 = arith.andi %and3A_1586, %and3A_1594 : vector<16xi32>
    %add3A_1596 = arith.addi %mul3A_1592, %and3A_1595 : vector<16xi32>
    %add3A_1597 = arith.constant 0 : i32
    %add3A_1598 = vector.broadcast %add3A_1597 : i32 to vector<16xi32>
    %add3A_1599 = arith.addi %add3A_1596, %add3A_1598 : vector<16xi32>
    %swap3A_1600 = arith.constant 2064 : index
    %swap3A_1601 = tpu.vector_load %arg6[%swap3A_1600] {strides = array<i32>} : memref<4096xi32, #tpu.memory_space<vmem>>, vector<16xi32>,
    %swap3A_1602 = vector.shape_cast %swap3A_1601 : vector<16xi32> to vector<16xi32>
    %swap3A_1603 = vector.shape_cast %add3A_1599 : vector<16xi32> to vector<16xi32>
    tpu.vector_store %arg6[%swap3A_1600], %swap3A_1603 {strides = array<i32>} : memref<4096xi32, #tpu.memory_space<vmem>>, vector<16xi32>,
    %add3A_1604 = arith.constant 128 : i32
    %add3A_1605 = vector.broadcast %add3A_1604 : i32 to vector<16xi32>
    %add3A_1606 = arith.addi %add3A_1596, %add3A_1605 : vector<16xi32>
    %swap3A_1607 = arith.constant 2192 : index
    %swap3A_1608 = tpu.vector_load %arg6[%swap3A_1607] {strides = array<i32>} : memref<4096xi32, #tpu.memory_space<vmem>>, vector<16xi32>,
    %swap3A_1609 = vector.shape_cast %swap3A_1608 : vector<16xi32> to vector<16xi32>
    %swap3A_1610 = vector.shape_cast %add3A_1606 : vector<16xi32> to vector<16xi32>
    tpu.vector_store %arg6[%swap3A_1607], %swap3A_1610 {strides = array<i32>} : memref<4096xi32, #tpu.memory_space<vmem>>, vector<16xi32>,
    %add3A_1611 = arith.constant 256 : i32
    %add3A_1612 = vector.broadcast %add3A_1611 : i32 to vector<16xi32>
    %add3A_1613 = arith.addi %add3A_1596, %add3A_1612 : vector<16xi32>
    %swap3A_1614 = arith.constant 2320 : index
    %swap3A_1615 = tpu.vector_load %arg6[%swap3A_1614] {strides = array<i32>} : memref<4096xi32, #tpu.memory_space<vmem>>, vector<16xi32>,
    %swap3A_1616 = vector.shape_cast %swap3A_1615 : vector<16xi32> to vector<16xi32>
    %swap3A_1617 = vector.shape_cast %add3A_1613 : vector<16xi32> to vector<16xi32>
    tpu.vector_store %arg6[%swap3A_1614], %swap3A_1617 {strides = array<i32>} : memref<4096xi32, #tpu.memory_space<vmem>>, vector<16xi32>,
    %add3A_1618 = arith.constant 384 : i32
    %add3A_1619 = vector.broadcast %add3A_1618 : i32 to vector<16xi32>
    %add3A_1620 = arith.addi %add3A_1596, %add3A_1619 : vector<16xi32>
    %swap3A_1621 = arith.constant 2448 : index
    %swap3A_1622 = tpu.vector_load %arg6[%swap3A_1621] {strides = array<i32>} : memref<4096xi32, #tpu.memory_space<vmem>>, vector<16xi32>,
    %swap3A_1623 = vector.shape_cast %swap3A_1622 : vector<16xi32> to vector<16xi32>
    %swap3A_1624 = vector.shape_cast %add3A_1620 : vector<16xi32> to vector<16xi32>
    tpu.vector_store %arg6[%swap3A_1621], %swap3A_1624 {strides = array<i32>} : memref<4096xi32, #tpu.memory_space<vmem>>, vector<16xi32>,
    %add3A_1625 = arith.constant 512 : i32
    %add3A_1626 = vector.broadcast %add3A_1625 : i32 to vector<16xi32>
    %add3A_1627 = arith.addi %add3A_1596, %add3A_1626 : vector<16xi32>
    %swap3A_1628 = arith.constant 2576 : index
    %swap3A_1629 = tpu.vector_load %arg6[%swap3A_1628] {strides = array<i32>} : memref<4096xi32, #tpu.memory_space<vmem>>, vector<16xi32>,
    %swap3A_1630 = vector.shape_cast %swap3A_1629 : vector<16xi32> to vector<16xi32>
    %swap3A_1631 = vector.shape_cast %add3A_1627 : vector<16xi32> to vector<16xi32>
    tpu.vector_store %arg6[%swap3A_1628], %swap3A_1631 {strides = array<i32>} : memref<4096xi32, #tpu.memory_space<vmem>>, vector<16xi32>,
    %add3A_1632 = arith.constant 640 : i32
    %add3A_1633 = vector.broadcast %add3A_1632 : i32 to vector<16xi32>
    %add3A_1634 = arith.addi %add3A_1596, %add3A_1633 : vector<16xi32>
    %swap3A_1635 = arith.constant 2704 : index
    %swap3A_1636 = tpu.vector_load %arg6[%swap3A_1635] {strides = array<i32>} : memref<4096xi32, #tpu.memory_space<vmem>>, vector<16xi32>,
    %swap3A_1637 = vector.shape_cast %swap3A_1636 : vector<16xi32> to vector<16xi32>
    %swap3A_1638 = vector.shape_cast %add3A_1634 : vector<16xi32> to vector<16xi32>
    tpu.vector_store %arg6[%swap3A_1635], %swap3A_1638 {strides = array<i32>} : memref<4096xi32, #tpu.memory_space<vmem>>, vector<16xi32>,
    %add3A_1639 = arith.constant 768 : i32
    %add3A_1640 = vector.broadcast %add3A_1639 : i32 to vector<16xi32>
    %add3A_1641 = arith.addi %add3A_1596, %add3A_1640 : vector<16xi32>
    %swap3A_1642 = arith.constant 2832 : index
    %swap3A_1643 = tpu.vector_load %arg6[%swap3A_1642] {strides = array<i32>} : memref<4096xi32, #tpu.memory_space<vmem>>, vector<16xi32>,
    %swap3A_1644 = vector.shape_cast %swap3A_1643 : vector<16xi32> to vector<16xi32>
    %swap3A_1645 = vector.shape_cast %add3A_1641 : vector<16xi32> to vector<16xi32>
    tpu.vector_store %arg6[%swap3A_1642], %swap3A_1645 {strides = array<i32>} : memref<4096xi32, #tpu.memory_space<vmem>>, vector<16xi32>,
    %add3A_1646 = arith.constant 896 : i32
    %add3A_1647 = vector.broadcast %add3A_1646 : i32 to vector<16xi32>
    %add3A_1648 = arith.addi %add3A_1596, %add3A_1647 : vector<16xi32>
    %swap3A_1649 = arith.constant 2960 : index
    %swap3A_1650 = tpu.vector_load %arg6[%swap3A_1649] {strides = array<i32>} : memref<4096xi32, #tpu.memory_space<vmem>>, vector<16xi32>,
    %swap3A_1651 = vector.shape_cast %swap3A_1650 : vector<16xi32> to vector<16xi32>
    %swap3A_1652 = vector.shape_cast %add3A_1648 : vector<16xi32> to vector<16xi32>
    tpu.vector_store %arg6[%swap3A_1649], %swap3A_1652 {strides = array<i32>} : memref<4096xi32, #tpu.memory_space<vmem>>, vector<16xi32>,
    %get3A_1653 = arith.constant 2 : i32
    %get3A_1654 = arith.constant 0 : i32
    %get3A_1655 = arith.index_cast %get3A_1653 : i32 to index
    %get3A_1656 = arith.index_cast %get3A_1654 : i32 to index
    %get3A_1657 = arith.constant 32 : index
    %get3A_1658 = tpu.vector_load %arg5[%get3A_1655, %get3A_1656, %get3A_1657] {strides = array<i32>} : memref<4x2x128xf32, #tpu.memory_space<vmem>>, vector<1x1x16xf32>,
    %get3A_1659 = vector.shape_cast %get3A_1658 : vector<1x1x16xf32> to vector<16xf32>
    %convert_element_type3A_1660 = arith.fptosi %get3A_1659 : vector<16xf32> to vector<16xi32>
    %get3A_1661 = arith.constant 2 : i32
    %get3A_1662 = arith.constant 1 : i32
    %get3A_1663 = arith.index_cast %get3A_1661 : i32 to index
    %get3A_1664 = arith.index_cast %get3A_1662 : i32 to index
    %get3A_1665 = arith.constant 32 : index
    %get3A_1666 = tpu.vector_load %arg5[%get3A_1663, %get3A_1664, %get3A_1665] {strides = array<i32>} : memref<4x2x128xf32, #tpu.memory_space<vmem>>, vector<1x1x16xf32>,
    %get3A_1667 = vector.shape_cast %get3A_1666 : vector<1x1x16xf32> to vector<16xf32>
    %convert_element_type3A_1668 = arith.fptosi %get3A_1667 : vector<16xf32> to vector<16xi32>
    %mul3A_1669 = arith.constant 73856093 : i32
    %mul3A_1670 = vector.broadcast %mul3A_1669 : i32 to vector<16xi32>
    %mul3A_1671 = arith.muli %convert_element_type3A_1660, %mul3A_1670 : vector<16xi32>
    %mul3A_1672 = arith.constant 19349663 : i32
    %mul3A_1673 = vector.broadcast %mul3A_1672 : i32 to vector<16xi32>
    %mul3A_1674 = arith.muli %convert_element_type3A_1668, %mul3A_1673 : vector<16xi32>
    %xor3A_1675 = arith.xori %mul3A_1671, %mul3A_1674 : vector<16xi32>
    %and3A_1676 = arith.constant 1048575 : i32
    %and3A_1677 = vector.broadcast %and3A_1676 : i32 to vector<16xi32>
    %and3A_1678 = arith.andi %xor3A_1675, %and3A_1677 : vector<16xi32>
    %shift_right_arithmetic3A_1679 = arith.constant 7 : i32
    %shift_right_arithmetic3A_1680 = vector.broadcast %shift_right_arithmetic3A_1679 : i32 to vector<16xi32>
    %shift_right_arithmetic3A_1681 = arith.shrsi %and3A_1678, %shift_right_arithmetic3A_1680 : vector<16xi32>
    %mul3A_1682 = arith.constant 1024 : i32
    %mul3A_1683 = vector.broadcast %mul3A_1682 : i32 to vector<16xi32>
    %mul3A_1684 = arith.muli %shift_right_arithmetic3A_1681, %mul3A_1683 : vector<16xi32>
    %and3A_1685 = arith.constant 127 : i32
    %and3A_1686 = vector.broadcast %and3A_1685 : i32 to vector<16xi32>
    %and3A_1687 = arith.andi %and3A_1678, %and3A_1686 : vector<16xi32>
    %add3A_1688 = arith.addi %mul3A_1684, %and3A_1687 : vector<16xi32>
    %add3A_1689 = arith.constant 0 : i32
    %add3A_1690 = vector.broadcast %add3A_1689 : i32 to vector<16xi32>
    %add3A_1691 = arith.addi %add3A_1688, %add3A_1690 : vector<16xi32>
    %swap3A_1692 = arith.constant 2080 : index
    %swap3A_1693 = tpu.vector_load %arg6[%swap3A_1692] {strides = array<i32>} : memref<4096xi32, #tpu.memory_space<vmem>>, vector<16xi32>,
    %swap3A_1694 = vector.shape_cast %swap3A_1693 : vector<16xi32> to vector<16xi32>
    %swap3A_1695 = vector.shape_cast %add3A_1691 : vector<16xi32> to vector<16xi32>
    tpu.vector_store %arg6[%swap3A_1692], %swap3A_1695 {strides = array<i32>} : memref<4096xi32, #tpu.memory_space<vmem>>, vector<16xi32>,
    %add3A_1696 = arith.constant 128 : i32
    %add3A_1697 = vector.broadcast %add3A_1696 : i32 to vector<16xi32>
    %add3A_1698 = arith.addi %add3A_1688, %add3A_1697 : vector<16xi32>
    %swap3A_1699 = arith.constant 2208 : index
    %swap3A_1700 = tpu.vector_load %arg6[%swap3A_1699] {strides = array<i32>} : memref<4096xi32, #tpu.memory_space<vmem>>, vector<16xi32>,
    %swap3A_1701 = vector.shape_cast %swap3A_1700 : vector<16xi32> to vector<16xi32>
    %swap3A_1702 = vector.shape_cast %add3A_1698 : vector<16xi32> to vector<16xi32>
    tpu.vector_store %arg6[%swap3A_1699], %swap3A_1702 {strides = array<i32>} : memref<4096xi32, #tpu.memory_space<vmem>>, vector<16xi32>,
    %add3A_1703 = arith.constant 256 : i32
    %add3A_1704 = vector.broadcast %add3A_1703 : i32 to vector<16xi32>
    %add3A_1705 = arith.addi %add3A_1688, %add3A_1704 : vector<16xi32>
    %swap3A_1706 = arith.constant 2336 : index
    %swap3A_1707 = tpu.vector_load %arg6[%swap3A_1706] {strides = array<i32>} : memref<4096xi32, #tpu.memory_space<vmem>>, vector<16xi32>,
    %swap3A_1708 = vector.shape_cast %swap3A_1707 : vector<16xi32> to vector<16xi32>
    %swap3A_1709 = vector.shape_cast %add3A_1705 : vector<16xi32> to vector<16xi32>
    tpu.vector_store %arg6[%swap3A_1706], %swap3A_1709 {strides = array<i32>} : memref<4096xi32, #tpu.memory_space<vmem>>, vector<16xi32>,
    %add3A_1710 = arith.constant 384 : i32
    %add3A_1711 = vector.broadcast %add3A_1710 : i32 to vector<16xi32>
    %add3A_1712 = arith.addi %add3A_1688, %add3A_1711 : vector<16xi32>
    %swap3A_1713 = arith.constant 2464 : index
    %swap3A_1714 = tpu.vector_load %arg6[%swap3A_1713] {strides = array<i32>} : memref<4096xi32, #tpu.memory_space<vmem>>, vector<16xi32>,
    %swap3A_1715 = vector.shape_cast %swap3A_1714 : vector<16xi32> to vector<16xi32>
    %swap3A_1716 = vector.shape_cast %add3A_1712 : vector<16xi32> to vector<16xi32>
    tpu.vector_store %arg6[%swap3A_1713], %swap3A_1716 {strides = array<i32>} : memref<4096xi32, #tpu.memory_space<vmem>>, vector<16xi32>,
    %add3A_1717 = arith.constant 512 : i32
    %add3A_1718 = vector.broadcast %add3A_1717 : i32 to vector<16xi32>
    %add3A_1719 = arith.addi %add3A_1688, %add3A_1718 : vector<16xi32>
    %swap3A_1720 = arith.constant 2592 : index
    %swap3A_1721 = tpu.vector_load %arg6[%swap3A_1720] {strides = array<i32>} : memref<4096xi32, #tpu.memory_space<vmem>>, vector<16xi32>,
    %swap3A_1722 = vector.shape_cast %swap3A_1721 : vector<16xi32> to vector<16xi32>
    %swap3A_1723 = vector.shape_cast %add3A_1719 : vector<16xi32> to vector<16xi32>
    tpu.vector_store %arg6[%swap3A_1720], %swap3A_1723 {strides = array<i32>} : memref<4096xi32, #tpu.memory_space<vmem>>, vector<16xi32>,
    %add3A_1724 = arith.constant 640 : i32
    %add3A_1725 = vector.broadcast %add3A_1724 : i32 to vector<16xi32>
    %add3A_1726 = arith.addi %add3A_1688, %add3A_1725 : vector<16xi32>
    %swap3A_1727 = arith.constant 2720 : index
    %swap3A_1728 = tpu.vector_load %arg6[%swap3A_1727] {strides = array<i32>} : memref<4096xi32, #tpu.memory_space<vmem>>, vector<16xi32>,
    %swap3A_1729 = vector.shape_cast %swap3A_1728 : vector<16xi32> to vector<16xi32>
    %swap3A_1730 = vector.shape_cast %add3A_1726 : vector<16xi32> to vector<16xi32>
    tpu.vector_store %arg6[%swap3A_1727], %swap3A_1730 {strides = array<i32>} : memref<4096xi32, #tpu.memory_space<vmem>>, vector<16xi32>,
    %add3A_1731 = arith.constant 768 : i32
    %add3A_1732 = vector.broadcast %add3A_1731 : i32 to vector<16xi32>
    %add3A_1733 = arith.addi %add3A_1688, %add3A_1732 : vector<16xi32>
    %swap3A_1734 = arith.constant 2848 : index
    %swap3A_1735 = tpu.vector_load %arg6[%swap3A_1734] {strides = array<i32>} : memref<4096xi32, #tpu.memory_space<vmem>>, vector<16xi32>,
    %swap3A_1736 = vector.shape_cast %swap3A_1735 : vector<16xi32> to vector<16xi32>
    %swap3A_1737 = vector.shape_cast %add3A_1733 : vector<16xi32> to vector<16xi32>
    tpu.vector_store %arg6[%swap3A_1734], %swap3A_1737 {strides = array<i32>} : memref<4096xi32, #tpu.memory_space<vmem>>, vector<16xi32>,
    %add3A_1738 = arith.constant 896 : i32
    %add3A_1739 = vector.broadcast %add3A_1738 : i32 to vector<16xi32>
    %add3A_1740 = arith.addi %add3A_1688, %add3A_1739 : vector<16xi32>
    %swap3A_1741 = arith.constant 2976 : index
    %swap3A_1742 = tpu.vector_load %arg6[%swap3A_1741] {strides = array<i32>} : memref<4096xi32, #tpu.memory_space<vmem>>, vector<16xi32>,
    %swap3A_1743 = vector.shape_cast %swap3A_1742 : vector<16xi32> to vector<16xi32>
    %swap3A_1744 = vector.shape_cast %add3A_1740 : vector<16xi32> to vector<16xi32>
    tpu.vector_store %arg6[%swap3A_1741], %swap3A_1744 {strides = array<i32>} : memref<4096xi32, #tpu.memory_space<vmem>>, vector<16xi32>,
    %get3A_1745 = arith.constant 2 : i32
    %get3A_1746 = arith.constant 0 : i32
    %get3A_1747 = arith.index_cast %get3A_1745 : i32 to index
    %get3A_1748 = arith.index_cast %get3A_1746 : i32 to index
    %get3A_1749 = arith.constant 48 : index
    %get3A_1750 = tpu.vector_load %arg5[%get3A_1747, %get3A_1748, %get3A_1749] {strides = array<i32>} : memref<4x2x128xf32, #tpu.memory_space<vmem>>, vector<1x1x16xf32>,
    %get3A_1751 = vector.shape_cast %get3A_1750 : vector<1x1x16xf32> to vector<16xf32>
    %convert_element_type3A_1752 = arith.fptosi %get3A_1751 : vector<16xf32> to vector<16xi32>
    %get3A_1753 = arith.constant 2 : i32
    %get3A_1754 = arith.constant 1 : i32
    %get3A_1755 = arith.index_cast %get3A_1753 : i32 to index
    %get3A_1756 = arith.index_cast %get3A_1754 : i32 to index
    %get3A_1757 = arith.constant 48 : index
    %get3A_1758 = tpu.vector_load %arg5[%get3A_1755, %get3A_1756, %get3A_1757] {strides = array<i32>} : memref<4x2x128xf32, #tpu.memory_space<vmem>>, vector<1x1x16xf32>,
    %get3A_1759 = vector.shape_cast %get3A_1758 : vector<1x1x16xf32> to vector<16xf32>
    %convert_element_type3A_1760 = arith.fptosi %get3A_1759 : vector<16xf32> to vector<16xi32>
    %mul3A_1761 = arith.constant 73856093 : i32
    %mul3A_1762 = vector.broadcast %mul3A_1761 : i32 to vector<16xi32>
    %mul3A_1763 = arith.muli %convert_element_type3A_1752, %mul3A_1762 : vector<16xi32>
    %mul3A_1764 = arith.constant 19349663 : i32
    %mul3A_1765 = vector.broadcast %mul3A_1764 : i32 to vector<16xi32>
    %mul3A_1766 = arith.muli %convert_element_type3A_1760, %mul3A_1765 : vector<16xi32>
    %xor3A_1767 = arith.xori %mul3A_1763, %mul3A_1766 : vector<16xi32>
    %and3A_1768 = arith.constant 1048575 : i32
    %and3A_1769 = vector.broadcast %and3A_1768 : i32 to vector<16xi32>
    %and3A_1770 = arith.andi %xor3A_1767, %and3A_1769 : vector<16xi32>
    %shift_right_arithmetic3A_1771 = arith.constant 7 : i32
    %shift_right_arithmetic3A_1772 = vector.broadcast %shift_right_arithmetic3A_1771 : i32 to vector<16xi32>
    %shift_right_arithmetic3A_1773 = arith.shrsi %and3A_1770, %shift_right_arithmetic3A_1772 : vector<16xi32>
    %mul3A_1774 = arith.constant 1024 : i32
    %mul3A_1775 = vector.broadcast %mul3A_1774 : i32 to vector<16xi32>
    %mul3A_1776 = arith.muli %shift_right_arithmetic3A_1773, %mul3A_1775 : vector<16xi32>
    %and3A_1777 = arith.constant 127 : i32
    %and3A_1778 = vector.broadcast %and3A_1777 : i32 to vector<16xi32>
    %and3A_1779 = arith.andi %and3A_1770, %and3A_1778 : vector<16xi32>
    %add3A_1780 = arith.addi %mul3A_1776, %and3A_1779 : vector<16xi32>
    %add3A_1781 = arith.constant 0 : i32
    %add3A_1782 = vector.broadcast %add3A_1781 : i32 to vector<16xi32>
    %add3A_1783 = arith.addi %add3A_1780, %add3A_1782 : vector<16xi32>
    %swap3A_1784 = arith.constant 2096 : index
    %swap3A_1785 = tpu.vector_load %arg6[%swap3A_1784] {strides = array<i32>} : memref<4096xi32, #tpu.memory_space<vmem>>, vector<16xi32>,
    %swap3A_1786 = vector.shape_cast %swap3A_1785 : vector<16xi32> to vector<16xi32>
    %swap3A_1787 = vector.shape_cast %add3A_1783 : vector<16xi32> to vector<16xi32>
    tpu.vector_store %arg6[%swap3A_1784], %swap3A_1787 {strides = array<i32>} : memref<4096xi32, #tpu.memory_space<vmem>>, vector<16xi32>,
    %add3A_1788 = arith.constant 128 : i32
    %add3A_1789 = vector.broadcast %add3A_1788 : i32 to vector<16xi32>
    %add3A_1790 = arith.addi %add3A_1780, %add3A_1789 : vector<16xi32>
    %swap3A_1791 = arith.constant 2224 : index
    %swap3A_1792 = tpu.vector_load %arg6[%swap3A_1791] {strides = array<i32>} : memref<4096xi32, #tpu.memory_space<vmem>>, vector<16xi32>,
    %swap3A_1793 = vector.shape_cast %swap3A_1792 : vector<16xi32> to vector<16xi32>
    %swap3A_1794 = vector.shape_cast %add3A_1790 : vector<16xi32> to vector<16xi32>
    tpu.vector_store %arg6[%swap3A_1791], %swap3A_1794 {strides = array<i32>} : memref<4096xi32, #tpu.memory_space<vmem>>, vector<16xi32>,
    %add3A_1795 = arith.constant 256 : i32
    %add3A_1796 = vector.broadcast %add3A_1795 : i32 to vector<16xi32>
    %add3A_1797 = arith.addi %add3A_1780, %add3A_1796 : vector<16xi32>
    %swap3A_1798 = arith.constant 2352 : index
    %swap3A_1799 = tpu.vector_load %arg6[%swap3A_1798] {strides = array<i32>} : memref<4096xi32, #tpu.memory_space<vmem>>, vector<16xi32>,
    %swap3A_1800 = vector.shape_cast %swap3A_1799 : vector<16xi32> to vector<16xi32>
    %swap3A_1801 = vector.shape_cast %add3A_1797 : vector<16xi32> to vector<16xi32>
    tpu.vector_store %arg6[%swap3A_1798], %swap3A_1801 {strides = array<i32>} : memref<4096xi32, #tpu.memory_space<vmem>>, vector<16xi32>,
    %add3A_1802 = arith.constant 384 : i32
    %add3A_1803 = vector.broadcast %add3A_1802 : i32 to vector<16xi32>
    %add3A_1804 = arith.addi %add3A_1780, %add3A_1803 : vector<16xi32>
    %swap3A_1805 = arith.constant 2480 : index
    %swap3A_1806 = tpu.vector_load %arg6[%swap3A_1805] {strides = array<i32>} : memref<4096xi32, #tpu.memory_space<vmem>>, vector<16xi32>,
    %swap3A_1807 = vector.shape_cast %swap3A_1806 : vector<16xi32> to vector<16xi32>
    %swap3A_1808 = vector.shape_cast %add3A_1804 : vector<16xi32> to vector<16xi32>
    tpu.vector_store %arg6[%swap3A_1805], %swap3A_1808 {strides = array<i32>} : memref<4096xi32, #tpu.memory_space<vmem>>, vector<16xi32>,
    %add3A_1809 = arith.constant 512 : i32
    %add3A_1810 = vector.broadcast %add3A_1809 : i32 to vector<16xi32>
    %add3A_1811 = arith.addi %add3A_1780, %add3A_1810 : vector<16xi32>
    %swap3A_1812 = arith.constant 2608 : index
    %swap3A_1813 = tpu.vector_load %arg6[%swap3A_1812] {strides = array<i32>} : memref<4096xi32, #tpu.memory_space<vmem>>, vector<16xi32>,
    %swap3A_1814 = vector.shape_cast %swap3A_1813 : vector<16xi32> to vector<16xi32>
    %swap3A_1815 = vector.shape_cast %add3A_1811 : vector<16xi32> to vector<16xi32>
    tpu.vector_store %arg6[%swap3A_1812], %swap3A_1815 {strides = array<i32>} : memref<4096xi32, #tpu.memory_space<vmem>>, vector<16xi32>,
    %add3A_1816 = arith.constant 640 : i32
    %add3A_1817 = vector.broadcast %add3A_1816 : i32 to vector<16xi32>
    %add3A_1818 = arith.addi %add3A_1780, %add3A_1817 : vector<16xi32>
    %swap3A_1819 = arith.constant 2736 : index
    %swap3A_1820 = tpu.vector_load %arg6[%swap3A_1819] {strides = array<i32>} : memref<4096xi32, #tpu.memory_space<vmem>>, vector<16xi32>,
    %swap3A_1821 = vector.shape_cast %swap3A_1820 : vector<16xi32> to vector<16xi32>
    %swap3A_1822 = vector.shape_cast %add3A_1818 : vector<16xi32> to vector<16xi32>
    tpu.vector_store %arg6[%swap3A_1819], %swap3A_1822 {strides = array<i32>} : memref<4096xi32, #tpu.memory_space<vmem>>, vector<16xi32>,
    %add3A_1823 = arith.constant 768 : i32
    %add3A_1824 = vector.broadcast %add3A_1823 : i32 to vector<16xi32>
    %add3A_1825 = arith.addi %add3A_1780, %add3A_1824 : vector<16xi32>
    %swap3A_1826 = arith.constant 2864 : index
    %swap3A_1827 = tpu.vector_load %arg6[%swap3A_1826] {strides = array<i32>} : memref<4096xi32, #tpu.memory_space<vmem>>, vector<16xi32>,
    %swap3A_1828 = vector.shape_cast %swap3A_1827 : vector<16xi32> to vector<16xi32>
    %swap3A_1829 = vector.shape_cast %add3A_1825 : vector<16xi32> to vector<16xi32>
    tpu.vector_store %arg6[%swap3A_1826], %swap3A_1829 {strides = array<i32>} : memref<4096xi32, #tpu.memory_space<vmem>>, vector<16xi32>,
    %add3A_1830 = arith.constant 896 : i32
    %add3A_1831 = vector.broadcast %add3A_1830 : i32 to vector<16xi32>
    %add3A_1832 = arith.addi %add3A_1780, %add3A_1831 : vector<16xi32>
    %swap3A_1833 = arith.constant 2992 : index
    %swap3A_1834 = tpu.vector_load %arg6[%swap3A_1833] {strides = array<i32>} : memref<4096xi32, #tpu.memory_space<vmem>>, vector<16xi32>,
    %swap3A_1835 = vector.shape_cast %swap3A_1834 : vector<16xi32> to vector<16xi32>
    %swap3A_1836 = vector.shape_cast %add3A_1832 : vector<16xi32> to vector<16xi32>
    tpu.vector_store %arg6[%swap3A_1833], %swap3A_1836 {strides = array<i32>} : memref<4096xi32, #tpu.memory_space<vmem>>, vector<16xi32>,
    %get3A_1837 = arith.constant 2 : i32
    %get3A_1838 = arith.constant 0 : i32
    %get3A_1839 = arith.index_cast %get3A_1837 : i32 to index
    %get3A_1840 = arith.index_cast %get3A_1838 : i32 to index
    %get3A_1841 = arith.constant 64 : index
    %get3A_1842 = tpu.vector_load %arg5[%get3A_1839, %get3A_1840, %get3A_1841] {strides = array<i32>} : memref<4x2x128xf32, #tpu.memory_space<vmem>>, vector<1x1x16xf32>,
    %get3A_1843 = vector.shape_cast %get3A_1842 : vector<1x1x16xf32> to vector<16xf32>
    %convert_element_type3A_1844 = arith.fptosi %get3A_1843 : vector<16xf32> to vector<16xi32>
    %get3A_1845 = arith.constant 2 : i32
    %get3A_1846 = arith.constant 1 : i32
    %get3A_1847 = arith.index_cast %get3A_1845 : i32 to index
    %get3A_1848 = arith.index_cast %get3A_1846 : i32 to index
    %get3A_1849 = arith.constant 64 : index
    %get3A_1850 = tpu.vector_load %arg5[%get3A_1847, %get3A_1848, %get3A_1849] {strides = array<i32>} : memref<4x2x128xf32, #tpu.memory_space<vmem>>, vector<1x1x16xf32>,
    %get3A_1851 = vector.shape_cast %get3A_1850 : vector<1x1x16xf32> to vector<16xf32>
    %convert_element_type3A_1852 = arith.fptosi %get3A_1851 : vector<16xf32> to vector<16xi32>
    %mul3A_1853 = arith.constant 73856093 : i32
    %mul3A_1854 = vector.broadcast %mul3A_1853 : i32 to vector<16xi32>
    %mul3A_1855 = arith.muli %convert_element_type3A_1844, %mul3A_1854 : vector<16xi32>
    %mul3A_1856 = arith.constant 19349663 : i32
    %mul3A_1857 = vector.broadcast %mul3A_1856 : i32 to vector<16xi32>
    %mul3A_1858 = arith.muli %convert_element_type3A_1852, %mul3A_1857 : vector<16xi32>
    %xor3A_1859 = arith.xori %mul3A_1855, %mul3A_1858 : vector<16xi32>
    %and3A_1860 = arith.constant 1048575 : i32
    %and3A_1861 = vector.broadcast %and3A_1860 : i32 to vector<16xi32>
    %and3A_1862 = arith.andi %xor3A_1859, %and3A_1861 : vector<16xi32>
    %shift_right_arithmetic3A_1863 = arith.constant 7 : i32
    %shift_right_arithmetic3A_1864 = vector.broadcast %shift_right_arithmetic3A_1863 : i32 to vector<16xi32>
    %shift_right_arithmetic3A_1865 = arith.shrsi %and3A_1862, %shift_right_arithmetic3A_1864 : vector<16xi32>
    %mul3A_1866 = arith.constant 1024 : i32
    %mul3A_1867 = vector.broadcast %mul3A_1866 : i32 to vector<16xi32>
    %mul3A_1868 = arith.muli %shift_right_arithmetic3A_1865, %mul3A_1867 : vector<16xi32>
    %and3A_1869 = arith.constant 127 : i32
    %and3A_1870 = vector.broadcast %and3A_1869 : i32 to vector<16xi32>
    %and3A_1871 = arith.andi %and3A_1862, %and3A_1870 : vector<16xi32>
    %add3A_1872 = arith.addi %mul3A_1868, %and3A_1871 : vector<16xi32>
    %add3A_1873 = arith.constant 0 : i32
    %add3A_1874 = vector.broadcast %add3A_1873 : i32 to vector<16xi32>
    %add3A_1875 = arith.addi %add3A_1872, %add3A_1874 : vector<16xi32>
    %swap3A_1876 = arith.constant 2112 : index
    %swap3A_1877 = tpu.vector_load %arg6[%swap3A_1876] {strides = array<i32>} : memref<4096xi32, #tpu.memory_space<vmem>>, vector<16xi32>,
    %swap3A_1878 = vector.shape_cast %swap3A_1877 : vector<16xi32> to vector<16xi32>
    %swap3A_1879 = vector.shape_cast %add3A_1875 : vector<16xi32> to vector<16xi32>
    tpu.vector_store %arg6[%swap3A_1876], %swap3A_1879 {strides = array<i32>} : memref<4096xi32, #tpu.memory_space<vmem>>, vector<16xi32>,
    %add3A_1880 = arith.constant 128 : i32
    %add3A_1881 = vector.broadcast %add3A_1880 : i32 to vector<16xi32>
    %add3A_1882 = arith.addi %add3A_1872, %add3A_1881 : vector<16xi32>
    %swap3A_1883 = arith.constant 2240 : index
    %swap3A_1884 = tpu.vector_load %arg6[%swap3A_1883] {strides = array<i32>} : memref<4096xi32, #tpu.memory_space<vmem>>, vector<16xi32>,
    %swap3A_1885 = vector.shape_cast %swap3A_1884 : vector<16xi32> to vector<16xi32>
    %swap3A_1886 = vector.shape_cast %add3A_1882 : vector<16xi32> to vector<16xi32>
    tpu.vector_store %arg6[%swap3A_1883], %swap3A_1886 {strides = array<i32>} : memref<4096xi32, #tpu.memory_space<vmem>>, vector<16xi32>,
    %add3A_1887 = arith.constant 256 : i32
    %add3A_1888 = vector.broadcast %add3A_1887 : i32 to vector<16xi32>
    %add3A_1889 = arith.addi %add3A_1872, %add3A_1888 : vector<16xi32>
    %swap3A_1890 = arith.constant 2368 : index
    %swap3A_1891 = tpu.vector_load %arg6[%swap3A_1890] {strides = array<i32>} : memref<4096xi32, #tpu.memory_space<vmem>>, vector<16xi32>,
    %swap3A_1892 = vector.shape_cast %swap3A_1891 : vector<16xi32> to vector<16xi32>
    %swap3A_1893 = vector.shape_cast %add3A_1889 : vector<16xi32> to vector<16xi32>
    tpu.vector_store %arg6[%swap3A_1890], %swap3A_1893 {strides = array<i32>} : memref<4096xi32, #tpu.memory_space<vmem>>, vector<16xi32>,
    %add3A_1894 = arith.constant 384 : i32
    %add3A_1895 = vector.broadcast %add3A_1894 : i32 to vector<16xi32>
    %add3A_1896 = arith.addi %add3A_1872, %add3A_1895 : vector<16xi32>
    %swap3A_1897 = arith.constant 2496 : index
    %swap3A_1898 = tpu.vector_load %arg6[%swap3A_1897] {strides = array<i32>} : memref<4096xi32, #tpu.memory_space<vmem>>, vector<16xi32>,
    %swap3A_1899 = vector.shape_cast %swap3A_1898 : vector<16xi32> to vector<16xi32>
    %swap3A_1900 = vector.shape_cast %add3A_1896 : vector<16xi32> to vector<16xi32>
    tpu.vector_store %arg6[%swap3A_1897], %swap3A_1900 {strides = array<i32>} : memref<4096xi32, #tpu.memory_space<vmem>>, vector<16xi32>,
    %add3A_1901 = arith.constant 512 : i32
    %add3A_1902 = vector.broadcast %add3A_1901 : i32 to vector<16xi32>
    %add3A_1903 = arith.addi %add3A_1872, %add3A_1902 : vector<16xi32>
    %swap3A_1904 = arith.constant 2624 : index
    %swap3A_1905 = tpu.vector_load %arg6[%swap3A_1904] {strides = array<i32>} : memref<4096xi32, #tpu.memory_space<vmem>>, vector<16xi32>,
    %swap3A_1906 = vector.shape_cast %swap3A_1905 : vector<16xi32> to vector<16xi32>
    %swap3A_1907 = vector.shape_cast %add3A_1903 : vector<16xi32> to vector<16xi32>
    tpu.vector_store %arg6[%swap3A_1904], %swap3A_1907 {strides = array<i32>} : memref<4096xi32, #tpu.memory_space<vmem>>, vector<16xi32>,
    %add3A_1908 = arith.constant 640 : i32
    %add3A_1909 = vector.broadcast %add3A_1908 : i32 to vector<16xi32>
    %add3A_1910 = arith.addi %add3A_1872, %add3A_1909 : vector<16xi32>
    %swap3A_1911 = arith.constant 2752 : index
    %swap3A_1912 = tpu.vector_load %arg6[%swap3A_1911] {strides = array<i32>} : memref<4096xi32, #tpu.memory_space<vmem>>, vector<16xi32>,
    %swap3A_1913 = vector.shape_cast %swap3A_1912 : vector<16xi32> to vector<16xi32>
    %swap3A_1914 = vector.shape_cast %add3A_1910 : vector<16xi32> to vector<16xi32>
    tpu.vector_store %arg6[%swap3A_1911], %swap3A_1914 {strides = array<i32>} : memref<4096xi32, #tpu.memory_space<vmem>>, vector<16xi32>,
    %add3A_1915 = arith.constant 768 : i32
    %add3A_1916 = vector.broadcast %add3A_1915 : i32 to vector<16xi32>
    %add3A_1917 = arith.addi %add3A_1872, %add3A_1916 : vector<16xi32>
    %swap3A_1918 = arith.constant 2880 : index
    %swap3A_1919 = tpu.vector_load %arg6[%swap3A_1918] {strides = array<i32>} : memref<4096xi32, #tpu.memory_space<vmem>>, vector<16xi32>,
    %swap3A_1920 = vector.shape_cast %swap3A_1919 : vector<16xi32> to vector<16xi32>
    %swap3A_1921 = vector.shape_cast %add3A_1917 : vector<16xi32> to vector<16xi32>
    tpu.vector_store %arg6[%swap3A_1918], %swap3A_1921 {strides = array<i32>} : memref<4096xi32, #tpu.memory_space<vmem>>, vector<16xi32>,
    %add3A_1922 = arith.constant 896 : i32
    %add3A_1923 = vector.broadcast %add3A_1922 : i32 to vector<16xi32>
    %add3A_1924 = arith.addi %add3A_1872, %add3A_1923 : vector<16xi32>
    %swap3A_1925 = arith.constant 3008 : index
    %swap3A_1926 = tpu.vector_load %arg6[%swap3A_1925] {strides = array<i32>} : memref<4096xi32, #tpu.memory_space<vmem>>, vector<16xi32>,
    %swap3A_1927 = vector.shape_cast %swap3A_1926 : vector<16xi32> to vector<16xi32>
    %swap3A_1928 = vector.shape_cast %add3A_1924 : vector<16xi32> to vector<16xi32>
    tpu.vector_store %arg6[%swap3A_1925], %swap3A_1928 {strides = array<i32>} : memref<4096xi32, #tpu.memory_space<vmem>>, vector<16xi32>,
    %get3A_1929 = arith.constant 2 : i32
    %get3A_1930 = arith.constant 0 : i32
    %get3A_1931 = arith.index_cast %get3A_1929 : i32 to index
    %get3A_1932 = arith.index_cast %get3A_1930 : i32 to index
    %get3A_1933 = arith.constant 80 : index
    %get3A_1934 = tpu.vector_load %arg5[%get3A_1931, %get3A_1932, %get3A_1933] {strides = array<i32>} : memref<4x2x128xf32, #tpu.memory_space<vmem>>, vector<1x1x16xf32>,
    %get3A_1935 = vector.shape_cast %get3A_1934 : vector<1x1x16xf32> to vector<16xf32>
    %convert_element_type3A_1936 = arith.fptosi %get3A_1935 : vector<16xf32> to vector<16xi32>
    %get3A_1937 = arith.constant 2 : i32
    %get3A_1938 = arith.constant 1 : i32
    %get3A_1939 = arith.index_cast %get3A_1937 : i32 to index
    %get3A_1940 = arith.index_cast %get3A_1938 : i32 to index
    %get3A_1941 = arith.constant 80 : index
    %get3A_1942 = tpu.vector_load %arg5[%get3A_1939, %get3A_1940, %get3A_1941] {strides = array<i32>} : memref<4x2x128xf32, #tpu.memory_space<vmem>>, vector<1x1x16xf32>,
    %get3A_1943 = vector.shape_cast %get3A_1942 : vector<1x1x16xf32> to vector<16xf32>
    %convert_element_type3A_1944 = arith.fptosi %get3A_1943 : vector<16xf32> to vector<16xi32>
    %mul3A_1945 = arith.constant 73856093 : i32
    %mul3A_1946 = vector.broadcast %mul3A_1945 : i32 to vector<16xi32>
    %mul3A_1947 = arith.muli %convert_element_type3A_1936, %mul3A_1946 : vector<16xi32>
    %mul3A_1948 = arith.constant 19349663 : i32
    %mul3A_1949 = vector.broadcast %mul3A_1948 : i32 to vector<16xi32>
    %mul3A_1950 = arith.muli %convert_element_type3A_1944, %mul3A_1949 : vector<16xi32>
    %xor3A_1951 = arith.xori %mul3A_1947, %mul3A_1950 : vector<16xi32>
    %and3A_1952 = arith.constant 1048575 : i32
    %and3A_1953 = vector.broadcast %and3A_1952 : i32 to vector<16xi32>
    %and3A_1954 = arith.andi %xor3A_1951, %and3A_1953 : vector<16xi32>
    %shift_right_arithmetic3A_1955 = arith.constant 7 : i32
    %shift_right_arithmetic3A_1956 = vector.broadcast %shift_right_arithmetic3A_1955 : i32 to vector<16xi32>
    %shift_right_arithmetic3A_1957 = arith.shrsi %and3A_1954, %shift_right_arithmetic3A_1956 : vector<16xi32>
    %mul3A_1958 = arith.constant 1024 : i32
    %mul3A_1959 = vector.broadcast %mul3A_1958 : i32 to vector<16xi32>
    %mul3A_1960 = arith.muli %shift_right_arithmetic3A_1957, %mul3A_1959 : vector<16xi32>
    %and3A_1961 = arith.constant 127 : i32
    %and3A_1962 = vector.broadcast %and3A_1961 : i32 to vector<16xi32>
    %and3A_1963 = arith.andi %and3A_1954, %and3A_1962 : vector<16xi32>
    %add3A_1964 = arith.addi %mul3A_1960, %and3A_1963 : vector<16xi32>
    %add3A_1965 = arith.constant 0 : i32
    %add3A_1966 = vector.broadcast %add3A_1965 : i32 to vector<16xi32>
    %add3A_1967 = arith.addi %add3A_1964, %add3A_1966 : vector<16xi32>
    %swap3A_1968 = arith.constant 2128 : index
    %swap3A_1969 = tpu.vector_load %arg6[%swap3A_1968] {strides = array<i32>} : memref<4096xi32, #tpu.memory_space<vmem>>, vector<16xi32>,
    %swap3A_1970 = vector.shape_cast %swap3A_1969 : vector<16xi32> to vector<16xi32>
    %swap3A_1971 = vector.shape_cast %add3A_1967 : vector<16xi32> to vector<16xi32>
    tpu.vector_store %arg6[%swap3A_1968], %swap3A_1971 {strides = array<i32>} : memref<4096xi32, #tpu.memory_space<vmem>>, vector<16xi32>,
    %add3A_1972 = arith.constant 128 : i32
    %add3A_1973 = vector.broadcast %add3A_1972 : i32 to vector<16xi32>
    %add3A_1974 = arith.addi %add3A_1964, %add3A_1973 : vector<16xi32>
    %swap3A_1975 = arith.constant 2256 : index
    %swap3A_1976 = tpu.vector_load %arg6[%swap3A_1975] {strides = array<i32>} : memref<4096xi32, #tpu.memory_space<vmem>>, vector<16xi32>,
    %swap3A_1977 = vector.shape_cast %swap3A_1976 : vector<16xi32> to vector<16xi32>
    %swap3A_1978 = vector.shape_cast %add3A_1974 : vector<16xi32> to vector<16xi32>
    tpu.vector_store %arg6[%swap3A_1975], %swap3A_1978 {strides = array<i32>} : memref<4096xi32, #tpu.memory_space<vmem>>, vector<16xi32>,
    %add3A_1979 = arith.constant 256 : i32
    %add3A_1980 = vector.broadcast %add3A_1979 : i32 to vector<16xi32>
    %add3A_1981 = arith.addi %add3A_1964, %add3A_1980 : vector<16xi32>
    %swap3A_1982 = arith.constant 2384 : index
    %swap3A_1983 = tpu.vector_load %arg6[%swap3A_1982] {strides = array<i32>} : memref<4096xi32, #tpu.memory_space<vmem>>, vector<16xi32>,
    %swap3A_1984 = vector.shape_cast %swap3A_1983 : vector<16xi32> to vector<16xi32>
    %swap3A_1985 = vector.shape_cast %add3A_1981 : vector<16xi32> to vector<16xi32>
    tpu.vector_store %arg6[%swap3A_1982], %swap3A_1985 {strides = array<i32>} : memref<4096xi32, #tpu.memory_space<vmem>>, vector<16xi32>,
    %add3A_1986 = arith.constant 384 : i32
    %add3A_1987 = vector.broadcast %add3A_1986 : i32 to vector<16xi32>
    %add3A_1988 = arith.addi %add3A_1964, %add3A_1987 : vector<16xi32>
    %swap3A_1989 = arith.constant 2512 : index
    %swap3A_1990 = tpu.vector_load %arg6[%swap3A_1989] {strides = array<i32>} : memref<4096xi32, #tpu.memory_space<vmem>>, vector<16xi32>,
    %swap3A_1991 = vector.shape_cast %swap3A_1990 : vector<16xi32> to vector<16xi32>
    %swap3A_1992 = vector.shape_cast %add3A_1988 : vector<16xi32> to vector<16xi32>
    tpu.vector_store %arg6[%swap3A_1989], %swap3A_1992 {strides = array<i32>} : memref<4096xi32, #tpu.memory_space<vmem>>, vector<16xi32>,
    %add3A_1993 = arith.constant 512 : i32
    %add3A_1994 = vector.broadcast %add3A_1993 : i32 to vector<16xi32>
    %add3A_1995 = arith.addi %add3A_1964, %add3A_1994 : vector<16xi32>
    %swap3A_1996 = arith.constant 2640 : index
    %swap3A_1997 = tpu.vector_load %arg6[%swap3A_1996] {strides = array<i32>} : memref<4096xi32, #tpu.memory_space<vmem>>, vector<16xi32>,
    %swap3A_1998 = vector.shape_cast %swap3A_1997 : vector<16xi32> to vector<16xi32>
    %swap3A_1999 = vector.shape_cast %add3A_1995 : vector<16xi32> to vector<16xi32>
    tpu.vector_store %arg6[%swap3A_1996], %swap3A_1999 {strides = array<i32>} : memref<4096xi32, #tpu.memory_space<vmem>>, vector<16xi32>,
    %add3A_2000 = arith.constant 640 : i32
    %add3A_2001 = vector.broadcast %add3A_2000 : i32 to vector<16xi32>
    %add3A_2002 = arith.addi %add3A_1964, %add3A_2001 : vector<16xi32>
    %swap3A_2003 = arith.constant 2768 : index
    %swap3A_2004 = tpu.vector_load %arg6[%swap3A_2003] {strides = array<i32>} : memref<4096xi32, #tpu.memory_space<vmem>>, vector<16xi32>,
    %swap3A_2005 = vector.shape_cast %swap3A_2004 : vector<16xi32> to vector<16xi32>
    %swap3A_2006 = vector.shape_cast %add3A_2002 : vector<16xi32> to vector<16xi32>
    tpu.vector_store %arg6[%swap3A_2003], %swap3A_2006 {strides = array<i32>} : memref<4096xi32, #tpu.memory_space<vmem>>, vector<16xi32>,
    %add3A_2007 = arith.constant 768 : i32
    %add3A_2008 = vector.broadcast %add3A_2007 : i32 to vector<16xi32>
    %add3A_2009 = arith.addi %add3A_1964, %add3A_2008 : vector<16xi32>
    %swap3A_2010 = arith.constant 2896 : index
    %swap3A_2011 = tpu.vector_load %arg6[%swap3A_2010] {strides = array<i32>} : memref<4096xi32, #tpu.memory_space<vmem>>, vector<16xi32>,
    %swap3A_2012 = vector.shape_cast %swap3A_2011 : vector<16xi32> to vector<16xi32>
    %swap3A_2013 = vector.shape_cast %add3A_2009 : vector<16xi32> to vector<16xi32>
    tpu.vector_store %arg6[%swap3A_2010], %swap3A_2013 {strides = array<i32>} : memref<4096xi32, #tpu.memory_space<vmem>>, vector<16xi32>,
    %add3A_2014 = arith.constant 896 : i32
    %add3A_2015 = vector.broadcast %add3A_2014 : i32 to vector<16xi32>
    %add3A_2016 = arith.addi %add3A_1964, %add3A_2015 : vector<16xi32>
    %swap3A_2017 = arith.constant 3024 : index
    %swap3A_2018 = tpu.vector_load %arg6[%swap3A_2017] {strides = array<i32>} : memref<4096xi32, #tpu.memory_space<vmem>>, vector<16xi32>,
    %swap3A_2019 = vector.shape_cast %swap3A_2018 : vector<16xi32> to vector<16xi32>
    %swap3A_2020 = vector.shape_cast %add3A_2016 : vector<16xi32> to vector<16xi32>
    tpu.vector_store %arg6[%swap3A_2017], %swap3A_2020 {strides = array<i32>} : memref<4096xi32, #tpu.memory_space<vmem>>, vector<16xi32>,
    %get3A_2021 = arith.constant 2 : i32
    %get3A_2022 = arith.constant 0 : i32
    %get3A_2023 = arith.index_cast %get3A_2021 : i32 to index
    %get3A_2024 = arith.index_cast %get3A_2022 : i32 to index
    %get3A_2025 = arith.constant 96 : index
    %get3A_2026 = tpu.vector_load %arg5[%get3A_2023, %get3A_2024, %get3A_2025] {strides = array<i32>} : memref<4x2x128xf32, #tpu.memory_space<vmem>>, vector<1x1x16xf32>,
    %get3A_2027 = vector.shape_cast %get3A_2026 : vector<1x1x16xf32> to vector<16xf32>
    %convert_element_type3A_2028 = arith.fptosi %get3A_2027 : vector<16xf32> to vector<16xi32>
    %get3A_2029 = arith.constant 2 : i32
    %get3A_2030 = arith.constant 1 : i32
    %get3A_2031 = arith.index_cast %get3A_2029 : i32 to index
    %get3A_2032 = arith.index_cast %get3A_2030 : i32 to index
    %get3A_2033 = arith.constant 96 : index
    %get3A_2034 = tpu.vector_load %arg5[%get3A_2031, %get3A_2032, %get3A_2033] {strides = array<i32>} : memref<4x2x128xf32, #tpu.memory_space<vmem>>, vector<1x1x16xf32>,
    %get3A_2035 = vector.shape_cast %get3A_2034 : vector<1x1x16xf32> to vector<16xf32>
    %convert_element_type3A_2036 = arith.fptosi %get3A_2035 : vector<16xf32> to vector<16xi32>
    %mul3A_2037 = arith.constant 73856093 : i32
    %mul3A_2038 = vector.broadcast %mul3A_2037 : i32 to vector<16xi32>
    %mul3A_2039 = arith.muli %convert_element_type3A_2028, %mul3A_2038 : vector<16xi32>
    %mul3A_2040 = arith.constant 19349663 : i32
    %mul3A_2041 = vector.broadcast %mul3A_2040 : i32 to vector<16xi32>
    %mul3A_2042 = arith.muli %convert_element_type3A_2036, %mul3A_2041 : vector<16xi32>
    %xor3A_2043 = arith.xori %mul3A_2039, %mul3A_2042 : vector<16xi32>
    %and3A_2044 = arith.constant 1048575 : i32
    %and3A_2045 = vector.broadcast %and3A_2044 : i32 to vector<16xi32>
    %and3A_2046 = arith.andi %xor3A_2043, %and3A_2045 : vector<16xi32>
    %shift_right_arithmetic3A_2047 = arith.constant 7 : i32
    %shift_right_arithmetic3A_2048 = vector.broadcast %shift_right_arithmetic3A_2047 : i32 to vector<16xi32>
    %shift_right_arithmetic3A_2049 = arith.shrsi %and3A_2046, %shift_right_arithmetic3A_2048 : vector<16xi32>
    %mul3A_2050 = arith.constant 1024 : i32
    %mul3A_2051 = vector.broadcast %mul3A_2050 : i32 to vector<16xi32>
    %mul3A_2052 = arith.muli %shift_right_arithmetic3A_2049, %mul3A_2051 : vector<16xi32>
    %and3A_2053 = arith.constant 127 : i32
    %and3A_2054 = vector.broadcast %and3A_2053 : i32 to vector<16xi32>
    %and3A_2055 = arith.andi %and3A_2046, %and3A_2054 : vector<16xi32>
    %add3A_2056 = arith.addi %mul3A_2052, %and3A_2055 : vector<16xi32>
    %add3A_2057 = arith.constant 0 : i32
    %add3A_2058 = vector.broadcast %add3A_2057 : i32 to vector<16xi32>
    %add3A_2059 = arith.addi %add3A_2056, %add3A_2058 : vector<16xi32>
    %swap3A_2060 = arith.constant 2144 : index
    %swap3A_2061 = tpu.vector_load %arg6[%swap3A_2060] {strides = array<i32>} : memref<4096xi32, #tpu.memory_space<vmem>>, vector<16xi32>,
    %swap3A_2062 = vector.shape_cast %swap3A_2061 : vector<16xi32> to vector<16xi32>
    %swap3A_2063 = vector.shape_cast %add3A_2059 : vector<16xi32> to vector<16xi32>
    tpu.vector_store %arg6[%swap3A_2060], %swap3A_2063 {strides = array<i32>} : memref<4096xi32, #tpu.memory_space<vmem>>, vector<16xi32>,
    %add3A_2064 = arith.constant 128 : i32
    %add3A_2065 = vector.broadcast %add3A_2064 : i32 to vector<16xi32>
    %add3A_2066 = arith.addi %add3A_2056, %add3A_2065 : vector<16xi32>
    %swap3A_2067 = arith.constant 2272 : index
    %swap3A_2068 = tpu.vector_load %arg6[%swap3A_2067] {strides = array<i32>} : memref<4096xi32, #tpu.memory_space<vmem>>, vector<16xi32>,
    %swap3A_2069 = vector.shape_cast %swap3A_2068 : vector<16xi32> to vector<16xi32>
    %swap3A_2070 = vector.shape_cast %add3A_2066 : vector<16xi32> to vector<16xi32>
    tpu.vector_store %arg6[%swap3A_2067], %swap3A_2070 {strides = array<i32>} : memref<4096xi32, #tpu.memory_space<vmem>>, vector<16xi32>,
    %add3A_2071 = arith.constant 256 : i32
    %add3A_2072 = vector.broadcast %add3A_2071 : i32 to vector<16xi32>
    %add3A_2073 = arith.addi %add3A_2056, %add3A_2072 : vector<16xi32>
    %swap3A_2074 = arith.constant 2400 : index
    %swap3A_2075 = tpu.vector_load %arg6[%swap3A_2074] {strides = array<i32>} : memref<4096xi32, #tpu.memory_space<vmem>>, vector<16xi32>,
    %swap3A_2076 = vector.shape_cast %swap3A_2075 : vector<16xi32> to vector<16xi32>
    %swap3A_2077 = vector.shape_cast %add3A_2073 : vector<16xi32> to vector<16xi32>
    tpu.vector_store %arg6[%swap3A_2074], %swap3A_2077 {strides = array<i32>} : memref<4096xi32, #tpu.memory_space<vmem>>, vector<16xi32>,
    %add3A_2078 = arith.constant 384 : i32
    %add3A_2079 = vector.broadcast %add3A_2078 : i32 to vector<16xi32>
    %add3A_2080 = arith.addi %add3A_2056, %add3A_2079 : vector<16xi32>
    %swap3A_2081 = arith.constant 2528 : index
    %swap3A_2082 = tpu.vector_load %arg6[%swap3A_2081] {strides = array<i32>} : memref<4096xi32, #tpu.memory_space<vmem>>, vector<16xi32>,
    %swap3A_2083 = vector.shape_cast %swap3A_2082 : vector<16xi32> to vector<16xi32>
    %swap3A_2084 = vector.shape_cast %add3A_2080 : vector<16xi32> to vector<16xi32>
    tpu.vector_store %arg6[%swap3A_2081], %swap3A_2084 {strides = array<i32>} : memref<4096xi32, #tpu.memory_space<vmem>>, vector<16xi32>,
    %add3A_2085 = arith.constant 512 : i32
    %add3A_2086 = vector.broadcast %add3A_2085 : i32 to vector<16xi32>
    %add3A_2087 = arith.addi %add3A_2056, %add3A_2086 : vector<16xi32>
    %swap3A_2088 = arith.constant 2656 : index
    %swap3A_2089 = tpu.vector_load %arg6[%swap3A_2088] {strides = array<i32>} : memref<4096xi32, #tpu.memory_space<vmem>>, vector<16xi32>,
    %swap3A_2090 = vector.shape_cast %swap3A_2089 : vector<16xi32> to vector<16xi32>
    %swap3A_2091 = vector.shape_cast %add3A_2087 : vector<16xi32> to vector<16xi32>
    tpu.vector_store %arg6[%swap3A_2088], %swap3A_2091 {strides = array<i32>} : memref<4096xi32, #tpu.memory_space<vmem>>, vector<16xi32>,
    %add3A_2092 = arith.constant 640 : i32
    %add3A_2093 = vector.broadcast %add3A_2092 : i32 to vector<16xi32>
    %add3A_2094 = arith.addi %add3A_2056, %add3A_2093 : vector<16xi32>
    %swap3A_2095 = arith.constant 2784 : index
    %swap3A_2096 = tpu.vector_load %arg6[%swap3A_2095] {strides = array<i32>} : memref<4096xi32, #tpu.memory_space<vmem>>, vector<16xi32>,
    %swap3A_2097 = vector.shape_cast %swap3A_2096 : vector<16xi32> to vector<16xi32>
    %swap3A_2098 = vector.shape_cast %add3A_2094 : vector<16xi32> to vector<16xi32>
    tpu.vector_store %arg6[%swap3A_2095], %swap3A_2098 {strides = array<i32>} : memref<4096xi32, #tpu.memory_space<vmem>>, vector<16xi32>,
    %add3A_2099 = arith.constant 768 : i32
    %add3A_2100 = vector.broadcast %add3A_2099 : i32 to vector<16xi32>
    %add3A_2101 = arith.addi %add3A_2056, %add3A_2100 : vector<16xi32>
    %swap3A_2102 = arith.constant 2912 : index
    %swap3A_2103 = tpu.vector_load %arg6[%swap3A_2102] {strides = array<i32>} : memref<4096xi32, #tpu.memory_space<vmem>>, vector<16xi32>,
    %swap3A_2104 = vector.shape_cast %swap3A_2103 : vector<16xi32> to vector<16xi32>
    %swap3A_2105 = vector.shape_cast %add3A_2101 : vector<16xi32> to vector<16xi32>
    tpu.vector_store %arg6[%swap3A_2102], %swap3A_2105 {strides = array<i32>} : memref<4096xi32, #tpu.memory_space<vmem>>, vector<16xi32>,
    %add3A_2106 = arith.constant 896 : i32
    %add3A_2107 = vector.broadcast %add3A_2106 : i32 to vector<16xi32>
    %add3A_2108 = arith.addi %add3A_2056, %add3A_2107 : vector<16xi32>
    %swap3A_2109 = arith.constant 3040 : index
    %swap3A_2110 = tpu.vector_load %arg6[%swap3A_2109] {strides = array<i32>} : memref<4096xi32, #tpu.memory_space<vmem>>, vector<16xi32>,
    %swap3A_2111 = vector.shape_cast %swap3A_2110 : vector<16xi32> to vector<16xi32>
    %swap3A_2112 = vector.shape_cast %add3A_2108 : vector<16xi32> to vector<16xi32>
    tpu.vector_store %arg6[%swap3A_2109], %swap3A_2112 {strides = array<i32>} : memref<4096xi32, #tpu.memory_space<vmem>>, vector<16xi32>,
    %get3A_2113 = arith.constant 2 : i32
    %get3A_2114 = arith.constant 0 : i32
    %get3A_2115 = arith.index_cast %get3A_2113 : i32 to index
    %get3A_2116 = arith.index_cast %get3A_2114 : i32 to index
    %get3A_2117 = arith.constant 112 : index
    %get3A_2118 = tpu.vector_load %arg5[%get3A_2115, %get3A_2116, %get3A_2117] {strides = array<i32>} : memref<4x2x128xf32, #tpu.memory_space<vmem>>, vector<1x1x16xf32>,
    %get3A_2119 = vector.shape_cast %get3A_2118 : vector<1x1x16xf32> to vector<16xf32>
    %convert_element_type3A_2120 = arith.fptosi %get3A_2119 : vector<16xf32> to vector<16xi32>
    %get3A_2121 = arith.constant 2 : i32
    %get3A_2122 = arith.constant 1 : i32
    %get3A_2123 = arith.index_cast %get3A_2121 : i32 to index
    %get3A_2124 = arith.index_cast %get3A_2122 : i32 to index
    %get3A_2125 = arith.constant 112 : index
    %get3A_2126 = tpu.vector_load %arg5[%get3A_2123, %get3A_2124, %get3A_2125] {strides = array<i32>} : memref<4x2x128xf32, #tpu.memory_space<vmem>>, vector<1x1x16xf32>,
    %get3A_2127 = vector.shape_cast %get3A_2126 : vector<1x1x16xf32> to vector<16xf32>
    %convert_element_type3A_2128 = arith.fptosi %get3A_2127 : vector<16xf32> to vector<16xi32>
    %mul3A_2129 = arith.constant 73856093 : i32
    %mul3A_2130 = vector.broadcast %mul3A_2129 : i32 to vector<16xi32>
    %mul3A_2131 = arith.muli %convert_element_type3A_2120, %mul3A_2130 : vector<16xi32>
    %mul3A_2132 = arith.constant 19349663 : i32
    %mul3A_2133 = vector.broadcast %mul3A_2132 : i32 to vector<16xi32>
    %mul3A_2134 = arith.muli %convert_element_type3A_2128, %mul3A_2133 : vector<16xi32>
    %xor3A_2135 = arith.xori %mul3A_2131, %mul3A_2134 : vector<16xi32>
    %and3A_2136 = arith.constant 1048575 : i32
    %and3A_2137 = vector.broadcast %and3A_2136 : i32 to vector<16xi32>
    %and3A_2138 = arith.andi %xor3A_2135, %and3A_2137 : vector<16xi32>
    %shift_right_arithmetic3A_2139 = arith.constant 7 : i32
    %shift_right_arithmetic3A_2140 = vector.broadcast %shift_right_arithmetic3A_2139 : i32 to vector<16xi32>
    %shift_right_arithmetic3A_2141 = arith.shrsi %and3A_2138, %shift_right_arithmetic3A_2140 : vector<16xi32>
    %mul3A_2142 = arith.constant 1024 : i32
    %mul3A_2143 = vector.broadcast %mul3A_2142 : i32 to vector<16xi32>
    %mul3A_2144 = arith.muli %shift_right_arithmetic3A_2141, %mul3A_2143 : vector<16xi32>
    %and3A_2145 = arith.constant 127 : i32
    %and3A_2146 = vector.broadcast %and3A_2145 : i32 to vector<16xi32>
    %and3A_2147 = arith.andi %and3A_2138, %and3A_2146 : vector<16xi32>
    %add3A_2148 = arith.addi %mul3A_2144, %and3A_2147 : vector<16xi32>
    %add3A_2149 = arith.constant 0 : i32
    %add3A_2150 = vector.broadcast %add3A_2149 : i32 to vector<16xi32>
    %add3A_2151 = arith.addi %add3A_2148, %add3A_2150 : vector<16xi32>
    %swap3A_2152 = arith.constant 2160 : index
    %swap3A_2153 = tpu.vector_load %arg6[%swap3A_2152] {strides = array<i32>} : memref<4096xi32, #tpu.memory_space<vmem>>, vector<16xi32>,
    %swap3A_2154 = vector.shape_cast %swap3A_2153 : vector<16xi32> to vector<16xi32>
    %swap3A_2155 = vector.shape_cast %add3A_2151 : vector<16xi32> to vector<16xi32>
    tpu.vector_store %arg6[%swap3A_2152], %swap3A_2155 {strides = array<i32>} : memref<4096xi32, #tpu.memory_space<vmem>>, vector<16xi32>,
    %add3A_2156 = arith.constant 128 : i32
    %add3A_2157 = vector.broadcast %add3A_2156 : i32 to vector<16xi32>
    %add3A_2158 = arith.addi %add3A_2148, %add3A_2157 : vector<16xi32>
    %swap3A_2159 = arith.constant 2288 : index
    %swap3A_2160 = tpu.vector_load %arg6[%swap3A_2159] {strides = array<i32>} : memref<4096xi32, #tpu.memory_space<vmem>>, vector<16xi32>,
    %swap3A_2161 = vector.shape_cast %swap3A_2160 : vector<16xi32> to vector<16xi32>
    %swap3A_2162 = vector.shape_cast %add3A_2158 : vector<16xi32> to vector<16xi32>
    tpu.vector_store %arg6[%swap3A_2159], %swap3A_2162 {strides = array<i32>} : memref<4096xi32, #tpu.memory_space<vmem>>, vector<16xi32>,
    %add3A_2163 = arith.constant 256 : i32
    %add3A_2164 = vector.broadcast %add3A_2163 : i32 to vector<16xi32>
    %add3A_2165 = arith.addi %add3A_2148, %add3A_2164 : vector<16xi32>
    %swap3A_2166 = arith.constant 2416 : index
    %swap3A_2167 = tpu.vector_load %arg6[%swap3A_2166] {strides = array<i32>} : memref<4096xi32, #tpu.memory_space<vmem>>, vector<16xi32>,
    %swap3A_2168 = vector.shape_cast %swap3A_2167 : vector<16xi32> to vector<16xi32>
    %swap3A_2169 = vector.shape_cast %add3A_2165 : vector<16xi32> to vector<16xi32>
    tpu.vector_store %arg6[%swap3A_2166], %swap3A_2169 {strides = array<i32>} : memref<4096xi32, #tpu.memory_space<vmem>>, vector<16xi32>,
    %add3A_2170 = arith.constant 384 : i32
    %add3A_2171 = vector.broadcast %add3A_2170 : i32 to vector<16xi32>
    %add3A_2172 = arith.addi %add3A_2148, %add3A_2171 : vector<16xi32>
    %swap3A_2173 = arith.constant 2544 : index
    %swap3A_2174 = tpu.vector_load %arg6[%swap3A_2173] {strides = array<i32>} : memref<4096xi32, #tpu.memory_space<vmem>>, vector<16xi32>,
    %swap3A_2175 = vector.shape_cast %swap3A_2174 : vector<16xi32> to vector<16xi32>
    %swap3A_2176 = vector.shape_cast %add3A_2172 : vector<16xi32> to vector<16xi32>
    tpu.vector_store %arg6[%swap3A_2173], %swap3A_2176 {strides = array<i32>} : memref<4096xi32, #tpu.memory_space<vmem>>, vector<16xi32>,
    %add3A_2177 = arith.constant 512 : i32
    %add3A_2178 = vector.broadcast %add3A_2177 : i32 to vector<16xi32>
    %add3A_2179 = arith.addi %add3A_2148, %add3A_2178 : vector<16xi32>
    %swap3A_2180 = arith.constant 2672 : index
    %swap3A_2181 = tpu.vector_load %arg6[%swap3A_2180] {strides = array<i32>} : memref<4096xi32, #tpu.memory_space<vmem>>, vector<16xi32>,
    %swap3A_2182 = vector.shape_cast %swap3A_2181 : vector<16xi32> to vector<16xi32>
    %swap3A_2183 = vector.shape_cast %add3A_2179 : vector<16xi32> to vector<16xi32>
    tpu.vector_store %arg6[%swap3A_2180], %swap3A_2183 {strides = array<i32>} : memref<4096xi32, #tpu.memory_space<vmem>>, vector<16xi32>,
    %add3A_2184 = arith.constant 640 : i32
    %add3A_2185 = vector.broadcast %add3A_2184 : i32 to vector<16xi32>
    %add3A_2186 = arith.addi %add3A_2148, %add3A_2185 : vector<16xi32>
    %swap3A_2187 = arith.constant 2800 : index
    %swap3A_2188 = tpu.vector_load %arg6[%swap3A_2187] {strides = array<i32>} : memref<4096xi32, #tpu.memory_space<vmem>>, vector<16xi32>,
    %swap3A_2189 = vector.shape_cast %swap3A_2188 : vector<16xi32> to vector<16xi32>
    %swap3A_2190 = vector.shape_cast %add3A_2186 : vector<16xi32> to vector<16xi32>
    tpu.vector_store %arg6[%swap3A_2187], %swap3A_2190 {strides = array<i32>} : memref<4096xi32, #tpu.memory_space<vmem>>, vector<16xi32>,
    %add3A_2191 = arith.constant 768 : i32
    %add3A_2192 = vector.broadcast %add3A_2191 : i32 to vector<16xi32>
    %add3A_2193 = arith.addi %add3A_2148, %add3A_2192 : vector<16xi32>
    %swap3A_2194 = arith.constant 2928 : index
    %swap3A_2195 = tpu.vector_load %arg6[%swap3A_2194] {strides = array<i32>} : memref<4096xi32, #tpu.memory_space<vmem>>, vector<16xi32>,
    %swap3A_2196 = vector.shape_cast %swap3A_2195 : vector<16xi32> to vector<16xi32>
    %swap3A_2197 = vector.shape_cast %add3A_2193 : vector<16xi32> to vector<16xi32>
    tpu.vector_store %arg6[%swap3A_2194], %swap3A_2197 {strides = array<i32>} : memref<4096xi32, #tpu.memory_space<vmem>>, vector<16xi32>,
    %add3A_2198 = arith.constant 896 : i32
    %add3A_2199 = vector.broadcast %add3A_2198 : i32 to vector<16xi32>
    %add3A_2200 = arith.addi %add3A_2148, %add3A_2199 : vector<16xi32>
    %swap3A_2201 = arith.constant 3056 : index
    %swap3A_2202 = tpu.vector_load %arg6[%swap3A_2201] {strides = array<i32>} : memref<4096xi32, #tpu.memory_space<vmem>>, vector<16xi32>,
    %swap3A_2203 = vector.shape_cast %swap3A_2202 : vector<16xi32> to vector<16xi32>
    %swap3A_2204 = vector.shape_cast %add3A_2200 : vector<16xi32> to vector<16xi32>
    tpu.vector_store %arg6[%swap3A_2201], %swap3A_2204 {strides = array<i32>} : memref<4096xi32, #tpu.memory_space<vmem>>, vector<16xi32>,
    %get3A_2205 = arith.constant 3 : i32
    %get3A_2206 = arith.constant 0 : i32
    %get3A_2207 = arith.index_cast %get3A_2205 : i32 to index
    %get3A_2208 = arith.index_cast %get3A_2206 : i32 to index
    %get3A_2209 = arith.constant 0 : index
    %get3A_2210 = tpu.vector_load %arg5[%get3A_2207, %get3A_2208, %get3A_2209] {strides = array<i32>} : memref<4x2x128xf32, #tpu.memory_space<vmem>>, vector<1x1x16xf32>,
    %get3A_2211 = vector.shape_cast %get3A_2210 : vector<1x1x16xf32> to vector<16xf32>
    %convert_element_type3A_2212 = arith.fptosi %get3A_2211 : vector<16xf32> to vector<16xi32>
    %get3A_2213 = arith.constant 3 : i32
    %get3A_2214 = arith.constant 1 : i32
    %get3A_2215 = arith.index_cast %get3A_2213 : i32 to index
    %get3A_2216 = arith.index_cast %get3A_2214 : i32 to index
    %get3A_2217 = arith.constant 0 : index
    %get3A_2218 = tpu.vector_load %arg5[%get3A_2215, %get3A_2216, %get3A_2217] {strides = array<i32>} : memref<4x2x128xf32, #tpu.memory_space<vmem>>, vector<1x1x16xf32>,
    %get3A_2219 = vector.shape_cast %get3A_2218 : vector<1x1x16xf32> to vector<16xf32>
    %convert_element_type3A_2220 = arith.fptosi %get3A_2219 : vector<16xf32> to vector<16xi32>
    %mul3A_2221 = arith.constant 73856093 : i32
    %mul3A_2222 = vector.broadcast %mul3A_2221 : i32 to vector<16xi32>
    %mul3A_2223 = arith.muli %convert_element_type3A_2212, %mul3A_2222 : vector<16xi32>
    %mul3A_2224 = arith.constant 19349663 : i32
    %mul3A_2225 = vector.broadcast %mul3A_2224 : i32 to vector<16xi32>
    %mul3A_2226 = arith.muli %convert_element_type3A_2220, %mul3A_2225 : vector<16xi32>
    %xor3A_2227 = arith.xori %mul3A_2223, %mul3A_2226 : vector<16xi32>
    %and3A_2228 = arith.constant 1048575 : i32
    %and3A_2229 = vector.broadcast %and3A_2228 : i32 to vector<16xi32>
    %and3A_2230 = arith.andi %xor3A_2227, %and3A_2229 : vector<16xi32>
    %shift_right_arithmetic3A_2231 = arith.constant 7 : i32
    %shift_right_arithmetic3A_2232 = vector.broadcast %shift_right_arithmetic3A_2231 : i32 to vector<16xi32>
    %shift_right_arithmetic3A_2233 = arith.shrsi %and3A_2230, %shift_right_arithmetic3A_2232 : vector<16xi32>
    %mul3A_2234 = arith.constant 1024 : i32
    %mul3A_2235 = vector.broadcast %mul3A_2234 : i32 to vector<16xi32>
    %mul3A_2236 = arith.muli %shift_right_arithmetic3A_2233, %mul3A_2235 : vector<16xi32>
    %and3A_2237 = arith.constant 127 : i32
    %and3A_2238 = vector.broadcast %and3A_2237 : i32 to vector<16xi32>
    %and3A_2239 = arith.andi %and3A_2230, %and3A_2238 : vector<16xi32>
    %add3A_2240 = arith.addi %mul3A_2236, %and3A_2239 : vector<16xi32>
    %add3A_2241 = arith.constant 0 : i32
    %add3A_2242 = vector.broadcast %add3A_2241 : i32 to vector<16xi32>
    %add3A_2243 = arith.addi %add3A_2240, %add3A_2242 : vector<16xi32>
    %swap3A_2244 = arith.constant 3072 : index
    %swap3A_2245 = tpu.vector_load %arg6[%swap3A_2244] {strides = array<i32>} : memref<4096xi32, #tpu.memory_space<vmem>>, vector<16xi32>,
    %swap3A_2246 = vector.shape_cast %swap3A_2245 : vector<16xi32> to vector<16xi32>
    %swap3A_2247 = vector.shape_cast %add3A_2243 : vector<16xi32> to vector<16xi32>
    tpu.vector_store %arg6[%swap3A_2244], %swap3A_2247 {strides = array<i32>} : memref<4096xi32, #tpu.memory_space<vmem>>, vector<16xi32>,
    %add3A_2248 = arith.constant 128 : i32
    %add3A_2249 = vector.broadcast %add3A_2248 : i32 to vector<16xi32>
    %add3A_2250 = arith.addi %add3A_2240, %add3A_2249 : vector<16xi32>
    %swap3A_2251 = arith.constant 3200 : index
    %swap3A_2252 = tpu.vector_load %arg6[%swap3A_2251] {strides = array<i32>} : memref<4096xi32, #tpu.memory_space<vmem>>, vector<16xi32>,
    %swap3A_2253 = vector.shape_cast %swap3A_2252 : vector<16xi32> to vector<16xi32>
    %swap3A_2254 = vector.shape_cast %add3A_2250 : vector<16xi32> to vector<16xi32>
    tpu.vector_store %arg6[%swap3A_2251], %swap3A_2254 {strides = array<i32>} : memref<4096xi32, #tpu.memory_space<vmem>>, vector<16xi32>,
    %add3A_2255 = arith.constant 256 : i32
    %add3A_2256 = vector.broadcast %add3A_2255 : i32 to vector<16xi32>
    %add3A_2257 = arith.addi %add3A_2240, %add3A_2256 : vector<16xi32>
    %swap3A_2258 = arith.constant 3328 : index
    %swap3A_2259 = tpu.vector_load %arg6[%swap3A_2258] {strides = array<i32>} : memref<4096xi32, #tpu.memory_space<vmem>>, vector<16xi32>,
    %swap3A_2260 = vector.shape_cast %swap3A_2259 : vector<16xi32> to vector<16xi32>
    %swap3A_2261 = vector.shape_cast %add3A_2257 : vector<16xi32> to vector<16xi32>
    tpu.vector_store %arg6[%swap3A_2258], %swap3A_2261 {strides = array<i32>} : memref<4096xi32, #tpu.memory_space<vmem>>, vector<16xi32>,
    %add3A_2262 = arith.constant 384 : i32
    %add3A_2263 = vector.broadcast %add3A_2262 : i32 to vector<16xi32>
    %add3A_2264 = arith.addi %add3A_2240, %add3A_2263 : vector<16xi32>
    %swap3A_2265 = arith.constant 3456 : index
    %swap3A_2266 = tpu.vector_load %arg6[%swap3A_2265] {strides = array<i32>} : memref<4096xi32, #tpu.memory_space<vmem>>, vector<16xi32>,
    %swap3A_2267 = vector.shape_cast %swap3A_2266 : vector<16xi32> to vector<16xi32>
    %swap3A_2268 = vector.shape_cast %add3A_2264 : vector<16xi32> to vector<16xi32>
    tpu.vector_store %arg6[%swap3A_2265], %swap3A_2268 {strides = array<i32>} : memref<4096xi32, #tpu.memory_space<vmem>>, vector<16xi32>,
    %add3A_2269 = arith.constant 512 : i32
    %add3A_2270 = vector.broadcast %add3A_2269 : i32 to vector<16xi32>
    %add3A_2271 = arith.addi %add3A_2240, %add3A_2270 : vector<16xi32>
    %swap3A_2272 = arith.constant 3584 : index
    %swap3A_2273 = tpu.vector_load %arg6[%swap3A_2272] {strides = array<i32>} : memref<4096xi32, #tpu.memory_space<vmem>>, vector<16xi32>,
    %swap3A_2274 = vector.shape_cast %swap3A_2273 : vector<16xi32> to vector<16xi32>
    %swap3A_2275 = vector.shape_cast %add3A_2271 : vector<16xi32> to vector<16xi32>
    tpu.vector_store %arg6[%swap3A_2272], %swap3A_2275 {strides = array<i32>} : memref<4096xi32, #tpu.memory_space<vmem>>, vector<16xi32>,
    %add3A_2276 = arith.constant 640 : i32
    %add3A_2277 = vector.broadcast %add3A_2276 : i32 to vector<16xi32>
    %add3A_2278 = arith.addi %add3A_2240, %add3A_2277 : vector<16xi32>
    %swap3A_2279 = arith.constant 3712 : index
    %swap3A_2280 = tpu.vector_load %arg6[%swap3A_2279] {strides = array<i32>} : memref<4096xi32, #tpu.memory_space<vmem>>, vector<16xi32>,
    %swap3A_2281 = vector.shape_cast %swap3A_2280 : vector<16xi32> to vector<16xi32>
    %swap3A_2282 = vector.shape_cast %add3A_2278 : vector<16xi32> to vector<16xi32>
    tpu.vector_store %arg6[%swap3A_2279], %swap3A_2282 {strides = array<i32>} : memref<4096xi32, #tpu.memory_space<vmem>>, vector<16xi32>,
    %add3A_2283 = arith.constant 768 : i32
    %add3A_2284 = vector.broadcast %add3A_2283 : i32 to vector<16xi32>
    %add3A_2285 = arith.addi %add3A_2240, %add3A_2284 : vector<16xi32>
    %swap3A_2286 = arith.constant 3840 : index
    %swap3A_2287 = tpu.vector_load %arg6[%swap3A_2286] {strides = array<i32>} : memref<4096xi32, #tpu.memory_space<vmem>>, vector<16xi32>,
    %swap3A_2288 = vector.shape_cast %swap3A_2287 : vector<16xi32> to vector<16xi32>
    %swap3A_2289 = vector.shape_cast %add3A_2285 : vector<16xi32> to vector<16xi32>
    tpu.vector_store %arg6[%swap3A_2286], %swap3A_2289 {strides = array<i32>} : memref<4096xi32, #tpu.memory_space<vmem>>, vector<16xi32>,
    %add3A_2290 = arith.constant 896 : i32
    %add3A_2291 = vector.broadcast %add3A_2290 : i32 to vector<16xi32>
    %add3A_2292 = arith.addi %add3A_2240, %add3A_2291 : vector<16xi32>
    %swap3A_2293 = arith.constant 3968 : index
    %swap3A_2294 = tpu.vector_load %arg6[%swap3A_2293] {strides = array<i32>} : memref<4096xi32, #tpu.memory_space<vmem>>, vector<16xi32>,
    %swap3A_2295 = vector.shape_cast %swap3A_2294 : vector<16xi32> to vector<16xi32>
    %swap3A_2296 = vector.shape_cast %add3A_2292 : vector<16xi32> to vector<16xi32>
    tpu.vector_store %arg6[%swap3A_2293], %swap3A_2296 {strides = array<i32>} : memref<4096xi32, #tpu.memory_space<vmem>>, vector<16xi32>,
    %get3A_2297 = arith.constant 3 : i32
    %get3A_2298 = arith.constant 0 : i32
    %get3A_2299 = arith.index_cast %get3A_2297 : i32 to index
    %get3A_2300 = arith.index_cast %get3A_2298 : i32 to index
    %get3A_2301 = arith.constant 16 : index
    %get3A_2302 = tpu.vector_load %arg5[%get3A_2299, %get3A_2300, %get3A_2301] {strides = array<i32>} : memref<4x2x128xf32, #tpu.memory_space<vmem>>, vector<1x1x16xf32>,
    %get3A_2303 = vector.shape_cast %get3A_2302 : vector<1x1x16xf32> to vector<16xf32>
    %convert_element_type3A_2304 = arith.fptosi %get3A_2303 : vector<16xf32> to vector<16xi32>
    %get3A_2305 = arith.constant 3 : i32
    %get3A_2306 = arith.constant 1 : i32
    %get3A_2307 = arith.index_cast %get3A_2305 : i32 to index
    %get3A_2308 = arith.index_cast %get3A_2306 : i32 to index
    %get3A_2309 = arith.constant 16 : index
    %get3A_2310 = tpu.vector_load %arg5[%get3A_2307, %get3A_2308, %get3A_2309] {strides = array<i32>} : memref<4x2x128xf32, #tpu.memory_space<vmem>>, vector<1x1x16xf32>,
    %get3A_2311 = vector.shape_cast %get3A_2310 : vector<1x1x16xf32> to vector<16xf32>
    %convert_element_type3A_2312 = arith.fptosi %get3A_2311 : vector<16xf32> to vector<16xi32>
    %mul3A_2313 = arith.constant 73856093 : i32
    %mul3A_2314 = vector.broadcast %mul3A_2313 : i32 to vector<16xi32>
    %mul3A_2315 = arith.muli %convert_element_type3A_2304, %mul3A_2314 : vector<16xi32>
    %mul3A_2316 = arith.constant 19349663 : i32
    %mul3A_2317 = vector.broadcast %mul3A_2316 : i32 to vector<16xi32>
    %mul3A_2318 = arith.muli %convert_element_type3A_2312, %mul3A_2317 : vector<16xi32>
    %xor3A_2319 = arith.xori %mul3A_2315, %mul3A_2318 : vector<16xi32>
    %and3A_2320 = arith.constant 1048575 : i32
    %and3A_2321 = vector.broadcast %and3A_2320 : i32 to vector<16xi32>
    %and3A_2322 = arith.andi %xor3A_2319, %and3A_2321 : vector<16xi32>
    %shift_right_arithmetic3A_2323 = arith.constant 7 : i32
    %shift_right_arithmetic3A_2324 = vector.broadcast %shift_right_arithmetic3A_2323 : i32 to vector<16xi32>
    %shift_right_arithmetic3A_2325 = arith.shrsi %and3A_2322, %shift_right_arithmetic3A_2324 : vector<16xi32>
    %mul3A_2326 = arith.constant 1024 : i32
    %mul3A_2327 = vector.broadcast %mul3A_2326 : i32 to vector<16xi32>
    %mul3A_2328 = arith.muli %shift_right_arithmetic3A_2325, %mul3A_2327 : vector<16xi32>
    %and3A_2329 = arith.constant 127 : i32
    %and3A_2330 = vector.broadcast %and3A_2329 : i32 to vector<16xi32>
    %and3A_2331 = arith.andi %and3A_2322, %and3A_2330 : vector<16xi32>
    %add3A_2332 = arith.addi %mul3A_2328, %and3A_2331 : vector<16xi32>
    %add3A_2333 = arith.constant 0 : i32
    %add3A_2334 = vector.broadcast %add3A_2333 : i32 to vector<16xi32>
    %add3A_2335 = arith.addi %add3A_2332, %add3A_2334 : vector<16xi32>
    %swap3A_2336 = arith.constant 3088 : index
    %swap3A_2337 = tpu.vector_load %arg6[%swap3A_2336] {strides = array<i32>} : memref<4096xi32, #tpu.memory_space<vmem>>, vector<16xi32>,
    %swap3A_2338 = vector.shape_cast %swap3A_2337 : vector<16xi32> to vector<16xi32>
    %swap3A_2339 = vector.shape_cast %add3A_2335 : vector<16xi32> to vector<16xi32>
    tpu.vector_store %arg6[%swap3A_2336], %swap3A_2339 {strides = array<i32>} : memref<4096xi32, #tpu.memory_space<vmem>>, vector<16xi32>,
    %add3A_2340 = arith.constant 128 : i32
    %add3A_2341 = vector.broadcast %add3A_2340 : i32 to vector<16xi32>
    %add3A_2342 = arith.addi %add3A_2332, %add3A_2341 : vector<16xi32>
    %swap3A_2343 = arith.constant 3216 : index
    %swap3A_2344 = tpu.vector_load %arg6[%swap3A_2343] {strides = array<i32>} : memref<4096xi32, #tpu.memory_space<vmem>>, vector<16xi32>,
    %swap3A_2345 = vector.shape_cast %swap3A_2344 : vector<16xi32> to vector<16xi32>
    %swap3A_2346 = vector.shape_cast %add3A_2342 : vector<16xi32> to vector<16xi32>
    tpu.vector_store %arg6[%swap3A_2343], %swap3A_2346 {strides = array<i32>} : memref<4096xi32, #tpu.memory_space<vmem>>, vector<16xi32>,
    %add3A_2347 = arith.constant 256 : i32
    %add3A_2348 = vector.broadcast %add3A_2347 : i32 to vector<16xi32>
    %add3A_2349 = arith.addi %add3A_2332, %add3A_2348 : vector<16xi32>
    %swap3A_2350 = arith.constant 3344 : index
    %swap3A_2351 = tpu.vector_load %arg6[%swap3A_2350] {strides = array<i32>} : memref<4096xi32, #tpu.memory_space<vmem>>, vector<16xi32>,
    %swap3A_2352 = vector.shape_cast %swap3A_2351 : vector<16xi32> to vector<16xi32>
    %swap3A_2353 = vector.shape_cast %add3A_2349 : vector<16xi32> to vector<16xi32>
    tpu.vector_store %arg6[%swap3A_2350], %swap3A_2353 {strides = array<i32>} : memref<4096xi32, #tpu.memory_space<vmem>>, vector<16xi32>,
    %add3A_2354 = arith.constant 384 : i32
    %add3A_2355 = vector.broadcast %add3A_2354 : i32 to vector<16xi32>
    %add3A_2356 = arith.addi %add3A_2332, %add3A_2355 : vector<16xi32>
    %swap3A_2357 = arith.constant 3472 : index
    %swap3A_2358 = tpu.vector_load %arg6[%swap3A_2357] {strides = array<i32>} : memref<4096xi32, #tpu.memory_space<vmem>>, vector<16xi32>,
    %swap3A_2359 = vector.shape_cast %swap3A_2358 : vector<16xi32> to vector<16xi32>
    %swap3A_2360 = vector.shape_cast %add3A_2356 : vector<16xi32> to vector<16xi32>
    tpu.vector_store %arg6[%swap3A_2357], %swap3A_2360 {strides = array<i32>} : memref<4096xi32, #tpu.memory_space<vmem>>, vector<16xi32>,
    %add3A_2361 = arith.constant 512 : i32
    %add3A_2362 = vector.broadcast %add3A_2361 : i32 to vector<16xi32>
    %add3A_2363 = arith.addi %add3A_2332, %add3A_2362 : vector<16xi32>
    %swap3A_2364 = arith.constant 3600 : index
    %swap3A_2365 = tpu.vector_load %arg6[%swap3A_2364] {strides = array<i32>} : memref<4096xi32, #tpu.memory_space<vmem>>, vector<16xi32>,
    %swap3A_2366 = vector.shape_cast %swap3A_2365 : vector<16xi32> to vector<16xi32>
    %swap3A_2367 = vector.shape_cast %add3A_2363 : vector<16xi32> to vector<16xi32>
    tpu.vector_store %arg6[%swap3A_2364], %swap3A_2367 {strides = array<i32>} : memref<4096xi32, #tpu.memory_space<vmem>>, vector<16xi32>,
    %add3A_2368 = arith.constant 640 : i32
    %add3A_2369 = vector.broadcast %add3A_2368 : i32 to vector<16xi32>
    %add3A_2370 = arith.addi %add3A_2332, %add3A_2369 : vector<16xi32>
    %swap3A_2371 = arith.constant 3728 : index
    %swap3A_2372 = tpu.vector_load %arg6[%swap3A_2371] {strides = array<i32>} : memref<4096xi32, #tpu.memory_space<vmem>>, vector<16xi32>,
    %swap3A_2373 = vector.shape_cast %swap3A_2372 : vector<16xi32> to vector<16xi32>
    %swap3A_2374 = vector.shape_cast %add3A_2370 : vector<16xi32> to vector<16xi32>
    tpu.vector_store %arg6[%swap3A_2371], %swap3A_2374 {strides = array<i32>} : memref<4096xi32, #tpu.memory_space<vmem>>, vector<16xi32>,
    %add3A_2375 = arith.constant 768 : i32
    %add3A_2376 = vector.broadcast %add3A_2375 : i32 to vector<16xi32>
    %add3A_2377 = arith.addi %add3A_2332, %add3A_2376 : vector<16xi32>
    %swap3A_2378 = arith.constant 3856 : index
    %swap3A_2379 = tpu.vector_load %arg6[%swap3A_2378] {strides = array<i32>} : memref<4096xi32, #tpu.memory_space<vmem>>, vector<16xi32>,
    %swap3A_2380 = vector.shape_cast %swap3A_2379 : vector<16xi32> to vector<16xi32>
    %swap3A_2381 = vector.shape_cast %add3A_2377 : vector<16xi32> to vector<16xi32>
    tpu.vector_store %arg6[%swap3A_2378], %swap3A_2381 {strides = array<i32>} : memref<4096xi32, #tpu.memory_space<vmem>>, vector<16xi32>,
    %add3A_2382 = arith.constant 896 : i32
    %add3A_2383 = vector.broadcast %add3A_2382 : i32 to vector<16xi32>
    %add3A_2384 = arith.addi %add3A_2332, %add3A_2383 : vector<16xi32>
    %swap3A_2385 = arith.constant 3984 : index
    %swap3A_2386 = tpu.vector_load %arg6[%swap3A_2385] {strides = array<i32>} : memref<4096xi32, #tpu.memory_space<vmem>>, vector<16xi32>,
    %swap3A_2387 = vector.shape_cast %swap3A_2386 : vector<16xi32> to vector<16xi32>
    %swap3A_2388 = vector.shape_cast %add3A_2384 : vector<16xi32> to vector<16xi32>
    tpu.vector_store %arg6[%swap3A_2385], %swap3A_2388 {strides = array<i32>} : memref<4096xi32, #tpu.memory_space<vmem>>, vector<16xi32>,
    %get3A_2389 = arith.constant 3 : i32
    %get3A_2390 = arith.constant 0 : i32
    %get3A_2391 = arith.index_cast %get3A_2389 : i32 to index
    %get3A_2392 = arith.index_cast %get3A_2390 : i32 to index
    %get3A_2393 = arith.constant 32 : index
    %get3A_2394 = tpu.vector_load %arg5[%get3A_2391, %get3A_2392, %get3A_2393] {strides = array<i32>} : memref<4x2x128xf32, #tpu.memory_space<vmem>>, vector<1x1x16xf32>,
    %get3A_2395 = vector.shape_cast %get3A_2394 : vector<1x1x16xf32> to vector<16xf32>
    %convert_element_type3A_2396 = arith.fptosi %get3A_2395 : vector<16xf32> to vector<16xi32>
    %get3A_2397 = arith.constant 3 : i32
    %get3A_2398 = arith.constant 1 : i32
    %get3A_2399 = arith.index_cast %get3A_2397 : i32 to index
    %get3A_2400 = arith.index_cast %get3A_2398 : i32 to index
    %get3A_2401 = arith.constant 32 : index
    %get3A_2402 = tpu.vector_load %arg5[%get3A_2399, %get3A_2400, %get3A_2401] {strides = array<i32>} : memref<4x2x128xf32, #tpu.memory_space<vmem>>, vector<1x1x16xf32>,
    %get3A_2403 = vector.shape_cast %get3A_2402 : vector<1x1x16xf32> to vector<16xf32>
    %convert_element_type3A_2404 = arith.fptosi %get3A_2403 : vector<16xf32> to vector<16xi32>
    %mul3A_2405 = arith.constant 73856093 : i32
    %mul3A_2406 = vector.broadcast %mul3A_2405 : i32 to vector<16xi32>
    %mul3A_2407 = arith.muli %convert_element_type3A_2396, %mul3A_2406 : vector<16xi32>
    %mul3A_2408 = arith.constant 19349663 : i32
    %mul3A_2409 = vector.broadcast %mul3A_2408 : i32 to vector<16xi32>
    %mul3A_2410 = arith.muli %convert_element_type3A_2404, %mul3A_2409 : vector<16xi32>
    %xor3A_2411 = arith.xori %mul3A_2407, %mul3A_2410 : vector<16xi32>
    %and3A_2412 = arith.constant 1048575 : i32
    %and3A_2413 = vector.broadcast %and3A_2412 : i32 to vector<16xi32>
    %and3A_2414 = arith.andi %xor3A_2411, %and3A_2413 : vector<16xi32>
    %shift_right_arithmetic3A_2415 = arith.constant 7 : i32
    %shift_right_arithmetic3A_2416 = vector.broadcast %shift_right_arithmetic3A_2415 : i32 to vector<16xi32>
    %shift_right_arithmetic3A_2417 = arith.shrsi %and3A_2414, %shift_right_arithmetic3A_2416 : vector<16xi32>
    %mul3A_2418 = arith.constant 1024 : i32
    %mul3A_2419 = vector.broadcast %mul3A_2418 : i32 to vector<16xi32>
    %mul3A_2420 = arith.muli %shift_right_arithmetic3A_2417, %mul3A_2419 : vector<16xi32>
    %and3A_2421 = arith.constant 127 : i32
    %and3A_2422 = vector.broadcast %and3A_2421 : i32 to vector<16xi32>
    %and3A_2423 = arith.andi %and3A_2414, %and3A_2422 : vector<16xi32>
    %add3A_2424 = arith.addi %mul3A_2420, %and3A_2423 : vector<16xi32>
    %add3A_2425 = arith.constant 0 : i32
    %add3A_2426 = vector.broadcast %add3A_2425 : i32 to vector<16xi32>
    %add3A_2427 = arith.addi %add3A_2424, %add3A_2426 : vector<16xi32>
    %swap3A_2428 = arith.constant 3104 : index
    %swap3A_2429 = tpu.vector_load %arg6[%swap3A_2428] {strides = array<i32>} : memref<4096xi32, #tpu.memory_space<vmem>>, vector<16xi32>,
    %swap3A_2430 = vector.shape_cast %swap3A_2429 : vector<16xi32> to vector<16xi32>
    %swap3A_2431 = vector.shape_cast %add3A_2427 : vector<16xi32> to vector<16xi32>
    tpu.vector_store %arg6[%swap3A_2428], %swap3A_2431 {strides = array<i32>} : memref<4096xi32, #tpu.memory_space<vmem>>, vector<16xi32>,
    %add3A_2432 = arith.constant 128 : i32
    %add3A_2433 = vector.broadcast %add3A_2432 : i32 to vector<16xi32>
    %add3A_2434 = arith.addi %add3A_2424, %add3A_2433 : vector<16xi32>
    %swap3A_2435 = arith.constant 3232 : index
    %swap3A_2436 = tpu.vector_load %arg6[%swap3A_2435] {strides = array<i32>} : memref<4096xi32, #tpu.memory_space<vmem>>, vector<16xi32>,
    %swap3A_2437 = vector.shape_cast %swap3A_2436 : vector<16xi32> to vector<16xi32>
    %swap3A_2438 = vector.shape_cast %add3A_2434 : vector<16xi32> to vector<16xi32>
    tpu.vector_store %arg6[%swap3A_2435], %swap3A_2438 {strides = array<i32>} : memref<4096xi32, #tpu.memory_space<vmem>>, vector<16xi32>,
    %add3A_2439 = arith.constant 256 : i32
    %add3A_2440 = vector.broadcast %add3A_2439 : i32 to vector<16xi32>
    %add3A_2441 = arith.addi %add3A_2424, %add3A_2440 : vector<16xi32>
    %swap3A_2442 = arith.constant 3360 : index
    %swap3A_2443 = tpu.vector_load %arg6[%swap3A_2442] {strides = array<i32>} : memref<4096xi32, #tpu.memory_space<vmem>>, vector<16xi32>,
    %swap3A_2444 = vector.shape_cast %swap3A_2443 : vector<16xi32> to vector<16xi32>
    %swap3A_2445 = vector.shape_cast %add3A_2441 : vector<16xi32> to vector<16xi32>
    tpu.vector_store %arg6[%swap3A_2442], %swap3A_2445 {strides = array<i32>} : memref<4096xi32, #tpu.memory_space<vmem>>, vector<16xi32>,
    %add3A_2446 = arith.constant 384 : i32
    %add3A_2447 = vector.broadcast %add3A_2446 : i32 to vector<16xi32>
    %add3A_2448 = arith.addi %add3A_2424, %add3A_2447 : vector<16xi32>
    %swap3A_2449 = arith.constant 3488 : index
    %swap3A_2450 = tpu.vector_load %arg6[%swap3A_2449] {strides = array<i32>} : memref<4096xi32, #tpu.memory_space<vmem>>, vector<16xi32>,
    %swap3A_2451 = vector.shape_cast %swap3A_2450 : vector<16xi32> to vector<16xi32>
    %swap3A_2452 = vector.shape_cast %add3A_2448 : vector<16xi32> to vector<16xi32>
    tpu.vector_store %arg6[%swap3A_2449], %swap3A_2452 {strides = array<i32>} : memref<4096xi32, #tpu.memory_space<vmem>>, vector<16xi32>,
    %add3A_2453 = arith.constant 512 : i32
    %add3A_2454 = vector.broadcast %add3A_2453 : i32 to vector<16xi32>
    %add3A_2455 = arith.addi %add3A_2424, %add3A_2454 : vector<16xi32>
    %swap3A_2456 = arith.constant 3616 : index
    %swap3A_2457 = tpu.vector_load %arg6[%swap3A_2456] {strides = array<i32>} : memref<4096xi32, #tpu.memory_space<vmem>>, vector<16xi32>,
    %swap3A_2458 = vector.shape_cast %swap3A_2457 : vector<16xi32> to vector<16xi32>
    %swap3A_2459 = vector.shape_cast %add3A_2455 : vector<16xi32> to vector<16xi32>
    tpu.vector_store %arg6[%swap3A_2456], %swap3A_2459 {strides = array<i32>} : memref<4096xi32, #tpu.memory_space<vmem>>, vector<16xi32>,
    %add3A_2460 = arith.constant 640 : i32
    %add3A_2461 = vector.broadcast %add3A_2460 : i32 to vector<16xi32>
    %add3A_2462 = arith.addi %add3A_2424, %add3A_2461 : vector<16xi32>
    %swap3A_2463 = arith.constant 3744 : index
    %swap3A_2464 = tpu.vector_load %arg6[%swap3A_2463] {strides = array<i32>} : memref<4096xi32, #tpu.memory_space<vmem>>, vector<16xi32>,
    %swap3A_2465 = vector.shape_cast %swap3A_2464 : vector<16xi32> to vector<16xi32>
    %swap3A_2466 = vector.shape_cast %add3A_2462 : vector<16xi32> to vector<16xi32>
    tpu.vector_store %arg6[%swap3A_2463], %swap3A_2466 {strides = array<i32>} : memref<4096xi32, #tpu.memory_space<vmem>>, vector<16xi32>,
    %add3A_2467 = arith.constant 768 : i32
    %add3A_2468 = vector.broadcast %add3A_2467 : i32 to vector<16xi32>
    %add3A_2469 = arith.addi %add3A_2424, %add3A_2468 : vector<16xi32>
    %swap3A_2470 = arith.constant 3872 : index
    %swap3A_2471 = tpu.vector_load %arg6[%swap3A_2470] {strides = array<i32>} : memref<4096xi32, #tpu.memory_space<vmem>>, vector<16xi32>,
    %swap3A_2472 = vector.shape_cast %swap3A_2471 : vector<16xi32> to vector<16xi32>
    %swap3A_2473 = vector.shape_cast %add3A_2469 : vector<16xi32> to vector<16xi32>
    tpu.vector_store %arg6[%swap3A_2470], %swap3A_2473 {strides = array<i32>} : memref<4096xi32, #tpu.memory_space<vmem>>, vector<16xi32>,
    %add3A_2474 = arith.constant 896 : i32
    %add3A_2475 = vector.broadcast %add3A_2474 : i32 to vector<16xi32>
    %add3A_2476 = arith.addi %add3A_2424, %add3A_2475 : vector<16xi32>
    %swap3A_2477 = arith.constant 4000 : index
    %swap3A_2478 = tpu.vector_load %arg6[%swap3A_2477] {strides = array<i32>} : memref<4096xi32, #tpu.memory_space<vmem>>, vector<16xi32>,
    %swap3A_2479 = vector.shape_cast %swap3A_2478 : vector<16xi32> to vector<16xi32>
    %swap3A_2480 = vector.shape_cast %add3A_2476 : vector<16xi32> to vector<16xi32>
    tpu.vector_store %arg6[%swap3A_2477], %swap3A_2480 {strides = array<i32>} : memref<4096xi32, #tpu.memory_space<vmem>>, vector<16xi32>,
    %get3A_2481 = arith.constant 3 : i32
    %get3A_2482 = arith.constant 0 : i32
    %get3A_2483 = arith.index_cast %get3A_2481 : i32 to index
    %get3A_2484 = arith.index_cast %get3A_2482 : i32 to index
    %get3A_2485 = arith.constant 48 : index
    %get3A_2486 = tpu.vector_load %arg5[%get3A_2483, %get3A_2484, %get3A_2485] {strides = array<i32>} : memref<4x2x128xf32, #tpu.memory_space<vmem>>, vector<1x1x16xf32>,
    %get3A_2487 = vector.shape_cast %get3A_2486 : vector<1x1x16xf32> to vector<16xf32>
    %convert_element_type3A_2488 = arith.fptosi %get3A_2487 : vector<16xf32> to vector<16xi32>
    %get3A_2489 = arith.constant 3 : i32
    %get3A_2490 = arith.constant 1 : i32
    %get3A_2491 = arith.index_cast %get3A_2489 : i32 to index
    %get3A_2492 = arith.index_cast %get3A_2490 : i32 to index
    %get3A_2493 = arith.constant 48 : index
    %get3A_2494 = tpu.vector_load %arg5[%get3A_2491, %get3A_2492, %get3A_2493] {strides = array<i32>} : memref<4x2x128xf32, #tpu.memory_space<vmem>>, vector<1x1x16xf32>,
    %get3A_2495 = vector.shape_cast %get3A_2494 : vector<1x1x16xf32> to vector<16xf32>
    %convert_element_type3A_2496 = arith.fptosi %get3A_2495 : vector<16xf32> to vector<16xi32>
    %mul3A_2497 = arith.constant 73856093 : i32
    %mul3A_2498 = vector.broadcast %mul3A_2497 : i32 to vector<16xi32>
    %mul3A_2499 = arith.muli %convert_element_type3A_2488, %mul3A_2498 : vector<16xi32>
    %mul3A_2500 = arith.constant 19349663 : i32
    %mul3A_2501 = vector.broadcast %mul3A_2500 : i32 to vector<16xi32>
    %mul3A_2502 = arith.muli %convert_element_type3A_2496, %mul3A_2501 : vector<16xi32>
    %xor3A_2503 = arith.xori %mul3A_2499, %mul3A_2502 : vector<16xi32>
    %and3A_2504 = arith.constant 1048575 : i32
    %and3A_2505 = vector.broadcast %and3A_2504 : i32 to vector<16xi32>
    %and3A_2506 = arith.andi %xor3A_2503, %and3A_2505 : vector<16xi32>
    %shift_right_arithmetic3A_2507 = arith.constant 7 : i32
    %shift_right_arithmetic3A_2508 = vector.broadcast %shift_right_arithmetic3A_2507 : i32 to vector<16xi32>
    %shift_right_arithmetic3A_2509 = arith.shrsi %and3A_2506, %shift_right_arithmetic3A_2508 : vector<16xi32>
    %mul3A_2510 = arith.constant 1024 : i32
    %mul3A_2511 = vector.broadcast %mul3A_2510 : i32 to vector<16xi32>
    %mul3A_2512 = arith.muli %shift_right_arithmetic3A_2509, %mul3A_2511 : vector<16xi32>
    %and3A_2513 = arith.constant 127 : i32
    %and3A_2514 = vector.broadcast %and3A_2513 : i32 to vector<16xi32>
    %and3A_2515 = arith.andi %and3A_2506, %and3A_2514 : vector<16xi32>
    %add3A_2516 = arith.addi %mul3A_2512, %and3A_2515 : vector<16xi32>
    %add3A_2517 = arith.constant 0 : i32
    %add3A_2518 = vector.broadcast %add3A_2517 : i32 to vector<16xi32>
    %add3A_2519 = arith.addi %add3A_2516, %add3A_2518 : vector<16xi32>
    %swap3A_2520 = arith.constant 3120 : index
    %swap3A_2521 = tpu.vector_load %arg6[%swap3A_2520] {strides = array<i32>} : memref<4096xi32, #tpu.memory_space<vmem>>, vector<16xi32>,
    %swap3A_2522 = vector.shape_cast %swap3A_2521 : vector<16xi32> to vector<16xi32>
    %swap3A_2523 = vector.shape_cast %add3A_2519 : vector<16xi32> to vector<16xi32>
    tpu.vector_store %arg6[%swap3A_2520], %swap3A_2523 {strides = array<i32>} : memref<4096xi32, #tpu.memory_space<vmem>>, vector<16xi32>,
    %add3A_2524 = arith.constant 128 : i32
    %add3A_2525 = vector.broadcast %add3A_2524 : i32 to vector<16xi32>
    %add3A_2526 = arith.addi %add3A_2516, %add3A_2525 : vector<16xi32>
    %swap3A_2527 = arith.constant 3248 : index
    %swap3A_2528 = tpu.vector_load %arg6[%swap3A_2527] {strides = array<i32>} : memref<4096xi32, #tpu.memory_space<vmem>>, vector<16xi32>,
    %swap3A_2529 = vector.shape_cast %swap3A_2528 : vector<16xi32> to vector<16xi32>
    %swap3A_2530 = vector.shape_cast %add3A_2526 : vector<16xi32> to vector<16xi32>
    tpu.vector_store %arg6[%swap3A_2527], %swap3A_2530 {strides = array<i32>} : memref<4096xi32, #tpu.memory_space<vmem>>, vector<16xi32>,
    %add3A_2531 = arith.constant 256 : i32
    %add3A_2532 = vector.broadcast %add3A_2531 : i32 to vector<16xi32>
    %add3A_2533 = arith.addi %add3A_2516, %add3A_2532 : vector<16xi32>
    %swap3A_2534 = arith.constant 3376 : index
    %swap3A_2535 = tpu.vector_load %arg6[%swap3A_2534] {strides = array<i32>} : memref<4096xi32, #tpu.memory_space<vmem>>, vector<16xi32>,
    %swap3A_2536 = vector.shape_cast %swap3A_2535 : vector<16xi32> to vector<16xi32>
    %swap3A_2537 = vector.shape_cast %add3A_2533 : vector<16xi32> to vector<16xi32>
    tpu.vector_store %arg6[%swap3A_2534], %swap3A_2537 {strides = array<i32>} : memref<4096xi32, #tpu.memory_space<vmem>>, vector<16xi32>,
    %add3A_2538 = arith.constant 384 : i32
    %add3A_2539 = vector.broadcast %add3A_2538 : i32 to vector<16xi32>
    %add3A_2540 = arith.addi %add3A_2516, %add3A_2539 : vector<16xi32>
    %swap3A_2541 = arith.constant 3504 : index
    %swap3A_2542 = tpu.vector_load %arg6[%swap3A_2541] {strides = array<i32>} : memref<4096xi32, #tpu.memory_space<vmem>>, vector<16xi32>,
    %swap3A_2543 = vector.shape_cast %swap3A_2542 : vector<16xi32> to vector<16xi32>
    %swap3A_2544 = vector.shape_cast %add3A_2540 : vector<16xi32> to vector<16xi32>
    tpu.vector_store %arg6[%swap3A_2541], %swap3A_2544 {strides = array<i32>} : memref<4096xi32, #tpu.memory_space<vmem>>, vector<16xi32>,
    %add3A_2545 = arith.constant 512 : i32
    %add3A_2546 = vector.broadcast %add3A_2545 : i32 to vector<16xi32>
    %add3A_2547 = arith.addi %add3A_2516, %add3A_2546 : vector<16xi32>
    %swap3A_2548 = arith.constant 3632 : index
    %swap3A_2549 = tpu.vector_load %arg6[%swap3A_2548] {strides = array<i32>} : memref<4096xi32, #tpu.memory_space<vmem>>, vector<16xi32>,
    %swap3A_2550 = vector.shape_cast %swap3A_2549 : vector<16xi32> to vector<16xi32>
    %swap3A_2551 = vector.shape_cast %add3A_2547 : vector<16xi32> to vector<16xi32>
    tpu.vector_store %arg6[%swap3A_2548], %swap3A_2551 {strides = array<i32>} : memref<4096xi32, #tpu.memory_space<vmem>>, vector<16xi32>,
    %add3A_2552 = arith.constant 640 : i32
    %add3A_2553 = vector.broadcast %add3A_2552 : i32 to vector<16xi32>
    %add3A_2554 = arith.addi %add3A_2516, %add3A_2553 : vector<16xi32>
    %swap3A_2555 = arith.constant 3760 : index
    %swap3A_2556 = tpu.vector_load %arg6[%swap3A_2555] {strides = array<i32>} : memref<4096xi32, #tpu.memory_space<vmem>>, vector<16xi32>,
    %swap3A_2557 = vector.shape_cast %swap3A_2556 : vector<16xi32> to vector<16xi32>
    %swap3A_2558 = vector.shape_cast %add3A_2554 : vector<16xi32> to vector<16xi32>
    tpu.vector_store %arg6[%swap3A_2555], %swap3A_2558 {strides = array<i32>} : memref<4096xi32, #tpu.memory_space<vmem>>, vector<16xi32>,
    %add3A_2559 = arith.constant 768 : i32
    %add3A_2560 = vector.broadcast %add3A_2559 : i32 to vector<16xi32>
    %add3A_2561 = arith.addi %add3A_2516, %add3A_2560 : vector<16xi32>
    %swap3A_2562 = arith.constant 3888 : index
    %swap3A_2563 = tpu.vector_load %arg6[%swap3A_2562] {strides = array<i32>} : memref<4096xi32, #tpu.memory_space<vmem>>, vector<16xi32>,
    %swap3A_2564 = vector.shape_cast %swap3A_2563 : vector<16xi32> to vector<16xi32>
    %swap3A_2565 = vector.shape_cast %add3A_2561 : vector<16xi32> to vector<16xi32>
    tpu.vector_store %arg6[%swap3A_2562], %swap3A_2565 {strides = array<i32>} : memref<4096xi32, #tpu.memory_space<vmem>>, vector<16xi32>,
    %add3A_2566 = arith.constant 896 : i32
    %add3A_2567 = vector.broadcast %add3A_2566 : i32 to vector<16xi32>
    %add3A_2568 = arith.addi %add3A_2516, %add3A_2567 : vector<16xi32>
    %swap3A_2569 = arith.constant 4016 : index
    %swap3A_2570 = tpu.vector_load %arg6[%swap3A_2569] {strides = array<i32>} : memref<4096xi32, #tpu.memory_space<vmem>>, vector<16xi32>,
    %swap3A_2571 = vector.shape_cast %swap3A_2570 : vector<16xi32> to vector<16xi32>
    %swap3A_2572 = vector.shape_cast %add3A_2568 : vector<16xi32> to vector<16xi32>
    tpu.vector_store %arg6[%swap3A_2569], %swap3A_2572 {strides = array<i32>} : memref<4096xi32, #tpu.memory_space<vmem>>, vector<16xi32>,
    %get3A_2573 = arith.constant 3 : i32
    %get3A_2574 = arith.constant 0 : i32
    %get3A_2575 = arith.index_cast %get3A_2573 : i32 to index
    %get3A_2576 = arith.index_cast %get3A_2574 : i32 to index
    %get3A_2577 = arith.constant 64 : index
    %get3A_2578 = tpu.vector_load %arg5[%get3A_2575, %get3A_2576, %get3A_2577] {strides = array<i32>} : memref<4x2x128xf32, #tpu.memory_space<vmem>>, vector<1x1x16xf32>,
    %get3A_2579 = vector.shape_cast %get3A_2578 : vector<1x1x16xf32> to vector<16xf32>
    %convert_element_type3A_2580 = arith.fptosi %get3A_2579 : vector<16xf32> to vector<16xi32>
    %get3A_2581 = arith.constant 3 : i32
    %get3A_2582 = arith.constant 1 : i32
    %get3A_2583 = arith.index_cast %get3A_2581 : i32 to index
    %get3A_2584 = arith.index_cast %get3A_2582 : i32 to index
    %get3A_2585 = arith.constant 64 : index
    %get3A_2586 = tpu.vector_load %arg5[%get3A_2583, %get3A_2584, %get3A_2585] {strides = array<i32>} : memref<4x2x128xf32, #tpu.memory_space<vmem>>, vector<1x1x16xf32>,
    %get3A_2587 = vector.shape_cast %get3A_2586 : vector<1x1x16xf32> to vector<16xf32>
    %convert_element_type3A_2588 = arith.fptosi %get3A_2587 : vector<16xf32> to vector<16xi32>
    %mul3A_2589 = arith.constant 73856093 : i32
    %mul3A_2590 = vector.broadcast %mul3A_2589 : i32 to vector<16xi32>
    %mul3A_2591 = arith.muli %convert_element_type3A_2580, %mul3A_2590 : vector<16xi32>
    %mul3A_2592 = arith.constant 19349663 : i32
    %mul3A_2593 = vector.broadcast %mul3A_2592 : i32 to vector<16xi32>
    %mul3A_2594 = arith.muli %convert_element_type3A_2588, %mul3A_2593 : vector<16xi32>
    %xor3A_2595 = arith.xori %mul3A_2591, %mul3A_2594 : vector<16xi32>
    %and3A_2596 = arith.constant 1048575 : i32
    %and3A_2597 = vector.broadcast %and3A_2596 : i32 to vector<16xi32>
    %and3A_2598 = arith.andi %xor3A_2595, %and3A_2597 : vector<16xi32>
    %shift_right_arithmetic3A_2599 = arith.constant 7 : i32
    %shift_right_arithmetic3A_2600 = vector.broadcast %shift_right_arithmetic3A_2599 : i32 to vector<16xi32>
    %shift_right_arithmetic3A_2601 = arith.shrsi %and3A_2598, %shift_right_arithmetic3A_2600 : vector<16xi32>
    %mul3A_2602 = arith.constant 1024 : i32
    %mul3A_2603 = vector.broadcast %mul3A_2602 : i32 to vector<16xi32>
    %mul3A_2604 = arith.muli %shift_right_arithmetic3A_2601, %mul3A_2603 : vector<16xi32>
    %and3A_2605 = arith.constant 127 : i32
    %and3A_2606 = vector.broadcast %and3A_2605 : i32 to vector<16xi32>
    %and3A_2607 = arith.andi %and3A_2598, %and3A_2606 : vector<16xi32>
    %add3A_2608 = arith.addi %mul3A_2604, %and3A_2607 : vector<16xi32>
    %add3A_2609 = arith.constant 0 : i32
    %add3A_2610 = vector.broadcast %add3A_2609 : i32 to vector<16xi32>
    %add3A_2611 = arith.addi %add3A_2608, %add3A_2610 : vector<16xi32>
    %swap3A_2612 = arith.constant 3136 : index
    %swap3A_2613 = tpu.vector_load %arg6[%swap3A_2612] {strides = array<i32>} : memref<4096xi32, #tpu.memory_space<vmem>>, vector<16xi32>,
    %swap3A_2614 = vector.shape_cast %swap3A_2613 : vector<16xi32> to vector<16xi32>
    %swap3A_2615 = vector.shape_cast %add3A_2611 : vector<16xi32> to vector<16xi32>
    tpu.vector_store %arg6[%swap3A_2612], %swap3A_2615 {strides = array<i32>} : memref<4096xi32, #tpu.memory_space<vmem>>, vector<16xi32>,
    %add3A_2616 = arith.constant 128 : i32
    %add3A_2617 = vector.broadcast %add3A_2616 : i32 to vector<16xi32>
    %add3A_2618 = arith.addi %add3A_2608, %add3A_2617 : vector<16xi32>
    %swap3A_2619 = arith.constant 3264 : index
    %swap3A_2620 = tpu.vector_load %arg6[%swap3A_2619] {strides = array<i32>} : memref<4096xi32, #tpu.memory_space<vmem>>, vector<16xi32>,
    %swap3A_2621 = vector.shape_cast %swap3A_2620 : vector<16xi32> to vector<16xi32>
    %swap3A_2622 = vector.shape_cast %add3A_2618 : vector<16xi32> to vector<16xi32>
    tpu.vector_store %arg6[%swap3A_2619], %swap3A_2622 {strides = array<i32>} : memref<4096xi32, #tpu.memory_space<vmem>>, vector<16xi32>,
    %add3A_2623 = arith.constant 256 : i32
    %add3A_2624 = vector.broadcast %add3A_2623 : i32 to vector<16xi32>
    %add3A_2625 = arith.addi %add3A_2608, %add3A_2624 : vector<16xi32>
    %swap3A_2626 = arith.constant 3392 : index
    %swap3A_2627 = tpu.vector_load %arg6[%swap3A_2626] {strides = array<i32>} : memref<4096xi32, #tpu.memory_space<vmem>>, vector<16xi32>,
    %swap3A_2628 = vector.shape_cast %swap3A_2627 : vector<16xi32> to vector<16xi32>
    %swap3A_2629 = vector.shape_cast %add3A_2625 : vector<16xi32> to vector<16xi32>
    tpu.vector_store %arg6[%swap3A_2626], %swap3A_2629 {strides = array<i32>} : memref<4096xi32, #tpu.memory_space<vmem>>, vector<16xi32>,
    %add3A_2630 = arith.constant 384 : i32
    %add3A_2631 = vector.broadcast %add3A_2630 : i32 to vector<16xi32>
    %add3A_2632 = arith.addi %add3A_2608, %add3A_2631 : vector<16xi32>
    %swap3A_2633 = arith.constant 3520 : index
    %swap3A_2634 = tpu.vector_load %arg6[%swap3A_2633] {strides = array<i32>} : memref<4096xi32, #tpu.memory_space<vmem>>, vector<16xi32>,
    %swap3A_2635 = vector.shape_cast %swap3A_2634 : vector<16xi32> to vector<16xi32>
    %swap3A_2636 = vector.shape_cast %add3A_2632 : vector<16xi32> to vector<16xi32>
    tpu.vector_store %arg6[%swap3A_2633], %swap3A_2636 {strides = array<i32>} : memref<4096xi32, #tpu.memory_space<vmem>>, vector<16xi32>,
    %add3A_2637 = arith.constant 512 : i32
    %add3A_2638 = vector.broadcast %add3A_2637 : i32 to vector<16xi32>
    %add3A_2639 = arith.addi %add3A_2608, %add3A_2638 : vector<16xi32>
    %swap3A_2640 = arith.constant 3648 : index
    %swap3A_2641 = tpu.vector_load %arg6[%swap3A_2640] {strides = array<i32>} : memref<4096xi32, #tpu.memory_space<vmem>>, vector<16xi32>,
    %swap3A_2642 = vector.shape_cast %swap3A_2641 : vector<16xi32> to vector<16xi32>
    %swap3A_2643 = vector.shape_cast %add3A_2639 : vector<16xi32> to vector<16xi32>
    tpu.vector_store %arg6[%swap3A_2640], %swap3A_2643 {strides = array<i32>} : memref<4096xi32, #tpu.memory_space<vmem>>, vector<16xi32>,
    %add3A_2644 = arith.constant 640 : i32
    %add3A_2645 = vector.broadcast %add3A_2644 : i32 to vector<16xi32>
    %add3A_2646 = arith.addi %add3A_2608, %add3A_2645 : vector<16xi32>
    %swap3A_2647 = arith.constant 3776 : index
    %swap3A_2648 = tpu.vector_load %arg6[%swap3A_2647] {strides = array<i32>} : memref<4096xi32, #tpu.memory_space<vmem>>, vector<16xi32>,
    %swap3A_2649 = vector.shape_cast %swap3A_2648 : vector<16xi32> to vector<16xi32>
    %swap3A_2650 = vector.shape_cast %add3A_2646 : vector<16xi32> to vector<16xi32>
    tpu.vector_store %arg6[%swap3A_2647], %swap3A_2650 {strides = array<i32>} : memref<4096xi32, #tpu.memory_space<vmem>>, vector<16xi32>,
    %add3A_2651 = arith.constant 768 : i32
    %add3A_2652 = vector.broadcast %add3A_2651 : i32 to vector<16xi32>
    %add3A_2653 = arith.addi %add3A_2608, %add3A_2652 : vector<16xi32>
    %swap3A_2654 = arith.constant 3904 : index
    %swap3A_2655 = tpu.vector_load %arg6[%swap3A_2654] {strides = array<i32>} : memref<4096xi32, #tpu.memory_space<vmem>>, vector<16xi32>,
    %swap3A_2656 = vector.shape_cast %swap3A_2655 : vector<16xi32> to vector<16xi32>
    %swap3A_2657 = vector.shape_cast %add3A_2653 : vector<16xi32> to vector<16xi32>
    tpu.vector_store %arg6[%swap3A_2654], %swap3A_2657 {strides = array<i32>} : memref<4096xi32, #tpu.memory_space<vmem>>, vector<16xi32>,
    %add3A_2658 = arith.constant 896 : i32
    %add3A_2659 = vector.broadcast %add3A_2658 : i32 to vector<16xi32>
    %add3A_2660 = arith.addi %add3A_2608, %add3A_2659 : vector<16xi32>
    %swap3A_2661 = arith.constant 4032 : index
    %swap3A_2662 = tpu.vector_load %arg6[%swap3A_2661] {strides = array<i32>} : memref<4096xi32, #tpu.memory_space<vmem>>, vector<16xi32>,
    %swap3A_2663 = vector.shape_cast %swap3A_2662 : vector<16xi32> to vector<16xi32>
    %swap3A_2664 = vector.shape_cast %add3A_2660 : vector<16xi32> to vector<16xi32>
    tpu.vector_store %arg6[%swap3A_2661], %swap3A_2664 {strides = array<i32>} : memref<4096xi32, #tpu.memory_space<vmem>>, vector<16xi32>,
    %get3A_2665 = arith.constant 3 : i32
    %get3A_2666 = arith.constant 0 : i32
    %get3A_2667 = arith.index_cast %get3A_2665 : i32 to index
    %get3A_2668 = arith.index_cast %get3A_2666 : i32 to index
    %get3A_2669 = arith.constant 80 : index
    %get3A_2670 = tpu.vector_load %arg5[%get3A_2667, %get3A_2668, %get3A_2669] {strides = array<i32>} : memref<4x2x128xf32, #tpu.memory_space<vmem>>, vector<1x1x16xf32>,
    %get3A_2671 = vector.shape_cast %get3A_2670 : vector<1x1x16xf32> to vector<16xf32>
    %convert_element_type3A_2672 = arith.fptosi %get3A_2671 : vector<16xf32> to vector<16xi32>
    %get3A_2673 = arith.constant 3 : i32
    %get3A_2674 = arith.constant 1 : i32
    %get3A_2675 = arith.index_cast %get3A_2673 : i32 to index
    %get3A_2676 = arith.index_cast %get3A_2674 : i32 to index
    %get3A_2677 = arith.constant 80 : index
    %get3A_2678 = tpu.vector_load %arg5[%get3A_2675, %get3A_2676, %get3A_2677] {strides = array<i32>} : memref<4x2x128xf32, #tpu.memory_space<vmem>>, vector<1x1x16xf32>,
    %get3A_2679 = vector.shape_cast %get3A_2678 : vector<1x1x16xf32> to vector<16xf32>
    %convert_element_type3A_2680 = arith.fptosi %get3A_2679 : vector<16xf32> to vector<16xi32>
    %mul3A_2681 = arith.constant 73856093 : i32
    %mul3A_2682 = vector.broadcast %mul3A_2681 : i32 to vector<16xi32>
    %mul3A_2683 = arith.muli %convert_element_type3A_2672, %mul3A_2682 : vector<16xi32>
    %mul3A_2684 = arith.constant 19349663 : i32
    %mul3A_2685 = vector.broadcast %mul3A_2684 : i32 to vector<16xi32>
    %mul3A_2686 = arith.muli %convert_element_type3A_2680, %mul3A_2685 : vector<16xi32>
    %xor3A_2687 = arith.xori %mul3A_2683, %mul3A_2686 : vector<16xi32>
    %and3A_2688 = arith.constant 1048575 : i32
    %and3A_2689 = vector.broadcast %and3A_2688 : i32 to vector<16xi32>
    %and3A_2690 = arith.andi %xor3A_2687, %and3A_2689 : vector<16xi32>
    %shift_right_arithmetic3A_2691 = arith.constant 7 : i32
    %shift_right_arithmetic3A_2692 = vector.broadcast %shift_right_arithmetic3A_2691 : i32 to vector<16xi32>
    %shift_right_arithmetic3A_2693 = arith.shrsi %and3A_2690, %shift_right_arithmetic3A_2692 : vector<16xi32>
    %mul3A_2694 = arith.constant 1024 : i32
    %mul3A_2695 = vector.broadcast %mul3A_2694 : i32 to vector<16xi32>
    %mul3A_2696 = arith.muli %shift_right_arithmetic3A_2693, %mul3A_2695 : vector<16xi32>
    %and3A_2697 = arith.constant 127 : i32
    %and3A_2698 = vector.broadcast %and3A_2697 : i32 to vector<16xi32>
    %and3A_2699 = arith.andi %and3A_2690, %and3A_2698 : vector<16xi32>
    %add3A_2700 = arith.addi %mul3A_2696, %and3A_2699 : vector<16xi32>
    %add3A_2701 = arith.constant 0 : i32
    %add3A_2702 = vector.broadcast %add3A_2701 : i32 to vector<16xi32>
    %add3A_2703 = arith.addi %add3A_2700, %add3A_2702 : vector<16xi32>
    %swap3A_2704 = arith.constant 3152 : index
    %swap3A_2705 = tpu.vector_load %arg6[%swap3A_2704] {strides = array<i32>} : memref<4096xi32, #tpu.memory_space<vmem>>, vector<16xi32>,
    %swap3A_2706 = vector.shape_cast %swap3A_2705 : vector<16xi32> to vector<16xi32>
    %swap3A_2707 = vector.shape_cast %add3A_2703 : vector<16xi32> to vector<16xi32>
    tpu.vector_store %arg6[%swap3A_2704], %swap3A_2707 {strides = array<i32>} : memref<4096xi32, #tpu.memory_space<vmem>>, vector<16xi32>,
    %add3A_2708 = arith.constant 128 : i32
    %add3A_2709 = vector.broadcast %add3A_2708 : i32 to vector<16xi32>
    %add3A_2710 = arith.addi %add3A_2700, %add3A_2709 : vector<16xi32>
    %swap3A_2711 = arith.constant 3280 : index
    %swap3A_2712 = tpu.vector_load %arg6[%swap3A_2711] {strides = array<i32>} : memref<4096xi32, #tpu.memory_space<vmem>>, vector<16xi32>,
    %swap3A_2713 = vector.shape_cast %swap3A_2712 : vector<16xi32> to vector<16xi32>
    %swap3A_2714 = vector.shape_cast %add3A_2710 : vector<16xi32> to vector<16xi32>
    tpu.vector_store %arg6[%swap3A_2711], %swap3A_2714 {strides = array<i32>} : memref<4096xi32, #tpu.memory_space<vmem>>, vector<16xi32>,
    %add3A_2715 = arith.constant 256 : i32
    %add3A_2716 = vector.broadcast %add3A_2715 : i32 to vector<16xi32>
    %add3A_2717 = arith.addi %add3A_2700, %add3A_2716 : vector<16xi32>
    %swap3A_2718 = arith.constant 3408 : index
    %swap3A_2719 = tpu.vector_load %arg6[%swap3A_2718] {strides = array<i32>} : memref<4096xi32, #tpu.memory_space<vmem>>, vector<16xi32>,
    %swap3A_2720 = vector.shape_cast %swap3A_2719 : vector<16xi32> to vector<16xi32>
    %swap3A_2721 = vector.shape_cast %add3A_2717 : vector<16xi32> to vector<16xi32>
    tpu.vector_store %arg6[%swap3A_2718], %swap3A_2721 {strides = array<i32>} : memref<4096xi32, #tpu.memory_space<vmem>>, vector<16xi32>,
    %add3A_2722 = arith.constant 384 : i32
    %add3A_2723 = vector.broadcast %add3A_2722 : i32 to vector<16xi32>
    %add3A_2724 = arith.addi %add3A_2700, %add3A_2723 : vector<16xi32>
    %swap3A_2725 = arith.constant 3536 : index
    %swap3A_2726 = tpu.vector_load %arg6[%swap3A_2725] {strides = array<i32>} : memref<4096xi32, #tpu.memory_space<vmem>>, vector<16xi32>,
    %swap3A_2727 = vector.shape_cast %swap3A_2726 : vector<16xi32> to vector<16xi32>
    %swap3A_2728 = vector.shape_cast %add3A_2724 : vector<16xi32> to vector<16xi32>
    tpu.vector_store %arg6[%swap3A_2725], %swap3A_2728 {strides = array<i32>} : memref<4096xi32, #tpu.memory_space<vmem>>, vector<16xi32>,
    %add3A_2729 = arith.constant 512 : i32
    %add3A_2730 = vector.broadcast %add3A_2729 : i32 to vector<16xi32>
    %add3A_2731 = arith.addi %add3A_2700, %add3A_2730 : vector<16xi32>
    %swap3A_2732 = arith.constant 3664 : index
    %swap3A_2733 = tpu.vector_load %arg6[%swap3A_2732] {strides = array<i32>} : memref<4096xi32, #tpu.memory_space<vmem>>, vector<16xi32>,
    %swap3A_2734 = vector.shape_cast %swap3A_2733 : vector<16xi32> to vector<16xi32>
    %swap3A_2735 = vector.shape_cast %add3A_2731 : vector<16xi32> to vector<16xi32>
    tpu.vector_store %arg6[%swap3A_2732], %swap3A_2735 {strides = array<i32>} : memref<4096xi32, #tpu.memory_space<vmem>>, vector<16xi32>,
    %add3A_2736 = arith.constant 640 : i32
    %add3A_2737 = vector.broadcast %add3A_2736 : i32 to vector<16xi32>
    %add3A_2738 = arith.addi %add3A_2700, %add3A_2737 : vector<16xi32>
    %swap3A_2739 = arith.constant 3792 : index
    %swap3A_2740 = tpu.vector_load %arg6[%swap3A_2739] {strides = array<i32>} : memref<4096xi32, #tpu.memory_space<vmem>>, vector<16xi32>,
    %swap3A_2741 = vector.shape_cast %swap3A_2740 : vector<16xi32> to vector<16xi32>
    %swap3A_2742 = vector.shape_cast %add3A_2738 : vector<16xi32> to vector<16xi32>
    tpu.vector_store %arg6[%swap3A_2739], %swap3A_2742 {strides = array<i32>} : memref<4096xi32, #tpu.memory_space<vmem>>, vector<16xi32>,
    %add3A_2743 = arith.constant 768 : i32
    %add3A_2744 = vector.broadcast %add3A_2743 : i32 to vector<16xi32>
    %add3A_2745 = arith.addi %add3A_2700, %add3A_2744 : vector<16xi32>
    %swap3A_2746 = arith.constant 3920 : index
    %swap3A_2747 = tpu.vector_load %arg6[%swap3A_2746] {strides = array<i32>} : memref<4096xi32, #tpu.memory_space<vmem>>, vector<16xi32>,
    %swap3A_2748 = vector.shape_cast %swap3A_2747 : vector<16xi32> to vector<16xi32>
    %swap3A_2749 = vector.shape_cast %add3A_2745 : vector<16xi32> to vector<16xi32>
    tpu.vector_store %arg6[%swap3A_2746], %swap3A_2749 {strides = array<i32>} : memref<4096xi32, #tpu.memory_space<vmem>>, vector<16xi32>,
    %add3A_2750 = arith.constant 896 : i32
    %add3A_2751 = vector.broadcast %add3A_2750 : i32 to vector<16xi32>
    %add3A_2752 = arith.addi %add3A_2700, %add3A_2751 : vector<16xi32>
    %swap3A_2753 = arith.constant 4048 : index
    %swap3A_2754 = tpu.vector_load %arg6[%swap3A_2753] {strides = array<i32>} : memref<4096xi32, #tpu.memory_space<vmem>>, vector<16xi32>,
    %swap3A_2755 = vector.shape_cast %swap3A_2754 : vector<16xi32> to vector<16xi32>
    %swap3A_2756 = vector.shape_cast %add3A_2752 : vector<16xi32> to vector<16xi32>
    tpu.vector_store %arg6[%swap3A_2753], %swap3A_2756 {strides = array<i32>} : memref<4096xi32, #tpu.memory_space<vmem>>, vector<16xi32>,
    %get3A_2757 = arith.constant 3 : i32
    %get3A_2758 = arith.constant 0 : i32
    %get3A_2759 = arith.index_cast %get3A_2757 : i32 to index
    %get3A_2760 = arith.index_cast %get3A_2758 : i32 to index
    %get3A_2761 = arith.constant 96 : index
    %get3A_2762 = tpu.vector_load %arg5[%get3A_2759, %get3A_2760, %get3A_2761] {strides = array<i32>} : memref<4x2x128xf32, #tpu.memory_space<vmem>>, vector<1x1x16xf32>,
    %get3A_2763 = vector.shape_cast %get3A_2762 : vector<1x1x16xf32> to vector<16xf32>
    %convert_element_type3A_2764 = arith.fptosi %get3A_2763 : vector<16xf32> to vector<16xi32>
    %get3A_2765 = arith.constant 3 : i32
    %get3A_2766 = arith.constant 1 : i32
    %get3A_2767 = arith.index_cast %get3A_2765 : i32 to index
    %get3A_2768 = arith.index_cast %get3A_2766 : i32 to index
    %get3A_2769 = arith.constant 96 : index
    %get3A_2770 = tpu.vector_load %arg5[%get3A_2767, %get3A_2768, %get3A_2769] {strides = array<i32>} : memref<4x2x128xf32, #tpu.memory_space<vmem>>, vector<1x1x16xf32>,
    %get3A_2771 = vector.shape_cast %get3A_2770 : vector<1x1x16xf32> to vector<16xf32>
    %convert_element_type3A_2772 = arith.fptosi %get3A_2771 : vector<16xf32> to vector<16xi32>
    %mul3A_2773 = arith.constant 73856093 : i32
    %mul3A_2774 = vector.broadcast %mul3A_2773 : i32 to vector<16xi32>
    %mul3A_2775 = arith.muli %convert_element_type3A_2764, %mul3A_2774 : vector<16xi32>
    %mul3A_2776 = arith.constant 19349663 : i32
    %mul3A_2777 = vector.broadcast %mul3A_2776 : i32 to vector<16xi32>
    %mul3A_2778 = arith.muli %convert_element_type3A_2772, %mul3A_2777 : vector<16xi32>
    %xor3A_2779 = arith.xori %mul3A_2775, %mul3A_2778 : vector<16xi32>
    %and3A_2780 = arith.constant 1048575 : i32
    %and3A_2781 = vector.broadcast %and3A_2780 : i32 to vector<16xi32>
    %and3A_2782 = arith.andi %xor3A_2779, %and3A_2781 : vector<16xi32>
    %shift_right_arithmetic3A_2783 = arith.constant 7 : i32
    %shift_right_arithmetic3A_2784 = vector.broadcast %shift_right_arithmetic3A_2783 : i32 to vector<16xi32>
    %shift_right_arithmetic3A_2785 = arith.shrsi %and3A_2782, %shift_right_arithmetic3A_2784 : vector<16xi32>
    %mul3A_2786 = arith.constant 1024 : i32
    %mul3A_2787 = vector.broadcast %mul3A_2786 : i32 to vector<16xi32>
    %mul3A_2788 = arith.muli %shift_right_arithmetic3A_2785, %mul3A_2787 : vector<16xi32>
    %and3A_2789 = arith.constant 127 : i32
    %and3A_2790 = vector.broadcast %and3A_2789 : i32 to vector<16xi32>
    %and3A_2791 = arith.andi %and3A_2782, %and3A_2790 : vector<16xi32>
    %add3A_2792 = arith.addi %mul3A_2788, %and3A_2791 : vector<16xi32>
    %add3A_2793 = arith.constant 0 : i32
    %add3A_2794 = vector.broadcast %add3A_2793 : i32 to vector<16xi32>
    %add3A_2795 = arith.addi %add3A_2792, %add3A_2794 : vector<16xi32>
    %swap3A_2796 = arith.constant 3168 : index
    %swap3A_2797 = tpu.vector_load %arg6[%swap3A_2796] {strides = array<i32>} : memref<4096xi32, #tpu.memory_space<vmem>>, vector<16xi32>,
    %swap3A_2798 = vector.shape_cast %swap3A_2797 : vector<16xi32> to vector<16xi32>
    %swap3A_2799 = vector.shape_cast %add3A_2795 : vector<16xi32> to vector<16xi32>
    tpu.vector_store %arg6[%swap3A_2796], %swap3A_2799 {strides = array<i32>} : memref<4096xi32, #tpu.memory_space<vmem>>, vector<16xi32>,
    %add3A_2800 = arith.constant 128 : i32
    %add3A_2801 = vector.broadcast %add3A_2800 : i32 to vector<16xi32>
    %add3A_2802 = arith.addi %add3A_2792, %add3A_2801 : vector<16xi32>
    %swap3A_2803 = arith.constant 3296 : index
    %swap3A_2804 = tpu.vector_load %arg6[%swap3A_2803] {strides = array<i32>} : memref<4096xi32, #tpu.memory_space<vmem>>, vector<16xi32>,
    %swap3A_2805 = vector.shape_cast %swap3A_2804 : vector<16xi32> to vector<16xi32>
    %swap3A_2806 = vector.shape_cast %add3A_2802 : vector<16xi32> to vector<16xi32>
    tpu.vector_store %arg6[%swap3A_2803], %swap3A_2806 {strides = array<i32>} : memref<4096xi32, #tpu.memory_space<vmem>>, vector<16xi32>,
    %add3A_2807 = arith.constant 256 : i32
    %add3A_2808 = vector.broadcast %add3A_2807 : i32 to vector<16xi32>
    %add3A_2809 = arith.addi %add3A_2792, %add3A_2808 : vector<16xi32>
    %swap3A_2810 = arith.constant 3424 : index
    %swap3A_2811 = tpu.vector_load %arg6[%swap3A_2810] {strides = array<i32>} : memref<4096xi32, #tpu.memory_space<vmem>>, vector<16xi32>,
    %swap3A_2812 = vector.shape_cast %swap3A_2811 : vector<16xi32> to vector<16xi32>
    %swap3A_2813 = vector.shape_cast %add3A_2809 : vector<16xi32> to vector<16xi32>
    tpu.vector_store %arg6[%swap3A_2810], %swap3A_2813 {strides = array<i32>} : memref<4096xi32, #tpu.memory_space<vmem>>, vector<16xi32>,
    %add3A_2814 = arith.constant 384 : i32
    %add3A_2815 = vector.broadcast %add3A_2814 : i32 to vector<16xi32>
    %add3A_2816 = arith.addi %add3A_2792, %add3A_2815 : vector<16xi32>
    %swap3A_2817 = arith.constant 3552 : index
    %swap3A_2818 = tpu.vector_load %arg6[%swap3A_2817] {strides = array<i32>} : memref<4096xi32, #tpu.memory_space<vmem>>, vector<16xi32>,
    %swap3A_2819 = vector.shape_cast %swap3A_2818 : vector<16xi32> to vector<16xi32>
    %swap3A_2820 = vector.shape_cast %add3A_2816 : vector<16xi32> to vector<16xi32>
    tpu.vector_store %arg6[%swap3A_2817], %swap3A_2820 {strides = array<i32>} : memref<4096xi32, #tpu.memory_space<vmem>>, vector<16xi32>,
    %add3A_2821 = arith.constant 512 : i32
    %add3A_2822 = vector.broadcast %add3A_2821 : i32 to vector<16xi32>
    %add3A_2823 = arith.addi %add3A_2792, %add3A_2822 : vector<16xi32>
    %swap3A_2824 = arith.constant 3680 : index
    %swap3A_2825 = tpu.vector_load %arg6[%swap3A_2824] {strides = array<i32>} : memref<4096xi32, #tpu.memory_space<vmem>>, vector<16xi32>,
    %swap3A_2826 = vector.shape_cast %swap3A_2825 : vector<16xi32> to vector<16xi32>
    %swap3A_2827 = vector.shape_cast %add3A_2823 : vector<16xi32> to vector<16xi32>
    tpu.vector_store %arg6[%swap3A_2824], %swap3A_2827 {strides = array<i32>} : memref<4096xi32, #tpu.memory_space<vmem>>, vector<16xi32>,
    %add3A_2828 = arith.constant 640 : i32
    %add3A_2829 = vector.broadcast %add3A_2828 : i32 to vector<16xi32>
    %add3A_2830 = arith.addi %add3A_2792, %add3A_2829 : vector<16xi32>
    %swap3A_2831 = arith.constant 3808 : index
    %swap3A_2832 = tpu.vector_load %arg6[%swap3A_2831] {strides = array<i32>} : memref<4096xi32, #tpu.memory_space<vmem>>, vector<16xi32>,
    %swap3A_2833 = vector.shape_cast %swap3A_2832 : vector<16xi32> to vector<16xi32>
    %swap3A_2834 = vector.shape_cast %add3A_2830 : vector<16xi32> to vector<16xi32>
    tpu.vector_store %arg6[%swap3A_2831], %swap3A_2834 {strides = array<i32>} : memref<4096xi32, #tpu.memory_space<vmem>>, vector<16xi32>,
    %add3A_2835 = arith.constant 768 : i32
    %add3A_2836 = vector.broadcast %add3A_2835 : i32 to vector<16xi32>
    %add3A_2837 = arith.addi %add3A_2792, %add3A_2836 : vector<16xi32>
    %swap3A_2838 = arith.constant 3936 : index
    %swap3A_2839 = tpu.vector_load %arg6[%swap3A_2838] {strides = array<i32>} : memref<4096xi32, #tpu.memory_space<vmem>>, vector<16xi32>,
    %swap3A_2840 = vector.shape_cast %swap3A_2839 : vector<16xi32> to vector<16xi32>
    %swap3A_2841 = vector.shape_cast %add3A_2837 : vector<16xi32> to vector<16xi32>
    tpu.vector_store %arg6[%swap3A_2838], %swap3A_2841 {strides = array<i32>} : memref<4096xi32, #tpu.memory_space<vmem>>, vector<16xi32>,
    %add3A_2842 = arith.constant 896 : i32
    %add3A_2843 = vector.broadcast %add3A_2842 : i32 to vector<16xi32>
    %add3A_2844 = arith.addi %add3A_2792, %add3A_2843 : vector<16xi32>
    %swap3A_2845 = arith.constant 4064 : index
    %swap3A_2846 = tpu.vector_load %arg6[%swap3A_2845] {strides = array<i32>} : memref<4096xi32, #tpu.memory_space<vmem>>, vector<16xi32>,
    %swap3A_2847 = vector.shape_cast %swap3A_2846 : vector<16xi32> to vector<16xi32>
    %swap3A_2848 = vector.shape_cast %add3A_2844 : vector<16xi32> to vector<16xi32>
    tpu.vector_store %arg6[%swap3A_2845], %swap3A_2848 {strides = array<i32>} : memref<4096xi32, #tpu.memory_space<vmem>>, vector<16xi32>,
    %get3A_2849 = arith.constant 3 : i32
    %get3A_2850 = arith.constant 0 : i32
    %get3A_2851 = arith.index_cast %get3A_2849 : i32 to index
    %get3A_2852 = arith.index_cast %get3A_2850 : i32 to index
    %get3A_2853 = arith.constant 112 : index
    %get3A_2854 = tpu.vector_load %arg5[%get3A_2851, %get3A_2852, %get3A_2853] {strides = array<i32>} : memref<4x2x128xf32, #tpu.memory_space<vmem>>, vector<1x1x16xf32>,
    %get3A_2855 = vector.shape_cast %get3A_2854 : vector<1x1x16xf32> to vector<16xf32>
    %convert_element_type3A_2856 = arith.fptosi %get3A_2855 : vector<16xf32> to vector<16xi32>
    %get3A_2857 = arith.constant 3 : i32
    %get3A_2858 = arith.constant 1 : i32
    %get3A_2859 = arith.index_cast %get3A_2857 : i32 to index
    %get3A_2860 = arith.index_cast %get3A_2858 : i32 to index
    %get3A_2861 = arith.constant 112 : index
    %get3A_2862 = tpu.vector_load %arg5[%get3A_2859, %get3A_2860, %get3A_2861] {strides = array<i32>} : memref<4x2x128xf32, #tpu.memory_space<vmem>>, vector<1x1x16xf32>,
    %get3A_2863 = vector.shape_cast %get3A_2862 : vector<1x1x16xf32> to vector<16xf32>
    %convert_element_type3A_2864 = arith.fptosi %get3A_2863 : vector<16xf32> to vector<16xi32>
    %mul3A_2865 = arith.constant 73856093 : i32
    %mul3A_2866 = vector.broadcast %mul3A_2865 : i32 to vector<16xi32>
    %mul3A_2867 = arith.muli %convert_element_type3A_2856, %mul3A_2866 : vector<16xi32>
    %mul3A_2868 = arith.constant 19349663 : i32
    %mul3A_2869 = vector.broadcast %mul3A_2868 : i32 to vector<16xi32>
    %mul3A_2870 = arith.muli %convert_element_type3A_2864, %mul3A_2869 : vector<16xi32>
    %xor3A_2871 = arith.xori %mul3A_2867, %mul3A_2870 : vector<16xi32>
    %and3A_2872 = arith.constant 1048575 : i32
    %and3A_2873 = vector.broadcast %and3A_2872 : i32 to vector<16xi32>
    %and3A_2874 = arith.andi %xor3A_2871, %and3A_2873 : vector<16xi32>
    %shift_right_arithmetic3A_2875 = arith.constant 7 : i32
    %shift_right_arithmetic3A_2876 = vector.broadcast %shift_right_arithmetic3A_2875 : i32 to vector<16xi32>
    %shift_right_arithmetic3A_2877 = arith.shrsi %and3A_2874, %shift_right_arithmetic3A_2876 : vector<16xi32>
    %mul3A_2878 = arith.constant 1024 : i32
    %mul3A_2879 = vector.broadcast %mul3A_2878 : i32 to vector<16xi32>
    %mul3A_2880 = arith.muli %shift_right_arithmetic3A_2877, %mul3A_2879 : vector<16xi32>
    %and3A_2881 = arith.constant 127 : i32
    %and3A_2882 = vector.broadcast %and3A_2881 : i32 to vector<16xi32>
    %and3A_2883 = arith.andi %and3A_2874, %and3A_2882 : vector<16xi32>
    %add3A_2884 = arith.addi %mul3A_2880, %and3A_2883 : vector<16xi32>
    %add3A_2885 = arith.constant 0 : i32
    %add3A_2886 = vector.broadcast %add3A_2885 : i32 to vector<16xi32>
    %add3A_2887 = arith.addi %add3A_2884, %add3A_2886 : vector<16xi32>
    %swap3A_2888 = arith.constant 3184 : index
    %swap3A_2889 = tpu.vector_load %arg6[%swap3A_2888] {strides = array<i32>} : memref<4096xi32, #tpu.memory_space<vmem>>, vector<16xi32>,
    %swap3A_2890 = vector.shape_cast %swap3A_2889 : vector<16xi32> to vector<16xi32>
    %swap3A_2891 = vector.shape_cast %add3A_2887 : vector<16xi32> to vector<16xi32>
    tpu.vector_store %arg6[%swap3A_2888], %swap3A_2891 {strides = array<i32>} : memref<4096xi32, #tpu.memory_space<vmem>>, vector<16xi32>,
    %add3A_2892 = arith.constant 128 : i32
    %add3A_2893 = vector.broadcast %add3A_2892 : i32 to vector<16xi32>
    %add3A_2894 = arith.addi %add3A_2884, %add3A_2893 : vector<16xi32>
    %swap3A_2895 = arith.constant 3312 : index
    %swap3A_2896 = tpu.vector_load %arg6[%swap3A_2895] {strides = array<i32>} : memref<4096xi32, #tpu.memory_space<vmem>>, vector<16xi32>,
    %swap3A_2897 = vector.shape_cast %swap3A_2896 : vector<16xi32> to vector<16xi32>
    %swap3A_2898 = vector.shape_cast %add3A_2894 : vector<16xi32> to vector<16xi32>
    tpu.vector_store %arg6[%swap3A_2895], %swap3A_2898 {strides = array<i32>} : memref<4096xi32, #tpu.memory_space<vmem>>, vector<16xi32>,
    %add3A_2899 = arith.constant 256 : i32
    %add3A_2900 = vector.broadcast %add3A_2899 : i32 to vector<16xi32>
    %add3A_2901 = arith.addi %add3A_2884, %add3A_2900 : vector<16xi32>
    %swap3A_2902 = arith.constant 3440 : index
    %swap3A_2903 = tpu.vector_load %arg6[%swap3A_2902] {strides = array<i32>} : memref<4096xi32, #tpu.memory_space<vmem>>, vector<16xi32>,
    %swap3A_2904 = vector.shape_cast %swap3A_2903 : vector<16xi32> to vector<16xi32>
    %swap3A_2905 = vector.shape_cast %add3A_2901 : vector<16xi32> to vector<16xi32>
    tpu.vector_store %arg6[%swap3A_2902], %swap3A_2905 {strides = array<i32>} : memref<4096xi32, #tpu.memory_space<vmem>>, vector<16xi32>,
    %add3A_2906 = arith.constant 384 : i32
    %add3A_2907 = vector.broadcast %add3A_2906 : i32 to vector<16xi32>
    %add3A_2908 = arith.addi %add3A_2884, %add3A_2907 : vector<16xi32>
    %swap3A_2909 = arith.constant 3568 : index
    %swap3A_2910 = tpu.vector_load %arg6[%swap3A_2909] {strides = array<i32>} : memref<4096xi32, #tpu.memory_space<vmem>>, vector<16xi32>,
    %swap3A_2911 = vector.shape_cast %swap3A_2910 : vector<16xi32> to vector<16xi32>
    %swap3A_2912 = vector.shape_cast %add3A_2908 : vector<16xi32> to vector<16xi32>
    tpu.vector_store %arg6[%swap3A_2909], %swap3A_2912 {strides = array<i32>} : memref<4096xi32, #tpu.memory_space<vmem>>, vector<16xi32>,
    %add3A_2913 = arith.constant 512 : i32
    %add3A_2914 = vector.broadcast %add3A_2913 : i32 to vector<16xi32>
    %add3A_2915 = arith.addi %add3A_2884, %add3A_2914 : vector<16xi32>
    %swap3A_2916 = arith.constant 3696 : index
    %swap3A_2917 = tpu.vector_load %arg6[%swap3A_2916] {strides = array<i32>} : memref<4096xi32, #tpu.memory_space<vmem>>, vector<16xi32>,
    %swap3A_2918 = vector.shape_cast %swap3A_2917 : vector<16xi32> to vector<16xi32>
    %swap3A_2919 = vector.shape_cast %add3A_2915 : vector<16xi32> to vector<16xi32>
    tpu.vector_store %arg6[%swap3A_2916], %swap3A_2919 {strides = array<i32>} : memref<4096xi32, #tpu.memory_space<vmem>>, vector<16xi32>,
    %add3A_2920 = arith.constant 640 : i32
    %add3A_2921 = vector.broadcast %add3A_2920 : i32 to vector<16xi32>
    %add3A_2922 = arith.addi %add3A_2884, %add3A_2921 : vector<16xi32>
    %swap3A_2923 = arith.constant 3824 : index
    %swap3A_2924 = tpu.vector_load %arg6[%swap3A_2923] {strides = array<i32>} : memref<4096xi32, #tpu.memory_space<vmem>>, vector<16xi32>,
    %swap3A_2925 = vector.shape_cast %swap3A_2924 : vector<16xi32> to vector<16xi32>
    %swap3A_2926 = vector.shape_cast %add3A_2922 : vector<16xi32> to vector<16xi32>
    tpu.vector_store %arg6[%swap3A_2923], %swap3A_2926 {strides = array<i32>} : memref<4096xi32, #tpu.memory_space<vmem>>, vector<16xi32>,
    %add3A_2927 = arith.constant 768 : i32
    %add3A_2928 = vector.broadcast %add3A_2927 : i32 to vector<16xi32>
    %add3A_2929 = arith.addi %add3A_2884, %add3A_2928 : vector<16xi32>
    %swap3A_2930 = arith.constant 3952 : index
    %swap3A_2931 = tpu.vector_load %arg6[%swap3A_2930] {strides = array<i32>} : memref<4096xi32, #tpu.memory_space<vmem>>, vector<16xi32>,
    %swap3A_2932 = vector.shape_cast %swap3A_2931 : vector<16xi32> to vector<16xi32>
    %swap3A_2933 = vector.shape_cast %add3A_2929 : vector<16xi32> to vector<16xi32>
    tpu.vector_store %arg6[%swap3A_2930], %swap3A_2933 {strides = array<i32>} : memref<4096xi32, #tpu.memory_space<vmem>>, vector<16xi32>,
    %add3A_2934 = arith.constant 896 : i32
    %add3A_2935 = vector.broadcast %add3A_2934 : i32 to vector<16xi32>
    %add3A_2936 = arith.addi %add3A_2884, %add3A_2935 : vector<16xi32>
    %swap3A_2937 = arith.constant 4080 : index
    %swap3A_2938 = tpu.vector_load %arg6[%swap3A_2937] {strides = array<i32>} : memref<4096xi32, #tpu.memory_space<vmem>>, vector<16xi32>,
    %swap3A_2939 = vector.shape_cast %swap3A_2938 : vector<16xi32> to vector<16xi32>
    %swap3A_2940 = vector.shape_cast %add3A_2936 : vector<16xi32> to vector<16xi32>
    tpu.vector_store %arg6[%swap3A_2937], %swap3A_2940 {strides = array<i32>} : memref<4096xi32, #tpu.memory_space<vmem>>, vector<16xi32>,
    %dma_start3A = arith.constant 0 : i32
    %dma_start3A_2941 = arith.constant 0 : i32
    %dma_start3A_2942 = tpu.memref_slice %arg7[%dma_start3A, %dma_start3A_2941] : memref<8x4096xf32, #tpu.memory_space<vmem>> -> memref<1x4096xf32, #tpu.memory_space<vmem>>
    %dma_start3A_2943 = tpu.memref_squeeze %dma_start3A_2942 : memref<1x4096xf32, #tpu.memory_space<vmem>> -> memref<4096xf32, #tpu.memory_space<vmem>>
    %dma_start3A_2944 = arith.constant 0 : i32
    %dma_start3A_2945 = tpu.memref_slice %arg3[%dma_start3A_2944] : memref<67108864xf32, #tpu.memory_space<hbm>> -> memref<67108864xf32, #tpu.memory_space<hbm>>
    %dma_start3A_2946 = arith.constant 0 : i32
    %dma_start3A_2947 = tpu.memref_slice %dma_start3A_2945[%dma_start3A_2946] : memref<67108864xf32, #tpu.memory_space<hbm>> -> memref<67108864xf32, #tpu.memory_space<hbm>>
    tpu.enqueue_indirect_dma source(%dma_start3A_2947 : memref<67108864xf32, #tpu.memory_space<hbm>>) target(%dma_start3A_2943 : memref<4096xf32, #tpu.memory_space<vmem>>) offsets(%arg6 : memref<4096xi32, #tpu.memory_space<vmem>>) semaphore(%arg8 : memref<!tpu.dma_semaphore, #tpu.memory_space<semaphore_mem>>)
    %dma_start3A_2948 = arith.constant 1 : i32
    %dma_start3A_2949 = arith.constant 0 : i32
    %dma_start3A_2950 = tpu.memref_slice %arg7[%dma_start3A_2948, %dma_start3A_2949] : memref<8x4096xf32, #tpu.memory_space<vmem>> -> memref<1x4096xf32, #tpu.memory_space<vmem>>
    %dma_start3A_2951 = tpu.memref_squeeze %dma_start3A_2950 : memref<1x4096xf32, #tpu.memory_space<vmem>> -> memref<4096xf32, #tpu.memory_space<vmem>>
    %dma_start3A_2952 = arith.constant 8388608 : i32
    %dma_start3A_2953 = tpu.memref_slice %arg3[%dma_start3A_2952] : memref<67108864xf32, #tpu.memory_space<hbm>> -> memref<58720256xf32, #tpu.memory_space<hbm>>
    %dma_start3A_2954 = arith.constant 0 : i32
    %dma_start3A_2955 = tpu.memref_slice %dma_start3A_2953[%dma_start3A_2954] : memref<58720256xf32, #tpu.memory_space<hbm>> -> memref<58720256xf32, #tpu.memory_space<hbm>>
    tpu.enqueue_indirect_dma source(%dma_start3A_2955 : memref<58720256xf32, #tpu.memory_space<hbm>>) target(%dma_start3A_2951 : memref<4096xf32, #tpu.memory_space<vmem>>) offsets(%arg6 : memref<4096xi32, #tpu.memory_space<vmem>>) semaphore(%arg9 : memref<!tpu.dma_semaphore, #tpu.memory_space<semaphore_mem>>)
    %dma_start3A_2956 = arith.constant 2 : i32
    %dma_start3A_2957 = arith.constant 0 : i32
    %dma_start3A_2958 = tpu.memref_slice %arg7[%dma_start3A_2956, %dma_start3A_2957] : memref<8x4096xf32, #tpu.memory_space<vmem>> -> memref<1x4096xf32, #tpu.memory_space<vmem>>
    %dma_start3A_2959 = tpu.memref_squeeze %dma_start3A_2958 : memref<1x4096xf32, #tpu.memory_space<vmem>> -> memref<4096xf32, #tpu.memory_space<vmem>>
    %dma_start3A_2960 = arith.constant 16777216 : i32
    %dma_start3A_2961 = tpu.memref_slice %arg3[%dma_start3A_2960] : memref<67108864xf32, #tpu.memory_space<hbm>> -> memref<50331648xf32, #tpu.memory_space<hbm>>
    %dma_start3A_2962 = arith.constant 0 : i32
    %dma_start3A_2963 = tpu.memref_slice %dma_start3A_2961[%dma_start3A_2962] : memref<50331648xf32, #tpu.memory_space<hbm>> -> memref<50331648xf32, #tpu.memory_space<hbm>>
    tpu.enqueue_indirect_dma source(%dma_start3A_2963 : memref<50331648xf32, #tpu.memory_space<hbm>>) target(%dma_start3A_2959 : memref<4096xf32, #tpu.memory_space<vmem>>) offsets(%arg6 : memref<4096xi32, #tpu.memory_space<vmem>>) semaphore(%arg10 : memref<!tpu.dma_semaphore, #tpu.memory_space<semaphore_mem>>)
    %dma_start3A_2964 = arith.constant 3 : i32
    %dma_start3A_2965 = arith.constant 0 : i32
    %dma_start3A_2966 = tpu.memref_slice %arg7[%dma_start3A_2964, %dma_start3A_2965] : memref<8x4096xf32, #tpu.memory_space<vmem>> -> memref<1x4096xf32, #tpu.memory_space<vmem>>
    %dma_start3A_2967 = tpu.memref_squeeze %dma_start3A_2966 : memref<1x4096xf32, #tpu.memory_space<vmem>> -> memref<4096xf32, #tpu.memory_space<vmem>>
    %dma_start3A_2968 = arith.constant 25165824 : i32
    %dma_start3A_2969 = tpu.memref_slice %arg3[%dma_start3A_2968] : memref<67108864xf32, #tpu.memory_space<hbm>> -> memref<41943040xf32, #tpu.memory_space<hbm>>
    %dma_start3A_2970 = arith.constant 0 : i32
    %dma_start3A_2971 = tpu.memref_slice %dma_start3A_2969[%dma_start3A_2970] : memref<41943040xf32, #tpu.memory_space<hbm>> -> memref<41943040xf32, #tpu.memory_space<hbm>>
    tpu.enqueue_indirect_dma source(%dma_start3A_2971 : memref<41943040xf32, #tpu.memory_space<hbm>>) target(%dma_start3A_2967 : memref<4096xf32, #tpu.memory_space<vmem>>) offsets(%arg6 : memref<4096xi32, #tpu.memory_space<vmem>>) semaphore(%arg11 : memref<!tpu.dma_semaphore, #tpu.memory_space<semaphore_mem>>)
    %dma_start3A_2972 = arith.constant 4 : i32
    %dma_start3A_2973 = arith.constant 0 : i32
    %dma_start3A_2974 = tpu.memref_slice %arg7[%dma_start3A_2972, %dma_start3A_2973] : memref<8x4096xf32, #tpu.memory_space<vmem>> -> memref<1x4096xf32, #tpu.memory_space<vmem>>
    %dma_start3A_2975 = tpu.memref_squeeze %dma_start3A_2974 : memref<1x4096xf32, #tpu.memory_space<vmem>> -> memref<4096xf32, #tpu.memory_space<vmem>>
    %dma_start3A_2976 = arith.constant 33554432 : i32
    %dma_start3A_2977 = tpu.memref_slice %arg3[%dma_start3A_2976] : memref<67108864xf32, #tpu.memory_space<hbm>> -> memref<33554432xf32, #tpu.memory_space<hbm>>
    %dma_start3A_2978 = arith.constant 0 : i32
    %dma_start3A_2979 = tpu.memref_slice %dma_start3A_2977[%dma_start3A_2978] : memref<33554432xf32, #tpu.memory_space<hbm>> -> memref<33554432xf32, #tpu.memory_space<hbm>>
    tpu.enqueue_indirect_dma source(%dma_start3A_2979 : memref<33554432xf32, #tpu.memory_space<hbm>>) target(%dma_start3A_2975 : memref<4096xf32, #tpu.memory_space<vmem>>) offsets(%arg6 : memref<4096xi32, #tpu.memory_space<vmem>>) semaphore(%arg12 : memref<!tpu.dma_semaphore, #tpu.memory_space<semaphore_mem>>)
    %dma_start3A_2980 = arith.constant 5 : i32
    %dma_start3A_2981 = arith.constant 0 : i32
    %dma_start3A_2982 = tpu.memref_slice %arg7[%dma_start3A_2980, %dma_start3A_2981] : memref<8x4096xf32, #tpu.memory_space<vmem>> -> memref<1x4096xf32, #tpu.memory_space<vmem>>
    %dma_start3A_2983 = tpu.memref_squeeze %dma_start3A_2982 : memref<1x4096xf32, #tpu.memory_space<vmem>> -> memref<4096xf32, #tpu.memory_space<vmem>>
    %dma_start3A_2984 = arith.constant 41943040 : i32
    %dma_start3A_2985 = tpu.memref_slice %arg3[%dma_start3A_2984] : memref<67108864xf32, #tpu.memory_space<hbm>> -> memref<25165824xf32, #tpu.memory_space<hbm>>
    %dma_start3A_2986 = arith.constant 0 : i32
    %dma_start3A_2987 = tpu.memref_slice %dma_start3A_2985[%dma_start3A_2986] : memref<25165824xf32, #tpu.memory_space<hbm>> -> memref<25165824xf32, #tpu.memory_space<hbm>>
    tpu.enqueue_indirect_dma source(%dma_start3A_2987 : memref<25165824xf32, #tpu.memory_space<hbm>>) target(%dma_start3A_2983 : memref<4096xf32, #tpu.memory_space<vmem>>) offsets(%arg6 : memref<4096xi32, #tpu.memory_space<vmem>>) semaphore(%arg13 : memref<!tpu.dma_semaphore, #tpu.memory_space<semaphore_mem>>)
    %dma_start3A_2988 = arith.constant 6 : i32
    %dma_start3A_2989 = arith.constant 0 : i32
    %dma_start3A_2990 = tpu.memref_slice %arg7[%dma_start3A_2988, %dma_start3A_2989] : memref<8x4096xf32, #tpu.memory_space<vmem>> -> memref<1x4096xf32, #tpu.memory_space<vmem>>
    %dma_start3A_2991 = tpu.memref_squeeze %dma_start3A_2990 : memref<1x4096xf32, #tpu.memory_space<vmem>> -> memref<4096xf32, #tpu.memory_space<vmem>>
    %dma_start3A_2992 = arith.constant 50331648 : i32
    %dma_start3A_2993 = tpu.memref_slice %arg3[%dma_start3A_2992] : memref<67108864xf32, #tpu.memory_space<hbm>> -> memref<16777216xf32, #tpu.memory_space<hbm>>
    %dma_start3A_2994 = arith.constant 0 : i32
    %dma_start3A_2995 = tpu.memref_slice %dma_start3A_2993[%dma_start3A_2994] : memref<16777216xf32, #tpu.memory_space<hbm>> -> memref<16777216xf32, #tpu.memory_space<hbm>>
    tpu.enqueue_indirect_dma source(%dma_start3A_2995 : memref<16777216xf32, #tpu.memory_space<hbm>>) target(%dma_start3A_2991 : memref<4096xf32, #tpu.memory_space<vmem>>) offsets(%arg6 : memref<4096xi32, #tpu.memory_space<vmem>>) semaphore(%arg14 : memref<!tpu.dma_semaphore, #tpu.memory_space<semaphore_mem>>)
    %dma_start3A_2996 = arith.constant 7 : i32
    %dma_start3A_2997 = arith.constant 0 : i32
    %dma_start3A_2998 = tpu.memref_slice %arg7[%dma_start3A_2996, %dma_start3A_2997] : memref<8x4096xf32, #tpu.memory_space<vmem>> -> memref<1x4096xf32, #tpu.memory_space<vmem>>
    %dma_start3A_2999 = tpu.memref_squeeze %dma_start3A_2998 : memref<1x4096xf32, #tpu.memory_space<vmem>> -> memref<4096xf32, #tpu.memory_space<vmem>>
    %dma_start3A_3000 = arith.constant 58720256 : i32
    %dma_start3A_3001 = tpu.memref_slice %arg3[%dma_start3A_3000] : memref<67108864xf32, #tpu.memory_space<hbm>> -> memref<8388608xf32, #tpu.memory_space<hbm>>
    %dma_start3A_3002 = arith.constant 0 : i32
    %dma_start3A_3003 = tpu.memref_slice %dma_start3A_3001[%dma_start3A_3002] : memref<8388608xf32, #tpu.memory_space<hbm>> -> memref<8388608xf32, #tpu.memory_space<hbm>>
    tpu.enqueue_indirect_dma source(%dma_start3A_3003 : memref<8388608xf32, #tpu.memory_space<hbm>>) target(%dma_start3A_2999 : memref<4096xf32, #tpu.memory_space<vmem>>) offsets(%arg6 : memref<4096xi32, #tpu.memory_space<vmem>>) semaphore(%arg15 : memref<!tpu.dma_semaphore, #tpu.memory_space<semaphore_mem>>)
    %dma_wait3A = arith.constant 0 : i32
    %dma_wait3A_3004 = arith.constant 0 : i32
    %dma_wait3A_3005 = tpu.memref_slice %arg7[%dma_wait3A, %dma_wait3A_3004] : memref<8x4096xf32, #tpu.memory_space<vmem>> -> memref<1x4096xf32, #tpu.memory_space<vmem>>
    %dma_wait3A_3006 = tpu.memref_squeeze %dma_wait3A_3005 : memref<1x4096xf32, #tpu.memory_space<vmem>> -> memref<4096xf32, #tpu.memory_space<vmem>>
    %dma_wait3A_3007 = arith.constant 0 : i32
    %dma_wait3A_3008 = tpu.memref_slice %arg3[%dma_wait3A_3007] : memref<67108864xf32, #tpu.memory_space<hbm>> -> memref<67108864xf32, #tpu.memory_space<hbm>>
    %dma_wait3A_3009 = arith.constant 0 : i32
    %dma_wait3A_3010 = tpu.memref_slice %dma_wait3A_3008[%dma_wait3A_3009] : memref<67108864xf32, #tpu.memory_space<hbm>> -> memref<67108864xf32, #tpu.memory_space<hbm>>
    tpu.wait_indirect_dma semaphore(%arg8 : memref<!tpu.dma_semaphore, #tpu.memory_space<semaphore_mem>>) src(%dma_wait3A_3010 : memref<67108864xf32, #tpu.memory_space<hbm>>) dst(%dma_wait3A_3006 : memref<4096xf32, #tpu.memory_space<vmem>>)
    %dma_start3A_3011 = arith.constant 0 : i32
    %dma_start3A_3012 = arith.constant 0 : i32
    %dma_start3A_3013 = arith.constant 0 : i32
    %dma_start3A_3014 = tpu.memref_slice %arg7[%dma_start3A_3011, %dma_start3A_3013] : memref<8x4096xf32, #tpu.memory_space<vmem>> -> memref<1x4096xf32, #tpu.memory_space<vmem>>
    %dma_start3A_3015 = tpu.memref_squeeze %dma_start3A_3014 : memref<1x4096xf32, #tpu.memory_space<vmem>> -> memref<4096xf32, #tpu.memory_space<vmem>>
    %dma_start3A_3016 = arith.constant 0 : i32
    %dma_start3A_3017 = tpu.memref_slice %arg4[%dma_start3A_3012, %add3A, %dma_start3A_3016] : memref<8x32x4096xf32, #tpu.memory_space<hbm>> -> memref<1x1x4096xf32, #tpu.memory_space<hbm>>
    %dma_start3A_3018 = tpu.memref_squeeze %dma_start3A_3017 : memref<1x1x4096xf32, #tpu.memory_space<hbm>> -> memref<4096xf32, #tpu.memory_space<hbm>>
    %dma_start3A_3019 = arith.constant 0 : i32
    %dma_start3A_3020 = tpu.memref_slice %arg4[%dma_start3A_3012, %add3A, %dma_start3A_3019] : memref<8x32x4096xf32, #tpu.memory_space<hbm>> -> memref<1x1x4096xf32, #tpu.memory_space<hbm>>
    %dma_start3A_3021 = tpu.memref_squeeze %dma_start3A_3020 : memref<1x1x4096xf32, #tpu.memory_space<hbm>> -> memref<4096xf32, #tpu.memory_space<hbm>>
    %dma_start3A_3022 = arith.constant 0 : i32
    %dma_start3A_3023 = tpu.memref_slice %arg7[%dma_start3A_3011, %dma_start3A_3022] : memref<8x4096xf32, #tpu.memory_space<vmem>> -> memref<1x4096xf32, #tpu.memory_space<vmem>>
    %dma_start3A_3024 = tpu.memref_squeeze %dma_start3A_3023 : memref<1x4096xf32, #tpu.memory_space<vmem>> -> memref<4096xf32, #tpu.memory_space<vmem>>
    tpu.enqueue_dma source(%dma_start3A_3024 : memref<4096xf32, #tpu.memory_space<vmem>>) target(%dma_start3A_3021 : memref<4096xf32, #tpu.memory_space<hbm>>) target_semaphore(%arg16 : memref<!tpu.dma_semaphore, #tpu.memory_space<semaphore_mem>>)
    %dma_wait3A_3025 = arith.constant 1 : i32
    %dma_wait3A_3026 = arith.constant 0 : i32
    %dma_wait3A_3027 = tpu.memref_slice %arg7[%dma_wait3A_3025, %dma_wait3A_3026] : memref<8x4096xf32, #tpu.memory_space<vmem>> -> memref<1x4096xf32, #tpu.memory_space<vmem>>
    %dma_wait3A_3028 = tpu.memref_squeeze %dma_wait3A_3027 : memref<1x4096xf32, #tpu.memory_space<vmem>> -> memref<4096xf32, #tpu.memory_space<vmem>>
    %dma_wait3A_3029 = arith.constant 8388608 : i32
    %dma_wait3A_3030 = tpu.memref_slice %arg3[%dma_wait3A_3029] : memref<67108864xf32, #tpu.memory_space<hbm>> -> memref<58720256xf32, #tpu.memory_space<hbm>>
    %dma_wait3A_3031 = arith.constant 0 : i32
    %dma_wait3A_3032 = tpu.memref_slice %dma_wait3A_3030[%dma_wait3A_3031] : memref<58720256xf32, #tpu.memory_space<hbm>> -> memref<58720256xf32, #tpu.memory_space<hbm>>
    tpu.wait_indirect_dma semaphore(%arg9 : memref<!tpu.dma_semaphore, #tpu.memory_space<semaphore_mem>>) src(%dma_wait3A_3032 : memref<58720256xf32, #tpu.memory_space<hbm>>) dst(%dma_wait3A_3028 : memref<4096xf32, #tpu.memory_space<vmem>>)
    %dma_start3A_3033 = arith.constant 1 : i32
    %dma_start3A_3034 = arith.constant 1 : i32
    %dma_start3A_3035 = arith.constant 0 : i32
    %dma_start3A_3036 = tpu.memref_slice %arg7[%dma_start3A_3033, %dma_start3A_3035] : memref<8x4096xf32, #tpu.memory_space<vmem>> -> memref<1x4096xf32, #tpu.memory_space<vmem>>
    %dma_start3A_3037 = tpu.memref_squeeze %dma_start3A_3036 : memref<1x4096xf32, #tpu.memory_space<vmem>> -> memref<4096xf32, #tpu.memory_space<vmem>>
    %dma_start3A_3038 = arith.constant 0 : i32
    %dma_start3A_3039 = tpu.memref_slice %arg4[%dma_start3A_3034, %add3A, %dma_start3A_3038] : memref<8x32x4096xf32, #tpu.memory_space<hbm>> -> memref<1x1x4096xf32, #tpu.memory_space<hbm>>
    %dma_start3A_3040 = tpu.memref_squeeze %dma_start3A_3039 : memref<1x1x4096xf32, #tpu.memory_space<hbm>> -> memref<4096xf32, #tpu.memory_space<hbm>>
    %dma_start3A_3041 = arith.constant 0 : i32
    %dma_start3A_3042 = tpu.memref_slice %arg4[%dma_start3A_3034, %add3A, %dma_start3A_3041] : memref<8x32x4096xf32, #tpu.memory_space<hbm>> -> memref<1x1x4096xf32, #tpu.memory_space<hbm>>
    %dma_start3A_3043 = tpu.memref_squeeze %dma_start3A_3042 : memref<1x1x4096xf32, #tpu.memory_space<hbm>> -> memref<4096xf32, #tpu.memory_space<hbm>>
    %dma_start3A_3044 = arith.constant 0 : i32
    %dma_start3A_3045 = tpu.memref_slice %arg7[%dma_start3A_3033, %dma_start3A_3044] : memref<8x4096xf32, #tpu.memory_space<vmem>> -> memref<1x4096xf32, #tpu.memory_space<vmem>>
    %dma_start3A_3046 = tpu.memref_squeeze %dma_start3A_3045 : memref<1x4096xf32, #tpu.memory_space<vmem>> -> memref<4096xf32, #tpu.memory_space<vmem>>
    tpu.enqueue_dma source(%dma_start3A_3046 : memref<4096xf32, #tpu.memory_space<vmem>>) target(%dma_start3A_3043 : memref<4096xf32, #tpu.memory_space<hbm>>) target_semaphore(%arg16 : memref<!tpu.dma_semaphore, #tpu.memory_space<semaphore_mem>>)
    %dma_wait3A_3047 = arith.constant 2 : i32
    %dma_wait3A_3048 = arith.constant 0 : i32
    %dma_wait3A_3049 = tpu.memref_slice %arg7[%dma_wait3A_3047, %dma_wait3A_3048] : memref<8x4096xf32, #tpu.memory_space<vmem>> -> memref<1x4096xf32, #tpu.memory_space<vmem>>
    %dma_wait3A_3050 = tpu.memref_squeeze %dma_wait3A_3049 : memref<1x4096xf32, #tpu.memory_space<vmem>> -> memref<4096xf32, #tpu.memory_space<vmem>>
    %dma_wait3A_3051 = arith.constant 16777216 : i32
    %dma_wait3A_3052 = tpu.memref_slice %arg3[%dma_wait3A_3051] : memref<67108864xf32, #tpu.memory_space<hbm>> -> memref<50331648xf32, #tpu.memory_space<hbm>>
    %dma_wait3A_3053 = arith.constant 0 : i32
    %dma_wait3A_3054 = tpu.memref_slice %dma_wait3A_3052[%dma_wait3A_3053] : memref<50331648xf32, #tpu.memory_space<hbm>> -> memref<50331648xf32, #tpu.memory_space<hbm>>
    tpu.wait_indirect_dma semaphore(%arg10 : memref<!tpu.dma_semaphore, #tpu.memory_space<semaphore_mem>>) src(%dma_wait3A_3054 : memref<50331648xf32, #tpu.memory_space<hbm>>) dst(%dma_wait3A_3050 : memref<4096xf32, #tpu.memory_space<vmem>>)
    %dma_start3A_3055 = arith.constant 2 : i32
    %dma_start3A_3056 = arith.constant 2 : i32
    %dma_start3A_3057 = arith.constant 0 : i32
    %dma_start3A_3058 = tpu.memref_slice %arg7[%dma_start3A_3055, %dma_start3A_3057] : memref<8x4096xf32, #tpu.memory_space<vmem>> -> memref<1x4096xf32, #tpu.memory_space<vmem>>
    %dma_start3A_3059 = tpu.memref_squeeze %dma_start3A_3058 : memref<1x4096xf32, #tpu.memory_space<vmem>> -> memref<4096xf32, #tpu.memory_space<vmem>>
    %dma_start3A_3060 = arith.constant 0 : i32
    %dma_start3A_3061 = tpu.memref_slice %arg4[%dma_start3A_3056, %add3A, %dma_start3A_3060] : memref<8x32x4096xf32, #tpu.memory_space<hbm>> -> memref<1x1x4096xf32, #tpu.memory_space<hbm>>
    %dma_start3A_3062 = tpu.memref_squeeze %dma_start3A_3061 : memref<1x1x4096xf32, #tpu.memory_space<hbm>> -> memref<4096xf32, #tpu.memory_space<hbm>>
    %dma_start3A_3063 = arith.constant 0 : i32
    %dma_start3A_3064 = tpu.memref_slice %arg4[%dma_start3A_3056, %add3A, %dma_start3A_3063] : memref<8x32x4096xf32, #tpu.memory_space<hbm>> -> memref<1x1x4096xf32, #tpu.memory_space<hbm>>
    %dma_start3A_3065 = tpu.memref_squeeze %dma_start3A_3064 : memref<1x1x4096xf32, #tpu.memory_space<hbm>> -> memref<4096xf32, #tpu.memory_space<hbm>>
    %dma_start3A_3066 = arith.constant 0 : i32
    %dma_start3A_3067 = tpu.memref_slice %arg7[%dma_start3A_3055, %dma_start3A_3066] : memref<8x4096xf32, #tpu.memory_space<vmem>> -> memref<1x4096xf32, #tpu.memory_space<vmem>>
    %dma_start3A_3068 = tpu.memref_squeeze %dma_start3A_3067 : memref<1x4096xf32, #tpu.memory_space<vmem>> -> memref<4096xf32, #tpu.memory_space<vmem>>
    tpu.enqueue_dma source(%dma_start3A_3068 : memref<4096xf32, #tpu.memory_space<vmem>>) target(%dma_start3A_3065 : memref<4096xf32, #tpu.memory_space<hbm>>) target_semaphore(%arg16 : memref<!tpu.dma_semaphore, #tpu.memory_space<semaphore_mem>>)
    %dma_wait3A_3069 = arith.constant 3 : i32
    %dma_wait3A_3070 = arith.constant 0 : i32
    %dma_wait3A_3071 = tpu.memref_slice %arg7[%dma_wait3A_3069, %dma_wait3A_3070] : memref<8x4096xf32, #tpu.memory_space<vmem>> -> memref<1x4096xf32, #tpu.memory_space<vmem>>
    %dma_wait3A_3072 = tpu.memref_squeeze %dma_wait3A_3071 : memref<1x4096xf32, #tpu.memory_space<vmem>> -> memref<4096xf32, #tpu.memory_space<vmem>>
    %dma_wait3A_3073 = arith.constant 25165824 : i32
    %dma_wait3A_3074 = tpu.memref_slice %arg3[%dma_wait3A_3073] : memref<67108864xf32, #tpu.memory_space<hbm>> -> memref<41943040xf32, #tpu.memory_space<hbm>>
    %dma_wait3A_3075 = arith.constant 0 : i32
    %dma_wait3A_3076 = tpu.memref_slice %dma_wait3A_3074[%dma_wait3A_3075] : memref<41943040xf32, #tpu.memory_space<hbm>> -> memref<41943040xf32, #tpu.memory_space<hbm>>
    tpu.wait_indirect_dma semaphore(%arg11 : memref<!tpu.dma_semaphore, #tpu.memory_space<semaphore_mem>>) src(%dma_wait3A_3076 : memref<41943040xf32, #tpu.memory_space<hbm>>) dst(%dma_wait3A_3072 : memref<4096xf32, #tpu.memory_space<vmem>>)
    %dma_start3A_3077 = arith.constant 3 : i32
    %dma_start3A_3078 = arith.constant 3 : i32
    %dma_start3A_3079 = arith.constant 0 : i32
    %dma_start3A_3080 = tpu.memref_slice %arg7[%dma_start3A_3077, %dma_start3A_3079] : memref<8x4096xf32, #tpu.memory_space<vmem>> -> memref<1x4096xf32, #tpu.memory_space<vmem>>
    %dma_start3A_3081 = tpu.memref_squeeze %dma_start3A_3080 : memref<1x4096xf32, #tpu.memory_space<vmem>> -> memref<4096xf32, #tpu.memory_space<vmem>>
    %dma_start3A_3082 = arith.constant 0 : i32
    %dma_start3A_3083 = tpu.memref_slice %arg4[%dma_start3A_3078, %add3A, %dma_start3A_3082] : memref<8x32x4096xf32, #tpu.memory_space<hbm>> -> memref<1x1x4096xf32, #tpu.memory_space<hbm>>
    %dma_start3A_3084 = tpu.memref_squeeze %dma_start3A_3083 : memref<1x1x4096xf32, #tpu.memory_space<hbm>> -> memref<4096xf32, #tpu.memory_space<hbm>>
    %dma_start3A_3085 = arith.constant 0 : i32
    %dma_start3A_3086 = tpu.memref_slice %arg4[%dma_start3A_3078, %add3A, %dma_start3A_3085] : memref<8x32x4096xf32, #tpu.memory_space<hbm>> -> memref<1x1x4096xf32, #tpu.memory_space<hbm>>
    %dma_start3A_3087 = tpu.memref_squeeze %dma_start3A_3086 : memref<1x1x4096xf32, #tpu.memory_space<hbm>> -> memref<4096xf32, #tpu.memory_space<hbm>>
    %dma_start3A_3088 = arith.constant 0 : i32
    %dma_start3A_3089 = tpu.memref_slice %arg7[%dma_start3A_3077, %dma_start3A_3088] : memref<8x4096xf32, #tpu.memory_space<vmem>> -> memref<1x4096xf32, #tpu.memory_space<vmem>>
    %dma_start3A_3090 = tpu.memref_squeeze %dma_start3A_3089 : memref<1x4096xf32, #tpu.memory_space<vmem>> -> memref<4096xf32, #tpu.memory_space<vmem>>
    tpu.enqueue_dma source(%dma_start3A_3090 : memref<4096xf32, #tpu.memory_space<vmem>>) target(%dma_start3A_3087 : memref<4096xf32, #tpu.memory_space<hbm>>) target_semaphore(%arg16 : memref<!tpu.dma_semaphore, #tpu.memory_space<semaphore_mem>>)
    %dma_wait3A_3091 = arith.constant 4 : i32
    %dma_wait3A_3092 = arith.constant 0 : i32
    %dma_wait3A_3093 = tpu.memref_slice %arg7[%dma_wait3A_3091, %dma_wait3A_3092] : memref<8x4096xf32, #tpu.memory_space<vmem>> -> memref<1x4096xf32, #tpu.memory_space<vmem>>
    %dma_wait3A_3094 = tpu.memref_squeeze %dma_wait3A_3093 : memref<1x4096xf32, #tpu.memory_space<vmem>> -> memref<4096xf32, #tpu.memory_space<vmem>>
    %dma_wait3A_3095 = arith.constant 33554432 : i32
    %dma_wait3A_3096 = tpu.memref_slice %arg3[%dma_wait3A_3095] : memref<67108864xf32, #tpu.memory_space<hbm>> -> memref<33554432xf32, #tpu.memory_space<hbm>>
    %dma_wait3A_3097 = arith.constant 0 : i32
    %dma_wait3A_3098 = tpu.memref_slice %dma_wait3A_3096[%dma_wait3A_3097] : memref<33554432xf32, #tpu.memory_space<hbm>> -> memref<33554432xf32, #tpu.memory_space<hbm>>
    tpu.wait_indirect_dma semaphore(%arg12 : memref<!tpu.dma_semaphore, #tpu.memory_space<semaphore_mem>>) src(%dma_wait3A_3098 : memref<33554432xf32, #tpu.memory_space<hbm>>) dst(%dma_wait3A_3094 : memref<4096xf32, #tpu.memory_space<vmem>>)
    %dma_start3A_3099 = arith.constant 4 : i32
    %dma_start3A_3100 = arith.constant 4 : i32
    %dma_start3A_3101 = arith.constant 0 : i32
    %dma_start3A_3102 = tpu.memref_slice %arg7[%dma_start3A_3099, %dma_start3A_3101] : memref<8x4096xf32, #tpu.memory_space<vmem>> -> memref<1x4096xf32, #tpu.memory_space<vmem>>
    %dma_start3A_3103 = tpu.memref_squeeze %dma_start3A_3102 : memref<1x4096xf32, #tpu.memory_space<vmem>> -> memref<4096xf32, #tpu.memory_space<vmem>>
    %dma_start3A_3104 = arith.constant 0 : i32
    %dma_start3A_3105 = tpu.memref_slice %arg4[%dma_start3A_3100, %add3A, %dma_start3A_3104] : memref<8x32x4096xf32, #tpu.memory_space<hbm>> -> memref<1x1x4096xf32, #tpu.memory_space<hbm>>
    %dma_start3A_3106 = tpu.memref_squeeze %dma_start3A_3105 : memref<1x1x4096xf32, #tpu.memory_space<hbm>> -> memref<4096xf32, #tpu.memory_space<hbm>>
    %dma_start3A_3107 = arith.constant 0 : i32
    %dma_start3A_3108 = tpu.memref_slice %arg4[%dma_start3A_3100, %add3A, %dma_start3A_3107] : memref<8x32x4096xf32, #tpu.memory_space<hbm>> -> memref<1x1x4096xf32, #tpu.memory_space<hbm>>
    %dma_start3A_3109 = tpu.memref_squeeze %dma_start3A_3108 : memref<1x1x4096xf32, #tpu.memory_space<hbm>> -> memref<4096xf32, #tpu.memory_space<hbm>>
    %dma_start3A_3110 = arith.constant 0 : i32
    %dma_start3A_3111 = tpu.memref_slice %arg7[%dma_start3A_3099, %dma_start3A_3110] : memref<8x4096xf32, #tpu.memory_space<vmem>> -> memref<1x4096xf32, #tpu.memory_space<vmem>>
    %dma_start3A_3112 = tpu.memref_squeeze %dma_start3A_3111 : memref<1x4096xf32, #tpu.memory_space<vmem>> -> memref<4096xf32, #tpu.memory_space<vmem>>
    tpu.enqueue_dma source(%dma_start3A_3112 : memref<4096xf32, #tpu.memory_space<vmem>>) target(%dma_start3A_3109 : memref<4096xf32, #tpu.memory_space<hbm>>) target_semaphore(%arg16 : memref<!tpu.dma_semaphore, #tpu.memory_space<semaphore_mem>>)
    %dma_wait3A_3113 = arith.constant 5 : i32
    %dma_wait3A_3114 = arith.constant 0 : i32
    %dma_wait3A_3115 = tpu.memref_slice %arg7[%dma_wait3A_3113, %dma_wait3A_3114] : memref<8x4096xf32, #tpu.memory_space<vmem>> -> memref<1x4096xf32, #tpu.memory_space<vmem>>
    %dma_wait3A_3116 = tpu.memref_squeeze %dma_wait3A_3115 : memref<1x4096xf32, #tpu.memory_space<vmem>> -> memref<4096xf32, #tpu.memory_space<vmem>>
    %dma_wait3A_3117 = arith.constant 41943040 : i32
    %dma_wait3A_3118 = tpu.memref_slice %arg3[%dma_wait3A_3117] : memref<67108864xf32, #tpu.memory_space<hbm>> -> memref<25165824xf32, #tpu.memory_space<hbm>>
    %dma_wait3A_3119 = arith.constant 0 : i32
    %dma_wait3A_3120 = tpu.memref_slice %dma_wait3A_3118[%dma_wait3A_3119] : memref<25165824xf32, #tpu.memory_space<hbm>> -> memref<25165824xf32, #tpu.memory_space<hbm>>
    tpu.wait_indirect_dma semaphore(%arg13 : memref<!tpu.dma_semaphore, #tpu.memory_space<semaphore_mem>>) src(%dma_wait3A_3120 : memref<25165824xf32, #tpu.memory_space<hbm>>) dst(%dma_wait3A_3116 : memref<4096xf32, #tpu.memory_space<vmem>>)
    %dma_start3A_3121 = arith.constant 5 : i32
    %dma_start3A_3122 = arith.constant 5 : i32
    %dma_start3A_3123 = arith.constant 0 : i32
    %dma_start3A_3124 = tpu.memref_slice %arg7[%dma_start3A_3121, %dma_start3A_3123] : memref<8x4096xf32, #tpu.memory_space<vmem>> -> memref<1x4096xf32, #tpu.memory_space<vmem>>
    %dma_start3A_3125 = tpu.memref_squeeze %dma_start3A_3124 : memref<1x4096xf32, #tpu.memory_space<vmem>> -> memref<4096xf32, #tpu.memory_space<vmem>>
    %dma_start3A_3126 = arith.constant 0 : i32
    %dma_start3A_3127 = tpu.memref_slice %arg4[%dma_start3A_3122, %add3A, %dma_start3A_3126] : memref<8x32x4096xf32, #tpu.memory_space<hbm>> -> memref<1x1x4096xf32, #tpu.memory_space<hbm>>
    %dma_start3A_3128 = tpu.memref_squeeze %dma_start3A_3127 : memref<1x1x4096xf32, #tpu.memory_space<hbm>> -> memref<4096xf32, #tpu.memory_space<hbm>>
    %dma_start3A_3129 = arith.constant 0 : i32
    %dma_start3A_3130 = tpu.memref_slice %arg4[%dma_start3A_3122, %add3A, %dma_start3A_3129] : memref<8x32x4096xf32, #tpu.memory_space<hbm>> -> memref<1x1x4096xf32, #tpu.memory_space<hbm>>
    %dma_start3A_3131 = tpu.memref_squeeze %dma_start3A_3130 : memref<1x1x4096xf32, #tpu.memory_space<hbm>> -> memref<4096xf32, #tpu.memory_space<hbm>>
    %dma_start3A_3132 = arith.constant 0 : i32
    %dma_start3A_3133 = tpu.memref_slice %arg7[%dma_start3A_3121, %dma_start3A_3132] : memref<8x4096xf32, #tpu.memory_space<vmem>> -> memref<1x4096xf32, #tpu.memory_space<vmem>>
    %dma_start3A_3134 = tpu.memref_squeeze %dma_start3A_3133 : memref<1x4096xf32, #tpu.memory_space<vmem>> -> memref<4096xf32, #tpu.memory_space<vmem>>
    tpu.enqueue_dma source(%dma_start3A_3134 : memref<4096xf32, #tpu.memory_space<vmem>>) target(%dma_start3A_3131 : memref<4096xf32, #tpu.memory_space<hbm>>) target_semaphore(%arg16 : memref<!tpu.dma_semaphore, #tpu.memory_space<semaphore_mem>>)
    %dma_wait3A_3135 = arith.constant 6 : i32
    %dma_wait3A_3136 = arith.constant 0 : i32
    %dma_wait3A_3137 = tpu.memref_slice %arg7[%dma_wait3A_3135, %dma_wait3A_3136] : memref<8x4096xf32, #tpu.memory_space<vmem>> -> memref<1x4096xf32, #tpu.memory_space<vmem>>
    %dma_wait3A_3138 = tpu.memref_squeeze %dma_wait3A_3137 : memref<1x4096xf32, #tpu.memory_space<vmem>> -> memref<4096xf32, #tpu.memory_space<vmem>>
    %dma_wait3A_3139 = arith.constant 50331648 : i32
    %dma_wait3A_3140 = tpu.memref_slice %arg3[%dma_wait3A_3139] : memref<67108864xf32, #tpu.memory_space<hbm>> -> memref<16777216xf32, #tpu.memory_space<hbm>>
    %dma_wait3A_3141 = arith.constant 0 : i32
    %dma_wait3A_3142 = tpu.memref_slice %dma_wait3A_3140[%dma_wait3A_3141] : memref<16777216xf32, #tpu.memory_space<hbm>> -> memref<16777216xf32, #tpu.memory_space<hbm>>
    tpu.wait_indirect_dma semaphore(%arg14 : memref<!tpu.dma_semaphore, #tpu.memory_space<semaphore_mem>>) src(%dma_wait3A_3142 : memref<16777216xf32, #tpu.memory_space<hbm>>) dst(%dma_wait3A_3138 : memref<4096xf32, #tpu.memory_space<vmem>>)
    %dma_start3A_3143 = arith.constant 6 : i32
    %dma_start3A_3144 = arith.constant 6 : i32
    %dma_start3A_3145 = arith.constant 0 : i32
    %dma_start3A_3146 = tpu.memref_slice %arg7[%dma_start3A_3143, %dma_start3A_3145] : memref<8x4096xf32, #tpu.memory_space<vmem>> -> memref<1x4096xf32, #tpu.memory_space<vmem>>
    %dma_start3A_3147 = tpu.memref_squeeze %dma_start3A_3146 : memref<1x4096xf32, #tpu.memory_space<vmem>> -> memref<4096xf32, #tpu.memory_space<vmem>>
    %dma_start3A_3148 = arith.constant 0 : i32
    %dma_start3A_3149 = tpu.memref_slice %arg4[%dma_start3A_3144, %add3A, %dma_start3A_3148] : memref<8x32x4096xf32, #tpu.memory_space<hbm>> -> memref<1x1x4096xf32, #tpu.memory_space<hbm>>
    %dma_start3A_3150 = tpu.memref_squeeze %dma_start3A_3149 : memref<1x1x4096xf32, #tpu.memory_space<hbm>> -> memref<4096xf32, #tpu.memory_space<hbm>>
    %dma_start3A_3151 = arith.constant 0 : i32
    %dma_start3A_3152 = tpu.memref_slice %arg4[%dma_start3A_3144, %add3A, %dma_start3A_3151] : memref<8x32x4096xf32, #tpu.memory_space<hbm>> -> memref<1x1x4096xf32, #tpu.memory_space<hbm>>
    %dma_start3A_3153 = tpu.memref_squeeze %dma_start3A_3152 : memref<1x1x4096xf32, #tpu.memory_space<hbm>> -> memref<4096xf32, #tpu.memory_space<hbm>>
    %dma_start3A_3154 = arith.constant 0 : i32
    %dma_start3A_3155 = tpu.memref_slice %arg7[%dma_start3A_3143, %dma_start3A_3154] : memref<8x4096xf32, #tpu.memory_space<vmem>> -> memref<1x4096xf32, #tpu.memory_space<vmem>>
    %dma_start3A_3156 = tpu.memref_squeeze %dma_start3A_3155 : memref<1x4096xf32, #tpu.memory_space<vmem>> -> memref<4096xf32, #tpu.memory_space<vmem>>
    tpu.enqueue_dma source(%dma_start3A_3156 : memref<4096xf32, #tpu.memory_space<vmem>>) target(%dma_start3A_3153 : memref<4096xf32, #tpu.memory_space<hbm>>) target_semaphore(%arg16 : memref<!tpu.dma_semaphore, #tpu.memory_space<semaphore_mem>>)
    %dma_wait3A_3157 = arith.constant 7 : i32
    %dma_wait3A_3158 = arith.constant 0 : i32
    %dma_wait3A_3159 = tpu.memref_slice %arg7[%dma_wait3A_3157, %dma_wait3A_3158] : memref<8x4096xf32, #tpu.memory_space<vmem>> -> memref<1x4096xf32, #tpu.memory_space<vmem>>
    %dma_wait3A_3160 = tpu.memref_squeeze %dma_wait3A_3159 : memref<1x4096xf32, #tpu.memory_space<vmem>> -> memref<4096xf32, #tpu.memory_space<vmem>>
    %dma_wait3A_3161 = arith.constant 58720256 : i32
    %dma_wait3A_3162 = tpu.memref_slice %arg3[%dma_wait3A_3161] : memref<67108864xf32, #tpu.memory_space<hbm>> -> memref<8388608xf32, #tpu.memory_space<hbm>>
    %dma_wait3A_3163 = arith.constant 0 : i32
    %dma_wait3A_3164 = tpu.memref_slice %dma_wait3A_3162[%dma_wait3A_3163] : memref<8388608xf32, #tpu.memory_space<hbm>> -> memref<8388608xf32, #tpu.memory_space<hbm>>
    tpu.wait_indirect_dma semaphore(%arg15 : memref<!tpu.dma_semaphore, #tpu.memory_space<semaphore_mem>>) src(%dma_wait3A_3164 : memref<8388608xf32, #tpu.memory_space<hbm>>) dst(%dma_wait3A_3160 : memref<4096xf32, #tpu.memory_space<vmem>>)
    %dma_start3A_3165 = arith.constant 7 : i32
    %dma_start3A_3166 = arith.constant 7 : i32
    %dma_start3A_3167 = arith.constant 0 : i32
    %dma_start3A_3168 = tpu.memref_slice %arg7[%dma_start3A_3165, %dma_start3A_3167] : memref<8x4096xf32, #tpu.memory_space<vmem>> -> memref<1x4096xf32, #tpu.memory_space<vmem>>
    %dma_start3A_3169 = tpu.memref_squeeze %dma_start3A_3168 : memref<1x4096xf32, #tpu.memory_space<vmem>> -> memref<4096xf32, #tpu.memory_space<vmem>>
    %dma_start3A_3170 = arith.constant 0 : i32
    %dma_start3A_3171 = tpu.memref_slice %arg4[%dma_start3A_3166, %add3A, %dma_start3A_3170] : memref<8x32x4096xf32, #tpu.memory_space<hbm>> -> memref<1x1x4096xf32, #tpu.memory_space<hbm>>
    %dma_start3A_3172 = tpu.memref_squeeze %dma_start3A_3171 : memref<1x1x4096xf32, #tpu.memory_space<hbm>> -> memref<4096xf32, #tpu.memory_space<hbm>>
    %dma_start3A_3173 = arith.constant 0 : i32
    %dma_start3A_3174 = tpu.memref_slice %arg4[%dma_start3A_3166, %add3A, %dma_start3A_3173] : memref<8x32x4096xf32, #tpu.memory_space<hbm>> -> memref<1x1x4096xf32, #tpu.memory_space<hbm>>
    %dma_start3A_3175 = tpu.memref_squeeze %dma_start3A_3174 : memref<1x1x4096xf32, #tpu.memory_space<hbm>> -> memref<4096xf32, #tpu.memory_space<hbm>>
    %dma_start3A_3176 = arith.constant 0 : i32
    %dma_start3A_3177 = tpu.memref_slice %arg7[%dma_start3A_3165, %dma_start3A_3176] : memref<8x4096xf32, #tpu.memory_space<vmem>> -> memref<1x4096xf32, #tpu.memory_space<vmem>>
    %dma_start3A_3178 = tpu.memref_squeeze %dma_start3A_3177 : memref<1x4096xf32, #tpu.memory_space<vmem>> -> memref<4096xf32, #tpu.memory_space<vmem>>
    tpu.enqueue_dma source(%dma_start3A_3178 : memref<4096xf32, #tpu.memory_space<vmem>>) target(%dma_start3A_3175 : memref<4096xf32, #tpu.memory_space<hbm>>) target_semaphore(%arg16 : memref<!tpu.dma_semaphore, #tpu.memory_space<semaphore_mem>>)
    %dma_wait3A_3179 = arith.constant 0 : i32
    %dma_wait3A_3180 = arith.constant 0 : i32
    %dma_wait3A_3181 = arith.constant 0 : i32
    %dma_wait3A_3182 = tpu.memref_slice %arg7[%dma_wait3A_3179, %dma_wait3A_3181] : memref<8x4096xf32, #tpu.memory_space<vmem>> -> memref<1x4096xf32, #tpu.memory_space<vmem>>
    %dma_wait3A_3183 = tpu.memref_squeeze %dma_wait3A_3182 : memref<1x4096xf32, #tpu.memory_space<vmem>> -> memref<4096xf32, #tpu.memory_space<vmem>>
    %dma_wait3A_3184 = arith.constant 0 : i32
    %dma_wait3A_3185 = tpu.memref_slice %arg4[%dma_wait3A_3180, %add3A, %dma_wait3A_3184] : memref<8x32x4096xf32, #tpu.memory_space<hbm>> -> memref<1x1x4096xf32, #tpu.memory_space<hbm>>
    %dma_wait3A_3186 = tpu.memref_squeeze %dma_wait3A_3185 : memref<1x1x4096xf32, #tpu.memory_space<hbm>> -> memref<4096xf32, #tpu.memory_space<hbm>>
    %dma_wait3A_3187 = arith.constant 0 : i32
    %dma_wait3A_3188 = tpu.memref_slice %arg4[%dma_wait3A_3180, %add3A, %dma_wait3A_3187] : memref<8x32x4096xf32, #tpu.memory_space<hbm>> -> memref<1x1x4096xf32, #tpu.memory_space<hbm>>
    %dma_wait3A_3189 = tpu.memref_squeeze %dma_wait3A_3188 : memref<1x1x4096xf32, #tpu.memory_space<hbm>> -> memref<4096xf32, #tpu.memory_space<hbm>>
    %dma_wait3A_3190 = arith.constant 0 : i32
    %dma_wait3A_3191 = tpu.memref_slice %arg7[%dma_wait3A_3179, %dma_wait3A_3190] : memref<8x4096xf32, #tpu.memory_space<vmem>> -> memref<1x4096xf32, #tpu.memory_space<vmem>>
    %dma_wait3A_3192 = tpu.memref_squeeze %dma_wait3A_3191 : memref<1x4096xf32, #tpu.memory_space<vmem>> -> memref<4096xf32, #tpu.memory_space<vmem>>
    tpu.wait_dma2 semaphore(%arg16 : memref<!tpu.dma_semaphore, #tpu.memory_space<semaphore_mem>>) src(%dma_wait3A_3192 : memref<4096xf32, #tpu.memory_space<vmem>>) dst(%dma_wait3A_3189 : memref<4096xf32, #tpu.memory_space<hbm>>)
    %dma_wait3A_3193 = arith.constant 1 : i32
    %dma_wait3A_3194 = arith.constant 1 : i32
    %dma_wait3A_3195 = arith.constant 0 : i32
    %dma_wait3A_3196 = tpu.memref_slice %arg7[%dma_wait3A_3193, %dma_wait3A_3195] : memref<8x4096xf32, #tpu.memory_space<vmem>> -> memref<1x4096xf32, #tpu.memory_space<vmem>>
    %dma_wait3A_3197 = tpu.memref_squeeze %dma_wait3A_3196 : memref<1x4096xf32, #tpu.memory_space<vmem>> -> memref<4096xf32, #tpu.memory_space<vmem>>
    %dma_wait3A_3198 = arith.constant 0 : i32
    %dma_wait3A_3199 = tpu.memref_slice %arg4[%dma_wait3A_3194, %add3A, %dma_wait3A_3198] : memref<8x32x4096xf32, #tpu.memory_space<hbm>> -> memref<1x1x4096xf32, #tpu.memory_space<hbm>>
    %dma_wait3A_3200 = tpu.memref_squeeze %dma_wait3A_3199 : memref<1x1x4096xf32, #tpu.memory_space<hbm>> -> memref<4096xf32, #tpu.memory_space<hbm>>
    %dma_wait3A_3201 = arith.constant 0 : i32
    %dma_wait3A_3202 = tpu.memref_slice %arg4[%dma_wait3A_3194, %add3A, %dma_wait3A_3201] : memref<8x32x4096xf32, #tpu.memory_space<hbm>> -> memref<1x1x4096xf32, #tpu.memory_space<hbm>>
    %dma_wait3A_3203 = tpu.memref_squeeze %dma_wait3A_3202 : memref<1x1x4096xf32, #tpu.memory_space<hbm>> -> memref<4096xf32, #tpu.memory_space<hbm>>
    %dma_wait3A_3204 = arith.constant 0 : i32
    %dma_wait3A_3205 = tpu.memref_slice %arg7[%dma_wait3A_3193, %dma_wait3A_3204] : memref<8x4096xf32, #tpu.memory_space<vmem>> -> memref<1x4096xf32, #tpu.memory_space<vmem>>
    %dma_wait3A_3206 = tpu.memref_squeeze %dma_wait3A_3205 : memref<1x4096xf32, #tpu.memory_space<vmem>> -> memref<4096xf32, #tpu.memory_space<vmem>>
    tpu.wait_dma2 semaphore(%arg16 : memref<!tpu.dma_semaphore, #tpu.memory_space<semaphore_mem>>) src(%dma_wait3A_3206 : memref<4096xf32, #tpu.memory_space<vmem>>) dst(%dma_wait3A_3203 : memref<4096xf32, #tpu.memory_space<hbm>>)
    %dma_wait3A_3207 = arith.constant 2 : i32
    %dma_wait3A_3208 = arith.constant 2 : i32
    %dma_wait3A_3209 = arith.constant 0 : i32
    %dma_wait3A_3210 = tpu.memref_slice %arg7[%dma_wait3A_3207, %dma_wait3A_3209] : memref<8x4096xf32, #tpu.memory_space<vmem>> -> memref<1x4096xf32, #tpu.memory_space<vmem>>
    %dma_wait3A_3211 = tpu.memref_squeeze %dma_wait3A_3210 : memref<1x4096xf32, #tpu.memory_space<vmem>> -> memref<4096xf32, #tpu.memory_space<vmem>>
    %dma_wait3A_3212 = arith.constant 0 : i32
    %dma_wait3A_3213 = tpu.memref_slice %arg4[%dma_wait3A_3208, %add3A, %dma_wait3A_3212] : memref<8x32x4096xf32, #tpu.memory_space<hbm>> -> memref<1x1x4096xf32, #tpu.memory_space<hbm>>
    %dma_wait3A_3214 = tpu.memref_squeeze %dma_wait3A_3213 : memref<1x1x4096xf32, #tpu.memory_space<hbm>> -> memref<4096xf32, #tpu.memory_space<hbm>>
    %dma_wait3A_3215 = arith.constant 0 : i32
    %dma_wait3A_3216 = tpu.memref_slice %arg4[%dma_wait3A_3208, %add3A, %dma_wait3A_3215] : memref<8x32x4096xf32, #tpu.memory_space<hbm>> -> memref<1x1x4096xf32, #tpu.memory_space<hbm>>
    %dma_wait3A_3217 = tpu.memref_squeeze %dma_wait3A_3216 : memref<1x1x4096xf32, #tpu.memory_space<hbm>> -> memref<4096xf32, #tpu.memory_space<hbm>>
    %dma_wait3A_3218 = arith.constant 0 : i32
    %dma_wait3A_3219 = tpu.memref_slice %arg7[%dma_wait3A_3207, %dma_wait3A_3218] : memref<8x4096xf32, #tpu.memory_space<vmem>> -> memref<1x4096xf32, #tpu.memory_space<vmem>>
    %dma_wait3A_3220 = tpu.memref_squeeze %dma_wait3A_3219 : memref<1x4096xf32, #tpu.memory_space<vmem>> -> memref<4096xf32, #tpu.memory_space<vmem>>
    tpu.wait_dma2 semaphore(%arg16 : memref<!tpu.dma_semaphore, #tpu.memory_space<semaphore_mem>>) src(%dma_wait3A_3220 : memref<4096xf32, #tpu.memory_space<vmem>>) dst(%dma_wait3A_3217 : memref<4096xf32, #tpu.memory_space<hbm>>)
    %dma_wait3A_3221 = arith.constant 3 : i32
    %dma_wait3A_3222 = arith.constant 3 : i32
    %dma_wait3A_3223 = arith.constant 0 : i32
    %dma_wait3A_3224 = tpu.memref_slice %arg7[%dma_wait3A_3221, %dma_wait3A_3223] : memref<8x4096xf32, #tpu.memory_space<vmem>> -> memref<1x4096xf32, #tpu.memory_space<vmem>>
    %dma_wait3A_3225 = tpu.memref_squeeze %dma_wait3A_3224 : memref<1x4096xf32, #tpu.memory_space<vmem>> -> memref<4096xf32, #tpu.memory_space<vmem>>
    %dma_wait3A_3226 = arith.constant 0 : i32
    %dma_wait3A_3227 = tpu.memref_slice %arg4[%dma_wait3A_3222, %add3A, %dma_wait3A_3226] : memref<8x32x4096xf32, #tpu.memory_space<hbm>> -> memref<1x1x4096xf32, #tpu.memory_space<hbm>>
    %dma_wait3A_3228 = tpu.memref_squeeze %dma_wait3A_3227 : memref<1x1x4096xf32, #tpu.memory_space<hbm>> -> memref<4096xf32, #tpu.memory_space<hbm>>
    %dma_wait3A_3229 = arith.constant 0 : i32
    %dma_wait3A_3230 = tpu.memref_slice %arg4[%dma_wait3A_3222, %add3A, %dma_wait3A_3229] : memref<8x32x4096xf32, #tpu.memory_space<hbm>> -> memref<1x1x4096xf32, #tpu.memory_space<hbm>>
    %dma_wait3A_3231 = tpu.memref_squeeze %dma_wait3A_3230 : memref<1x1x4096xf32, #tpu.memory_space<hbm>> -> memref<4096xf32, #tpu.memory_space<hbm>>
    %dma_wait3A_3232 = arith.constant 0 : i32
    %dma_wait3A_3233 = tpu.memref_slice %arg7[%dma_wait3A_3221, %dma_wait3A_3232] : memref<8x4096xf32, #tpu.memory_space<vmem>> -> memref<1x4096xf32, #tpu.memory_space<vmem>>
    %dma_wait3A_3234 = tpu.memref_squeeze %dma_wait3A_3233 : memref<1x4096xf32, #tpu.memory_space<vmem>> -> memref<4096xf32, #tpu.memory_space<vmem>>
    tpu.wait_dma2 semaphore(%arg16 : memref<!tpu.dma_semaphore, #tpu.memory_space<semaphore_mem>>) src(%dma_wait3A_3234 : memref<4096xf32, #tpu.memory_space<vmem>>) dst(%dma_wait3A_3231 : memref<4096xf32, #tpu.memory_space<hbm>>)
    %dma_wait3A_3235 = arith.constant 4 : i32
    %dma_wait3A_3236 = arith.constant 4 : i32
    %dma_wait3A_3237 = arith.constant 0 : i32
    %dma_wait3A_3238 = tpu.memref_slice %arg7[%dma_wait3A_3235, %dma_wait3A_3237] : memref<8x4096xf32, #tpu.memory_space<vmem>> -> memref<1x4096xf32, #tpu.memory_space<vmem>>
    %dma_wait3A_3239 = tpu.memref_squeeze %dma_wait3A_3238 : memref<1x4096xf32, #tpu.memory_space<vmem>> -> memref<4096xf32, #tpu.memory_space<vmem>>
    %dma_wait3A_3240 = arith.constant 0 : i32
    %dma_wait3A_3241 = tpu.memref_slice %arg4[%dma_wait3A_3236, %add3A, %dma_wait3A_3240] : memref<8x32x4096xf32, #tpu.memory_space<hbm>> -> memref<1x1x4096xf32, #tpu.memory_space<hbm>>
    %dma_wait3A_3242 = tpu.memref_squeeze %dma_wait3A_3241 : memref<1x1x4096xf32, #tpu.memory_space<hbm>> -> memref<4096xf32, #tpu.memory_space<hbm>>
    %dma_wait3A_3243 = arith.constant 0 : i32
    %dma_wait3A_3244 = tpu.memref_slice %arg4[%dma_wait3A_3236, %add3A, %dma_wait3A_3243] : memref<8x32x4096xf32, #tpu.memory_space<hbm>> -> memref<1x1x4096xf32, #tpu.memory_space<hbm>>
    %dma_wait3A_3245 = tpu.memref_squeeze %dma_wait3A_3244 : memref<1x1x4096xf32, #tpu.memory_space<hbm>> -> memref<4096xf32, #tpu.memory_space<hbm>>
    %dma_wait3A_3246 = arith.constant 0 : i32
    %dma_wait3A_3247 = tpu.memref_slice %arg7[%dma_wait3A_3235, %dma_wait3A_3246] : memref<8x4096xf32, #tpu.memory_space<vmem>> -> memref<1x4096xf32, #tpu.memory_space<vmem>>
    %dma_wait3A_3248 = tpu.memref_squeeze %dma_wait3A_3247 : memref<1x4096xf32, #tpu.memory_space<vmem>> -> memref<4096xf32, #tpu.memory_space<vmem>>
    tpu.wait_dma2 semaphore(%arg16 : memref<!tpu.dma_semaphore, #tpu.memory_space<semaphore_mem>>) src(%dma_wait3A_3248 : memref<4096xf32, #tpu.memory_space<vmem>>) dst(%dma_wait3A_3245 : memref<4096xf32, #tpu.memory_space<hbm>>)
    %dma_wait3A_3249 = arith.constant 5 : i32
    %dma_wait3A_3250 = arith.constant 5 : i32
    %dma_wait3A_3251 = arith.constant 0 : i32
    %dma_wait3A_3252 = tpu.memref_slice %arg7[%dma_wait3A_3249, %dma_wait3A_3251] : memref<8x4096xf32, #tpu.memory_space<vmem>> -> memref<1x4096xf32, #tpu.memory_space<vmem>>
    %dma_wait3A_3253 = tpu.memref_squeeze %dma_wait3A_3252 : memref<1x4096xf32, #tpu.memory_space<vmem>> -> memref<4096xf32, #tpu.memory_space<vmem>>
    %dma_wait3A_3254 = arith.constant 0 : i32
    %dma_wait3A_3255 = tpu.memref_slice %arg4[%dma_wait3A_3250, %add3A, %dma_wait3A_3254] : memref<8x32x4096xf32, #tpu.memory_space<hbm>> -> memref<1x1x4096xf32, #tpu.memory_space<hbm>>
    %dma_wait3A_3256 = tpu.memref_squeeze %dma_wait3A_3255 : memref<1x1x4096xf32, #tpu.memory_space<hbm>> -> memref<4096xf32, #tpu.memory_space<hbm>>
    %dma_wait3A_3257 = arith.constant 0 : i32
    %dma_wait3A_3258 = tpu.memref_slice %arg4[%dma_wait3A_3250, %add3A, %dma_wait3A_3257] : memref<8x32x4096xf32, #tpu.memory_space<hbm>> -> memref<1x1x4096xf32, #tpu.memory_space<hbm>>
    %dma_wait3A_3259 = tpu.memref_squeeze %dma_wait3A_3258 : memref<1x1x4096xf32, #tpu.memory_space<hbm>> -> memref<4096xf32, #tpu.memory_space<hbm>>
    %dma_wait3A_3260 = arith.constant 0 : i32
    %dma_wait3A_3261 = tpu.memref_slice %arg7[%dma_wait3A_3249, %dma_wait3A_3260] : memref<8x4096xf32, #tpu.memory_space<vmem>> -> memref<1x4096xf32, #tpu.memory_space<vmem>>
    %dma_wait3A_3262 = tpu.memref_squeeze %dma_wait3A_3261 : memref<1x4096xf32, #tpu.memory_space<vmem>> -> memref<4096xf32, #tpu.memory_space<vmem>>
    tpu.wait_dma2 semaphore(%arg16 : memref<!tpu.dma_semaphore, #tpu.memory_space<semaphore_mem>>) src(%dma_wait3A_3262 : memref<4096xf32, #tpu.memory_space<vmem>>) dst(%dma_wait3A_3259 : memref<4096xf32, #tpu.memory_space<hbm>>)
    %dma_wait3A_3263 = arith.constant 6 : i32
    %dma_wait3A_3264 = arith.constant 6 : i32
    %dma_wait3A_3265 = arith.constant 0 : i32
    %dma_wait3A_3266 = tpu.memref_slice %arg7[%dma_wait3A_3263, %dma_wait3A_3265] : memref<8x4096xf32, #tpu.memory_space<vmem>> -> memref<1x4096xf32, #tpu.memory_space<vmem>>
    %dma_wait3A_3267 = tpu.memref_squeeze %dma_wait3A_3266 : memref<1x4096xf32, #tpu.memory_space<vmem>> -> memref<4096xf32, #tpu.memory_space<vmem>>
    %dma_wait3A_3268 = arith.constant 0 : i32
    %dma_wait3A_3269 = tpu.memref_slice %arg4[%dma_wait3A_3264, %add3A, %dma_wait3A_3268] : memref<8x32x4096xf32, #tpu.memory_space<hbm>> -> memref<1x1x4096xf32, #tpu.memory_space<hbm>>
    %dma_wait3A_3270 = tpu.memref_squeeze %dma_wait3A_3269 : memref<1x1x4096xf32, #tpu.memory_space<hbm>> -> memref<4096xf32, #tpu.memory_space<hbm>>
    %dma_wait3A_3271 = arith.constant 0 : i32
    %dma_wait3A_3272 = tpu.memref_slice %arg4[%dma_wait3A_3264, %add3A, %dma_wait3A_3271] : memref<8x32x4096xf32, #tpu.memory_space<hbm>> -> memref<1x1x4096xf32, #tpu.memory_space<hbm>>
    %dma_wait3A_3273 = tpu.memref_squeeze %dma_wait3A_3272 : memref<1x1x4096xf32, #tpu.memory_space<hbm>> -> memref<4096xf32, #tpu.memory_space<hbm>>
    %dma_wait3A_3274 = arith.constant 0 : i32
    %dma_wait3A_3275 = tpu.memref_slice %arg7[%dma_wait3A_3263, %dma_wait3A_3274] : memref<8x4096xf32, #tpu.memory_space<vmem>> -> memref<1x4096xf32, #tpu.memory_space<vmem>>
    %dma_wait3A_3276 = tpu.memref_squeeze %dma_wait3A_3275 : memref<1x4096xf32, #tpu.memory_space<vmem>> -> memref<4096xf32, #tpu.memory_space<vmem>>
    tpu.wait_dma2 semaphore(%arg16 : memref<!tpu.dma_semaphore, #tpu.memory_space<semaphore_mem>>) src(%dma_wait3A_3276 : memref<4096xf32, #tpu.memory_space<vmem>>) dst(%dma_wait3A_3273 : memref<4096xf32, #tpu.memory_space<hbm>>)
    %dma_wait3A_3277 = arith.constant 7 : i32
    %dma_wait3A_3278 = arith.constant 7 : i32
    %dma_wait3A_3279 = arith.constant 0 : i32
    %dma_wait3A_3280 = tpu.memref_slice %arg7[%dma_wait3A_3277, %dma_wait3A_3279] : memref<8x4096xf32, #tpu.memory_space<vmem>> -> memref<1x4096xf32, #tpu.memory_space<vmem>>
    %dma_wait3A_3281 = tpu.memref_squeeze %dma_wait3A_3280 : memref<1x4096xf32, #tpu.memory_space<vmem>> -> memref<4096xf32, #tpu.memory_space<vmem>>
    %dma_wait3A_3282 = arith.constant 0 : i32
    %dma_wait3A_3283 = tpu.memref_slice %arg4[%dma_wait3A_3278, %add3A, %dma_wait3A_3282] : memref<8x32x4096xf32, #tpu.memory_space<hbm>> -> memref<1x1x4096xf32, #tpu.memory_space<hbm>>
    %dma_wait3A_3284 = tpu.memref_squeeze %dma_wait3A_3283 : memref<1x1x4096xf32, #tpu.memory_space<hbm>> -> memref<4096xf32, #tpu.memory_space<hbm>>
    %dma_wait3A_3285 = arith.constant 0 : i32
    %dma_wait3A_3286 = tpu.memref_slice %arg4[%dma_wait3A_3278, %add3A, %dma_wait3A_3285] : memref<8x32x4096xf32, #tpu.memory_space<hbm>> -> memref<1x1x4096xf32, #tpu.memory_space<hbm>>
    %dma_wait3A_3287 = tpu.memref_squeeze %dma_wait3A_3286 : memref<1x1x4096xf32, #tpu.memory_space<hbm>> -> memref<4096xf32, #tpu.memory_space<hbm>>
    %dma_wait3A_3288 = arith.constant 0 : i32
    %dma_wait3A_3289 = tpu.memref_slice %arg7[%dma_wait3A_3277, %dma_wait3A_3288] : memref<8x4096xf32, #tpu.memory_space<vmem>> -> memref<1x4096xf32, #tpu.memory_space<vmem>>
    %dma_wait3A_3290 = tpu.memref_squeeze %dma_wait3A_3289 : memref<1x4096xf32, #tpu.memory_space<vmem>> -> memref<4096xf32, #tpu.memory_space<vmem>>
    tpu.wait_dma2 semaphore(%arg16 : memref<!tpu.dma_semaphore, #tpu.memory_space<semaphore_mem>>) src(%dma_wait3A_3290 : memref<4096xf32, #tpu.memory_space<vmem>>) dst(%dma_wait3A_3287 : memref<4096xf32, #tpu.memory_space<hbm>>)
    return
  }
}

</mosaic_0001>

<sc_bundles>
// kernel: kernel.3.cloned.1.call-start
scs
__scs_entry_jumppad:
0x0: {  	(pc) =	sbr.rel $0x88, $3  }
0x1: {  	(tag) =	ssettag $0x0;
	lr =	simm.s32 $0x1  }
0x2: {  	[smem:$0x3F9F] =	sst lr;
	_ =	strace $0xD0000000  }
0x3: {  	_ = 	snop  }
0x4: {  	_ = 	snop  }
0x5: {  	_ = 	snop  }
0x6: {  	_ = 	snop  }
0x7: {  	_ = 	snop  }
__scs_overlays_trampoline_lowered:
0x8: {  	[smem:$0x3FAE] =	sst s0  }
0x9: {  	[smem:$0x3FAF] =	sst s1  }
0xa: {  	[smem:$0x3FB0] =	sst s2  }
0xb: {  	[smem:$0x3FB1] =	sst s3  }
0xc: {  	[smem:$0x3FB2] =	sst s4  }
0xd: {  	[smem:$0x3FB3] =	sst s5  }
0xe: {  	[smem:$0x3FB4] =	sst s6  }
0xf: {  	[smem:$0x3FB5] =	sst s7  }
0x10: {  	[smem:$0x3FB6] =	sst s8  }
0x11: {  	[smem:$0x3FB7] =	sst s9;
	s0 =	simm.s32 @!p0 $0x0  }
0x12: {  	s1 =	sld [smem:$0x3F9D];
	s0 =	simm.s32 @p0 $0x1  }
0x13: {  	[smem:$0x3FB8] =	sst s0;
	s0 =	simm.s32 @!p1 $0x0  }
0x14: {  	s2 =	sld [smem:$0x3F9C];
	s0 =	simm.s32 @p1 $0x1  }
0x15: {  	[smem:$0x3FB9] =	sst s0;
	s0 =	simm.s32 @!p2 $0x0  }
0x16: {  	s3 =	sld [smem:$0x3FDB];
	s0 =	simm.s32 @p2 $0x1  }
0x17: {  	s4 =	simm.s32 $0x1BF5;
	[smem:$0x3FBB] =	sst s0  }
0x18: {  	s0 =	sld [smem:$0x3F9E];
	_ =	swait.ge [sflag:s4], $0x0  }
0x19: {  	s7 =	sld [smem:$0x3F9F]  }
0x1a: {  	s8 =	sadd.s32 $0xFFFFE003, lr  }
0x1b: {  	s9 =	sadd.s32 $0xFFFFFEF7, lr;
	s5 =	simm.s32 $0xFFFFFFFF;
	p2 =	slt.u32 s8, $0xFFFFF086  }
0x1c: {  	p1 =	slt.u32 s9, $0xF7A;
	s5 =	simm.s32 @!p2 $0x0  }
0x1d: {  	s5 =	simm.s32 @p1 $0x1;
	p0 =	seq.s32 s7, s2  }
0x1e: {  	s7 =	smul.u32 @!p0 $0xF7A, s2;
	p2 =	seq.s32 @!p0 s5, $0x0  }
0x1f: {  	s9 =	smul.u32 $0xF7A, s1;
	s8 =	simm.s32 @!p0 $0x1BF5;
	p2 =	por !p2, p0  }
0x20: {  	[sflag:s8] =	ssyncset.s32 @!p0 $0xFFFFF086;
	s6 =	sadd.s32 @!p0 s3, s7;
	s7 =	simm.s32 @!p0 $0x108  }
0x21: {  	s3 =	sadd.s32 s3, s9;
	s6 =	sadd.s32 @!p0 $0x88, s6;
	s7 =	simm.s32 @p2 $0x1082  }
0x22: {  	[simem:s7], [sflag:s8] =	dma.local @!p0 [hbm:s6], $0xF7A  }
0x23: {  	s9 =	sor.u32 $0xD0000000, s2;
	s6 =	simm.s32 $0x108;
	_ =	swait.ge @!p0 [sflag:s8], $0x0  }
0x24: {  	s3 =	sadd.s32 $0x88, s3;
	s6 =	simm.s32 @!p1 $0x1082;
	[sflag:s4] =	ssyncset.s32 $0xFFFFF086  }
0x25: {  	[simem:s6], [sflag:s4] =	dma.local [hbm:s3], $0xF7A  }
0x26: {  	[smem:$0x3F9F] =	sst s1;
	(tag) =	ssettag s2;
	_ =	strace s9  }
0x27: {  	s1 =	sld [smem:$0x3FAF]  }
0x28: {  	s2 =	sld [smem:$0x3FB0]  }
0x29: {  	s4 =	sld [smem:$0x3FB2]  }
0x2a: {  	p0 =	seq.s32 s5, $0x0;
	s5 =	sld [smem:$0x3FB3]  }
0x2b: {  	s6 =	sld [smem:$0x3FB4]  }
0x2c: {  	s7 =	sld [smem:$0x3FB5]  }
0x2d: {  	s3 =	simm.s32 $0x108;
	s8 =	sld [smem:$0x3FB6]  }
0x2e: {  	s3 =	simm.s32 @!p0 $0x1082;
	s9 =	sld [smem:$0x3FB7]  }
0x2f: {  	lr =	sadd.s32 s0, s3;
	s0 =	sld [smem:$0x3FAE]  }
0x30: {  	s3 =	sld [smem:$0x3FB1]  }
0x31: {  	[smem:$0x3FBA] =	sst s10  }
0x32: {  	s10 =	sld [smem:$0x3FB8];
	_ =	sdelay $0x3  }
0x33: {  	p0 =	seq.s32 s10, $0x1;
	s10 =	sld [smem:$0x3FBA];
	_ =	sdelay $0x3  }
0x34: {  	[smem:$0x3FBA] =	sst s10  }
0x35: {  	s10 =	sld [smem:$0x3FB9];
	_ =	sdelay $0x3  }
0x36: {  	p1 =	seq.s32 s10, $0x1;
	s10 =	sld [smem:$0x3FBA];
	_ =	sdelay $0x3  }
0x37: {  	[smem:$0x3FBA] =	sst s10  }
0x38: {  	s10 =	sld [smem:$0x3FBB]  }
0x39: {  	_ = 	snop;
	(pc) =	sbr.ind lr, $3  }
0x3a: {  	_ = 	snop  }
0x3b: {  	_ = 	snop  }
0x3c: {  	p2 =	seq.s32 s10, $0x1;
	s10 =	sld [smem:$0x3FBA]  }
0x3d: {  	_ =	shalt  }
0x3e: {  	_ =	shalt  }
0x3f: {  	_ =	shalt  }
0x40: {  	_ =	shalt  }
0x41: {  	_ =	shalt  }
0x42: {  	_ =	shalt  }
0x43: {  	_ =	shalt  }
0x44: {  	_ =	shalt  }
0x45: {  	_ =	shalt  }
0x46: {  	_ =	shalt  }
0x47: {  	_ =	shalt  }
0x48: {  	_ =	shalt  }
0x49: {  	_ =	shalt  }
0x4a: {  	_ =	shalt  }
0x4b: {  	_ =	shalt  }
0x4c: {  	_ =	shalt  }
0x4d: {  	_ =	shalt  }
0x4e: {  	_ =	shalt  }
0x4f: {  	_ =	shalt  }
0x50: {  	_ =	shalt  }
0x51: {  	_ =	shalt  }
0x52: {  	_ =	shalt  }
0x53: {  	_ =	shalt  }
0x54: {  	_ =	shalt  }
0x55: {  	_ =	shalt  }
0x56: {  	_ =	shalt  }
0x57: {  	_ =	shalt  }
0x58: {  	_ =	shalt  }
0x59: {  	_ =	shalt  }
0x5a: {  	_ =	shalt  }
0x5b: {  	_ =	shalt  }
0x5c: {  	_ =	shalt  }
0x5d: {  	_ =	shalt  }
0x5e: {  	_ =	shalt  }
0x5f: {  	_ =	shalt  }
0x60: {  	_ =	shalt  }
0x61: {  	_ =	shalt  }
0x62: {  	_ =	shalt  }
0x63: {  	_ =	shalt  }
0x64: {  	_ =	shalt  }
0x65: {  	_ =	shalt  }
0x66: {  	_ =	shalt  }
0x67: {  	_ =	shalt  }
0x68: {  	_ =	shalt  }
0x69: {  	_ =	shalt  }
0x6a: {  	_ =	shalt  }
0x6b: {  	_ =	shalt  }
0x6c: {  	_ =	shalt  }
0x6d: {  	_ =	shalt  }
0x6e: {  	_ =	shalt  }
0x6f: {  	_ =	shalt  }
0x70: {  	_ =	shalt  }
0x71: {  	_ =	shalt  }
0x72: {  	_ =	shalt  }
0x73: {  	_ =	shalt  }
0x74: {  	_ =	shalt  }
0x75: {  	_ =	shalt  }
0x76: {  	_ =	shalt  }
0x77: {  	_ =	shalt  }
0x78: {  	_ =	shalt  }
0x79: {  	_ =	shalt  }
0x7a: {  	_ =	shalt  }
0x7b: {  	_ =	shalt  }
0x7c: {  	_ =	shalt  }
0x7d: {  	_ =	shalt  }
0x7e: {  	_ =	shalt  }
0x7f: {  	_ =	shalt  }
0x80: {  	_ =	shalt  }
0x81: {  	_ =	shalt  }
0x82: {  	_ =	shalt  }
0x83: {  	_ =	shalt  }
0x84: {  	_ =	shalt  }
0x85: {  	_ =	shalt  }
0x86: {  	_ =	shalt  }
0x87: {  	_ =	shalt  }
.Lfunc_end0:
.L_simem_size_0:
called_computation_lowered:
.L_overlay_start_0:
0x88: {  	s2 =	sld [smem:$0x3FD9]  }
0x89: {  	s3 =	sld [smem:$0x3FFE];
	_ =	sdelay $0x1  }
0x8a: {  	s1 =	srdreg.scid  }
0x8b: {  	s0 =	sand.u32 $0x1, s1  }
0x8c: {  	s18 =	sshll.u32 s0, $0xA;
	s2 =	sadd.s32 s3, s2  }
0x8d: {  	s2 =	sadd.s32 s2, s18  }
0x8e: {  	[smem:$0x3FC6] =	sst s2  }
0x8f: {  	_ = 	snop  }
0x90: {  	s2 =	sld [smem:$0x3FC9]  }
0x91: {  	s19 =	sld [smem:$0x3FC8]  }
0x92: {  	s4 =	sld [smem:$0x3FD0];
	(tm) =	ssettm $0x1  }
0x93: {  	s5 =	sld [smem:$0x3FFB];
	_ =	sdelay $0x3  }
0x94: {  	_ =	strace s5  }
0x95: {  	s5 =	sld [smem:$0x3FFC];
	_ =	sdelay $0x3  }
0x96: {  	_ =	strace s5  }
0x97: {  	s5 =	sld [smem:$0x3FFD];
	_ =	sdelay $0x3  }
0x98: {  	_ =	strace s5  }
0x99: {  	_ =	strace $0x8FFFFFFF  }
0x9a: {  	s20 =	sld [smem:$0x3FDB];
	_ =	sdelay $0x1  }
0x9b: {  	s6 =	simm.s32 $_scs_section_size  }
0x9c: {  	s7 =	simm.s32 $_size__tile_overlayer_lowered;
	s8 =	simm.s32 $_tile_overlayer_lowered  }
0x9d: {  	s23 =	simm.s32 $0x1BFF;
	s22 =	sshll.u32 s8, $0x1;
	s5 =	sadd.s32 s6, s20  }
0x9e: {  	s9 =	simm.s32 $0x0;
	s21 =	sshll.u32 s7, $0x1;
	s7 =	sadd.s32 s22, s5  }
0x9f: {  	[timem:s9], [sflag:s23] =	dma.local [hbm:s7], s21  }
0xa0: {  	_ =	swait.ge [sflag:s23], s21  }
0xa1: {  	s6 =	ssub.s32 $0x0, s21;
	[sflag:s23] =	ssyncset.done $0x0  }
0xa2: {  	[sflag:s23] =	ssyncadd.s32 s6;
	_ =	sdelay $0x1  }
0xa3: {  	s24 =	simm.s32 $0x1B8B  }
0xa4: {  	_ =	swait.ge [sflag:s24], $0x1  }
0xa5: {  	[sflag:s24] =	ssyncset.done $0x0  }
0xa6: {  	s25 =	simm.s32 $0x1B8E;
	[sflag:s24] =	ssyncadd.s32 $0xFFFFFFFF  }
0xa7: {  	s26 =	simm.s32 $execute0_lowered;
	[smem:$0x3FD2] =	sst s25  }
0xa8: {  	s6 =	sshll.u32 s26, $0x1;
	_ =	strace $0x80000046;
	[dreg:$0x1] =	wrdreg $0xFFFFFFFF  }
0xa9: {  	s28 =	simm.s32 $_size_execute0_lowered;
	s5 =	sadd.s32 s5, s6;
	[dreg:$0x0] =	wrdreg $0x0  }
0xaa: {  	s6 =	sshll.u32 s28, $0x1;
	[dreg:$0x2] =	wrdreg s5  }
0xab: {  	[dreg:$0x3] =	wrdreg s6  }
0xac: {  	[dreg:$0x4] =	wrdreg $0xC0  }
0xad: {  	_ =	task [dreg:s9], $0x5FFFF  }
0xae: {  	[dreg:$0x1] =	wrdreg $0xFFFFFFFF  }
0xaf: {  	[dreg:$0x0] =	wrdreg $0x60  }
0xb0: {  	[dreg:$0x2] =	wrdreg s2  }
0xb1: {  	[dreg:$0x3] =	wrdreg s19  }
0xb2: {  	[dreg:$0x4] =	wrdreg s4  }
0xb3: {  	[dreg:$0x5] =	wrdreg $0x9  }
0xb4: {  	_ =	task.clear_ibuf [dreg:s9], $0x6FFFF;
	_ =	strace $0x90000046  }
0xb5: {  	s29 =	simm.s32 $0x9;
	_ =	strace $0x80000048  }
0xb6: {  	_ =	swait.ge [sflag:s29], $0x1  }
0xb7: {  	[sflag:s29] =	ssyncadd.s32 $0xFFFFFFFF  }
0xb8: {  	_ =	strace $0x90000048  }
0xb9: {  	_ =	sfence  }
0xba: {  	s30 =	sld [smem:$0x0];
	_ =	sdelay $0x2  }
0xbb: {  	s31 =	sshll.u32 s1, $0xD;
	s1 =	sshrl.u32 s1, $0x2  }
0xbc: {  	s3 =	sand.u32 $0x4000, s31;
	s1 =	sadd.s32 s1, s30  }
0xbd: {  	s0 =	sor.u32 s3, s0;
	s1 =	sshll.u32 s1, $0x11  }
0xbe: {  	s0 =	sor.u32 s1, s0  }
0xbf: {  	s0 =	sadd.s32 $0x8F2B, s0  }
0xc0: {  	[sflag:s0] =	ssyncadd.remote.s32 $0x1  }
0xc1: {  	_ =	sfence.sel $0xFFFF  }
0xc2: {  	[dreg:$0x0] =	wrdreg $0xFFFFFFFF;
	(pc) =	sbr.abs _section_cstart, $3  }
0xc3: {  	[dreg:$0x1] =	wrdreg $0xFFFFFFFF  }
0xc4: {  	_ =	task.clear_ibuf [dreg:s9], $0x2FFFF;
	_ =	strace $0x9FFFFFFF  }
0xc5: {  	(tm) =	ssettm $0x7FFFFFFF  }
tec
execute0_lowered:
.L_overlay_start_1:
0x0: {  	(tag) =	ssettag $0x1  }
0x1: {  	s1 =	rddreg [dreg:$0x0]  }
0x2: {  	s2 =	rddreg [dreg:$0x1];
	s3 =	srdreg.scid  }
0x3: {  	s0 =	stileid.u32;
	s4 =	rddreg [dreg:$0x2]  }
0x4: {  	s12 =	simm.s32 $0xA;
	s13 =	simm.s32 $0x1000;
	s14 =	simm.s32 $0x400  }
0x5: {  	s15 =	simm.s32 $0x1400;
	s16 =	simm.s32 $0x2400;
	s17 =	simm.s32 $0x3400  }
0x6: {  	s28 =	simm.s32 $0x5;
	s29 =	simm.s32 $0x6;
	s30 =	simm.s32 $0x7  }
0x7: {  	s31 =	simm.s32 $0x8;
	s5 =	sand.u32 $0x1, s3;
	s3 =	simm.s32 $0x0  }
0x8: {  	s6 =	sshll.u32 s0, $0x1;
	s18 =	sadd.s32 $0x100000, s2;
	[smem:$0x7FF] =	sst s3  }
0x9: {  	s19 =	sadd.s32 $0x200000, s2;
	_ =	strace $0x80000047;
	[dreg:$0x5] =	wrdreg s18  }
0xa: {  	s20 =	sadd.s32 $0x300000, s2;
	s21 =	sadd.s32 $0x400000, s2;
	[dreg:$0x6] =	wrdreg s19  }
0xb: {  	s22 =	sadd.s32 $0x500000, s2;
	s23 =	sadd.s32 $0x600000, s2;
	[dreg:$0x7] =	wrdreg s20  }
0xc: {  	s24 =	sadd.s32 $0x700000, s2;
	s6 =	sor.u32 s5, s6;
	[dreg:$0x8] =	wrdreg s21  }
0xd: {  	s5 =	ssub.s32 $0x2, s5;
	s7 =	sshll.u32 s6, $0x7;
	[dreg:$0x9] =	wrdreg s22  }
0xe: {  	s6 =	sshll.u32 s6, $0x9;
	[dreg:$0xa] =	wrdreg s23;
	s25 =	sshrl.u32 s5, $0x1  }
0xf: {  	[dreg:$0xb] =	wrdreg s24;
	s18 =	simm.s32 $0x4400;
	s19 =	simm.s32 $0x5400  }
0x10: {  	s20 =	simm.s32 $0x6400;
	s21 =	simm.s32 $0x7400;
	s22 =	simm.s32 $0x8400  }
0x11: {  	s23 =	simm.s32 $0x1;
	s24 =	simm.s32 $0x2;
	s1 =	sadd.s32 s1, s7  }
0x12: {  	s4 =	sadd.s32 s4, s6;
	s11 =	ssub.s32 s5, s25;
	s25 =	simm.s32 $0x3  }
0x13: {  	[dreg:$0x4] =	wrdreg s1;
	s26 =	sadd.s32 $0x4000, s4;
	s5 =	sadd.s32 $0x8000, s4  }
0x14: {  	s6 =	sadd.s32 $0xC000, s4;
	s7 =	sadd.s32 $0x10000, s4;
	s8 =	sadd.s32 $0x14000, s4  }
0x15: {  	s9 =	sadd.s32 $0x18000, s4;
	s10 =	sadd.s32 $0x1C000, s4;
	s11 =	smax.u32 s11, $0x1  }
0x16: {  	s1 =	simm.s32 $0x9;
	[dreg:$0xc] =	wrdreg s26;
	s26 =	simm.s32 $0x4  }
.LBB2_1:
0x17: {  	s0 =	rddreg [dreg:$0x4]  }
0x18: {  	[tilespmem:s3], [sflag:$0xA] =	stream.linear.gather [hbm4b:s0+s3], $0x400, $0x38;
	[tilespmem:$0x9400] =	vst v63  }
0x19: {  	_ =	swait.ge [sflag:s12], $0x400  }
0x1a: {  	[sflag:s12] =	ssyncset.done $0x0  }
0x1b: {  	[sflag:s12] =	ssyncadd.s32 $0xFFFFFC00  }
0x1c: {  	v0 =	vld [tilespmem:$0x0]  }
0x1d: {  	v1 =	vld [tilespmem:$0x80];
	_ =	sdelay $0x4  }
0x1e: {  	v0 =	vtrunc.f32 v0;
	v1 =	vtrunc.f32 v1  }
0x1f: {  	v0 =	vcvt.f32.s32 v0;
	v1 =	vcvt.f32.s32 v1  }
0x20: {  	v2 =	vld [tilespmem:$0x10]  }
0x21: {  	v3 =	vld [tilespmem:$0x90];
	v0 =	vmul.u32 $0x6F45D, v0;
	v1 =	vmul.u32 $0x7409F, v1;
	_ =	sdelay $0x1  }
0x22: {  	v0 =	vxor.u32 v0, v1  }
0x23: {  	v1 =	vshll.u32 v0, $0x3  }
0x24: {  	v0 =	vand.u32 $0x7F, v0;
	v1 =	vand.u32 $0x7FFC00, v1  }
0x25: {  	v60 =	vtrunc.f32 v2;
	v61 =	vtrunc.f32 v3;
	v0 =	vor.u32 v0, v1  }
0x26: {  	v2 =	vcvt.f32.s32 v61;
	v1 =	vcvt.f32.s32 v60;
	v62 =	vor.u32 $0x80, v0;
	[tilespmem:$0x400] =	vst v0  }
0x27: {  	v4 =	vld [tilespmem:$0x20];
	v63 =	vor.u32 $0x100, v0;
	[tilespmem:$0x480] =	vst v62  }
0x28: {  	v5 =	vld [tilespmem:$0xA0];
	v2 =	vmul.u32 $0x7409F, v2;
	v8 =	vor.u32 $0x180, v0;
	[tilespmem:$0x500] =	vst v63;
	v1 =	vmul.u32 $0x6F45D, v1  }
0x29: {  	v9 =	vor.u32 $0x200, v0;
	[tilespmem:$0x580] =	vst v8  }
0x2a: {  	v10 =	vor.u32 $0x280, v0;
	[tilespmem:$0x600] =	vst v9;
	v1 =	vxor.u32 v1, v2  }
0x2b: {  	v11 =	vor.u32 $0x300, v0;
	[tilespmem:$0x680] =	vst v10;
	v12 =	vshll.u32 v1, $0x3  }
0x2c: {  	v0 =	vor.u32 $0x380, v0;
	[tilespmem:$0x700] =	vst v11;
	v1 =	vand.u32 $0x7F, v1;
	v3 =	vand.u32 $0x7FFC00, v12  }
0x2d: {  	v13 =	vtrunc.f32 v4;
	v14 =	vtrunc.f32 v5;
	[tilespmem:$0x780] =	vst v0;
	v1 =	vor.u32 v1, v3  }
0x2e: {  	v2 =	vcvt.f32.s32 v13;
	v3 =	vcvt.f32.s32 v14;
	v15 =	vor.u32 $0x80, v1;
	[tilespmem:$0x410] =	vst v1  }
0x2f: {  	v17 =	vld [tilespmem:$0x30];
	v16 =	vor.u32 $0x100, v1;
	[tilespmem:$0x490] =	vst v15  }
0x30: {  	v19 =	vld [tilespmem:$0xB0];
	v2 =	vmul.u32 $0x6F45D, v2;
	v18 =	vor.u32 $0x180, v1;
	[tilespmem:$0x510] =	vst v16;
	v3 =	vmul.u32 $0x7409F, v3  }
0x31: {  	v20 =	vor.u32 $0x200, v1;
	[tilespmem:$0x590] =	vst v18  }
0x32: {  	v21 =	vor.u32 $0x280, v1;
	[tilespmem:$0x610] =	vst v20;
	v2 =	vxor.u32 v2, v3  }
0x33: {  	v22 =	vor.u32 $0x300, v1;
	[tilespmem:$0x690] =	vst v21;
	v3 =	vshll.u32 v2, $0x3  }
0x34: {  	v1 =	vor.u32 $0x380, v1;
	[tilespmem:$0x710] =	vst v22;
	v2 =	vand.u32 $0x7F, v2;
	v3 =	vand.u32 $0x7FFC00, v3  }
0x35: {  	v24 =	vtrunc.f32 v17;
	v25 =	vtrunc.f32 v19;
	[tilespmem:$0x790] =	vst v1;
	v23 =	vor.u32 v2, v3  }
0x36: {  	v2 =	vcvt.f32.s32 v24;
	v3 =	vcvt.f32.s32 v25;
	v26 =	vor.u32 $0x80, v23;
	[tilespmem:$0x420] =	vst v23  }
0x37: {  	v28 =	vld [tilespmem:$0x40];
	v27 =	vor.u32 $0x100, v23;
	[tilespmem:$0x4A0] =	vst v26  }
0x38: {  	v30 =	vld [tilespmem:$0xC0];
	v29 =	vor.u32 $0x180, v23;
	[tilespmem:$0x520] =	vst v27;
	v2 =	vmul.u32 $0x6F45D, v2;
	v3 =	vmul.u32 $0x7409F, v3  }
0x39: {  	v31 =	vor.u32 $0x200, v23;
	[tilespmem:$0x5A0] =	vst v29  }
0x3a: {  	v32 =	vor.u32 $0x280, v23;
	[tilespmem:$0x620] =	vst v31;
	v2 =	vxor.u32 v2, v3  }
0x3b: {  	v33 =	vor.u32 $0x300, v23;
	[tilespmem:$0x6A0] =	vst v32;
	v3 =	vshll.u32 v2, $0x3  }
0x3c: {  	v0 =	vor.u32 $0x380, v23;
	[tilespmem:$0x720] =	vst v33;
	v2 =	vand.u32 $0x7F, v2;
	v3 =	vand.u32 $0x7FFC00, v3  }
0x3d: {  	v35 =	vtrunc.f32 v28;
	v36 =	vtrunc.f32 v30;
	[tilespmem:$0x7A0] =	vst v0;
	v34 =	vor.u32 v2, v3  }
0x3e: {  	v2 =	vcvt.f32.s32 v35;
	v3 =	vcvt.f32.s32 v36;
	v37 =	vor.u32 $0x80, v34;
	[tilespmem:$0x430] =	vst v34  }
0x3f: {  	v39 =	vld [tilespmem:$0x50];
	v38 =	vor.u32 $0x100, v34;
	[tilespmem:$0x4B0] =	vst v37  }
0x40: {  	v41 =	vld [tilespmem:$0xD0];
	v40 =	vor.u32 $0x180, v34;
	[tilespmem:$0x530] =	vst v38;
	v2 =	vmul.u32 $0x6F45D, v2;
	v3 =	vmul.u32 $0x7409F, v3  }
0x41: {  	v42 =	vor.u32 $0x200, v34;
	[tilespmem:$0x5B0] =	vst v40  }
0x42: {  	v43 =	vor.u32 $0x280, v34;
	[tilespmem:$0x630] =	vst v42;
	v2 =	vxor.u32 v2, v3  }
0x43: {  	v44 =	vor.u32 $0x300, v34;
	[tilespmem:$0x6B0] =	vst v43;
	v3 =	vshll.u32 v2, $0x3  }
0x44: {  	v1 =	vor.u32 $0x380, v34;
	[tilespmem:$0x730] =	vst v44;
	v2 =	vand.u32 $0x7F, v2;
	v3 =	vand.u32 $0x7FFC00, v3  }
0x45: {  	v46 =	vtrunc.f32 v39;
	v47 =	vtrunc.f32 v41;
	[tilespmem:$0x7B0] =	vst v1;
	v45 =	vor.u32 v2, v3  }
0x46: {  	v2 =	vcvt.f32.s32 v46;
	v3 =	vcvt.f32.s32 v47;
	v48 =	vor.u32 $0x80, v45;
	[tilespmem:$0x440] =	vst v45  }
0x47: {  	v50 =	vld [tilespmem:$0x60];
	v49 =	vor.u32 $0x100, v45;
	[tilespmem:$0x4C0] =	vst v48  }
0x48: {  	v52 =	vld [tilespmem:$0xE0];
	v51 =	vor.u32 $0x180, v45;
	[tilespmem:$0x540] =	vst v49;
	v2 =	vmul.u32 $0x6F45D, v2;
	v3 =	vmul.u32 $0x7409F, v3  }
0x49: {  	v53 =	vor.u32 $0x200, v45;
	[tilespmem:$0x5C0] =	vst v51  }
0x4a: {  	v54 =	vor.u32 $0x280, v45;
	[tilespmem:$0x640] =	vst v53;
	v2 =	vxor.u32 v2, v3  }
0x4b: {  	v55 =	vor.u32 $0x300, v45;
	[tilespmem:$0x6C0] =	vst v54;
	v3 =	vshll.u32 v2, $0x3  }
0x4c: {  	v0 =	vor.u32 $0x380, v45;
	[tilespmem:$0x740] =	vst v55;
	v2 =	vand.u32 $0x7F, v2;
	v3 =	vand.u32 $0x7FFC00, v3  }
0x4d: {  	v57 =	vtrunc.f32 v50;
	v58 =	vtrunc.f32 v52;
	[tilespmem:$0x7C0] =	vst v0;
	v56 =	vor.u32 v2, v3  }
0x4e: {  	v2 =	vcvt.f32.s32 v57;
	v3 =	vcvt.f32.s32 v58;
	v59 =	vor.u32 $0x80, v56;
	[tilespmem:$0x450] =	vst v56  }
0x4f: {  	v61 =	vld [tilespmem:$0x70];
	v60 =	vor.u32 $0x100, v56;
	[tilespmem:$0x4D0] =	vst v59  }
0x50: {  	v63 =	vld [tilespmem:$0xF0];
	v62 =	vor.u32 $0x180, v56;
	[tilespmem:$0x550] =	vst v60;
	v2 =	vmul.u32 $0x6F45D, v2;
	v3 =	vmul.u32 $0x7409F, v3  }
0x51: {  	v8 =	vor.u32 $0x200, v56;
	[tilespmem:$0x5D0] =	vst v62  }
0x52: {  	v9 =	vor.u32 $0x280, v56;
	[tilespmem:$0x650] =	vst v8;
	v2 =	vxor.u32 v2, v3  }
0x53: {  	v10 =	vor.u32 $0x300, v56;
	[tilespmem:$0x6D0] =	vst v9;
	v3 =	vshll.u32 v2, $0x3  }
0x54: {  	v1 =	vor.u32 $0x380, v56;
	[tilespmem:$0x750] =	vst v10;
	v2 =	vand.u32 $0x7F, v2;
	v3 =	vand.u32 $0x7FFC00, v3  }
0x55: {  	v12 =	vtrunc.f32 v61;
	v13 =	vtrunc.f32 v63;
	[tilespmem:$0x7D0] =	vst v1;
	v11 =	vor.u32 v2, v3  }
0x56: {  	v2 =	vcvt.f32.s32 v12;
	v3 =	vcvt.f32.s32 v13;
	v14 =	vor.u32 $0x80, v11;
	[tilespmem:$0x460] =	vst v11  }
0x57: {  	v16 =	vld [tilespmem:$0x100];
	v15 =	vor.u32 $0x100, v11;
	[tilespmem:$0x4E0] =	vst v14  }
0x58: {  	v18 =	vld [tilespmem:$0x180];
	v17 =	vor.u32 $0x180, v11;
	[tilespmem:$0x560] =	vst v15;
	v2 =	vmul.u32 $0x6F45D, v2;
	v3 =	vmul.u32 $0x7409F, v3  }
0x59: {  	v19 =	vor.u32 $0x200, v11;
	[tilespmem:$0x5E0] =	vst v17  }
0x5a: {  	v20 =	vor.u32 $0x280, v11;
	[tilespmem:$0x660] =	vst v19;
	v2 =	vxor.u32 v2, v3  }
0x5b: {  	v21 =	vor.u32 $0x300, v11;
	[tilespmem:$0x6E0] =	vst v20;
	v3 =	vshll.u32 v2, $0x3  }
0x5c: {  	v0 =	vor.u32 $0x380, v11;
	[tilespmem:$0x760] =	vst v21;
	v2 =	vand.u32 $0x7F, v2;
	v3 =	vand.u32 $0x7FFC00, v3  }
0x5d: {  	v24 =	vtrunc.f32 v18;
	v23 =	vtrunc.f32 v16;
	[tilespmem:$0x7E0] =	vst v0;
	v22 =	vor.u32 v2, v3  }
0x5e: {  	v2 =	vcvt.f32.s32 v23;
	v3 =	vcvt.f32.s32 v24;
	v25 =	vor.u32 $0x80, v22;
	[tilespmem:$0x470] =	vst v22  }
0x5f: {  	v27 =	vld [tilespmem:$0x110];
	v26 =	vor.u32 $0x100, v22;
	[tilespmem:$0x4F0] =	vst v25  }
0x60: {  	v29 =	vld [tilespmem:$0x190];
	v28 =	vor.u32 $0x180, v22;
	[tilespmem:$0x570] =	vst v26;
	v2 =	vmul.u32 $0x6F45D, v2;
	v3 =	vmul.u32 $0x7409F, v3  }
0x61: {  	v30 =	vor.u32 $0x200, v22;
	[tilespmem:$0x5F0] =	vst v28  }
0x62: {  	v31 =	vor.u32 $0x280, v22;
	[tilespmem:$0x670] =	vst v30;
	v2 =	vxor.u32 v2, v3  }
0x63: {  	v32 =	vor.u32 $0x300, v22;
	[tilespmem:$0x6F0] =	vst v31;
	v3 =	vshll.u32 v2, $0x3  }
0x64: {  	v1 =	vor.u32 $0x380, v22;
	[tilespmem:$0x770] =	vst v32;
	v2 =	vand.u32 $0x7F, v2;
	v3 =	vand.u32 $0x7FFC00, v3  }
0x65: {  	v35 =	vtrunc.f32 v29;
	v34 =	vtrunc.f32 v27;
	[tilespmem:$0x7F0] =	vst v1;
	v33 =	vor.u32 v2, v3  }
0x66: {  	v2 =	vcvt.f32.s32 v34;
	v3 =	vcvt.f32.s32 v35;
	v36 =	vor.u32 $0x80, v33;
	[tilespmem:$0x800] =	vst v33  }
0x67: {  	v38 =	vld [tilespmem:$0x120];
	v37 =	vor.u32 $0x100, v33;
	[tilespmem:$0x880] =	vst v36  }
0x68: {  	v40 =	vld [tilespmem:$0x1A0];
	v39 =	vor.u32 $0x180, v33;
	[tilespmem:$0x900] =	vst v37;
	v2 =	vmul.u32 $0x6F45D, v2;
	v3 =	vmul.u32 $0x7409F, v3  }
0x69: {  	v41 =	vor.u32 $0x200, v33;
	[tilespmem:$0x980] =	vst v39  }
0x6a: {  	v42 =	vor.u32 $0x280, v33;
	[tilespmem:$0xA00] =	vst v41;
	v2 =	vxor.u32 v2, v3  }
0x6b: {  	v43 =	vor.u32 $0x300, v33;
	[tilespmem:$0xA80] =	vst v42;
	v3 =	vshll.u32 v2, $0x3  }
0x6c: {  	v0 =	vor.u32 $0x380, v33;
	[tilespmem:$0xB00] =	vst v43;
	v2 =	vand.u32 $0x7F, v2;
	v3 =	vand.u32 $0x7FFC00, v3  }
0x6d: {  	v46 =	vtrunc.f32 v40;
	v45 =	vtrunc.f32 v38;
	[tilespmem:$0xB80] =	vst v0;
	v44 =	vor.u32 v2, v3  }
0x6e: {  	v2 =	vcvt.f32.s32 v45;
	v3 =	vcvt.f32.s32 v46;
	v47 =	vor.u32 $0x80, v44;
	[tilespmem:$0x810] =	vst v44  }
0x6f: {  	v49 =	vld [tilespmem:$0x130];
	v48 =	vor.u32 $0x100, v44;
	[tilespmem:$0x890] =	vst v47  }
0x70: {  	v51 =	vld [tilespmem:$0x1B0];
	v50 =	vor.u32 $0x180, v44;
	[tilespmem:$0x910] =	vst v48;
	v2 =	vmul.u32 $0x6F45D, v2;
	v3 =	vmul.u32 $0x7409F, v3  }
0x71: {  	v52 =	vor.u32 $0x200, v44;
	[tilespmem:$0x990] =	vst v50  }
0x72: {  	v53 =	vor.u32 $0x280, v44;
	[tilespmem:$0xA10] =	vst v52;
	v2 =	vxor.u32 v2, v3  }
0x73: {  	v54 =	vor.u32 $0x300, v44;
	[tilespmem:$0xA90] =	vst v53;
	v3 =	vshll.u32 v2, $0x3  }
0x74: {  	v1 =	vor.u32 $0x380, v44;
	[tilespmem:$0xB10] =	vst v54;
	v2 =	vand.u32 $0x7F, v2;
	v3 =	vand.u32 $0x7FFC00, v3  }
0x75: {  	v57 =	vtrunc.f32 v51;
	v56 =	vtrunc.f32 v49;
	[tilespmem:$0xB90] =	vst v1;
	v55 =	vor.u32 v2, v3  }
0x76: {  	v2 =	vcvt.f32.s32 v56;
	v3 =	vcvt.f32.s32 v57;
	v58 =	vor.u32 $0x80, v55;
	[tilespmem:$0x820] =	vst v55  }
0x77: {  	v60 =	vld [tilespmem:$0x140];
	v59 =	vor.u32 $0x100, v55;
	[tilespmem:$0x8A0] =	vst v58  }
0x78: {  	v62 =	vld [tilespmem:$0x1C0];
	v61 =	vor.u32 $0x180, v55;
	[tilespmem:$0x920] =	vst v59;
	v2 =	vmul.u32 $0x6F45D, v2;
	v3 =	vmul.u32 $0x7409F, v3  }
0x79: {  	v63 =	vor.u32 $0x200, v55;
	[tilespmem:$0x9A0] =	vst v61  }
0x7a: {  	v6 =	vor.u32 $0x280, v55;
	[tilespmem:$0xA20] =	vst v63;
	v2 =	vxor.u32 v2, v3  }
0x7b: {  	v7 =	vor.u32 $0x300, v55;
	[tilespmem:$0xAA0] =	vst v6;
	v3 =	vshll.u32 v2, $0x3  }
0x7c: {  	v0 =	vor.u32 $0x380, v55;
	[tilespmem:$0xB20] =	vst v7;
	v2 =	vand.u32 $0x7F, v2;
	v3 =	vand.u32 $0x7FFC00, v3  }
0x7d: {  	v9 =	vtrunc.f32 v60;
	v10 =	vtrunc.f32 v62;
	[tilespmem:$0xBA0] =	vst v0;
	v8 =	vor.u32 v2, v3  }
0x7e: {  	v2 =	vcvt.f32.s32 v9;
	v3 =	vcvt.f32.s32 v10;
	v11 =	vor.u32 $0x80, v8;
	[tilespmem:$0x830] =	vst v8  }
0x7f: {  	v13 =	vld [tilespmem:$0x150];
	v12 =	vor.u32 $0x100, v8;
	[tilespmem:$0x8B0] =	vst v11  }
0x80: {  	v15 =	vld [tilespmem:$0x1D0];
	v14 =	vor.u32 $0x180, v8;
	[tilespmem:$0x930] =	vst v12;
	v2 =	vmul.u32 $0x6F45D, v2;
	v3 =	vmul.u32 $0x7409F, v3  }
0x81: {  	v16 =	vor.u32 $0x200, v8;
	[tilespmem:$0x9B0] =	vst v14  }
0x82: {  	v17 =	vor.u32 $0x280, v8;
	[tilespmem:$0xA30] =	vst v16;
	v2 =	vxor.u32 v2, v3  }
0x83: {  	v18 =	vor.u32 $0x300, v8;
	[tilespmem:$0xAB0] =	vst v17;
	v3 =	vshll.u32 v2, $0x3  }
0x84: {  	v1 =	vor.u32 $0x380, v8;
	[tilespmem:$0xB30] =	vst v18;
	v2 =	vand.u32 $0x7F, v2;
	v3 =	vand.u32 $0x7FFC00, v3  }
0x85: {  	v20 =	vtrunc.f32 v13;
	v21 =	vtrunc.f32 v15;
	[tilespmem:$0xBB0] =	vst v1;
	v19 =	vor.u32 v2, v3  }
0x86: {  	v2 =	vcvt.f32.s32 v20;
	v3 =	vcvt.f32.s32 v21;
	v22 =	vor.u32 $0x80, v19;
	[tilespmem:$0x840] =	vst v19  }
0x87: {  	v24 =	vld [tilespmem:$0x160];
	v23 =	vor.u32 $0x100, v19;
	[tilespmem:$0x8C0] =	vst v22  }
0x88: {  	v26 =	vld [tilespmem:$0x1E0];
	v25 =	vor.u32 $0x180, v19;
	[tilespmem:$0x940] =	vst v23;
	v2 =	vmul.u32 $0x6F45D, v2;
	v3 =	vmul.u32 $0x7409F, v3  }
0x89: {  	v27 =	vor.u32 $0x200, v19;
	[tilespmem:$0x9C0] =	vst v25  }
0x8a: {  	v28 =	vor.u32 $0x280, v19;
	[tilespmem:$0xA40] =	vst v27;
	v2 =	vxor.u32 v2, v3  }
0x8b: {  	v29 =	vor.u32 $0x300, v19;
	[tilespmem:$0xAC0] =	vst v28;
	v3 =	vshll.u32 v2, $0x3  }
0x8c: {  	v0 =	vor.u32 $0x380, v19;
	[tilespmem:$0xB40] =	vst v29;
	v2 =	vand.u32 $0x7F, v2;
	v3 =	vand.u32 $0x7FFC00, v3  }
0x8d: {  	v31 =	vtrunc.f32 v24;
	v32 =	vtrunc.f32 v26;
	[tilespmem:$0xBC0] =	vst v0;
	v30 =	vor.u32 v2, v3  }
0x8e: {  	v2 =	vcvt.f32.s32 v31;
	v3 =	vcvt.f32.s32 v32;
	v33 =	vor.u32 $0x80, v30;
	[tilespmem:$0x850] =	vst v30  }
0x8f: {  	v35 =	vld [tilespmem:$0x170];
	v34 =	vor.u32 $0x100, v30;
	[tilespmem:$0x8D0] =	vst v33  }
0x90: {  	v37 =	vld [tilespmem:$0x1F0];
	v36 =	vor.u32 $0x180, v30;
	[tilespmem:$0x950] =	vst v34;
	v2 =	vmul.u32 $0x6F45D, v2;
	v3 =	vmul.u32 $0x7409F, v3  }
0x91: {  	v38 =	vor.u32 $0x200, v30;
	[tilespmem:$0x9D0] =	vst v36  }
0x92: {  	v39 =	vor.u32 $0x280, v30;
	[tilespmem:$0xA50] =	vst v38;
	v2 =	vxor.u32 v2, v3  }
0x93: {  	v40 =	vor.u32 $0x300, v30;
	[tilespmem:$0xAD0] =	vst v39;
	v3 =	vshll.u32 v2, $0x3  }
0x94: {  	v1 =	vor.u32 $0x380, v30;
	[tilespmem:$0xB50] =	vst v40;
	v2 =	vand.u32 $0x7F, v2;
	v3 =	vand.u32 $0x7FFC00, v3  }
0x95: {  	v42 =	vtrunc.f32 v35;
	v43 =	vtrunc.f32 v37;
	[tilespmem:$0xBD0] =	vst v1;
	v41 =	vor.u32 v2, v3  }
0x96: {  	v2 =	vcvt.f32.s32 v42;
	v3 =	vcvt.f32.s32 v43;
	v44 =	vor.u32 $0x80, v41;
	[tilespmem:$0x860] =	vst v41  }
0x97: {  	v46 =	vld [tilespmem:$0x200];
	v45 =	vor.u32 $0x100, v41;
	[tilespmem:$0x8E0] =	vst v44  }
0x98: {  	v48 =	vld [tilespmem:$0x280];
	v47 =	vor.u32 $0x180, v41;
	[tilespmem:$0x960] =	vst v45;
	v2 =	vmul.u32 $0x6F45D, v2;
	v3 =	vmul.u32 $0x7409F, v3  }
0x99: {  	v49 =	vor.u32 $0x200, v41;
	[tilespmem:$0x9E0] =	vst v47  }
0x9a: {  	v50 =	vor.u32 $0x280, v41;
	[tilespmem:$0xA60] =	vst v49;
	v2 =	vxor.u32 v2, v3  }
0x9b: {  	v51 =	vor.u32 $0x300, v41;
	[tilespmem:$0xAE0] =	vst v50;
	v3 =	vshll.u32 v2, $0x3  }
0x9c: {  	v0 =	vor.u32 $0x380, v41;
	[tilespmem:$0xB60] =	vst v51;
	v2 =	vand.u32 $0x7F, v2;
	v3 =	vand.u32 $0x7FFC00, v3  }
0x9d: {  	v53 =	vtrunc.f32 v46;
	v54 =	vtrunc.f32 v48;
	[tilespmem:$0xBE0] =	vst v0;
	v52 =	vor.u32 v2, v3  }
0x9e: {  	v2 =	vcvt.f32.s32 v53;
	v3 =	vcvt.f32.s32 v54;
	v55 =	vor.u32 $0x80, v52;
	[tilespmem:$0x870] =	vst v52  }
0x9f: {  	v57 =	vld [tilespmem:$0x210];
	v56 =	vor.u32 $0x100, v52;
	[tilespmem:$0x8F0] =	vst v55  }
0xa0: {  	v59 =	vld [tilespmem:$0x290];
	v58 =	vor.u32 $0x180, v52;
	[tilespmem:$0x970] =	vst v56;
	v2 =	vmul.u32 $0x6F45D, v2;
	v3 =	vmul.u32 $0x7409F, v3  }
0xa1: {  	v60 =	vor.u32 $0x200, v52;
	[tilespmem:$0x9F0] =	vst v58  }
0xa2: {  	v61 =	vor.u32 $0x280, v52;
	[tilespmem:$0xA70] =	vst v60;
	v2 =	vxor.u32 v2, v3  }
0xa3: {  	v62 =	vor.u32 $0x300, v52;
	[tilespmem:$0xAF0] =	vst v61;
	v3 =	vshll.u32 v2, $0x3  }
0xa4: {  	v1 =	vor.u32 $0x380, v52;
	[tilespmem:$0xB70] =	vst v62;
	v2 =	vand.u32 $0x7F, v2;
	v3 =	vand.u32 $0x7FFC00, v3  }
0xa5: {  	v9 =	vtrunc.f32 v59;
	v8 =	vtrunc.f32 v57;
	[tilespmem:$0xBF0] =	vst v1;
	v63 =	vor.u32 v2, v3  }
0xa6: {  	v2 =	vcvt.f32.s32 v8;
	v3 =	vcvt.f32.s32 v9;
	v10 =	vor.u32 $0x80, v63;
	[tilespmem:$0xC00] =	vst v63  }
0xa7: {  	v12 =	vld [tilespmem:$0x220];
	v11 =	vor.u32 $0x100, v63;
	[tilespmem:$0xC80] =	vst v10  }
0xa8: {  	v14 =	vld [tilespmem:$0x2A0];
	v13 =	vor.u32 $0x180, v63;
	[tilespmem:$0xD00] =	vst v11;
	v2 =	vmul.u32 $0x6F45D, v2;
	v3 =	vmul.u32 $0x7409F, v3  }
0xa9: {  	v15 =	vor.u32 $0x200, v63;
	[tilespmem:$0xD80] =	vst v13  }
0xaa: {  	v16 =	vor.u32 $0x280, v63;
	[tilespmem:$0xE00] =	vst v15;
	v2 =	vxor.u32 v2, v3  }
0xab: {  	v17 =	vor.u32 $0x300, v63;
	[tilespmem:$0xE80] =	vst v16;
	v3 =	vshll.u32 v2, $0x3  }
0xac: {  	v0 =	vor.u32 $0x380, v63;
	[tilespmem:$0xF00] =	vst v17;
	v2 =	vand.u32 $0x7F, v2;
	v3 =	vand.u32 $0x7FFC00, v3  }
0xad: {  	v20 =	vtrunc.f32 v14;
	v19 =	vtrunc.f32 v12;
	[tilespmem:$0xF80] =	vst v0;
	v18 =	vor.u32 v2, v3  }
0xae: {  	v2 =	vcvt.f32.s32 v19;
	v3 =	vcvt.f32.s32 v20;
	v21 =	vor.u32 $0x80, v18;
	[tilespmem:$0xC10] =	vst v18  }
0xaf: {  	v23 =	vld [tilespmem:$0x230];
	v22 =	vor.u32 $0x100, v18;
	[tilespmem:$0xC90] =	vst v21  }
0xb0: {  	v25 =	vld [tilespmem:$0x2B0];
	v24 =	vor.u32 $0x180, v18;
	[tilespmem:$0xD10] =	vst v22;
	v2 =	vmul.u32 $0x6F45D, v2;
	v3 =	vmul.u32 $0x7409F, v3  }
0xb1: {  	v26 =	vor.u32 $0x200, v18;
	[tilespmem:$0xD90] =	vst v24  }
0xb2: {  	v27 =	vor.u32 $0x280, v18;
	[tilespmem:$0xE10] =	vst v26;
	v2 =	vxor.u32 v2, v3  }
0xb3: {  	v28 =	vor.u32 $0x300, v18;
	[tilespmem:$0xE90] =	vst v27;
	v3 =	vshll.u32 v2, $0x3  }
0xb4: {  	v1 =	vor.u32 $0x380, v18;
	[tilespmem:$0xF10] =	vst v28;
	v2 =	vand.u32 $0x7F, v2;
	v3 =	vand.u32 $0x7FFC00, v3  }
0xb5: {  	v31 =	vtrunc.f32 v25;
	v30 =	vtrunc.f32 v23;
	[tilespmem:$0xF90] =	vst v1;
	v29 =	vor.u32 v2, v3  }
0xb6: {  	v2 =	vcvt.f32.s32 v30;
	v3 =	vcvt.f32.s32 v31;
	v32 =	vor.u32 $0x80, v29;
	[tilespmem:$0xC20] =	vst v29  }
0xb7: {  	v34 =	vld [tilespmem:$0x240];
	v33 =	vor.u32 $0x100, v29;
	[tilespmem:$0xCA0] =	vst v32  }
0xb8: {  	v36 =	vld [tilespmem:$0x2C0];
	v35 =	vor.u32 $0x180, v29;
	[tilespmem:$0xD20] =	vst v33;
	v2 =	vmul.u32 $0x6F45D, v2;
	v3 =	vmul.u32 $0x7409F, v3  }
0xb9: {  	v37 =	vor.u32 $0x200, v29;
	[tilespmem:$0xDA0] =	vst v35  }
0xba: {  	v38 =	vor.u32 $0x280, v29;
	[tilespmem:$0xE20] =	vst v37;
	v2 =	vxor.u32 v2, v3  }
0xbb: {  	v39 =	vor.u32 $0x300, v29;
	[tilespmem:$0xEA0] =	vst v38;
	v3 =	vshll.u32 v2, $0x3  }
0xbc: {  	v0 =	vor.u32 $0x380, v29;
	[tilespmem:$0xF20] =	vst v39;
	v2 =	vand.u32 $0x7F, v2;
	v3 =	vand.u32 $0x7FFC00, v3  }
0xbd: {  	v42 =	vtrunc.f32 v36;
	v41 =	vtrunc.f32 v34;
	[tilespmem:$0xFA0] =	vst v0;
	v40 =	vor.u32 v2, v3  }
0xbe: {  	v2 =	vcvt.f32.s32 v41;
	v3 =	vcvt.f32.s32 v42;
	v43 =	vor.u32 $0x80, v40;
	[tilespmem:$0xC30] =	vst v40  }
0xbf: {  	v45 =	vld [tilespmem:$0x250];
	v44 =	vor.u32 $0x100, v40;
	[tilespmem:$0xCB0] =	vst v43  }
0xc0: {  	v47 =	vld [tilespmem:$0x2D0];
	v46 =	vor.u32 $0x180, v40;
	[tilespmem:$0xD30] =	vst v44;
	v2 =	vmul.u32 $0x6F45D, v2;
	v3 =	vmul.u32 $0x7409F, v3  }
0xc1: {  	v48 =	vor.u32 $0x200, v40;
	[tilespmem:$0xDB0] =	vst v46  }
0xc2: {  	v49 =	vor.u32 $0x280, v40;
	[tilespmem:$0xE30] =	vst v48;
	v2 =	vxor.u32 v2, v3  }
0xc3: {  	v50 =	vor.u32 $0x300, v40;
	[tilespmem:$0xEB0] =	vst v49;
	v3 =	vshll.u32 v2, $0x3  }
0xc4: {  	v1 =	vor.u32 $0x380, v40;
	[tilespmem:$0xF30] =	vst v50;
	v2 =	vand.u32 $0x7F, v2;
	v3 =	vand.u32 $0x7FFC00, v3  }
0xc5: {  	v53 =	vtrunc.f32 v47;
	v52 =	vtrunc.f32 v45;
	[tilespmem:$0xFB0] =	vst v1;
	v51 =	vor.u32 v2, v3  }
0xc6: {  	v2 =	vcvt.f32.s32 v52;
	v3 =	vcvt.f32.s32 v53;
	v54 =	vor.u32 $0x80, v51;
	[tilespmem:$0xC40] =	vst v51  }
0xc7: {  	v56 =	vld [tilespmem:$0x260];
	v55 =	vor.u32 $0x100, v51;
	[tilespmem:$0xCC0] =	vst v54  }
0xc8: {  	v58 =	vld [tilespmem:$0x2E0];
	v57 =	vor.u32 $0x180, v51;
	[tilespmem:$0xD40] =	vst v55;
	v2 =	vmul.u32 $0x6F45D, v2;
	v3 =	vmul.u32 $0x7409F, v3  }
0xc9: {  	v59 =	vor.u32 $0x200, v51;
	[tilespmem:$0xDC0] =	vst v57  }
0xca: {  	v60 =	vor.u32 $0x280, v51;
	[tilespmem:$0xE40] =	vst v59;
	v2 =	vxor.u32 v2, v3  }
0xcb: {  	v61 =	vor.u32 $0x300, v51;
	[tilespmem:$0xEC0] =	vst v60;
	v3 =	vshll.u32 v2, $0x3  }
0xcc: {  	v0 =	vor.u32 $0x380, v51;
	[tilespmem:$0xF40] =	vst v61;
	v2 =	vand.u32 $0x7F, v2;
	v3 =	vand.u32 $0x7FFC00, v3  }
0xcd: {  	v6 =	vtrunc.f32 v58;
	v63 =	vtrunc.f32 v56;
	[tilespmem:$0xFC0] =	vst v0;
	v62 =	vor.u32 v2, v3  }
0xce: {  	v2 =	vcvt.f32.s32 v63;
	v3 =	vcvt.f32.s32 v6;
	v7 =	vor.u32 $0x80, v62;
	[tilespmem:$0xC50] =	vst v62  }
0xcf: {  	v9 =	vld [tilespmem:$0x270];
	v8 =	vor.u32 $0x100, v62;
	[tilespmem:$0xCD0] =	vst v7  }
0xd0: {  	v11 =	vld [tilespmem:$0x2F0];
	v10 =	vor.u32 $0x180, v62;
	[tilespmem:$0xD50] =	vst v8;
	v2 =	vmul.u32 $0x6F45D, v2;
	v3 =	vmul.u32 $0x7409F, v3  }
0xd1: {  	v12 =	vor.u32 $0x200, v62;
	[tilespmem:$0xDD0] =	vst v10  }
0xd2: {  	v13 =	vor.u32 $0x280, v62;
	[tilespmem:$0xE50] =	vst v12;
	v2 =	vxor.u32 v2, v3  }
0xd3: {  	v14 =	vor.u32 $0x300, v62;
	[tilespmem:$0xED0] =	vst v13;
	v3 =	vshll.u32 v2, $0x3  }
0xd4: {  	v1 =	vor.u32 $0x380, v62;
	[tilespmem:$0xF50] =	vst v14;
	v2 =	vand.u32 $0x7F, v2;
	v3 =	vand.u32 $0x7FFC00, v3  }
0xd5: {  	v16 =	vtrunc.f32 v9;
	v17 =	vtrunc.f32 v11;
	[tilespmem:$0xFD0] =	vst v1;
	v15 =	vor.u32 v2, v3  }
0xd6: {  	v2 =	vcvt.f32.s32 v16;
	v3 =	vcvt.f32.s32 v17;
	v18 =	vor.u32 $0x80, v15;
	[tilespmem:$0xC60] =	vst v15  }
0xd7: {  	v20 =	vld [tilespmem:$0x300];
	v19 =	vor.u32 $0x100, v15;
	[tilespmem:$0xCE0] =	vst v18  }
0xd8: {  	v22 =	vld [tilespmem:$0x380];
	v21 =	vor.u32 $0x180, v15;
	[tilespmem:$0xD60] =	vst v19;
	v2 =	vmul.u32 $0x6F45D, v2;
	v3 =	vmul.u32 $0x7409F, v3  }
0xd9: {  	v23 =	vor.u32 $0x200, v15;
	[tilespmem:$0xDE0] =	vst v21  }
0xda: {  	v24 =	vor.u32 $0x280, v15;
	[tilespmem:$0xE60] =	vst v23;
	v2 =	vxor.u32 v2, v3  }
0xdb: {  	v25 =	vor.u32 $0x300, v15;
	[tilespmem:$0xEE0] =	vst v24;
	v3 =	vshll.u32 v2, $0x3  }
0xdc: {  	v0 =	vor.u32 $0x380, v15;
	[tilespmem:$0xF60] =	vst v25;
	v2 =	vand.u32 $0x7F, v2;
	v3 =	vand.u32 $0x7FFC00, v3  }
0xdd: {  	v27 =	vtrunc.f32 v20;
	v28 =	vtrunc.f32 v22;
	[tilespmem:$0xFE0] =	vst v0;
	v26 =	vor.u32 v2, v3  }
0xde: {  	v2 =	vcvt.f32.s32 v27;
	v3 =	vcvt.f32.s32 v28;
	v29 =	vor.u32 $0x80, v26;
	[tilespmem:$0xC70] =	vst v26  }
0xdf: {  	v31 =	vld [tilespmem:$0x310];
	v30 =	vor.u32 $0x100, v26;
	[tilespmem:$0xCF0] =	vst v29  }
0xe0: {  	v33 =	vld [tilespmem:$0x390];
	v32 =	vor.u32 $0x180, v26;
	[tilespmem:$0xD70] =	vst v30;
	v2 =	vmul.u32 $0x6F45D, v2;
	v3 =	vmul.u32 $0x7409F, v3  }
0xe1: {  	v34 =	vor.u32 $0x200, v26;
	[tilespmem:$0xDF0] =	vst v32  }
0xe2: {  	v35 =	vor.u32 $0x280, v26;
	[tilespmem:$0xE70] =	vst v34;
	v2 =	vxor.u32 v2, v3  }
0xe3: {  	v36 =	vor.u32 $0x300, v26;
	[tilespmem:$0xEF0] =	vst v35;
	v3 =	vshll.u32 v2, $0x3  }
0xe4: {  	v1 =	vor.u32 $0x380, v26;
	[tilespmem:$0xF70] =	vst v36;
	v2 =	vand.u32 $0x7F, v2;
	v3 =	vand.u32 $0x7FFC00, v3  }
0xe5: {  	v38 =	vtrunc.f32 v31;
	v39 =	vtrunc.f32 v33;
	[tilespmem:$0xFF0] =	vst v1;
	v37 =	vor.u32 v2, v3  }
0xe6: {  	v2 =	vcvt.f32.s32 v38;
	v3 =	vcvt.f32.s32 v39;
	v40 =	vor.u32 $0x80, v37;
	[tilespmem:$0x1000] =	vst v37  }
0xe7: {  	v42 =	vld [tilespmem:$0x320];
	v41 =	vor.u32 $0x100, v37;
	[tilespmem:$0x1080] =	vst v40  }
0xe8: {  	v44 =	vld [tilespmem:$0x3A0];
	v43 =	vor.u32 $0x180, v37;
	[tilespmem:$0x1100] =	vst v41;
	v2 =	vmul.u32 $0x6F45D, v2;
	v3 =	vmul.u32 $0x7409F, v3  }
0xe9: {  	v45 =	vor.u32 $0x200, v37;
	[tilespmem:$0x1180] =	vst v43  }
0xea: {  	v46 =	vor.u32 $0x280, v37;
	[tilespmem:$0x1200] =	vst v45;
	v2 =	vxor.u32 v2, v3  }
0xeb: {  	v47 =	vor.u32 $0x300, v37;
	[tilespmem:$0x1280] =	vst v46;
	v3 =	vshll.u32 v2, $0x3  }
0xec: {  	v0 =	vor.u32 $0x380, v37;
	[tilespmem:$0x1300] =	vst v47;
	v2 =	vand.u32 $0x7F, v2;
	v3 =	vand.u32 $0x7FFC00, v3  }
0xed: {  	v49 =	vtrunc.f32 v42;
	v50 =	vtrunc.f32 v44;
	[tilespmem:$0x1380] =	vst v0;
	v48 =	vor.u32 v2, v3  }
0xee: {  	v2 =	vcvt.f32.s32 v49;
	v3 =	vcvt.f32.s32 v50;
	v51 =	vor.u32 $0x80, v48;
	[tilespmem:$0x1010] =	vst v48  }
0xef: {  	v53 =	vld [tilespmem:$0x330];
	v52 =	vor.u32 $0x100, v48;
	[tilespmem:$0x1090] =	vst v51  }
0xf0: {  	v55 =	vld [tilespmem:$0x3B0];
	v54 =	vor.u32 $0x180, v48;
	[tilespmem:$0x1110] =	vst v52;
	v2 =	vmul.u32 $0x6F45D, v2;
	v3 =	vmul.u32 $0x7409F, v3  }
0xf1: {  	v56 =	vor.u32 $0x200, v48;
	[tilespmem:$0x1190] =	vst v54  }
0xf2: {  	v57 =	vor.u32 $0x280, v48;
	[tilespmem:$0x1210] =	vst v56;
	v2 =	vxor.u32 v2, v3  }
0xf3: {  	v58 =	vor.u32 $0x300, v48;
	[tilespmem:$0x1290] =	vst v57;
	v3 =	vshll.u32 v2, $0x3  }
0xf4: {  	v1 =	vor.u32 $0x380, v48;
	[tilespmem:$0x1310] =	vst v58;
	v2 =	vand.u32 $0x7F, v2;
	v3 =	vand.u32 $0x7FFC00, v3  }
0xf5: {  	v60 =	vtrunc.f32 v53;
	v61 =	vtrunc.f32 v55;
	[tilespmem:$0x1390] =	vst v1;
	v59 =	vor.u32 v2, v3  }
0xf6: {  	v2 =	vcvt.f32.s32 v60;
	v3 =	vcvt.f32.s32 v61;
	v62 =	vor.u32 $0x80, v59;
	[tilespmem:$0x1020] =	vst v59  }
0xf7: {  	v8 =	vld [tilespmem:$0x340];
	v63 =	vor.u32 $0x100, v59;
	[tilespmem:$0x10A0] =	vst v62  }
0xf8: {  	v10 =	vld [tilespmem:$0x3C0];
	v9 =	vor.u32 $0x180, v59;
	[tilespmem:$0x1120] =	vst v63;
	v2 =	vmul.u32 $0x6F45D, v2;
	v3 =	vmul.u32 $0x7409F, v3  }
0xf9: {  	v11 =	vor.u32 $0x200, v59;
	[tilespmem:$0x11A0] =	vst v9  }
0xfa: {  	v12 =	vor.u32 $0x280, v59;
	[tilespmem:$0x1220] =	vst v11;
	v2 =	vxor.u32 v2, v3  }
0xfb: {  	v13 =	vor.u32 $0x300, v59;
	[tilespmem:$0x12A0] =	vst v12;
	v3 =	vshll.u32 v2, $0x3  }
0xfc: {  	v0 =	vor.u32 $0x380, v59;
	[tilespmem:$0x1320] =	vst v13;
	v2 =	vand.u32 $0x7F, v2;
	v3 =	vand.u32 $0x7FFC00, v3  }
0xfd: {  	v16 =	vtrunc.f32 v10;
	v15 =	vtrunc.f32 v8;
	[tilespmem:$0x13A0] =	vst v0;
	v14 =	vor.u32 v2, v3  }
0xfe: {  	v2 =	vcvt.f32.s32 v15;
	v3 =	vcvt.f32.s32 v16;
	v17 =	vor.u32 $0x80, v14;
	[tilespmem:$0x1030] =	vst v14  }
0xff: {  	v19 =	vld [tilespmem:$0x350];
	v18 =	vor.u32 $0x100, v14;
	[tilespmem:$0x10B0] =	vst v17  }
0x100: {  	v21 =	vld [tilespmem:$0x3D0];
	v20 =	vor.u32 $0x180, v14;
	[tilespmem:$0x1130] =	vst v18;
	v2 =	vmul.u32 $0x6F45D, v2;
	v3 =	vmul.u32 $0x7409F, v3  }
0x101: {  	v22 =	vor.u32 $0x200, v14;
	[tilespmem:$0x11B0] =	vst v20  }
0x102: {  	v23 =	vor.u32 $0x280, v14;
	[tilespmem:$0x1230] =	vst v22;
	v2 =	vxor.u32 v2, v3  }
0x103: {  	v24 =	vor.u32 $0x300, v14;
	[tilespmem:$0x12B0] =	vst v23;
	v3 =	vshll.u32 v2, $0x3  }
0x104: {  	v1 =	vor.u32 $0x380, v14;
	[tilespmem:$0x1330] =	vst v24;
	v2 =	vand.u32 $0x7F, v2;
	v3 =	vand.u32 $0x7FFC00, v3  }
0x105: {  	v27 =	vtrunc.f32 v21;
	v26 =	vtrunc.f32 v19;
	[tilespmem:$0x13B0] =	vst v1;
	v25 =	vor.u32 v2, v3  }
0x106: {  	v2 =	vcvt.f32.s32 v26;
	v3 =	vcvt.f32.s32 v27;
	v28 =	vor.u32 $0x80, v25;
	[tilespmem:$0x1040] =	vst v25  }
0x107: {  	v30 =	vld [tilespmem:$0x360];
	v29 =	vor.u32 $0x100, v25;
	[tilespmem:$0x10C0] =	vst v28  }
0x108: {  	v32 =	vld [tilespmem:$0x3E0];
	v31 =	vor.u32 $0x180, v25;
	[tilespmem:$0x1140] =	vst v29;
	v2 =	vmul.u32 $0x6F45D, v2;
	v3 =	vmul.u32 $0x7409F, v3  }
0x109: {  	v33 =	vor.u32 $0x200, v25;
	[tilespmem:$0x11C0] =	vst v31  }
0x10a: {  	v34 =	vor.u32 $0x280, v25;
	[tilespmem:$0x1240] =	vst v33;
	v2 =	vxor.u32 v2, v3  }
0x10b: {  	v35 =	vor.u32 $0x300, v25;
	[tilespmem:$0x12C0] =	vst v34;
	v3 =	vshll.u32 v2, $0x3  }
0x10c: {  	v0 =	vor.u32 $0x380, v25;
	[tilespmem:$0x1340] =	vst v35;
	v2 =	vand.u32 $0x7F, v2;
	v3 =	vand.u32 $0x7FFC00, v3  }
0x10d: {  	v38 =	vtrunc.f32 v32;
	v37 =	vtrunc.f32 v30;
	[tilespmem:$0x13C0] =	vst v0;
	v36 =	vor.u32 v2, v3  }
0x10e: {  	v2 =	vcvt.f32.s32 v37;
	v3 =	vcvt.f32.s32 v38;
	v39 =	vor.u32 $0x80, v36;
	[tilespmem:$0x1050] =	vst v36  }
0x10f: {  	v42 =	vld [tilespmem:$0x370];
	v40 =	vor.u32 $0x100, v36;
	[tilespmem:$0x10D0] =	vst v39  }
0x110: {  	v44 =	vld [tilespmem:$0x3F0];
	v41 =	vor.u32 $0x180, v36;
	[tilespmem:$0x1150] =	vst v40;
	v2 =	vmul.u32 $0x6F45D, v2;
	v3 =	vmul.u32 $0x7409F, v3  }
0x111: {  	v43 =	vor.u32 $0x200, v36;
	[tilespmem:$0x11D0] =	vst v41  }
0x112: {  	v45 =	vor.u32 $0x280, v36;
	[tilespmem:$0x1250] =	vst v43;
	v2 =	vxor.u32 v2, v3  }
0x113: {  	v46 =	vor.u32 $0x300, v36;
	[tilespmem:$0x12D0] =	vst v45;
	v3 =	vshll.u32 v2, $0x3  }
0x114: {  	v1 =	vor.u32 $0x380, v36;
	[tilespmem:$0x1350] =	vst v46;
	v2 =	vand.u32 $0x7F, v2;
	v47 =	vand.u32 $0x7FFC00, v3  }
0x115: {  	v49 =	vtrunc.f32 v42;
	v50 =	vtrunc.f32 v44;
	[tilespmem:$0x13D0] =	vst v1;
	v0 =	vor.u32 v2, v47  }
0x116: {  	v3 =	vcvt.f32.s32 v50;
	v2 =	vcvt.f32.s32 v49;
	v48 =	vor.u32 $0x80, v0;
	[tilespmem:$0x1060] =	vst v0  }
0x117: {  	v51 =	vor.u32 $0x100, v0;
	[tilespmem:$0x10E0] =	vst v48  }
0x118: {  	v52 =	vor.u32 $0x180, v0;
	v3 =	vmul.u32 $0x7409F, v3;
	[tilespmem:$0x1160] =	vst v51;
	v2 =	vmul.u32 $0x6F45D, v2  }
0x119: {  	v53 =	vor.u32 $0x200, v0;
	[tilespmem:$0x11E0] =	vst v52  }
0x11a: {  	v54 =	vor.u32 $0x280, v0;
	[tilespmem:$0x1260] =	vst v53;
	v55 =	vxor.u32 v2, v3  }
0x11b: {  	v56 =	vor.u32 $0x300, v0;
	[tilespmem:$0x12E0] =	vst v54;
	v57 =	vshll.u32 v55, $0x3  }
0x11c: {  	v0 =	vor.u32 $0x380, v0;
	[tilespmem:$0x1360] =	vst v56;
	v1 =	vand.u32 $0x7F, v55;
	v2 =	vand.u32 $0x7FFC00, v57  }
0x11d: {  	[tilespmem:$0x13E0] =	vst v0;
	v58 =	vor.u32 v1, v2  }
0x11e: {  	[tilespmem:$0x1070] =	vst v58;
	v1 =	vor.u32 $0x80, v58  }
0x11f: {  	v59 =	vor.u32 $0x100, v58;
	[tilespmem:$0x10F0] =	vst v1  }
0x120: {  	v60 =	vor.u32 $0x180, v58;
	[tilespmem:$0x1170] =	vst v59  }
0x121: {  	v61 =	vor.u32 $0x200, v58;
	[tilespmem:$0x11F0] =	vst v60  }
0x122: {  	v62 =	vor.u32 $0x280, v58;
	[tilespmem:$0x1270] =	vst v61  }
0x123: {  	v63 =	vor.u32 $0x300, v58;
	[tilespmem:$0x12F0] =	vst v62  }
0x124: {  	v0 =	vor.u32 $0x380, v58;
	[tilespmem:$0x1370] =	vst v63  }
0x125: {  	s2 =	rddreg [dreg:$0x1];
	[tilespmem:$0x13F0] =	vst v0  }
0x126: {  	[tilespmem:s15], [sflag:$0x1] =	stream.indirect.gather [hbm4b:s2+s13], $0x1, s14, s13, $0xb8;
	[tilespmem:$0x9400] =	vst v63  }
0x127: {  	s0 =	rddreg [dreg:$0x5]  }
0x128: {  	[tilespmem:s16], [sflag:$0x2] =	stream.indirect.gather [hbm4b:s0+s13], $0x1, s14, s13, $0xb8;
	[tilespmem:$0x9400] =	vst v63  }
0x129: {  	s2 =	rddreg [dreg:$0x6]  }
0x12a: {  	[tilespmem:s17], [sflag:$0x3] =	stream.indirect.gather [hbm4b:s2+s13], $0x1, s14, s13, $0xb8;
	[tilespmem:$0x9400] =	vst v63  }
0x12b: {  	s0 =	rddreg [dreg:$0x7]  }
0x12c: {  	[tilespmem:s18], [sflag:$0x4] =	stream.indirect.gather [hbm4b:s0+s13], $0x1, s14, s13, $0xb8;
	[tilespmem:$0x9400] =	vst v63  }
0x12d: {  	s2 =	rddreg [dreg:$0x8]  }
0x12e: {  	[tilespmem:s19], [sflag:$0x5] =	stream.indirect.gather [hbm4b:s2+s13], $0x1, s14, s13, $0xb8;
	[tilespmem:$0x9400] =	vst v63  }
0x12f: {  	s0 =	rddreg [dreg:$0x9]  }
0x130: {  	[tilespmem:s20], [sflag:$0x6] =	stream.indirect.gather [hbm4b:s0+s13], $0x1, s14, s13, $0xb8;
	[tilespmem:$0x9400] =	vst v63  }
0x131: {  	s2 =	rddreg [dreg:$0xa]  }
0x132: {  	[tilespmem:s21], [sflag:$0x7] =	stream.indirect.gather [hbm4b:s2+s13], $0x1, s14, s13, $0xb8;
	[tilespmem:$0x9400] =	vst v63  }
0x133: {  	s0 =	rddreg [dreg:$0xb]  }
0x134: {  	[tilespmem:s22], [sflag:$0x8] =	stream.indirect.gather [hbm4b:s0+s13], $0x1, s14, s13, $0xb8;
	[tilespmem:$0x9400] =	vst v63  }
0x135: {  	_ =	swait.ge [sflag:s23], $0x1000  }
0x136: {  	[sflag:s23] =	ssyncset.done $0x0  }
0x137: {  	[sflag:s23] =	ssyncadd.s32 $0xFFFFF000  }
0x138: {  	[hbm4b:s4+s3] =	stream.linear.scatter [tilespmem:s15], [sflag:$0x9], $0x1000, $0x38;
	[tilespmem:$0x9400] =	vst v63  }
0x139: {  	_ =	swait.ge [sflag:s24], $0x1000  }
0x13a: {  	[sflag:s24] =	ssyncset.done $0x0  }
0x13b: {  	s2 =	rddreg [dreg:$0xc];
	[sflag:s24] =	ssyncadd.s32 $0xFFFFF000  }
0x13c: {  	[hbm4b:s2+s3] =	stream.linear.scatter [tilespmem:s16], [sflag:$0x9], $0x1000, $0x38;
	[tilespmem:$0x9400] =	vst v63  }
0x13d: {  	_ =	swait.ge [sflag:s25], $0x1000  }
0x13e: {  	[sflag:s25] =	ssyncset.done $0x0  }
0x13f: {  	[sflag:s25] =	ssyncadd.s32 $0xFFFFF000  }
0x140: {  	[hbm4b:s5+s3] =	stream.linear.scatter [tilespmem:s17], [sflag:$0x9], $0x1000, $0x38;
	[tilespmem:$0x9400] =	vst v63  }
0x141: {  	_ =	swait.ge [sflag:s26], $0x1000  }
0x142: {  	[sflag:s26] =	ssyncset.done $0x0  }
0x143: {  	[sflag:s26] =	ssyncadd.s32 $0xFFFFF000  }
0x144: {  	[hbm4b:s6+s3] =	stream.linear.scatter [tilespmem:s18], [sflag:$0x9], $0x1000, $0x38;
	[tilespmem:$0x9400] =	vst v63  }
0x145: {  	_ =	swait.ge [sflag:s28], $0x1000  }
0x146: {  	[sflag:s28] =	ssyncset.done $0x0  }
0x147: {  	[sflag:s28] =	ssyncadd.s32 $0xFFFFF000  }
0x148: {  	[hbm4b:s7+s3] =	stream.linear.scatter [tilespmem:s19], [sflag:$0x9], $0x1000, $0x38;
	[tilespmem:$0x9400] =	vst v63  }
0x149: {  	_ =	swait.ge [sflag:s29], $0x1000  }
0x14a: {  	[sflag:s29] =	ssyncset.done $0x0  }
0x14b: {  	[sflag:s29] =	ssyncadd.s32 $0xFFFFF000  }
0x14c: {  	[hbm4b:s8+s3] =	stream.linear.scatter [tilespmem:s20], [sflag:$0x9], $0x1000, $0x38;
	[tilespmem:$0x9400] =	vst v63  }
0x14d: {  	_ =	swait.ge [sflag:s30], $0x1000  }
0x14e: {  	[sflag:s30] =	ssyncset.done $0x0  }
0x14f: {  	[sflag:s30] =	ssyncadd.s32 $0xFFFFF000  }
0x150: {  	[hbm4b:s9+s3] =	stream.linear.scatter [tilespmem:s21], [sflag:$0x9], $0x1000, $0x38;
	[tilespmem:$0x9400] =	vst v63  }
0x151: {  	_ =	swait.ge [sflag:s31], $0x1000  }
0x152: {  	[sflag:s31] =	ssyncset.done $0x0  }
0x153: {  	[sflag:s31] =	ssyncadd.s32 $0xFFFFF000  }
0x154: {  	[hbm4b:s10+s3] =	stream.linear.scatter [tilespmem:s22], [sflag:$0x9], $0x1000, $0x38;
	[tilespmem:$0x9400] =	vst v63  }
0x155: {  	_ =	swait.ge [sflag:s1], $0x1000  }
0x156: {  	[sflag:s1] =	ssyncset.done $0x0  }
0x157: {  	[sflag:s1] =	ssyncadd.s32 $0xFFFFF000  }
0x158: {  	_ =	swait.ge [sflag:s1], $0x1000  }
0x159: {  	[sflag:s1] =	ssyncset.done $0x0  }
0x15a: {  	[sflag:s1] =	ssyncadd.s32 $0xFFFFF000  }
0x15b: {  	_ =	swait.ge [sflag:s1], $0x1000  }
0x15c: {  	[sflag:s1] =	ssyncset.done $0x0  }
0x15d: {  	[sflag:s1] =	ssyncadd.s32 $0xFFFFF000  }
0x15e: {  	_ =	swait.ge [sflag:s1], $0x1000  }
0x15f: {  	[sflag:s1] =	ssyncset.done $0x0  }
0x160: {  	[sflag:s1] =	ssyncadd.s32 $0xFFFFF000  }
0x161: {  	_ =	swait.ge [sflag:s1], $0x1000  }
0x162: {  	[sflag:s1] =	ssyncset.done $0x0  }
0x163: {  	[sflag:s1] =	ssyncadd.s32 $0xFFFFF000  }
0x164: {  	_ =	swait.ge [sflag:s1], $0x1000  }
0x165: {  	[sflag:s1] =	ssyncset.done $0x0  }
0x166: {  	[sflag:s1] =	ssyncadd.s32 $0xFFFFF000  }
0x167: {  	p0 =	sne.s32 s11, $0x1;
	_ =	swait.ge [sflag:s1], $0x1000  }
.Ltmp0:
0x168: {  	[sflag:s1] =	ssyncset.done $0x0;
	(pc) =	sbr.rel @p0 .LBB2_1-.Ltmp0, $4  }
0x169: {  	[sflag:s1] =	ssyncadd.s32 $0xFFFFF000  }
0x16a: {  	_ =	swait.ge [sflag:s1], $0x1000  }
0x16b: {  	[sflag:s1] =	ssyncset.done $0x0  }
0x16c: {  	s11 =	sadd.s32 $0xFFFFFFFF, s11;
	[sflag:s1] =	ssyncadd.s32 $0xFFFFF000  }
0x16d: {  	_ =	sfence.sel $0x180000  }
0x16e: {  	[bflag:$0x0] =	sbarrier.arrive $0xFFFF  }
0x16f: {  	_ =	strace $0x90000047  }
0x170: {  	s0 =	stileid.u32;
	[bflag:$0x2] =	sbarrier.arrive $0xFFFF  }
0x171: {  	p0 =	sne.s32 s0, $0x0;
	s0 =	rddreg [dreg:$0x3]  }
0x172: {  	s0 =	sadd.s32 @!p0 $0x100000, s0  }
0x173: {  	[sflag:s0] =	ssyncadd.tile.s32 @!p0 $0x1;
	_ =	shalt  }
.Lfunc_end2:
_tile_overlayer_lowered:
.L_overlay_start_2:
0x174: {  	(tag) =	ssettag $0x2  }
0x175: {  	s0 =	rddreg [dreg:$0x0];
	s2 =	stileid.u32  }
0x176: {  	s1 =	rddreg [dreg:$0x1];
	p0 =	sne.s32 s2, $0x0  }
0x177: {  	s3 =	rddreg [dreg:$0x2];
	[bflag:$0x3] =	sbarrier.arrive $0xFFFF;
	s2 =	simm.s32 @!p0 $0x1C0A  }
0x178: {  	[timem:s3], [sflag:s2] =	dma.local @!p0 [hbm:s0], s1  }
0x179: {  	s0 =	simm.s32 @!p0 $0xA  }
0x17a: {  	_ =	swait.ge @!p0 [sflag:s0], s1  }
0x17b: {  	s1 =	ssub.s32 @!p0 $0x0, s1;
	[sflag:s0] =	ssyncset.done @!p0 $0x0  }
0x17c: {  	[sflag:s0] =	ssyncadd.s32 @!p0 s1  }
0x17d: {  	[bflag:$0x3] =	sbarrier.arrive $0xFFFF  }
0x17e: {  	_ =	shalt  }

</sc_bundles>
